<compile_context>
chip_gen: v7x
topology: tpu7x:2x2x1
jax: 0.10.2.dev20260603
libtpu: 0.0.44.dev20260713+nightly
codegen_flags: <defaults>
</compile_context>

<pallas_src>
import functools

import jax
import jax.numpy as jnp
from jax import lax
from jax.experimental import pallas as pl
from jax.experimental.pallas import tpu as pltpu
from jax.experimental.pallas import tpu_sc as plsc

_N = 10000
_E = 320000
_R = 8
_H = 128

_NC = 2
_NS = 16
_NW = _NC * _NS
_GSZ = 128
_NG = _E // _GSZ
_CHROWS = 80
_NCHUNK = _N // _CHROWS

_BN1 = 1000
_NB1 = _N // _BN1
_BN2 = 1000


def _tc1_body(h_ref, w_ref, q_ref, k_ref, xw_ref, qt_ref, kt_ref):
    xb = jnp.dot(h_ref[...], w_ref[0], preferred_element_type=jnp.float32)
    xw_ref[...] = xb
    qc = jnp.dot(xb, q_ref[...], preferred_element_type=jnp.float32)
    kc = jnp.dot(xb, k_ref[...], preferred_element_type=jnp.float32)
    qt_ref[...] = qc
    kt_ref[...] = kc


@functools.cache
def _tc1_call():
    return pl.pallas_call(
        _tc1_body,
        grid=(_NB1, _R),
        in_specs=[
            pl.BlockSpec((_BN1, _H), lambda nb, r: (nb, 0)),
            pl.BlockSpec((1, _H, _H), lambda nb, r: (r, 0, 0)),
            pl.BlockSpec((_H, 1), lambda nb, r: (0, 0)),
            pl.BlockSpec((_H, 1), lambda nb, r: (0, 0)),
        ],
        out_specs=[
            pl.BlockSpec((_BN1, _H), lambda nb, r: (r * _NB1 + nb, 0)),
            pl.BlockSpec((_BN1, 1), lambda nb, r: (r * _NB1 + nb, 0)),
            pl.BlockSpec((_BN1, 1), lambda nb, r: (r * _NB1 + nb, 0)),
        ],
        out_shape=[
            jax.ShapeDtypeStruct((_R * _N, _H), jnp.float32),
            jax.ShapeDtypeStruct((_R * _N, 1), jnp.float32),
            jax.ShapeDtypeStruct((_R * _N, 1), jnp.float32),
        ],
    )


def _sc_body(xw_hbm, qt_hbm, kt_hbm, idxs_hbm, idxd_hbm, dst_hbm, gb_hbm,
             acc_out, dsum_out,
             acc_sp,
             rows_v, qrow_v, krow_v, idxs_v, idxd_v, dstv_v, s_v,
             gb_v, d_v, sem_e, sem_g):
    cid = lax.axis_index("c")
    sid = lax.axis_index("s")
    wid = cid * _NS + sid

    pltpu.sync_copy(gb_hbm, gb_v)

    zero16 = jnp.zeros((16,), jnp.float32)

    def _zero_rows(j, c_):
        for c in range(_H // 16):
            rows_v[j, pl.ds(c * 16, 16)] = zero16
        return c_

    lax.fori_loop(0, _GSZ, _zero_rows, 0)

    def _zero_d(j, c_):
        d_v[pl.ds(16 * j, 16)] = zero16
        return c_

    lax.fori_loop(0, _N // 16, _zero_d, 0)

    nk = (_NCHUNK - sid + _NS - 1) // _NS

    def _zero_acc(kk, c_):
        r0 = (sid + kk * _NS) * _CHROWS
        pltpu.sync_copy(rows_v.at[pl.ds(0, _CHROWS)],
                        acc_sp.at[pl.ds(r0, _CHROWS)])
        return c_

    lax.fori_loop(0, nk, _zero_acc, 0)
    plsc.subcore_barrier()

    gb = gb_v[pl.ds(0, 16)]

    g_lo = (wid * _NG) // _NW
    g_hi = ((wid + 1) * _NG) // _NW

    def _group(g, c_):
        base = g * _GSZ
        pltpu.async_copy(idxs_hbm.at[pl.ds(base, _GSZ)], idxs_v, sem_e)
        pltpu.async_copy(idxd_hbm.at[pl.ds(base, _GSZ)], idxd_v, sem_e)
        pltpu.async_copy(dst_hbm.at[pl.ds(base, _GSZ)], dstv_v, sem_e)
        pltpu.make_async_copy(idxs_hbm.at[pl.ds(base, _GSZ)], idxs_v,
                              sem_e).wait()
        pltpu.make_async_copy(idxd_hbm.at[pl.ds(base, _GSZ)], idxd_v,
                              sem_e).wait()
        pltpu.make_async_copy(dst_hbm.at[pl.ds(base, _GSZ)], dstv_v,
                              sem_e).wait()
        pltpu.async_copy(xw_hbm.at[idxs_v], rows_v, sem_g)
        pltpu.async_copy(qt_hbm.at[idxd_v], qrow_v, sem_g)
        pltpu.async_copy(kt_hbm.at[idxs_v], krow_v, sem_g)
        pltpu.make_async_copy(xw_hbm.at[idxs_v], rows_v, sem_g).wait()
        pltpu.make_async_copy(qt_hbm.at[idxd_v], qrow_v, sem_g).wait()
        pltpu.make_async_copy(kt_hbm.at[idxs_v], krow_v, sem_g).wait()
        for i in range(_GSZ // 16):
            q16 = qrow_v[pl.ds(16 * i, 16)]
            k16 = krow_v[pl.ds(16 * i, 16)]
            a = q16 + k16
            a = jnp.where(a > 0, a, 0.2 * a)
            s = jnp.exp(a - gb)
            s_v[pl.ds(16 * i, 16)] = s
            plsc.addupdate_scatter(d_v, [dstv_v[pl.ds(16 * i, 16)]], s)

        def _scale(j, cc):
            sj = s_v[pl.ds(j, 16)][0]
            for c in range(_H // 16):
                sl = pl.ds(c * 16, 16)
                rows_v[j, sl] = rows_v[j, sl] * sj
            return cc

        lax.fori_loop(0, _GSZ, _scale, 0)
        pltpu.sync_copy(rows_v, acc_sp.at[dstv_v], add=True)
        return c_

    lax.fori_loop(g_lo, g_hi, _group, 0)
    plsc.subcore_barrier()

    def _drain(kk, c_):
        r0 = (sid + kk * _NS) * _CHROWS
        pltpu.sync_copy(acc_sp.at[pl.ds(r0, _CHROWS)],
                        acc_out.at[cid, pl.ds(r0, _CHROWS)])
        return c_

    lax.fori_loop(0, nk, _drain, 0)
    pltpu.sync_copy(d_v, dsum_out.at[cid, sid])


@functools.cache
def _sc_call():
    mesh = plsc.VectorSubcoreMesh(core_axis_name="c", subcore_axis_name="s",
                                  num_cores=_NC, num_subcores=_NS)
    return pl.kernel(
        _sc_body,
        out_type=[
            jax.ShapeDtypeStruct((_NC, _N, _H), jnp.float32),
            jax.ShapeDtypeStruct((_NC, _NS, _N), jnp.float32),
        ],
        mesh=mesh,
        compiler_params=pltpu.CompilerParams(needs_layout_passes=False),
        scratch_types=[
            pltpu.VMEM_SHARED((_N, _H), jnp.float32),
            pltpu.VMEM((_GSZ, _H), jnp.float32),
            pltpu.VMEM((_GSZ,), jnp.float32),
            pltpu.VMEM((_GSZ,), jnp.float32),
            pltpu.VMEM((_GSZ,), jnp.int32),
            pltpu.VMEM((_GSZ,), jnp.int32),
            pltpu.VMEM((_GSZ,), jnp.int32),
            pltpu.VMEM((_GSZ + 16,), jnp.float32),
            pltpu.VMEM((128,), jnp.float32),
            pltpu.VMEM((_N,), jnp.float32),
            pltpu.SemaphoreType.DMA,
            pltpu.SemaphoreType.DMA,
        ],
    )


def _tc2_body_plain(acc_ref, d_ref, b_ref, out_ref):
    a = acc_ref[0] + acc_ref[1]
    d = d_ref[...]
    v = jnp.where(d > 0, a / d, 0.0) + b_ref[...]
    out_ref[...] = jnp.maximum(v, 0.0)


def _tc2_body_linear(acc_ref, d_ref, b_ref, lw_ref, lb_ref, out_ref):
    a = acc_ref[0] + acc_ref[1]
    d = d_ref[...]
    v = jnp.where(d > 0, a / d, 0.0) + b_ref[...]
    v = jnp.maximum(v, 0.0)
    out_ref[...] = (jnp.dot(v, lw_ref[...], preferred_element_type=jnp.float32)
                    + lb_ref[...])


@functools.cache
def _tc2_call(out_ch):
    nb2 = _N // _BN2
    common = [
        pl.BlockSpec((_NC, _BN2, _H), lambda nb: (0, nb, 0)),
        pl.BlockSpec((_BN2, 1), lambda nb: (nb, 0)),
        pl.BlockSpec((1, _H), lambda nb: (0, 0)),
    ]
    if out_ch is None:
        return pl.pallas_call(
            _tc2_body_plain,
            grid=(nb2,),
            in_specs=common,
            out_specs=pl.BlockSpec((_BN2, _H), lambda nb: (nb, 0)),
            out_shape=jax.ShapeDtypeStruct((_N, _H), jnp.float32),
        )
    return pl.pallas_call(
        _tc2_body_linear,
        grid=(nb2,),
        in_specs=common + [
            pl.BlockSpec((_H, out_ch), lambda nb: (0, 0)),
            pl.BlockSpec((1, out_ch), lambda nb: (0, 0)),
        ],
        out_specs=pl.BlockSpec((_BN2, out_ch), lambda nb: (nb, 0)),
        out_shape=jax.ShapeDtypeStruct((_N, out_ch), jnp.float32),
    )


def _conv(h, idx_s, idx_d, dst, w, q, k, b, lw=None, lb=None):
    xw, qt, kt = _tc1_call()(h, w, q, k)
    qt = qt.reshape(_R * _N)
    kt = kt.reshape(_R * _N)
    gb = jnp.max(qt) + jnp.max(kt)
    gb128 = jnp.full((128,), gb, jnp.float32)
    acc, dsum = _sc_call()(xw, qt, kt, idx_s, idx_d, dst, gb128)
    d = jnp.sum(dsum, axis=(0, 1)).reshape(_N, 1)
    b2 = b.reshape(1, _H)
    if lw is None:
        return _tc2_call(None)(acc, d, b2)
    return _tc2_call(lw.shape[1])(acc, d, b2, lw, lb.reshape(1, -1))


def kernel(x, edge_index, edge_type, w1, q1, k1, b1, w_mu, q_mu, k_mu, b_mu,
           w_lv, q_lv, k_lv, b_lv, lw_mu, lb_mu, lw_lv, lb_lv):
    src = edge_index[0]
    dst = edge_index[1]
    t = edge_type
    idx_s = t * _N + src
    idx_d = t * _N + dst
    hidden = _conv(x, idx_s, idx_d, dst, w1, q1, k1, b1)
    mu = _conv(hidden, idx_s, idx_d, dst, w_mu, q_mu, k_mu, b_mu,
               lw=lw_mu, lb=lb_mu)
    logstd = _conv(hidden, idx_s, idx_d, dst, w_lv, q_lv, k_lv, b_lv,
                   lw=lw_lv * 0.5, lb=lb_lv * 0.5)
    return (mu, logstd)

# --- scband reference (transcript-rebuilt; emitter-appended) ---
"""Pipeline reference for scband-encoder-19619410608214 (READ-ONLY COPY).

The authoritative reference and input builder live on the scoring server;
editing this copy changes nothing except your own understanding.
"""

import jax, jax.numpy as jnp
import numpy as np

N = 10000
E = 320000
IN_CH = 128
HID = 128
OUT_CH = 64
R = 8


def segment_softmax(alpha, index, num_segments):
    amax = jax.ops.segment_max(alpha, index, num_segments=num_segments)
    amax = jnp.where(jnp.isfinite(amax), amax, 0.0)
    ex = jnp.exp(alpha - amax[index])
    denom = jax.ops.segment_sum(ex, index, num_segments=num_segments)
    return ex / (denom[index] + 1e-16)


def rgat_conv(x, edge_index, edge_type, weight, q, k, bias, num_nodes):
    # PyG RGATConv defaults: heads=1, dim=1, additive-self-attention,
    # across-relation softmax, mod=None, aggr='add', concat=True.
    src = edge_index[0]
    dst = edge_index[1]
    # per-node per-relation transform; gathering xw[node, rel] is mathematically
    # identical to PyG's per-edge bmm(x_e, weight[edge_type]) but avoids the
    # [E, in, out] weight gather.
    xw = jnp.einsum('ni,rio->nro', x, weight)  # [N, R, out]
    outi = xw[dst, edge_type]  # [E, out]
    outj = xw[src, edge_type]  # [E, out]
    qi = outi @ q  # [E, 1]
    kj = outj @ k  # [E, 1]
    alpha = jax.nn.leaky_relu(qi + kj, negative_slope=0.2)[:, 0]  # [E]
    alpha = segment_softmax(alpha, dst, num_nodes)
    msg = alpha[:, None] * outj
    out = jax.ops.segment_sum(msg, dst, num_segments=num_nodes)
    return out + bias


def setup_inputs(seed: int = 0):
    key = jax.random.key(seed)
    ks = jax.random.split(key, 24)
    s1 = 1.0 / np.sqrt(IN_CH)
    s2 = 1.0 / np.sqrt(HID)
    inp = {}
    inp['x'] = jax.random.normal(ks[0], (N, IN_CH), dtype=jnp.float32)
    inp['edge_index'] = jax.random.randint(ks[1], (2, E), 0, N, dtype=jnp.int32)
    inp['edge_type'] = jax.random.randint(ks[2], (E,), 0, R, dtype=jnp.int32)
    inp['w1'] = jax.random.normal(ks[3], (R, IN_CH, HID), dtype=jnp.float32) * s1
    inp['q1'] = jax.random.normal(ks[4], (HID, 1), dtype=jnp.float32) * s2
    inp['k1'] = jax.random.normal(ks[5], (HID, 1), dtype=jnp.float32) * s2
    inp['b1'] = jnp.zeros((HID,), dtype=jnp.float32)
    inp['w_mu'] = jax.random.normal(ks[6], (R, HID, HID), dtype=jnp.float32) * s2
    inp['q_mu'] = jax.random.normal(ks[7], (HID, 1), dtype=jnp.float32) * s2
    inp['k_mu'] = jax.random.normal(ks[8], (HID, 1), dtype=jnp.float32) * s2
    inp['b_mu'] = jnp.zeros((HID,), dtype=jnp.float32)
    inp['w_lv'] = jax.random.normal(ks[9], (R, HID, HID), dtype=jnp.float32) * s2
    inp['q_lv'] = jax.random.normal(ks[10], (HID, 1), dtype=jnp.float32) * s2
    inp['k_lv'] = jax.random.normal(ks[11], (HID, 1), dtype=jnp.float32) * s2
    inp['b_lv'] = jnp.zeros((HID,), dtype=jnp.float32)
    inp['lw_mu'] = jax.random.normal(ks[12], (HID, OUT_CH), dtype=jnp.float32) * s2
    inp['lb_mu'] = jnp.zeros((OUT_CH,), dtype=jnp.float32)
    inp['lw_lv'] = jax.random.normal(ks[13], (HID, OUT_CH), dtype=jnp.float32) * s2
    inp['lb_lv'] = jnp.zeros((OUT_CH,), dtype=jnp.float32)
    return inp


def reference(x, edge_index, edge_type, w1, q1, k1, b1, w_mu, q_mu, k_mu, b_mu, w_lv, q_lv, k_lv, b_lv, lw_mu, lb_mu, lw_lv, lb_lv):
    hidden = jax.nn.relu(rgat_conv(x, edge_index, edge_type, w1, q1, k1, b1, N))
    mu = jax.nn.relu(rgat_conv(hidden, edge_index, edge_type, w_mu, q_mu, k_mu, b_mu, N))
    mu = mu @ lw_mu + lb_mu  # dropout is identity in eval mode
    logvar = jax.nn.relu(rgat_conv(hidden, edge_index, edge_type, w_lv, q_lv, k_lv, b_lv, N))
    logvar = logvar @ lw_lv + lb_lv
    logstd = 0.5 * logvar
    return (mu, logstd)

if __name__ == "__main__":
    import jax
    _d = setup_inputs()
    print(jax.jit(kernel)(*tuple(_d.values())))

</pallas_src>

<mosaic_0001>
#map = affine_map<(d0, d1) -> (0, 0)>
#map1 = affine_map<(d0, d1) -> (0)>
#map2 = affine_map<(d0, d1) -> (0, 0, 0)>
module attributes {stable_mosaic.version = 14 : i64} {
  func.func @_sc_body(%arg0: i32, %arg1: i32, %arg2: memref<80000x128xf32, #tpu.memory_space<hbm>>, %arg3: memref<80000xf32, #tpu.memory_space<hbm>>, %arg4: memref<80000xf32, #tpu.memory_space<hbm>>, %arg5: memref<320000xi32, #tpu.memory_space<hbm>>, %arg6: memref<320000xi32, #tpu.memory_space<hbm>>, %arg7: memref<320000xi32, #tpu.memory_space<hbm>>, %arg8: memref<128xf32, #tpu.memory_space<hbm>>, %arg9: memref<2x10000x128xf32, #tpu.memory_space<hbm>>, %arg10: memref<2x16x10000xf32, #tpu.memory_space<hbm>>, %arg11: memref<10000x128xf32, #tpu.memory_space<vmem_shared>>, %arg12: memref<128x128xf32, #tpu.memory_space<vmem>>, %arg13: memref<128xf32, #tpu.memory_space<vmem>>, %arg14: memref<128xf32, #tpu.memory_space<vmem>>, %arg15: memref<128xi32, #tpu.memory_space<vmem>>, %arg16: memref<128xi32, #tpu.memory_space<vmem>>, %arg17: memref<128xi32, #tpu.memory_space<vmem>>, %arg18: memref<144xf32, #tpu.memory_space<vmem>>, %arg19: memref<128xf32, #tpu.memory_space<vmem>>, %arg20: memref<10000xf32, #tpu.memory_space<vmem>>, %arg21: memref<!tpu.dma_semaphore, #tpu.memory_space<semaphore_mem>>, %arg22: memref<!tpu.dma_semaphore, #tpu.memory_space<semaphore_mem>>) attributes {dimension_semantics = [#tpu.dimension_semantics<core_parallel>, #tpu.dimension_semantics<subcore_parallel>], iteration_bounds = array<i64: 2, 16>, scalar_prefetch = 0 : i64, scratch_operands = 12 : i64, tpu.core_type = #tpu.core_type<sc_vector_subcore>, window_params = [{transform_indices = #map}, {transform_indices = #map1}, {transform_indices = #map1}, {transform_indices = #map1}, {transform_indices = #map1}, {transform_indices = #map1}, {transform_indices = #map1}, {transform_indices = #map2}, {transform_indices = #map2}]} {
    %mul3A = arith.constant 16 : i32
    %mul3A_0 = arith.muli %arg0, %mul3A : i32
    %add3A = arith.addi %mul3A_0, %arg1 : i32
    "tpu.region"() ({
      %run_scoped3A = tpu.sem_alloc : memref<!tpu.dma_semaphore, #tpu.memory_space<semaphore_mem>>
      tpu.enqueue_dma source(%arg8 : memref<128xf32, #tpu.memory_space<hbm>>) target(%arg19 : memref<128xf32, #tpu.memory_space<vmem>>) target_semaphore(%run_scoped3A : memref<!tpu.dma_semaphore, #tpu.memory_space<semaphore_mem>>)
      tpu.wait_dma2 semaphore(%run_scoped3A : memref<!tpu.dma_semaphore, #tpu.memory_space<semaphore_mem>>) src(%arg8 : memref<128xf32, #tpu.memory_space<hbm>>) dst(%arg19 : memref<128xf32, #tpu.memory_space<vmem>>)
      tpu.yield
    }) : () -> ()
    %broadcast_in_dim3A = arith.constant 0.000000e+00 : f32
    %broadcast_in_dim3A_1 = vector.broadcast %broadcast_in_dim3A : f32 to vector<16xf32>
    %scan3A = arith.constant 0 : i32
    %scan3A_2 = arith.constant 0 : i32
    %scan3A_3 = arith.constant 128 : i32
    %scan3A_4 = arith.addi %scan3A_2, %scan3A_3 : i32
    %scan3A_5 = arith.constant 1 : i32
    scf.for %scan3A_119 = %scan3A_2 to %scan3A_4 step %scan3A_5  : i32 {
      %swap3A = arith.index_cast %scan3A_119 : i32 to index
      %swap3A_120 = arith.constant 0 : index
      %swap3A_121 = tpu.vector_load %arg12[%swap3A, %swap3A_120] {strides = array<i32>} : memref<128x128xf32, #tpu.memory_space<vmem>>, vector<16xf32>,
      tpu.vector_store %arg12[%swap3A, %swap3A_120], %broadcast_in_dim3A_1 {strides = array<i32>} : memref<128x128xf32, #tpu.memory_space<vmem>>, vector<16xf32>,
      %swap3A_122 = arith.index_cast %scan3A_119 : i32 to index
      %swap3A_123 = arith.constant 16 : index
      %swap3A_124 = tpu.vector_load %arg12[%swap3A_122, %swap3A_123] {strides = array<i32>} : memref<128x128xf32, #tpu.memory_space<vmem>>, vector<16xf32>,
      tpu.vector_store %arg12[%swap3A_122, %swap3A_123], %broadcast_in_dim3A_1 {strides = array<i32>} : memref<128x128xf32, #tpu.memory_space<vmem>>, vector<16xf32>,
      %swap3A_125 = arith.index_cast %scan3A_119 : i32 to index
      %swap3A_126 = arith.constant 32 : index
      %swap3A_127 = tpu.vector_load %arg12[%swap3A_125, %swap3A_126] {strides = array<i32>} : memref<128x128xf32, #tpu.memory_space<vmem>>, vector<16xf32>,
      tpu.vector_store %arg12[%swap3A_125, %swap3A_126], %broadcast_in_dim3A_1 {strides = array<i32>} : memref<128x128xf32, #tpu.memory_space<vmem>>, vector<16xf32>,
      %swap3A_128 = arith.index_cast %scan3A_119 : i32 to index
      %swap3A_129 = arith.constant 48 : index
      %swap3A_130 = tpu.vector_load %arg12[%swap3A_128, %swap3A_129] {strides = array<i32>} : memref<128x128xf32, #tpu.memory_space<vmem>>, vector<16xf32>,
      tpu.vector_store %arg12[%swap3A_128, %swap3A_129], %broadcast_in_dim3A_1 {strides = array<i32>} : memref<128x128xf32, #tpu.memory_space<vmem>>, vector<16xf32>,
      %swap3A_131 = arith.index_cast %scan3A_119 : i32 to index
      %swap3A_132 = arith.constant 64 : index
      %swap3A_133 = tpu.vector_load %arg12[%swap3A_131, %swap3A_132] {strides = array<i32>} : memref<128x128xf32, #tpu.memory_space<vmem>>, vector<16xf32>,
      tpu.vector_store %arg12[%swap3A_131, %swap3A_132], %broadcast_in_dim3A_1 {strides = array<i32>} : memref<128x128xf32, #tpu.memory_space<vmem>>, vector<16xf32>,
      %swap3A_134 = arith.index_cast %scan3A_119 : i32 to index
      %swap3A_135 = arith.constant 80 : index
      %swap3A_136 = tpu.vector_load %arg12[%swap3A_134, %swap3A_135] {strides = array<i32>} : memref<128x128xf32, #tpu.memory_space<vmem>>, vector<16xf32>,
      tpu.vector_store %arg12[%swap3A_134, %swap3A_135], %broadcast_in_dim3A_1 {strides = array<i32>} : memref<128x128xf32, #tpu.memory_space<vmem>>, vector<16xf32>,
      %swap3A_137 = arith.index_cast %scan3A_119 : i32 to index
      %swap3A_138 = arith.constant 96 : index
      %swap3A_139 = tpu.vector_load %arg12[%swap3A_137, %swap3A_138] {strides = array<i32>} : memref<128x128xf32, #tpu.memory_space<vmem>>, vector<16xf32>,
      tpu.vector_store %arg12[%swap3A_137, %swap3A_138], %broadcast_in_dim3A_1 {strides = array<i32>} : memref<128x128xf32, #tpu.memory_space<vmem>>, vector<16xf32>,
      %swap3A_140 = arith.index_cast %scan3A_119 : i32 to index
      %swap3A_141 = arith.constant 112 : index
      %swap3A_142 = tpu.vector_load %arg12[%swap3A_140, %swap3A_141] {strides = array<i32>} : memref<128x128xf32, #tpu.memory_space<vmem>>, vector<16xf32>,
      tpu.vector_store %arg12[%swap3A_140, %swap3A_141], %broadcast_in_dim3A_1 {strides = array<i32>} : memref<128x128xf32, #tpu.memory_space<vmem>>, vector<16xf32>,
    }
    %scan3A_6 = arith.constant 128 : i32
    %scan3A_7 = arith.constant 0 : i32
    %scan3A_8 = arith.constant 0 : i32
    %scan3A_9 = arith.constant 625 : i32
    %scan3A_10 = arith.addi %scan3A_8, %scan3A_9 : i32
    %scan3A_11 = arith.constant 1 : i32
    scf.for %scan3A_119 = %scan3A_8 to %scan3A_10 step %scan3A_11  : i32 {
      %mul3A_120 = arith.constant 16 : i32
      %mul3A_121 = arith.muli %mul3A_120, %scan3A_119 : i32
      %swap3A = arith.index_cast %mul3A_121 : i32 to index
      %swap3A_122 = tpu.vector_load %arg20[%swap3A] {strides = array<i32>} : memref<10000xf32, #tpu.memory_space<vmem>>, vector<16xf32>,
      tpu.vector_store %arg20[%swap3A], %broadcast_in_dim3A_1 {strides = array<i32>} : memref<10000xf32, #tpu.memory_space<vmem>>, vector<16xf32>,
    }
    %scan3A_12 = arith.constant 625 : i32
    %sub3A = arith.constant 125 : i32
    %sub3A_13 = arith.subi %sub3A, %arg1 : i32
    %add3A_14 = arith.constant 16 : i32
    %add3A_15 = arith.addi %sub3A_13, %add3A_14 : i32
    %sub3A_16 = arith.constant 1 : i32
    %sub3A_17 = arith.subi %add3A_15, %sub3A_16 : i32
    %jit3A = arith.constant 16 : i32
    %div3A = arith.divsi %sub3A_17, %jit3A : i32
    %sign3A = arith.constant 0 : i32
    %sign3A_18 = arith.cmpi sgt, %sub3A_17, %sign3A : i32
    %sign3A_19 = arith.extui %sign3A_18 : i1 to i32
    %sign3A_20 = arith.constant 0 : i32
    %sign3A_21 = arith.cmpi slt, %sub3A_17, %sign3A_20 : i32
    %sign3A_22 = arith.extui %sign3A_21 : i1 to i32
    %sign3A_23 = arith.subi %sign3A_19, %sign3A_22 : i32
    %sign3A_24 = arith.constant 0 : i32
    %sign3A_25 = arith.cmpi sgt, %jit3A, %sign3A_24 : i32
    %sign3A_26 = arith.extui %sign3A_25 : i1 to i32
    %sign3A_27 = arith.constant 0 : i32
    %sign3A_28 = arith.cmpi slt, %jit3A, %sign3A_27 : i32
    %sign3A_29 = arith.extui %sign3A_28 : i1 to i32
    %sign3A_30 = arith.subi %sign3A_26, %sign3A_29 : i32
    %ne3A = arith.cmpi ne, %sign3A_23, %sign3A_30 : i32
    %rem3A = arith.remsi %sub3A_17, %jit3A : i32
    %ne3A_31 = arith.constant 0 : i32
    %ne3A_32 = arith.cmpi ne, %rem3A, %ne3A_31 : i32
    %and3A = arith.andi %ne3A, %ne3A_32 : i1
    %sub3A_33 = arith.constant 1 : i32
    %sub3A_34 = arith.subi %div3A, %sub3A_33 : i32
    %select_n3A = arith.select %and3A, %sub3A_34, %div3A : i32
    %while3A = arith.constant 0 : i32
    %while3A_35 = arith.constant 0 : i32
    %while3A_36 = arith.subi %select_n3A, %while3A_35 : i32
    %while3A_37 = arith.addi %while3A_35, %while3A_36 : i32
    %while3A_38 = arith.constant 1 : i32
    %while3A_39 = arith.divsi %while3A_36, %while3A_38 : i32
    %while3A_40 = arith.muli %while3A_39, %while3A_38 : i32
    %while3A_41 = arith.addi %while3A_35, %while3A_40 : i32
    %while3A_42 = arith.constant 1 : i32
    scf.for %while3A_119 = %while3A_35 to %while3A_41 step %while3A_42  : i32 {
      %mul3A_120 = arith.constant 16 : i32
      %mul3A_121 = arith.muli %while3A_119, %mul3A_120 : i32
      %add3A_122 = arith.addi %arg1, %mul3A_121 : i32
      %mul3A_123 = arith.constant 80 : i32
      %mul3A_124 = arith.muli %add3A_122, %mul3A_123 : i32
      "tpu.region"() ({
        %run_scoped3A = tpu.sem_alloc : memref<!tpu.dma_semaphore, #tpu.memory_space<semaphore_mem>>
        %dma_start3A = arith.constant 0 : i32
        %dma_start3A_125 = arith.constant 0 : i32
        %dma_start3A_126 = tpu.memref_slice %arg12[%dma_start3A, %dma_start3A_125] : memref<128x128xf32, #tpu.memory_space<vmem>> -> memref<80x128xf32, #tpu.memory_space<vmem>>
        %dma_start3A_127 = arith.constant 0 : i32
        %dma_start3A_128 = tpu.memref_slice %arg11[%mul3A_124, %dma_start3A_127] : memref<10000x128xf32, #tpu.memory_space<vmem_shared>> -> memref<80x128xf32, #tpu.memory_space<vmem_shared>>
        %dma_start3A_129 = arith.constant 0 : i32
        %dma_start3A_130 = tpu.memref_slice %arg11[%mul3A_124, %dma_start3A_129] : memref<10000x128xf32, #tpu.memory_space<vmem_shared>> -> memref<80x128xf32, #tpu.memory_space<vmem_shared>>
        %dma_start3A_131 = arith.constant 0 : i32
        %dma_start3A_132 = arith.constant 0 : i32
        %dma_start3A_133 = tpu.memref_slice %arg12[%dma_start3A_131, %dma_start3A_132] : memref<128x128xf32, #tpu.memory_space<vmem>> -> memref<80x128xf32, #tpu.memory_space<vmem>>
        tpu.enqueue_dma source(%dma_start3A_133 : memref<80x128xf32, #tpu.memory_space<vmem>>) target(%dma_start3A_130 : memref<80x128xf32, #tpu.memory_space<vmem_shared>>) target_semaphore(%run_scoped3A : memref<!tpu.dma_semaphore, #tpu.memory_space<semaphore_mem>>)
        %dma_wait3A = arith.constant 0 : i32
        %dma_wait3A_134 = arith.constant 0 : i32
        %dma_wait3A_135 = tpu.memref_slice %arg12[%dma_wait3A, %dma_wait3A_134] : memref<128x128xf32, #tpu.memory_space<vmem>> -> memref<80x128xf32, #tpu.memory_space<vmem>>
        %dma_wait3A_136 = arith.constant 0 : i32
        %dma_wait3A_137 = tpu.memref_slice %arg11[%mul3A_124, %dma_wait3A_136] : memref<10000x128xf32, #tpu.memory_space<vmem_shared>> -> memref<80x128xf32, #tpu.memory_space<vmem_shared>>
        %dma_wait3A_138 = arith.constant 0 : i32
        %dma_wait3A_139 = tpu.memref_slice %arg11[%mul3A_124, %dma_wait3A_138] : memref<10000x128xf32, #tpu.memory_space<vmem_shared>> -> memref<80x128xf32, #tpu.memory_space<vmem_shared>>
        %dma_wait3A_140 = arith.constant 0 : i32
        %dma_wait3A_141 = arith.constant 0 : i32
        %dma_wait3A_142 = tpu.memref_slice %arg12[%dma_wait3A_140, %dma_wait3A_141] : memref<128x128xf32, #tpu.memory_space<vmem>> -> memref<80x128xf32, #tpu.memory_space<vmem>>
        tpu.wait_dma2 semaphore(%run_scoped3A : memref<!tpu.dma_semaphore, #tpu.memory_space<semaphore_mem>>) src(%dma_wait3A_142 : memref<80x128xf32, #tpu.memory_space<vmem>>) dst(%dma_wait3A_139 : memref<80x128xf32, #tpu.memory_space<vmem_shared>>)
        tpu.yield
      }) : () -> ()
    }
    %while3A_43 = arith.constant 1 : i32
    scf.for %while3A_119 = %while3A_41 to %while3A_37 step %while3A_43  : i32 {
      %mul3A_120 = arith.constant 16 : i32
      %mul3A_121 = arith.muli %while3A_119, %mul3A_120 : i32
      %add3A_122 = arith.addi %arg1, %mul3A_121 : i32
      %mul3A_123 = arith.constant 80 : i32
      %mul3A_124 = arith.muli %add3A_122, %mul3A_123 : i32
      "tpu.region"() ({
        %run_scoped3A = tpu.sem_alloc : memref<!tpu.dma_semaphore, #tpu.memory_space<semaphore_mem>>
        %dma_start3A = arith.constant 0 : i32
        %dma_start3A_125 = arith.constant 0 : i32
        %dma_start3A_126 = tpu.memref_slice %arg12[%dma_start3A, %dma_start3A_125] : memref<128x128xf32, #tpu.memory_space<vmem>> -> memref<80x128xf32, #tpu.memory_space<vmem>>
        %dma_start3A_127 = arith.constant 0 : i32
        %dma_start3A_128 = tpu.memref_slice %arg11[%mul3A_124, %dma_start3A_127] : memref<10000x128xf32, #tpu.memory_space<vmem_shared>> -> memref<80x128xf32, #tpu.memory_space<vmem_shared>>
        %dma_start3A_129 = arith.constant 0 : i32
        %dma_start3A_130 = tpu.memref_slice %arg11[%mul3A_124, %dma_start3A_129] : memref<10000x128xf32, #tpu.memory_space<vmem_shared>> -> memref<80x128xf32, #tpu.memory_space<vmem_shared>>
        %dma_start3A_131 = arith.constant 0 : i32
        %dma_start3A_132 = arith.constant 0 : i32
        %dma_start3A_133 = tpu.memref_slice %arg12[%dma_start3A_131, %dma_start3A_132] : memref<128x128xf32, #tpu.memory_space<vmem>> -> memref<80x128xf32, #tpu.memory_space<vmem>>
        tpu.enqueue_dma source(%dma_start3A_133 : memref<80x128xf32, #tpu.memory_space<vmem>>) target(%dma_start3A_130 : memref<80x128xf32, #tpu.memory_space<vmem_shared>>) target_semaphore(%run_scoped3A : memref<!tpu.dma_semaphore, #tpu.memory_space<semaphore_mem>>)
        %dma_wait3A = arith.constant 0 : i32
        %dma_wait3A_134 = arith.constant 0 : i32
        %dma_wait3A_135 = tpu.memref_slice %arg12[%dma_wait3A, %dma_wait3A_134] : memref<128x128xf32, #tpu.memory_space<vmem>> -> memref<80x128xf32, #tpu.memory_space<vmem>>
        %dma_wait3A_136 = arith.constant 0 : i32
        %dma_wait3A_137 = tpu.memref_slice %arg11[%mul3A_124, %dma_wait3A_136] : memref<10000x128xf32, #tpu.memory_space<vmem_shared>> -> memref<80x128xf32, #tpu.memory_space<vmem_shared>>
        %dma_wait3A_138 = arith.constant 0 : i32
        %dma_wait3A_139 = tpu.memref_slice %arg11[%mul3A_124, %dma_wait3A_138] : memref<10000x128xf32, #tpu.memory_space<vmem_shared>> -> memref<80x128xf32, #tpu.memory_space<vmem_shared>>
        %dma_wait3A_140 = arith.constant 0 : i32
        %dma_wait3A_141 = arith.constant 0 : i32
        %dma_wait3A_142 = tpu.memref_slice %arg12[%dma_wait3A_140, %dma_wait3A_141] : memref<128x128xf32, #tpu.memory_space<vmem>> -> memref<80x128xf32, #tpu.memory_space<vmem>>
        tpu.wait_dma2 semaphore(%run_scoped3A : memref<!tpu.dma_semaphore, #tpu.memory_space<semaphore_mem>>) src(%dma_wait3A_142 : memref<80x128xf32, #tpu.memory_space<vmem>>) dst(%dma_wait3A_139 : memref<80x128xf32, #tpu.memory_space<vmem_shared>>)
        tpu.yield
      }) : () -> ()
    }
    %barrier3A = arith.constant 0 : index
    tpu.barrier barrier_id(%barrier3A)
    %get3A = arith.constant 0 : index
    %get3A_44 = tpu.vector_load %arg19[%get3A] {strides = array<i32>} : memref<128xf32, #tpu.memory_space<vmem>>, vector<16xf32>,
    %mul3A_45 = arith.constant 2500 : i32
    %mul3A_46 = arith.muli %add3A, %mul3A_45 : i32
    %jit3A_47 = arith.constant 32 : i32
    %div3A_48 = arith.divsi %mul3A_46, %jit3A_47 : i32
    %sign3A_49 = arith.constant 0 : i32
    %sign3A_50 = arith.cmpi sgt, %mul3A_46, %sign3A_49 : i32
    %sign3A_51 = arith.extui %sign3A_50 : i1 to i32
    %sign3A_52 = arith.constant 0 : i32
    %sign3A_53 = arith.cmpi slt, %mul3A_46, %sign3A_52 : i32
    %sign3A_54 = arith.extui %sign3A_53 : i1 to i32
    %sign3A_55 = arith.subi %sign3A_51, %sign3A_54 : i32
    %sign3A_56 = arith.constant 0 : i32
    %sign3A_57 = arith.cmpi sgt, %jit3A_47, %sign3A_56 : i32
    %sign3A_58 = arith.extui %sign3A_57 : i1 to i32
    %sign3A_59 = arith.constant 0 : i32
    %sign3A_60 = arith.cmpi slt, %jit3A_47, %sign3A_59 : i32
    %sign3A_61 = arith.extui %sign3A_60 : i1 to i32
    %sign3A_62 = arith.subi %sign3A_58, %sign3A_61 : i32
    %ne3A_63 = arith.cmpi ne, %sign3A_55, %sign3A_62 : i32
    %rem3A_64 = arith.remsi %mul3A_46, %jit3A_47 : i32
    %ne3A_65 = arith.constant 0 : i32
    %ne3A_66 = arith.cmpi ne, %rem3A_64, %ne3A_65 : i32
    %and3A_67 = arith.andi %ne3A_63, %ne3A_66 : i1
    %sub3A_68 = arith.constant 1 : i32
    %sub3A_69 = arith.subi %div3A_48, %sub3A_68 : i32
    %select_n3A_70 = arith.select %and3A_67, %sub3A_69, %div3A_48 : i32
    %add3A_71 = arith.constant 1 : i32
    %add3A_72 = arith.addi %add3A, %add3A_71 : i32
    %mul3A_73 = arith.constant 2500 : i32
    %mul3A_74 = arith.muli %add3A_72, %mul3A_73 : i32
    %jit3A_75 = arith.constant 32 : i32
    %div3A_76 = arith.divsi %mul3A_74, %jit3A_75 : i32
    %sign3A_77 = arith.constant 0 : i32
    %sign3A_78 = arith.cmpi sgt, %mul3A_74, %sign3A_77 : i32
    %sign3A_79 = arith.extui %sign3A_78 : i1 to i32
    %sign3A_80 = arith.constant 0 : i32
    %sign3A_81 = arith.cmpi slt, %mul3A_74, %sign3A_80 : i32
    %sign3A_82 = arith.extui %sign3A_81 : i1 to i32
    %sign3A_83 = arith.subi %sign3A_79, %sign3A_82 : i32
    %sign3A_84 = arith.constant 0 : i32
    %sign3A_85 = arith.cmpi sgt, %jit3A_75, %sign3A_84 : i32
    %sign3A_86 = arith.extui %sign3A_85 : i1 to i32
    %sign3A_87 = arith.constant 0 : i32
    %sign3A_88 = arith.cmpi slt, %jit3A_75, %sign3A_87 : i32
    %sign3A_89 = arith.extui %sign3A_88 : i1 to i32
    %sign3A_90 = arith.subi %sign3A_86, %sign3A_89 : i32
    %ne3A_91 = arith.cmpi ne, %sign3A_83, %sign3A_90 : i32
    %rem3A_92 = arith.remsi %mul3A_74, %jit3A_75 : i32
    %ne3A_93 = arith.constant 0 : i32
    %ne3A_94 = arith.cmpi ne, %rem3A_92, %ne3A_93 : i32
    %and3A_95 = arith.andi %ne3A_91, %ne3A_94 : i1
    %sub3A_96 = arith.constant 1 : i32
    %sub3A_97 = arith.subi %div3A_76, %sub3A_96 : i32
    %select_n3A_98 = arith.select %and3A_95, %sub3A_97, %div3A_76 : i32
    %while3A_99 = arith.constant 0 : i32
    %while3A_100 = arith.subi %select_n3A_98, %select_n3A_70 : i32
    %while3A_101 = arith.addi %select_n3A_70, %while3A_100 : i32
    %while3A_102 = arith.constant 1 : i32
    %while3A_103 = arith.divsi %while3A_100, %while3A_102 : i32
    %while3A_104 = arith.muli %while3A_103, %while3A_102 : i32
    %while3A_105 = arith.addi %select_n3A_70, %while3A_104 : i32
    %while3A_106 = arith.constant 1 : i32
    scf.for %while3A_119 = %select_n3A_70 to %while3A_105 step %while3A_106  : i32 {
      %mul3A_120 = arith.constant 128 : i32
      %mul3A_121 = arith.muli %while3A_119, %mul3A_120 : i32
      %dma_start3A = tpu.memref_slice %arg5[%mul3A_121] : memref<320000xi32, #tpu.memory_space<hbm>> -> memref<128xi32, #tpu.memory_space<hbm>>
      %dma_start3A_122 = tpu.memref_slice %arg5[%mul3A_121] : memref<320000xi32, #tpu.memory_space<hbm>> -> memref<128xi32, #tpu.memory_space<hbm>>
      tpu.enqueue_dma source(%dma_start3A_122 : memref<128xi32, #tpu.memory_space<hbm>>) target(%arg15 : memref<128xi32, #tpu.memory_space<vmem>>) target_semaphore(%arg21 : memref<!tpu.dma_semaphore, #tpu.memory_space<semaphore_mem>>)
      %dma_start3A_123 = tpu.memref_slice %arg6[%mul3A_121] : memref<320000xi32, #tpu.memory_space<hbm>> -> memref<128xi32, #tpu.memory_space<hbm>>
      %dma_start3A_124 = tpu.memref_slice %arg6[%mul3A_121] : memref<320000xi32, #tpu.memory_space<hbm>> -> memref<128xi32, #tpu.memory_space<hbm>>
      tpu.enqueue_dma source(%dma_start3A_124 : memref<128xi32, #tpu.memory_space<hbm>>) target(%arg16 : memref<128xi32, #tpu.memory_space<vmem>>) target_semaphore(%arg21 : memref<!tpu.dma_semaphore, #tpu.memory_space<semaphore_mem>>)
      %dma_start3A_125 = tpu.memref_slice %arg7[%mul3A_121] : memref<320000xi32, #tpu.memory_space<hbm>> -> memref<128xi32, #tpu.memory_space<hbm>>
      %dma_start3A_126 = tpu.memref_slice %arg7[%mul3A_121] : memref<320000xi32, #tpu.memory_space<hbm>> -> memref<128xi32, #tpu.memory_space<hbm>>
      tpu.enqueue_dma source(%dma_start3A_126 : memref<128xi32, #tpu.memory_space<hbm>>) target(%arg17 : memref<128xi32, #tpu.memory_space<vmem>>) target_semaphore(%arg21 : memref<!tpu.dma_semaphore, #tpu.memory_space<semaphore_mem>>)
      %dma_wait3A = tpu.memref_slice %arg5[%mul3A_121] : memref<320000xi32, #tpu.memory_space<hbm>> -> memref<128xi32, #tpu.memory_space<hbm>>
      %dma_wait3A_127 = tpu.memref_slice %arg5[%mul3A_121] : memref<320000xi32, #tpu.memory_space<hbm>> -> memref<128xi32, #tpu.memory_space<hbm>>
      tpu.wait_dma2 semaphore(%arg21 : memref<!tpu.dma_semaphore, #tpu.memory_space<semaphore_mem>>) src(%dma_wait3A_127 : memref<128xi32, #tpu.memory_space<hbm>>) dst(%arg15 : memref<128xi32, #tpu.memory_space<vmem>>)
      %dma_wait3A_128 = tpu.memref_slice %arg6[%mul3A_121] : memref<320000xi32, #tpu.memory_space<hbm>> -> memref<128xi32, #tpu.memory_space<hbm>>
      %dma_wait3A_129 = tpu.memref_slice %arg6[%mul3A_121] : memref<320000xi32, #tpu.memory_space<hbm>> -> memref<128xi32, #tpu.memory_space<hbm>>
      tpu.wait_dma2 semaphore(%arg21 : memref<!tpu.dma_semaphore, #tpu.memory_space<semaphore_mem>>) src(%dma_wait3A_129 : memref<128xi32, #tpu.memory_space<hbm>>) dst(%arg16 : memref<128xi32, #tpu.memory_space<vmem>>)
      %dma_wait3A_130 = tpu.memref_slice %arg7[%mul3A_121] : memref<320000xi32, #tpu.memory_space<hbm>> -> memref<128xi32, #tpu.memory_space<hbm>>
      %dma_wait3A_131 = tpu.memref_slice %arg7[%mul3A_121] : memref<320000xi32, #tpu.memory_space<hbm>> -> memref<128xi32, #tpu.memory_space<hbm>>
      tpu.wait_dma2 semaphore(%arg21 : memref<!tpu.dma_semaphore, #tpu.memory_space<semaphore_mem>>) src(%dma_wait3A_131 : memref<128xi32, #tpu.memory_space<hbm>>) dst(%arg17 : memref<128xi32, #tpu.memory_space<vmem>>)
      %dma_start3A_132 = arith.constant 0 : i32
      %dma_start3A_133 = arith.constant 0 : i32
      %dma_start3A_134 = tpu.memref_slice %arg2[%dma_start3A_132, %dma_start3A_133] : memref<80000x128xf32, #tpu.memory_space<hbm>> -> memref<80000x128xf32, #tpu.memory_space<hbm>>
      tpu.enqueue_indirect_dma source(%dma_start3A_134 : memref<80000x128xf32, #tpu.memory_space<hbm>>) target(%arg12 : memref<128x128xf32, #tpu.memory_space<vmem>>) offsets(%arg15 : memref<128xi32, #tpu.memory_space<vmem>>) semaphore(%arg22 : memref<!tpu.dma_semaphore, #tpu.memory_space<semaphore_mem>>)
      %dma_start3A_135 = arith.constant 0 : i32
      %dma_start3A_136 = tpu.memref_slice %arg3[%dma_start3A_135] : memref<80000xf32, #tpu.memory_space<hbm>> -> memref<80000xf32, #tpu.memory_space<hbm>>
      tpu.enqueue_indirect_dma source(%dma_start3A_136 : memref<80000xf32, #tpu.memory_space<hbm>>) target(%arg13 : memref<128xf32, #tpu.memory_space<vmem>>) offsets(%arg16 : memref<128xi32, #tpu.memory_space<vmem>>) semaphore(%arg22 : memref<!tpu.dma_semaphore, #tpu.memory_space<semaphore_mem>>)
      %dma_start3A_137 = arith.constant 0 : i32
      %dma_start3A_138 = tpu.memref_slice %arg4[%dma_start3A_137] : memref<80000xf32, #tpu.memory_space<hbm>> -> memref<80000xf32, #tpu.memory_space<hbm>>
      tpu.enqueue_indirect_dma source(%dma_start3A_138 : memref<80000xf32, #tpu.memory_space<hbm>>) target(%arg14 : memref<128xf32, #tpu.memory_space<vmem>>) offsets(%arg15 : memref<128xi32, #tpu.memory_space<vmem>>) semaphore(%arg22 : memref<!tpu.dma_semaphore, #tpu.memory_space<semaphore_mem>>)
      %dma_wait3A_139 = arith.constant 0 : i32
      %dma_wait3A_140 = arith.constant 0 : i32
      %dma_wait3A_141 = tpu.memref_slice %arg2[%dma_wait3A_139, %dma_wait3A_140] : memref<80000x128xf32, #tpu.memory_space<hbm>> -> memref<80000x128xf32, #tpu.memory_space<hbm>>
      tpu.wait_indirect_dma semaphore(%arg22 : memref<!tpu.dma_semaphore, #tpu.memory_space<semaphore_mem>>) src(%dma_wait3A_141 : memref<80000x128xf32, #tpu.memory_space<hbm>>) dst(%arg12 : memref<128x128xf32, #tpu.memory_space<vmem>>)
      %dma_wait3A_142 = arith.constant 0 : i32
      %dma_wait3A_143 = tpu.memref_slice %arg3[%dma_wait3A_142] : memref<80000xf32, #tpu.memory_space<hbm>> -> memref<80000xf32, #tpu.memory_space<hbm>>
      tpu.wait_indirect_dma semaphore(%arg22 : memref<!tpu.dma_semaphore, #tpu.memory_space<semaphore_mem>>) src(%dma_wait3A_143 : memref<80000xf32, #tpu.memory_space<hbm>>) dst(%arg13 : memref<128xf32, #tpu.memory_space<vmem>>)
      %dma_wait3A_144 = arith.constant 0 : i32
      %dma_wait3A_145 = tpu.memref_slice %arg4[%dma_wait3A_144] : memref<80000xf32, #tpu.memory_space<hbm>> -> memref<80000xf32, #tpu.memory_space<hbm>>
      tpu.wait_indirect_dma semaphore(%arg22 : memref<!tpu.dma_semaphore, #tpu.memory_space<semaphore_mem>>) src(%dma_wait3A_145 : memref<80000xf32, #tpu.memory_space<hbm>>) dst(%arg14 : memref<128xf32, #tpu.memory_space<vmem>>)
      %get3A_146 = arith.constant 0 : index
      %get3A_147 = tpu.vector_load %arg13[%get3A_146] {strides = array<i32>} : memref<128xf32, #tpu.memory_space<vmem>>, vector<16xf32>,
      %get3A_148 = arith.constant 0 : index
      %get3A_149 = tpu.vector_load %arg14[%get3A_148] {strides = array<i32>} : memref<128xf32, #tpu.memory_space<vmem>>, vector<16xf32>,
      %add3A_150 = arith.addf %get3A_147, %get3A_149 : vector<16xf32>
      %gt3A = arith.constant 0.000000e+00 : f32
      %gt3A_151 = vector.broadcast %gt3A : f32 to vector<16xf32>
      %gt3A_152 = arith.cmpf ogt, %add3A_150, %gt3A_151 : vector<16xf32>
      %mul3A_153 = arith.constant 2.000000e-01 : f32
      %mul3A_154 = vector.broadcast %mul3A_153 : f32 to vector<16xf32>
      %mul3A_155 = arith.mulf %mul3A_154, %add3A_150 : vector<16xf32>
      %select_n3A_156 = arith.select %gt3A_152, %add3A_150, %mul3A_155 : vector<16xi1>, vector<16xf32>
      %sub3A_157 = arith.subf %select_n3A_156, %get3A_44 : vector<16xf32>
      %exp3A = math.exp %sub3A_157 : vector<16xf32>
      %swap3A = arith.constant 0 : index
      %swap3A_158 = tpu.vector_load %arg18[%swap3A] {strides = array<i32>} : memref<144xf32, #tpu.memory_space<vmem>>, vector<16xf32>,
      tpu.vector_store %arg18[%swap3A], %exp3A {strides = array<i32>} : memref<144xf32, #tpu.memory_space<vmem>>, vector<16xf32>,
      %get3A_159 = arith.constant 0 : index
      %get3A_160 = tpu.vector_load %arg17[%get3A_159] {strides = array<i32>} : memref<128xi32, #tpu.memory_space<vmem>>, vector<16xi32>,
      tpu.vector_store_idx %arg20[%get3A_160], %exp3A {add = true} : memref<10000xf32, #tpu.memory_space<vmem>>[vector<16xi32>], vector<16xf32>,
      %get3A_161 = arith.constant 16 : index
      %get3A_162 = tpu.vector_load %arg13[%get3A_161] {strides = array<i32>} : memref<128xf32, #tpu.memory_space<vmem>>, vector<16xf32>,
      %get3A_163 = arith.constant 16 : index
      %get3A_164 = tpu.vector_load %arg14[%get3A_163] {strides = array<i32>} : memref<128xf32, #tpu.memory_space<vmem>>, vector<16xf32>,
      %add3A_165 = arith.addf %get3A_162, %get3A_164 : vector<16xf32>
      %gt3A_166 = arith.constant 0.000000e+00 : f32
      %gt3A_167 = vector.broadcast %gt3A_166 : f32 to vector<16xf32>
      %gt3A_168 = arith.cmpf ogt, %add3A_165, %gt3A_167 : vector<16xf32>
      %mul3A_169 = arith.constant 2.000000e-01 : f32
      %mul3A_170 = vector.broadcast %mul3A_169 : f32 to vector<16xf32>
      %mul3A_171 = arith.mulf %mul3A_170, %add3A_165 : vector<16xf32>
      %select_n3A_172 = arith.select %gt3A_168, %add3A_165, %mul3A_171 : vector<16xi1>, vector<16xf32>
      %sub3A_173 = arith.subf %select_n3A_172, %get3A_44 : vector<16xf32>
      %exp3A_174 = math.exp %sub3A_173 : vector<16xf32>
      %swap3A_175 = arith.constant 16 : index
      %swap3A_176 = tpu.vector_load %arg18[%swap3A_175] {strides = array<i32>} : memref<144xf32, #tpu.memory_space<vmem>>, vector<16xf32>,
      tpu.vector_store %arg18[%swap3A_175], %exp3A_174 {strides = array<i32>} : memref<144xf32, #tpu.memory_space<vmem>>, vector<16xf32>,
      %get3A_177 = arith.constant 16 : index
      %get3A_178 = tpu.vector_load %arg17[%get3A_177] {strides = array<i32>} : memref<128xi32, #tpu.memory_space<vmem>>, vector<16xi32>,
      tpu.vector_store_idx %arg20[%get3A_178], %exp3A_174 {add = true} : memref<10000xf32, #tpu.memory_space<vmem>>[vector<16xi32>], vector<16xf32>,
      %get3A_179 = arith.constant 32 : index
      %get3A_180 = tpu.vector_load %arg13[%get3A_179] {strides = array<i32>} : memref<128xf32, #tpu.memory_space<vmem>>, vector<16xf32>,
      %get3A_181 = arith.constant 32 : index
      %get3A_182 = tpu.vector_load %arg14[%get3A_181] {strides = array<i32>} : memref<128xf32, #tpu.memory_space<vmem>>, vector<16xf32>,
      %add3A_183 = arith.addf %get3A_180, %get3A_182 : vector<16xf32>
      %gt3A_184 = arith.constant 0.000000e+00 : f32
      %gt3A_185 = vector.broadcast %gt3A_184 : f32 to vector<16xf32>
      %gt3A_186 = arith.cmpf ogt, %add3A_183, %gt3A_185 : vector<16xf32>
      %mul3A_187 = arith.constant 2.000000e-01 : f32
      %mul3A_188 = vector.broadcast %mul3A_187 : f32 to vector<16xf32>
      %mul3A_189 = arith.mulf %mul3A_188, %add3A_183 : vector<16xf32>
      %select_n3A_190 = arith.select %gt3A_186, %add3A_183, %mul3A_189 : vector<16xi1>, vector<16xf32>
      %sub3A_191 = arith.subf %select_n3A_190, %get3A_44 : vector<16xf32>
      %exp3A_192 = math.exp %sub3A_191 : vector<16xf32>
      %swap3A_193 = arith.constant 32 : index
      %swap3A_194 = tpu.vector_load %arg18[%swap3A_193] {strides = array<i32>} : memref<144xf32, #tpu.memory_space<vmem>>, vector<16xf32>,
      tpu.vector_store %arg18[%swap3A_193], %exp3A_192 {strides = array<i32>} : memref<144xf32, #tpu.memory_space<vmem>>, vector<16xf32>,
      %get3A_195 = arith.constant 32 : index
      %get3A_196 = tpu.vector_load %arg17[%get3A_195] {strides = array<i32>} : memref<128xi32, #tpu.memory_space<vmem>>, vector<16xi32>,
      tpu.vector_store_idx %arg20[%get3A_196], %exp3A_192 {add = true} : memref<10000xf32, #tpu.memory_space<vmem>>[vector<16xi32>], vector<16xf32>,
      %get3A_197 = arith.constant 48 : index
      %get3A_198 = tpu.vector_load %arg13[%get3A_197] {strides = array<i32>} : memref<128xf32, #tpu.memory_space<vmem>>, vector<16xf32>,
      %get3A_199 = arith.constant 48 : index
      %get3A_200 = tpu.vector_load %arg14[%get3A_199] {strides = array<i32>} : memref<128xf32, #tpu.memory_space<vmem>>, vector<16xf32>,
      %add3A_201 = arith.addf %get3A_198, %get3A_200 : vector<16xf32>
      %gt3A_202 = arith.constant 0.000000e+00 : f32
      %gt3A_203 = vector.broadcast %gt3A_202 : f32 to vector<16xf32>
      %gt3A_204 = arith.cmpf ogt, %add3A_201, %gt3A_203 : vector<16xf32>
      %mul3A_205 = arith.constant 2.000000e-01 : f32
      %mul3A_206 = vector.broadcast %mul3A_205 : f32 to vector<16xf32>
      %mul3A_207 = arith.mulf %mul3A_206, %add3A_201 : vector<16xf32>
      %select_n3A_208 = arith.select %gt3A_204, %add3A_201, %mul3A_207 : vector<16xi1>, vector<16xf32>
      %sub3A_209 = arith.subf %select_n3A_208, %get3A_44 : vector<16xf32>
      %exp3A_210 = math.exp %sub3A_209 : vector<16xf32>
      %swap3A_211 = arith.constant 48 : index
      %swap3A_212 = tpu.vector_load %arg18[%swap3A_211] {strides = array<i32>} : memref<144xf32, #tpu.memory_space<vmem>>, vector<16xf32>,
      tpu.vector_store %arg18[%swap3A_211], %exp3A_210 {strides = array<i32>} : memref<144xf32, #tpu.memory_space<vmem>>, vector<16xf32>,
      %get3A_213 = arith.constant 48 : index
      %get3A_214 = tpu.vector_load %arg17[%get3A_213] {strides = array<i32>} : memref<128xi32, #tpu.memory_space<vmem>>, vector<16xi32>,
      tpu.vector_store_idx %arg20[%get3A_214], %exp3A_210 {add = true} : memref<10000xf32, #tpu.memory_space<vmem>>[vector<16xi32>], vector<16xf32>,
      %get3A_215 = arith.constant 64 : index
      %get3A_216 = tpu.vector_load %arg13[%get3A_215] {strides = array<i32>} : memref<128xf32, #tpu.memory_space<vmem>>, vector<16xf32>,
      %get3A_217 = arith.constant 64 : index
      %get3A_218 = tpu.vector_load %arg14[%get3A_217] {strides = array<i32>} : memref<128xf32, #tpu.memory_space<vmem>>, vector<16xf32>,
      %add3A_219 = arith.addf %get3A_216, %get3A_218 : vector<16xf32>
      %gt3A_220 = arith.constant 0.000000e+00 : f32
      %gt3A_221 = vector.broadcast %gt3A_220 : f32 to vector<16xf32>
      %gt3A_222 = arith.cmpf ogt, %add3A_219, %gt3A_221 : vector<16xf32>
      %mul3A_223 = arith.constant 2.000000e-01 : f32
      %mul3A_224 = vector.broadcast %mul3A_223 : f32 to vector<16xf32>
      %mul3A_225 = arith.mulf %mul3A_224, %add3A_219 : vector<16xf32>
      %select_n3A_226 = arith.select %gt3A_222, %add3A_219, %mul3A_225 : vector<16xi1>, vector<16xf32>
      %sub3A_227 = arith.subf %select_n3A_226, %get3A_44 : vector<16xf32>
      %exp3A_228 = math.exp %sub3A_227 : vector<16xf32>
      %swap3A_229 = arith.constant 64 : index
      %swap3A_230 = tpu.vector_load %arg18[%swap3A_229] {strides = array<i32>} : memref<144xf32, #tpu.memory_space<vmem>>, vector<16xf32>,
      tpu.vector_store %arg18[%swap3A_229], %exp3A_228 {strides = array<i32>} : memref<144xf32, #tpu.memory_space<vmem>>, vector<16xf32>,
      %get3A_231 = arith.constant 64 : index
      %get3A_232 = tpu.vector_load %arg17[%get3A_231] {strides = array<i32>} : memref<128xi32, #tpu.memory_space<vmem>>, vector<16xi32>,
      tpu.vector_store_idx %arg20[%get3A_232], %exp3A_228 {add = true} : memref<10000xf32, #tpu.memory_space<vmem>>[vector<16xi32>], vector<16xf32>,
      %get3A_233 = arith.constant 80 : index
      %get3A_234 = tpu.vector_load %arg13[%get3A_233] {strides = array<i32>} : memref<128xf32, #tpu.memory_space<vmem>>, vector<16xf32>,
      %get3A_235 = arith.constant 80 : index
      %get3A_236 = tpu.vector_load %arg14[%get3A_235] {strides = array<i32>} : memref<128xf32, #tpu.memory_space<vmem>>, vector<16xf32>,
      %add3A_237 = arith.addf %get3A_234, %get3A_236 : vector<16xf32>
      %gt3A_238 = arith.constant 0.000000e+00 : f32
      %gt3A_239 = vector.broadcast %gt3A_238 : f32 to vector<16xf32>
      %gt3A_240 = arith.cmpf ogt, %add3A_237, %gt3A_239 : vector<16xf32>
      %mul3A_241 = arith.constant 2.000000e-01 : f32
      %mul3A_242 = vector.broadcast %mul3A_241 : f32 to vector<16xf32>
      %mul3A_243 = arith.mulf %mul3A_242, %add3A_237 : vector<16xf32>
      %select_n3A_244 = arith.select %gt3A_240, %add3A_237, %mul3A_243 : vector<16xi1>, vector<16xf32>
      %sub3A_245 = arith.subf %select_n3A_244, %get3A_44 : vector<16xf32>
      %exp3A_246 = math.exp %sub3A_245 : vector<16xf32>
      %swap3A_247 = arith.constant 80 : index
      %swap3A_248 = tpu.vector_load %arg18[%swap3A_247] {strides = array<i32>} : memref<144xf32, #tpu.memory_space<vmem>>, vector<16xf32>,
      tpu.vector_store %arg18[%swap3A_247], %exp3A_246 {strides = array<i32>} : memref<144xf32, #tpu.memory_space<vmem>>, vector<16xf32>,
      %get3A_249 = arith.constant 80 : index
      %get3A_250 = tpu.vector_load %arg17[%get3A_249] {strides = array<i32>} : memref<128xi32, #tpu.memory_space<vmem>>, vector<16xi32>,
      tpu.vector_store_idx %arg20[%get3A_250], %exp3A_246 {add = true} : memref<10000xf32, #tpu.memory_space<vmem>>[vector<16xi32>], vector<16xf32>,
      %get3A_251 = arith.constant 96 : index
      %get3A_252 = tpu.vector_load %arg13[%get3A_251] {strides = array<i32>} : memref<128xf32, #tpu.memory_space<vmem>>, vector<16xf32>,
      %get3A_253 = arith.constant 96 : index
      %get3A_254 = tpu.vector_load %arg14[%get3A_253] {strides = array<i32>} : memref<128xf32, #tpu.memory_space<vmem>>, vector<16xf32>,
      %add3A_255 = arith.addf %get3A_252, %get3A_254 : vector<16xf32>
      %gt3A_256 = arith.constant 0.000000e+00 : f32
      %gt3A_257 = vector.broadcast %gt3A_256 : f32 to vector<16xf32>
      %gt3A_258 = arith.cmpf ogt, %add3A_255, %gt3A_257 : vector<16xf32>
      %mul3A_259 = arith.constant 2.000000e-01 : f32
      %mul3A_260 = vector.broadcast %mul3A_259 : f32 to vector<16xf32>
      %mul3A_261 = arith.mulf %mul3A_260, %add3A_255 : vector<16xf32>
      %select_n3A_262 = arith.select %gt3A_258, %add3A_255, %mul3A_261 : vector<16xi1>, vector<16xf32>
      %sub3A_263 = arith.subf %select_n3A_262, %get3A_44 : vector<16xf32>
      %exp3A_264 = math.exp %sub3A_263 : vector<16xf32>
      %swap3A_265 = arith.constant 96 : index
      %swap3A_266 = tpu.vector_load %arg18[%swap3A_265] {strides = array<i32>} : memref<144xf32, #tpu.memory_space<vmem>>, vector<16xf32>,
      tpu.vector_store %arg18[%swap3A_265], %exp3A_264 {strides = array<i32>} : memref<144xf32, #tpu.memory_space<vmem>>, vector<16xf32>,
      %get3A_267 = arith.constant 96 : index
      %get3A_268 = tpu.vector_load %arg17[%get3A_267] {strides = array<i32>} : memref<128xi32, #tpu.memory_space<vmem>>, vector<16xi32>,
      tpu.vector_store_idx %arg20[%get3A_268], %exp3A_264 {add = true} : memref<10000xf32, #tpu.memory_space<vmem>>[vector<16xi32>], vector<16xf32>,
      %get3A_269 = arith.constant 112 : index
      %get3A_270 = tpu.vector_load %arg13[%get3A_269] {strides = array<i32>} : memref<128xf32, #tpu.memory_space<vmem>>, vector<16xf32>,
      %get3A_271 = arith.constant 112 : index
      %get3A_272 = tpu.vector_load %arg14[%get3A_271] {strides = array<i32>} : memref<128xf32, #tpu.memory_space<vmem>>, vector<16xf32>,
      %add3A_273 = arith.addf %get3A_270, %get3A_272 : vector<16xf32>
      %gt3A_274 = arith.constant 0.000000e+00 : f32
      %gt3A_275 = vector.broadcast %gt3A_274 : f32 to vector<16xf32>
      %gt3A_276 = arith.cmpf ogt, %add3A_273, %gt3A_275 : vector<16xf32>
      %mul3A_277 = arith.constant 2.000000e-01 : f32
      %mul3A_278 = vector.broadcast %mul3A_277 : f32 to vector<16xf32>
      %mul3A_279 = arith.mulf %mul3A_278, %add3A_273 : vector<16xf32>
      %select_n3A_280 = arith.select %gt3A_276, %add3A_273, %mul3A_279 : vector<16xi1>, vector<16xf32>
      %sub3A_281 = arith.subf %select_n3A_280, %get3A_44 : vector<16xf32>
      %exp3A_282 = math.exp %sub3A_281 : vector<16xf32>
      %swap3A_283 = arith.constant 112 : index
      %swap3A_284 = tpu.vector_load %arg18[%swap3A_283] {strides = array<i32>} : memref<144xf32, #tpu.memory_space<vmem>>, vector<16xf32>,
      tpu.vector_store %arg18[%swap3A_283], %exp3A_282 {strides = array<i32>} : memref<144xf32, #tpu.memory_space<vmem>>, vector<16xf32>,
      %get3A_285 = arith.constant 112 : index
      %get3A_286 = tpu.vector_load %arg17[%get3A_285] {strides = array<i32>} : memref<128xi32, #tpu.memory_space<vmem>>, vector<16xi32>,
      tpu.vector_store_idx %arg20[%get3A_286], %exp3A_282 {add = true} : memref<10000xf32, #tpu.memory_space<vmem>>[vector<16xi32>], vector<16xf32>,
      %scan3A_287 = arith.constant 0 : i32
      %scan3A_288 = arith.constant 0 : i32
      %scan3A_289 = arith.constant 128 : i32
      %scan3A_290 = arith.addi %scan3A_288, %scan3A_289 : i32
      %scan3A_291 = arith.constant 1 : i32
      scf.for %scan3A_293 = %scan3A_288 to %scan3A_290 step %scan3A_291  : i32 {
        %get3A_294 = arith.index_cast %scan3A_293 : i32 to index
        %get3A_295 = tpu.vector_load %arg18[%get3A_294] {strides = array<i32>} : memref<144xf32, #tpu.memory_space<vmem>>, vector<16xf32>,
        %slice3A = vector.extract_strided_slice %get3A_295 {offsets = [0], sizes = [1], strides = [1]} : vector<16xf32> to vector<1xf32>
        %squeeze3A = vector.extract %slice3A[0] : f32 from vector<1xf32>
        %get3A_296 = arith.index_cast %scan3A_293 : i32 to index
        %get3A_297 = arith.constant 0 : index
        %get3A_298 = tpu.vector_load %arg12[%get3A_296, %get3A_297] {strides = array<i32>} : memref<128x128xf32, #tpu.memory_space<vmem>>, vector<16xf32>,
        %mul3A_299 = vector.broadcast %squeeze3A : f32 to vector<16xf32>
        %mul3A_300 = arith.mulf %get3A_298, %mul3A_299 : vector<16xf32>
        %swap3A_301 = arith.index_cast %scan3A_293 : i32 to index
        %swap3A_302 = arith.constant 0 : index
        %swap3A_303 = tpu.vector_load %arg12[%swap3A_301, %swap3A_302] {strides = array<i32>} : memref<128x128xf32, #tpu.memory_space<vmem>>, vector<16xf32>,
        tpu.vector_store %arg12[%swap3A_301, %swap3A_302], %mul3A_300 {strides = array<i32>} : memref<128x128xf32, #tpu.memory_space<vmem>>, vector<16xf32>,
        %get3A_304 = arith.index_cast %scan3A_293 : i32 to index
        %get3A_305 = arith.constant 16 : index
        %get3A_306 = tpu.vector_load %arg12[%get3A_304, %get3A_305] {strides = array<i32>} : memref<128x128xf32, #tpu.memory_space<vmem>>, vector<16xf32>,
        %mul3A_307 = vector.broadcast %squeeze3A : f32 to vector<16xf32>
        %mul3A_308 = arith.mulf %get3A_306, %mul3A_307 : vector<16xf32>
        %swap3A_309 = arith.index_cast %scan3A_293 : i32 to index
        %swap3A_310 = arith.constant 16 : index
        %swap3A_311 = tpu.vector_load %arg12[%swap3A_309, %swap3A_310] {strides = array<i32>} : memref<128x128xf32, #tpu.memory_space<vmem>>, vector<16xf32>,
        tpu.vector_store %arg12[%swap3A_309, %swap3A_310], %mul3A_308 {strides = array<i32>} : memref<128x128xf32, #tpu.memory_space<vmem>>, vector<16xf32>,
        %get3A_312 = arith.index_cast %scan3A_293 : i32 to index
        %get3A_313 = arith.constant 32 : index
        %get3A_314 = tpu.vector_load %arg12[%get3A_312, %get3A_313] {strides = array<i32>} : memref<128x128xf32, #tpu.memory_space<vmem>>, vector<16xf32>,
        %mul3A_315 = vector.broadcast %squeeze3A : f32 to vector<16xf32>
        %mul3A_316 = arith.mulf %get3A_314, %mul3A_315 : vector<16xf32>
        %swap3A_317 = arith.index_cast %scan3A_293 : i32 to index
        %swap3A_318 = arith.constant 32 : index
        %swap3A_319 = tpu.vector_load %arg12[%swap3A_317, %swap3A_318] {strides = array<i32>} : memref<128x128xf32, #tpu.memory_space<vmem>>, vector<16xf32>,
        tpu.vector_store %arg12[%swap3A_317, %swap3A_318], %mul3A_316 {strides = array<i32>} : memref<128x128xf32, #tpu.memory_space<vmem>>, vector<16xf32>,
        %get3A_320 = arith.index_cast %scan3A_293 : i32 to index
        %get3A_321 = arith.constant 48 : index
        %get3A_322 = tpu.vector_load %arg12[%get3A_320, %get3A_321] {strides = array<i32>} : memref<128x128xf32, #tpu.memory_space<vmem>>, vector<16xf32>,
        %mul3A_323 = vector.broadcast %squeeze3A : f32 to vector<16xf32>
        %mul3A_324 = arith.mulf %get3A_322, %mul3A_323 : vector<16xf32>
        %swap3A_325 = arith.index_cast %scan3A_293 : i32 to index
        %swap3A_326 = arith.constant 48 : index
        %swap3A_327 = tpu.vector_load %arg12[%swap3A_325, %swap3A_326] {strides = array<i32>} : memref<128x128xf32, #tpu.memory_space<vmem>>, vector<16xf32>,
        tpu.vector_store %arg12[%swap3A_325, %swap3A_326], %mul3A_324 {strides = array<i32>} : memref<128x128xf32, #tpu.memory_space<vmem>>, vector<16xf32>,
        %get3A_328 = arith.index_cast %scan3A_293 : i32 to index
        %get3A_329 = arith.constant 64 : index
        %get3A_330 = tpu.vector_load %arg12[%get3A_328, %get3A_329] {strides = array<i32>} : memref<128x128xf32, #tpu.memory_space<vmem>>, vector<16xf32>,
        %mul3A_331 = vector.broadcast %squeeze3A : f32 to vector<16xf32>
        %mul3A_332 = arith.mulf %get3A_330, %mul3A_331 : vector<16xf32>
        %swap3A_333 = arith.index_cast %scan3A_293 : i32 to index
        %swap3A_334 = arith.constant 64 : index
        %swap3A_335 = tpu.vector_load %arg12[%swap3A_333, %swap3A_334] {strides = array<i32>} : memref<128x128xf32, #tpu.memory_space<vmem>>, vector<16xf32>,
        tpu.vector_store %arg12[%swap3A_333, %swap3A_334], %mul3A_332 {strides = array<i32>} : memref<128x128xf32, #tpu.memory_space<vmem>>, vector<16xf32>,
        %get3A_336 = arith.index_cast %scan3A_293 : i32 to index
        %get3A_337 = arith.constant 80 : index
        %get3A_338 = tpu.vector_load %arg12[%get3A_336, %get3A_337] {strides = array<i32>} : memref<128x128xf32, #tpu.memory_space<vmem>>, vector<16xf32>,
        %mul3A_339 = vector.broadcast %squeeze3A : f32 to vector<16xf32>
        %mul3A_340 = arith.mulf %get3A_338, %mul3A_339 : vector<16xf32>
        %swap3A_341 = arith.index_cast %scan3A_293 : i32 to index
        %swap3A_342 = arith.constant 80 : index
        %swap3A_343 = tpu.vector_load %arg12[%swap3A_341, %swap3A_342] {strides = array<i32>} : memref<128x128xf32, #tpu.memory_space<vmem>>, vector<16xf32>,
        tpu.vector_store %arg12[%swap3A_341, %swap3A_342], %mul3A_340 {strides = array<i32>} : memref<128x128xf32, #tpu.memory_space<vmem>>, vector<16xf32>,
        %get3A_344 = arith.index_cast %scan3A_293 : i32 to index
        %get3A_345 = arith.constant 96 : index
        %get3A_346 = tpu.vector_load %arg12[%get3A_344, %get3A_345] {strides = array<i32>} : memref<128x128xf32, #tpu.memory_space<vmem>>, vector<16xf32>,
        %mul3A_347 = vector.broadcast %squeeze3A : f32 to vector<16xf32>
        %mul3A_348 = arith.mulf %get3A_346, %mul3A_347 : vector<16xf32>
        %swap3A_349 = arith.index_cast %scan3A_293 : i32 to index
        %swap3A_350 = arith.constant 96 : index
        %swap3A_351 = tpu.vector_load %arg12[%swap3A_349, %swap3A_350] {strides = array<i32>} : memref<128x128xf32, #tpu.memory_space<vmem>>, vector<16xf32>,
        tpu.vector_store %arg12[%swap3A_349, %swap3A_350], %mul3A_348 {strides = array<i32>} : memref<128x128xf32, #tpu.memory_space<vmem>>, vector<16xf32>,
        %get3A_352 = arith.index_cast %scan3A_293 : i32 to index
        %get3A_353 = arith.constant 112 : index
        %get3A_354 = tpu.vector_load %arg12[%get3A_352, %get3A_353] {strides = array<i32>} : memref<128x128xf32, #tpu.memory_space<vmem>>, vector<16xf32>,
        %mul3A_355 = vector.broadcast %squeeze3A : f32 to vector<16xf32>
        %mul3A_356 = arith.mulf %get3A_354, %mul3A_355 : vector<16xf32>
        %swap3A_357 = arith.index_cast %scan3A_293 : i32 to index
        %swap3A_358 = arith.constant 112 : index
        %swap3A_359 = tpu.vector_load %arg12[%swap3A_357, %swap3A_358] {strides = array<i32>} : memref<128x128xf32, #tpu.memory_space<vmem>>, vector<16xf32>,
        tpu.vector_store %arg12[%swap3A_357, %swap3A_358], %mul3A_356 {strides = array<i32>} : memref<128x128xf32, #tpu.memory_space<vmem>>, vector<16xf32>,
      }
      %scan3A_292 = arith.constant 128 : i32
      "tpu.region"() ({
        %run_scoped3A = tpu.sem_alloc : memref<!tpu.dma_semaphore, #tpu.memory_space<semaphore_mem>>
        %dma_start3A_293 = arith.constant 0 : i32
        %dma_start3A_294 = arith.constant 0 : i32
        %dma_start3A_295 = tpu.memref_slice %arg11[%dma_start3A_293, %dma_start3A_294] : memref<10000x128xf32, #tpu.memory_space<vmem_shared>> -> memref<10000x128xf32, #tpu.memory_space<vmem_shared>>
        tpu.enqueue_indirect_dma source(%arg12 : memref<128x128xf32, #tpu.memory_space<vmem>>) target(%dma_start3A_295 : memref<10000x128xf32, #tpu.memory_space<vmem_shared>>) offsets(%arg17 : memref<128xi32, #tpu.memory_space<vmem>>) semaphore(%run_scoped3A : memref<!tpu.dma_semaphore, #tpu.memory_space<semaphore_mem>>) {add = true}
        %dma_wait3A_296 = arith.constant 0 : i32
        %dma_wait3A_297 = arith.constant 0 : i32
        %dma_wait3A_298 = tpu.memref_slice %arg11[%dma_wait3A_296, %dma_wait3A_297] : memref<10000x128xf32, #tpu.memory_space<vmem_shared>> -> memref<10000x128xf32, #tpu.memory_space<vmem_shared>>
        tpu.wait_indirect_dma semaphore(%run_scoped3A : memref<!tpu.dma_semaphore, #tpu.memory_space<semaphore_mem>>) src(%arg12 : memref<128x128xf32, #tpu.memory_space<vmem>>) dst(%dma_wait3A_298 : memref<10000x128xf32, #tpu.memory_space<vmem_shared>>)
        tpu.yield
      }) : () -> ()
    }
    %while3A_107 = arith.constant 1 : i32
    scf.for %while3A_119 = %while3A_105 to %while3A_101 step %while3A_107  : i32 {
      %mul3A_120 = arith.constant 128 : i32
      %mul3A_121 = arith.muli %while3A_119, %mul3A_120 : i32
      %dma_start3A = tpu.memref_slice %arg5[%mul3A_121] : memref<320000xi32, #tpu.memory_space<hbm>> -> memref<128xi32, #tpu.memory_space<hbm>>
      %dma_start3A_122 = tpu.memref_slice %arg5[%mul3A_121] : memref<320000xi32, #tpu.memory_space<hbm>> -> memref<128xi32, #tpu.memory_space<hbm>>
      tpu.enqueue_dma source(%dma_start3A_122 : memref<128xi32, #tpu.memory_space<hbm>>) target(%arg15 : memref<128xi32, #tpu.memory_space<vmem>>) target_semaphore(%arg21 : memref<!tpu.dma_semaphore, #tpu.memory_space<semaphore_mem>>)
      %dma_start3A_123 = tpu.memref_slice %arg6[%mul3A_121] : memref<320000xi32, #tpu.memory_space<hbm>> -> memref<128xi32, #tpu.memory_space<hbm>>
      %dma_start3A_124 = tpu.memref_slice %arg6[%mul3A_121] : memref<320000xi32, #tpu.memory_space<hbm>> -> memref<128xi32, #tpu.memory_space<hbm>>
      tpu.enqueue_dma source(%dma_start3A_124 : memref<128xi32, #tpu.memory_space<hbm>>) target(%arg16 : memref<128xi32, #tpu.memory_space<vmem>>) target_semaphore(%arg21 : memref<!tpu.dma_semaphore, #tpu.memory_space<semaphore_mem>>)
      %dma_start3A_125 = tpu.memref_slice %arg7[%mul3A_121] : memref<320000xi32, #tpu.memory_space<hbm>> -> memref<128xi32, #tpu.memory_space<hbm>>
      %dma_start3A_126 = tpu.memref_slice %arg7[%mul3A_121] : memref<320000xi32, #tpu.memory_space<hbm>> -> memref<128xi32, #tpu.memory_space<hbm>>
      tpu.enqueue_dma source(%dma_start3A_126 : memref<128xi32, #tpu.memory_space<hbm>>) target(%arg17 : memref<128xi32, #tpu.memory_space<vmem>>) target_semaphore(%arg21 : memref<!tpu.dma_semaphore, #tpu.memory_space<semaphore_mem>>)
      %dma_wait3A = tpu.memref_slice %arg5[%mul3A_121] : memref<320000xi32, #tpu.memory_space<hbm>> -> memref<128xi32, #tpu.memory_space<hbm>>
      %dma_wait3A_127 = tpu.memref_slice %arg5[%mul3A_121] : memref<320000xi32, #tpu.memory_space<hbm>> -> memref<128xi32, #tpu.memory_space<hbm>>
      tpu.wait_dma2 semaphore(%arg21 : memref<!tpu.dma_semaphore, #tpu.memory_space<semaphore_mem>>) src(%dma_wait3A_127 : memref<128xi32, #tpu.memory_space<hbm>>) dst(%arg15 : memref<128xi32, #tpu.memory_space<vmem>>)
      %dma_wait3A_128 = tpu.memref_slice %arg6[%mul3A_121] : memref<320000xi32, #tpu.memory_space<hbm>> -> memref<128xi32, #tpu.memory_space<hbm>>
      %dma_wait3A_129 = tpu.memref_slice %arg6[%mul3A_121] : memref<320000xi32, #tpu.memory_space<hbm>> -> memref<128xi32, #tpu.memory_space<hbm>>
      tpu.wait_dma2 semaphore(%arg21 : memref<!tpu.dma_semaphore, #tpu.memory_space<semaphore_mem>>) src(%dma_wait3A_129 : memref<128xi32, #tpu.memory_space<hbm>>) dst(%arg16 : memref<128xi32, #tpu.memory_space<vmem>>)
      %dma_wait3A_130 = tpu.memref_slice %arg7[%mul3A_121] : memref<320000xi32, #tpu.memory_space<hbm>> -> memref<128xi32, #tpu.memory_space<hbm>>
      %dma_wait3A_131 = tpu.memref_slice %arg7[%mul3A_121] : memref<320000xi32, #tpu.memory_space<hbm>> -> memref<128xi32, #tpu.memory_space<hbm>>
      tpu.wait_dma2 semaphore(%arg21 : memref<!tpu.dma_semaphore, #tpu.memory_space<semaphore_mem>>) src(%dma_wait3A_131 : memref<128xi32, #tpu.memory_space<hbm>>) dst(%arg17 : memref<128xi32, #tpu.memory_space<vmem>>)
      %dma_start3A_132 = arith.constant 0 : i32
      %dma_start3A_133 = arith.constant 0 : i32
      %dma_start3A_134 = tpu.memref_slice %arg2[%dma_start3A_132, %dma_start3A_133] : memref<80000x128xf32, #tpu.memory_space<hbm>> -> memref<80000x128xf32, #tpu.memory_space<hbm>>
      tpu.enqueue_indirect_dma source(%dma_start3A_134 : memref<80000x128xf32, #tpu.memory_space<hbm>>) target(%arg12 : memref<128x128xf32, #tpu.memory_space<vmem>>) offsets(%arg15 : memref<128xi32, #tpu.memory_space<vmem>>) semaphore(%arg22 : memref<!tpu.dma_semaphore, #tpu.memory_space<semaphore_mem>>)
      %dma_start3A_135 = arith.constant 0 : i32
      %dma_start3A_136 = tpu.memref_slice %arg3[%dma_start3A_135] : memref<80000xf32, #tpu.memory_space<hbm>> -> memref<80000xf32, #tpu.memory_space<hbm>>
      tpu.enqueue_indirect_dma source(%dma_start3A_136 : memref<80000xf32, #tpu.memory_space<hbm>>) target(%arg13 : memref<128xf32, #tpu.memory_space<vmem>>) offsets(%arg16 : memref<128xi32, #tpu.memory_space<vmem>>) semaphore(%arg22 : memref<!tpu.dma_semaphore, #tpu.memory_space<semaphore_mem>>)
      %dma_start3A_137 = arith.constant 0 : i32
      %dma_start3A_138 = tpu.memref_slice %arg4[%dma_start3A_137] : memref<80000xf32, #tpu.memory_space<hbm>> -> memref<80000xf32, #tpu.memory_space<hbm>>
      tpu.enqueue_indirect_dma source(%dma_start3A_138 : memref<80000xf32, #tpu.memory_space<hbm>>) target(%arg14 : memref<128xf32, #tpu.memory_space<vmem>>) offsets(%arg15 : memref<128xi32, #tpu.memory_space<vmem>>) semaphore(%arg22 : memref<!tpu.dma_semaphore, #tpu.memory_space<semaphore_mem>>)
      %dma_wait3A_139 = arith.constant 0 : i32
      %dma_wait3A_140 = arith.constant 0 : i32
      %dma_wait3A_141 = tpu.memref_slice %arg2[%dma_wait3A_139, %dma_wait3A_140] : memref<80000x128xf32, #tpu.memory_space<hbm>> -> memref<80000x128xf32, #tpu.memory_space<hbm>>
      tpu.wait_indirect_dma semaphore(%arg22 : memref<!tpu.dma_semaphore, #tpu.memory_space<semaphore_mem>>) src(%dma_wait3A_141 : memref<80000x128xf32, #tpu.memory_space<hbm>>) dst(%arg12 : memref<128x128xf32, #tpu.memory_space<vmem>>)
      %dma_wait3A_142 = arith.constant 0 : i32
      %dma_wait3A_143 = tpu.memref_slice %arg3[%dma_wait3A_142] : memref<80000xf32, #tpu.memory_space<hbm>> -> memref<80000xf32, #tpu.memory_space<hbm>>
      tpu.wait_indirect_dma semaphore(%arg22 : memref<!tpu.dma_semaphore, #tpu.memory_space<semaphore_mem>>) src(%dma_wait3A_143 : memref<80000xf32, #tpu.memory_space<hbm>>) dst(%arg13 : memref<128xf32, #tpu.memory_space<vmem>>)
      %dma_wait3A_144 = arith.constant 0 : i32
      %dma_wait3A_145 = tpu.memref_slice %arg4[%dma_wait3A_144] : memref<80000xf32, #tpu.memory_space<hbm>> -> memref<80000xf32, #tpu.memory_space<hbm>>
      tpu.wait_indirect_dma semaphore(%arg22 : memref<!tpu.dma_semaphore, #tpu.memory_space<semaphore_mem>>) src(%dma_wait3A_145 : memref<80000xf32, #tpu.memory_space<hbm>>) dst(%arg14 : memref<128xf32, #tpu.memory_space<vmem>>)
      %get3A_146 = arith.constant 0 : index
      %get3A_147 = tpu.vector_load %arg13[%get3A_146] {strides = array<i32>} : memref<128xf32, #tpu.memory_space<vmem>>, vector<16xf32>,
      %get3A_148 = arith.constant 0 : index
      %get3A_149 = tpu.vector_load %arg14[%get3A_148] {strides = array<i32>} : memref<128xf32, #tpu.memory_space<vmem>>, vector<16xf32>,
      %add3A_150 = arith.addf %get3A_147, %get3A_149 : vector<16xf32>
      %gt3A = arith.constant 0.000000e+00 : f32
      %gt3A_151 = vector.broadcast %gt3A : f32 to vector<16xf32>
      %gt3A_152 = arith.cmpf ogt, %add3A_150, %gt3A_151 : vector<16xf32>
      %mul3A_153 = arith.constant 2.000000e-01 : f32
      %mul3A_154 = vector.broadcast %mul3A_153 : f32 to vector<16xf32>
      %mul3A_155 = arith.mulf %mul3A_154, %add3A_150 : vector<16xf32>
      %select_n3A_156 = arith.select %gt3A_152, %add3A_150, %mul3A_155 : vector<16xi1>, vector<16xf32>
      %sub3A_157 = arith.subf %select_n3A_156, %get3A_44 : vector<16xf32>
      %exp3A = math.exp %sub3A_157 : vector<16xf32>
      %swap3A = arith.constant 0 : index
      %swap3A_158 = tpu.vector_load %arg18[%swap3A] {strides = array<i32>} : memref<144xf32, #tpu.memory_space<vmem>>, vector<16xf32>,
      tpu.vector_store %arg18[%swap3A], %exp3A {strides = array<i32>} : memref<144xf32, #tpu.memory_space<vmem>>, vector<16xf32>,
      %get3A_159 = arith.constant 0 : index
      %get3A_160 = tpu.vector_load %arg17[%get3A_159] {strides = array<i32>} : memref<128xi32, #tpu.memory_space<vmem>>, vector<16xi32>,
      tpu.vector_store_idx %arg20[%get3A_160], %exp3A {add = true} : memref<10000xf32, #tpu.memory_space<vmem>>[vector<16xi32>], vector<16xf32>,
      %get3A_161 = arith.constant 16 : index
      %get3A_162 = tpu.vector_load %arg13[%get3A_161] {strides = array<i32>} : memref<128xf32, #tpu.memory_space<vmem>>, vector<16xf32>,
      %get3A_163 = arith.constant 16 : index
      %get3A_164 = tpu.vector_load %arg14[%get3A_163] {strides = array<i32>} : memref<128xf32, #tpu.memory_space<vmem>>, vector<16xf32>,
      %add3A_165 = arith.addf %get3A_162, %get3A_164 : vector<16xf32>
      %gt3A_166 = arith.constant 0.000000e+00 : f32
      %gt3A_167 = vector.broadcast %gt3A_166 : f32 to vector<16xf32>
      %gt3A_168 = arith.cmpf ogt, %add3A_165, %gt3A_167 : vector<16xf32>
      %mul3A_169 = arith.constant 2.000000e-01 : f32
      %mul3A_170 = vector.broadcast %mul3A_169 : f32 to vector<16xf32>
      %mul3A_171 = arith.mulf %mul3A_170, %add3A_165 : vector<16xf32>
      %select_n3A_172 = arith.select %gt3A_168, %add3A_165, %mul3A_171 : vector<16xi1>, vector<16xf32>
      %sub3A_173 = arith.subf %select_n3A_172, %get3A_44 : vector<16xf32>
      %exp3A_174 = math.exp %sub3A_173 : vector<16xf32>
      %swap3A_175 = arith.constant 16 : index
      %swap3A_176 = tpu.vector_load %arg18[%swap3A_175] {strides = array<i32>} : memref<144xf32, #tpu.memory_space<vmem>>, vector<16xf32>,
      tpu.vector_store %arg18[%swap3A_175], %exp3A_174 {strides = array<i32>} : memref<144xf32, #tpu.memory_space<vmem>>, vector<16xf32>,
      %get3A_177 = arith.constant 16 : index
      %get3A_178 = tpu.vector_load %arg17[%get3A_177] {strides = array<i32>} : memref<128xi32, #tpu.memory_space<vmem>>, vector<16xi32>,
      tpu.vector_store_idx %arg20[%get3A_178], %exp3A_174 {add = true} : memref<10000xf32, #tpu.memory_space<vmem>>[vector<16xi32>], vector<16xf32>,
      %get3A_179 = arith.constant 32 : index
      %get3A_180 = tpu.vector_load %arg13[%get3A_179] {strides = array<i32>} : memref<128xf32, #tpu.memory_space<vmem>>, vector<16xf32>,
      %get3A_181 = arith.constant 32 : index
      %get3A_182 = tpu.vector_load %arg14[%get3A_181] {strides = array<i32>} : memref<128xf32, #tpu.memory_space<vmem>>, vector<16xf32>,
      %add3A_183 = arith.addf %get3A_180, %get3A_182 : vector<16xf32>
      %gt3A_184 = arith.constant 0.000000e+00 : f32
      %gt3A_185 = vector.broadcast %gt3A_184 : f32 to vector<16xf32>
      %gt3A_186 = arith.cmpf ogt, %add3A_183, %gt3A_185 : vector<16xf32>
      %mul3A_187 = arith.constant 2.000000e-01 : f32
      %mul3A_188 = vector.broadcast %mul3A_187 : f32 to vector<16xf32>
      %mul3A_189 = arith.mulf %mul3A_188, %add3A_183 : vector<16xf32>
      %select_n3A_190 = arith.select %gt3A_186, %add3A_183, %mul3A_189 : vector<16xi1>, vector<16xf32>
      %sub3A_191 = arith.subf %select_n3A_190, %get3A_44 : vector<16xf32>
      %exp3A_192 = math.exp %sub3A_191 : vector<16xf32>
      %swap3A_193 = arith.constant 32 : index
      %swap3A_194 = tpu.vector_load %arg18[%swap3A_193] {strides = array<i32>} : memref<144xf32, #tpu.memory_space<vmem>>, vector<16xf32>,
      tpu.vector_store %arg18[%swap3A_193], %exp3A_192 {strides = array<i32>} : memref<144xf32, #tpu.memory_space<vmem>>, vector<16xf32>,
      %get3A_195 = arith.constant 32 : index
      %get3A_196 = tpu.vector_load %arg17[%get3A_195] {strides = array<i32>} : memref<128xi32, #tpu.memory_space<vmem>>, vector<16xi32>,
      tpu.vector_store_idx %arg20[%get3A_196], %exp3A_192 {add = true} : memref<10000xf32, #tpu.memory_space<vmem>>[vector<16xi32>], vector<16xf32>,
      %get3A_197 = arith.constant 48 : index
      %get3A_198 = tpu.vector_load %arg13[%get3A_197] {strides = array<i32>} : memref<128xf32, #tpu.memory_space<vmem>>, vector<16xf32>,
      %get3A_199 = arith.constant 48 : index
      %get3A_200 = tpu.vector_load %arg14[%get3A_199] {strides = array<i32>} : memref<128xf32, #tpu.memory_space<vmem>>, vector<16xf32>,
      %add3A_201 = arith.addf %get3A_198, %get3A_200 : vector<16xf32>
      %gt3A_202 = arith.constant 0.000000e+00 : f32
      %gt3A_203 = vector.broadcast %gt3A_202 : f32 to vector<16xf32>
      %gt3A_204 = arith.cmpf ogt, %add3A_201, %gt3A_203 : vector<16xf32>
      %mul3A_205 = arith.constant 2.000000e-01 : f32
      %mul3A_206 = vector.broadcast %mul3A_205 : f32 to vector<16xf32>
      %mul3A_207 = arith.mulf %mul3A_206, %add3A_201 : vector<16xf32>
      %select_n3A_208 = arith.select %gt3A_204, %add3A_201, %mul3A_207 : vector<16xi1>, vector<16xf32>
      %sub3A_209 = arith.subf %select_n3A_208, %get3A_44 : vector<16xf32>
      %exp3A_210 = math.exp %sub3A_209 : vector<16xf32>
      %swap3A_211 = arith.constant 48 : index
      %swap3A_212 = tpu.vector_load %arg18[%swap3A_211] {strides = array<i32>} : memref<144xf32, #tpu.memory_space<vmem>>, vector<16xf32>,
      tpu.vector_store %arg18[%swap3A_211], %exp3A_210 {strides = array<i32>} : memref<144xf32, #tpu.memory_space<vmem>>, vector<16xf32>,
      %get3A_213 = arith.constant 48 : index
      %get3A_214 = tpu.vector_load %arg17[%get3A_213] {strides = array<i32>} : memref<128xi32, #tpu.memory_space<vmem>>, vector<16xi32>,
      tpu.vector_store_idx %arg20[%get3A_214], %exp3A_210 {add = true} : memref<10000xf32, #tpu.memory_space<vmem>>[vector<16xi32>], vector<16xf32>,
      %get3A_215 = arith.constant 64 : index
      %get3A_216 = tpu.vector_load %arg13[%get3A_215] {strides = array<i32>} : memref<128xf32, #tpu.memory_space<vmem>>, vector<16xf32>,
      %get3A_217 = arith.constant 64 : index
      %get3A_218 = tpu.vector_load %arg14[%get3A_217] {strides = array<i32>} : memref<128xf32, #tpu.memory_space<vmem>>, vector<16xf32>,
      %add3A_219 = arith.addf %get3A_216, %get3A_218 : vector<16xf32>
      %gt3A_220 = arith.constant 0.000000e+00 : f32
      %gt3A_221 = vector.broadcast %gt3A_220 : f32 to vector<16xf32>
      %gt3A_222 = arith.cmpf ogt, %add3A_219, %gt3A_221 : vector<16xf32>
      %mul3A_223 = arith.constant 2.000000e-01 : f32
      %mul3A_224 = vector.broadcast %mul3A_223 : f32 to vector<16xf32>
      %mul3A_225 = arith.mulf %mul3A_224, %add3A_219 : vector<16xf32>
      %select_n3A_226 = arith.select %gt3A_222, %add3A_219, %mul3A_225 : vector<16xi1>, vector<16xf32>
      %sub3A_227 = arith.subf %select_n3A_226, %get3A_44 : vector<16xf32>
      %exp3A_228 = math.exp %sub3A_227 : vector<16xf32>
      %swap3A_229 = arith.constant 64 : index
      %swap3A_230 = tpu.vector_load %arg18[%swap3A_229] {strides = array<i32>} : memref<144xf32, #tpu.memory_space<vmem>>, vector<16xf32>,
      tpu.vector_store %arg18[%swap3A_229], %exp3A_228 {strides = array<i32>} : memref<144xf32, #tpu.memory_space<vmem>>, vector<16xf32>,
      %get3A_231 = arith.constant 64 : index
      %get3A_232 = tpu.vector_load %arg17[%get3A_231] {strides = array<i32>} : memref<128xi32, #tpu.memory_space<vmem>>, vector<16xi32>,
      tpu.vector_store_idx %arg20[%get3A_232], %exp3A_228 {add = true} : memref<10000xf32, #tpu.memory_space<vmem>>[vector<16xi32>], vector<16xf32>,
      %get3A_233 = arith.constant 80 : index
      %get3A_234 = tpu.vector_load %arg13[%get3A_233] {strides = array<i32>} : memref<128xf32, #tpu.memory_space<vmem>>, vector<16xf32>,
      %get3A_235 = arith.constant 80 : index
      %get3A_236 = tpu.vector_load %arg14[%get3A_235] {strides = array<i32>} : memref<128xf32, #tpu.memory_space<vmem>>, vector<16xf32>,
      %add3A_237 = arith.addf %get3A_234, %get3A_236 : vector<16xf32>
      %gt3A_238 = arith.constant 0.000000e+00 : f32
      %gt3A_239 = vector.broadcast %gt3A_238 : f32 to vector<16xf32>
      %gt3A_240 = arith.cmpf ogt, %add3A_237, %gt3A_239 : vector<16xf32>
      %mul3A_241 = arith.constant 2.000000e-01 : f32
      %mul3A_242 = vector.broadcast %mul3A_241 : f32 to vector<16xf32>
      %mul3A_243 = arith.mulf %mul3A_242, %add3A_237 : vector<16xf32>
      %select_n3A_244 = arith.select %gt3A_240, %add3A_237, %mul3A_243 : vector<16xi1>, vector<16xf32>
      %sub3A_245 = arith.subf %select_n3A_244, %get3A_44 : vector<16xf32>
      %exp3A_246 = math.exp %sub3A_245 : vector<16xf32>
      %swap3A_247 = arith.constant 80 : index
      %swap3A_248 = tpu.vector_load %arg18[%swap3A_247] {strides = array<i32>} : memref<144xf32, #tpu.memory_space<vmem>>, vector<16xf32>,
      tpu.vector_store %arg18[%swap3A_247], %exp3A_246 {strides = array<i32>} : memref<144xf32, #tpu.memory_space<vmem>>, vector<16xf32>,
      %get3A_249 = arith.constant 80 : index
      %get3A_250 = tpu.vector_load %arg17[%get3A_249] {strides = array<i32>} : memref<128xi32, #tpu.memory_space<vmem>>, vector<16xi32>,
      tpu.vector_store_idx %arg20[%get3A_250], %exp3A_246 {add = true} : memref<10000xf32, #tpu.memory_space<vmem>>[vector<16xi32>], vector<16xf32>,
      %get3A_251 = arith.constant 96 : index
      %get3A_252 = tpu.vector_load %arg13[%get3A_251] {strides = array<i32>} : memref<128xf32, #tpu.memory_space<vmem>>, vector<16xf32>,
      %get3A_253 = arith.constant 96 : index
      %get3A_254 = tpu.vector_load %arg14[%get3A_253] {strides = array<i32>} : memref<128xf32, #tpu.memory_space<vmem>>, vector<16xf32>,
      %add3A_255 = arith.addf %get3A_252, %get3A_254 : vector<16xf32>
      %gt3A_256 = arith.constant 0.000000e+00 : f32
      %gt3A_257 = vector.broadcast %gt3A_256 : f32 to vector<16xf32>
      %gt3A_258 = arith.cmpf ogt, %add3A_255, %gt3A_257 : vector<16xf32>
      %mul3A_259 = arith.constant 2.000000e-01 : f32
      %mul3A_260 = vector.broadcast %mul3A_259 : f32 to vector<16xf32>
      %mul3A_261 = arith.mulf %mul3A_260, %add3A_255 : vector<16xf32>
      %select_n3A_262 = arith.select %gt3A_258, %add3A_255, %mul3A_261 : vector<16xi1>, vector<16xf32>
      %sub3A_263 = arith.subf %select_n3A_262, %get3A_44 : vector<16xf32>
      %exp3A_264 = math.exp %sub3A_263 : vector<16xf32>
      %swap3A_265 = arith.constant 96 : index
      %swap3A_266 = tpu.vector_load %arg18[%swap3A_265] {strides = array<i32>} : memref<144xf32, #tpu.memory_space<vmem>>, vector<16xf32>,
      tpu.vector_store %arg18[%swap3A_265], %exp3A_264 {strides = array<i32>} : memref<144xf32, #tpu.memory_space<vmem>>, vector<16xf32>,
      %get3A_267 = arith.constant 96 : index
      %get3A_268 = tpu.vector_load %arg17[%get3A_267] {strides = array<i32>} : memref<128xi32, #tpu.memory_space<vmem>>, vector<16xi32>,
      tpu.vector_store_idx %arg20[%get3A_268], %exp3A_264 {add = true} : memref<10000xf32, #tpu.memory_space<vmem>>[vector<16xi32>], vector<16xf32>,
      %get3A_269 = arith.constant 112 : index
      %get3A_270 = tpu.vector_load %arg13[%get3A_269] {strides = array<i32>} : memref<128xf32, #tpu.memory_space<vmem>>, vector<16xf32>,
      %get3A_271 = arith.constant 112 : index
      %get3A_272 = tpu.vector_load %arg14[%get3A_271] {strides = array<i32>} : memref<128xf32, #tpu.memory_space<vmem>>, vector<16xf32>,
      %add3A_273 = arith.addf %get3A_270, %get3A_272 : vector<16xf32>
      %gt3A_274 = arith.constant 0.000000e+00 : f32
      %gt3A_275 = vector.broadcast %gt3A_274 : f32 to vector<16xf32>
      %gt3A_276 = arith.cmpf ogt, %add3A_273, %gt3A_275 : vector<16xf32>
      %mul3A_277 = arith.constant 2.000000e-01 : f32
      %mul3A_278 = vector.broadcast %mul3A_277 : f32 to vector<16xf32>
      %mul3A_279 = arith.mulf %mul3A_278, %add3A_273 : vector<16xf32>
      %select_n3A_280 = arith.select %gt3A_276, %add3A_273, %mul3A_279 : vector<16xi1>, vector<16xf32>
      %sub3A_281 = arith.subf %select_n3A_280, %get3A_44 : vector<16xf32>
      %exp3A_282 = math.exp %sub3A_281 : vector<16xf32>
      %swap3A_283 = arith.constant 112 : index
      %swap3A_284 = tpu.vector_load %arg18[%swap3A_283] {strides = array<i32>} : memref<144xf32, #tpu.memory_space<vmem>>, vector<16xf32>,
      tpu.vector_store %arg18[%swap3A_283], %exp3A_282 {strides = array<i32>} : memref<144xf32, #tpu.memory_space<vmem>>, vector<16xf32>,
      %get3A_285 = arith.constant 112 : index
      %get3A_286 = tpu.vector_load %arg17[%get3A_285] {strides = array<i32>} : memref<128xi32, #tpu.memory_space<vmem>>, vector<16xi32>,
      tpu.vector_store_idx %arg20[%get3A_286], %exp3A_282 {add = true} : memref<10000xf32, #tpu.memory_space<vmem>>[vector<16xi32>], vector<16xf32>,
      %scan3A_287 = arith.constant 0 : i32
      %scan3A_288 = arith.constant 0 : i32
      %scan3A_289 = arith.constant 128 : i32
      %scan3A_290 = arith.addi %scan3A_288, %scan3A_289 : i32
      %scan3A_291 = arith.constant 1 : i32
      scf.for %scan3A_293 = %scan3A_288 to %scan3A_290 step %scan3A_291  : i32 {
        %get3A_294 = arith.index_cast %scan3A_293 : i32 to index
        %get3A_295 = tpu.vector_load %arg18[%get3A_294] {strides = array<i32>} : memref<144xf32, #tpu.memory_space<vmem>>, vector<16xf32>,
        %slice3A = vector.extract_strided_slice %get3A_295 {offsets = [0], sizes = [1], strides = [1]} : vector<16xf32> to vector<1xf32>
        %squeeze3A = vector.extract %slice3A[0] : f32 from vector<1xf32>
        %get3A_296 = arith.index_cast %scan3A_293 : i32 to index
        %get3A_297 = arith.constant 0 : index
        %get3A_298 = tpu.vector_load %arg12[%get3A_296, %get3A_297] {strides = array<i32>} : memref<128x128xf32, #tpu.memory_space<vmem>>, vector<16xf32>,
        %mul3A_299 = vector.broadcast %squeeze3A : f32 to vector<16xf32>
        %mul3A_300 = arith.mulf %get3A_298, %mul3A_299 : vector<16xf32>
        %swap3A_301 = arith.index_cast %scan3A_293 : i32 to index
        %swap3A_302 = arith.constant 0 : index
        %swap3A_303 = tpu.vector_load %arg12[%swap3A_301, %swap3A_302] {strides = array<i32>} : memref<128x128xf32, #tpu.memory_space<vmem>>, vector<16xf32>,
        tpu.vector_store %arg12[%swap3A_301, %swap3A_302], %mul3A_300 {strides = array<i32>} : memref<128x128xf32, #tpu.memory_space<vmem>>, vector<16xf32>,
        %get3A_304 = arith.index_cast %scan3A_293 : i32 to index
        %get3A_305 = arith.constant 16 : index
        %get3A_306 = tpu.vector_load %arg12[%get3A_304, %get3A_305] {strides = array<i32>} : memref<128x128xf32, #tpu.memory_space<vmem>>, vector<16xf32>,
        %mul3A_307 = vector.broadcast %squeeze3A : f32 to vector<16xf32>
        %mul3A_308 = arith.mulf %get3A_306, %mul3A_307 : vector<16xf32>
        %swap3A_309 = arith.index_cast %scan3A_293 : i32 to index
        %swap3A_310 = arith.constant 16 : index
        %swap3A_311 = tpu.vector_load %arg12[%swap3A_309, %swap3A_310] {strides = array<i32>} : memref<128x128xf32, #tpu.memory_space<vmem>>, vector<16xf32>,
        tpu.vector_store %arg12[%swap3A_309, %swap3A_310], %mul3A_308 {strides = array<i32>} : memref<128x128xf32, #tpu.memory_space<vmem>>, vector<16xf32>,
        %get3A_312 = arith.index_cast %scan3A_293 : i32 to index
        %get3A_313 = arith.constant 32 : index
        %get3A_314 = tpu.vector_load %arg12[%get3A_312, %get3A_313] {strides = array<i32>} : memref<128x128xf32, #tpu.memory_space<vmem>>, vector<16xf32>,
        %mul3A_315 = vector.broadcast %squeeze3A : f32 to vector<16xf32>
        %mul3A_316 = arith.mulf %get3A_314, %mul3A_315 : vector<16xf32>
        %swap3A_317 = arith.index_cast %scan3A_293 : i32 to index
        %swap3A_318 = arith.constant 32 : index
        %swap3A_319 = tpu.vector_load %arg12[%swap3A_317, %swap3A_318] {strides = array<i32>} : memref<128x128xf32, #tpu.memory_space<vmem>>, vector<16xf32>,
        tpu.vector_store %arg12[%swap3A_317, %swap3A_318], %mul3A_316 {strides = array<i32>} : memref<128x128xf32, #tpu.memory_space<vmem>>, vector<16xf32>,
        %get3A_320 = arith.index_cast %scan3A_293 : i32 to index
        %get3A_321 = arith.constant 48 : index
        %get3A_322 = tpu.vector_load %arg12[%get3A_320, %get3A_321] {strides = array<i32>} : memref<128x128xf32, #tpu.memory_space<vmem>>, vector<16xf32>,
        %mul3A_323 = vector.broadcast %squeeze3A : f32 to vector<16xf32>
        %mul3A_324 = arith.mulf %get3A_322, %mul3A_323 : vector<16xf32>
        %swap3A_325 = arith.index_cast %scan3A_293 : i32 to index
        %swap3A_326 = arith.constant 48 : index
        %swap3A_327 = tpu.vector_load %arg12[%swap3A_325, %swap3A_326] {strides = array<i32>} : memref<128x128xf32, #tpu.memory_space<vmem>>, vector<16xf32>,
        tpu.vector_store %arg12[%swap3A_325, %swap3A_326], %mul3A_324 {strides = array<i32>} : memref<128x128xf32, #tpu.memory_space<vmem>>, vector<16xf32>,
        %get3A_328 = arith.index_cast %scan3A_293 : i32 to index
        %get3A_329 = arith.constant 64 : index
        %get3A_330 = tpu.vector_load %arg12[%get3A_328, %get3A_329] {strides = array<i32>} : memref<128x128xf32, #tpu.memory_space<vmem>>, vector<16xf32>,
        %mul3A_331 = vector.broadcast %squeeze3A : f32 to vector<16xf32>
        %mul3A_332 = arith.mulf %get3A_330, %mul3A_331 : vector<16xf32>
        %swap3A_333 = arith.index_cast %scan3A_293 : i32 to index
        %swap3A_334 = arith.constant 64 : index
        %swap3A_335 = tpu.vector_load %arg12[%swap3A_333, %swap3A_334] {strides = array<i32>} : memref<128x128xf32, #tpu.memory_space<vmem>>, vector<16xf32>,
        tpu.vector_store %arg12[%swap3A_333, %swap3A_334], %mul3A_332 {strides = array<i32>} : memref<128x128xf32, #tpu.memory_space<vmem>>, vector<16xf32>,
        %get3A_336 = arith.index_cast %scan3A_293 : i32 to index
        %get3A_337 = arith.constant 80 : index
        %get3A_338 = tpu.vector_load %arg12[%get3A_336, %get3A_337] {strides = array<i32>} : memref<128x128xf32, #tpu.memory_space<vmem>>, vector<16xf32>,
        %mul3A_339 = vector.broadcast %squeeze3A : f32 to vector<16xf32>
        %mul3A_340 = arith.mulf %get3A_338, %mul3A_339 : vector<16xf32>
        %swap3A_341 = arith.index_cast %scan3A_293 : i32 to index
        %swap3A_342 = arith.constant 80 : index
        %swap3A_343 = tpu.vector_load %arg12[%swap3A_341, %swap3A_342] {strides = array<i32>} : memref<128x128xf32, #tpu.memory_space<vmem>>, vector<16xf32>,
        tpu.vector_store %arg12[%swap3A_341, %swap3A_342], %mul3A_340 {strides = array<i32>} : memref<128x128xf32, #tpu.memory_space<vmem>>, vector<16xf32>,
        %get3A_344 = arith.index_cast %scan3A_293 : i32 to index
        %get3A_345 = arith.constant 96 : index
        %get3A_346 = tpu.vector_load %arg12[%get3A_344, %get3A_345] {strides = array<i32>} : memref<128x128xf32, #tpu.memory_space<vmem>>, vector<16xf32>,
        %mul3A_347 = vector.broadcast %squeeze3A : f32 to vector<16xf32>
        %mul3A_348 = arith.mulf %get3A_346, %mul3A_347 : vector<16xf32>
        %swap3A_349 = arith.index_cast %scan3A_293 : i32 to index
        %swap3A_350 = arith.constant 96 : index
        %swap3A_351 = tpu.vector_load %arg12[%swap3A_349, %swap3A_350] {strides = array<i32>} : memref<128x128xf32, #tpu.memory_space<vmem>>, vector<16xf32>,
        tpu.vector_store %arg12[%swap3A_349, %swap3A_350], %mul3A_348 {strides = array<i32>} : memref<128x128xf32, #tpu.memory_space<vmem>>, vector<16xf32>,
        %get3A_352 = arith.index_cast %scan3A_293 : i32 to index
        %get3A_353 = arith.constant 112 : index
        %get3A_354 = tpu.vector_load %arg12[%get3A_352, %get3A_353] {strides = array<i32>} : memref<128x128xf32, #tpu.memory_space<vmem>>, vector<16xf32>,
        %mul3A_355 = vector.broadcast %squeeze3A : f32 to vector<16xf32>
        %mul3A_356 = arith.mulf %get3A_354, %mul3A_355 : vector<16xf32>
        %swap3A_357 = arith.index_cast %scan3A_293 : i32 to index
        %swap3A_358 = arith.constant 112 : index
        %swap3A_359 = tpu.vector_load %arg12[%swap3A_357, %swap3A_358] {strides = array<i32>} : memref<128x128xf32, #tpu.memory_space<vmem>>, vector<16xf32>,
        tpu.vector_store %arg12[%swap3A_357, %swap3A_358], %mul3A_356 {strides = array<i32>} : memref<128x128xf32, #tpu.memory_space<vmem>>, vector<16xf32>,
      }
      %scan3A_292 = arith.constant 128 : i32
      "tpu.region"() ({
        %run_scoped3A = tpu.sem_alloc : memref<!tpu.dma_semaphore, #tpu.memory_space<semaphore_mem>>
        %dma_start3A_293 = arith.constant 0 : i32
        %dma_start3A_294 = arith.constant 0 : i32
        %dma_start3A_295 = tpu.memref_slice %arg11[%dma_start3A_293, %dma_start3A_294] : memref<10000x128xf32, #tpu.memory_space<vmem_shared>> -> memref<10000x128xf32, #tpu.memory_space<vmem_shared>>
        tpu.enqueue_indirect_dma source(%arg12 : memref<128x128xf32, #tpu.memory_space<vmem>>) target(%dma_start3A_295 : memref<10000x128xf32, #tpu.memory_space<vmem_shared>>) offsets(%arg17 : memref<128xi32, #tpu.memory_space<vmem>>) semaphore(%run_scoped3A : memref<!tpu.dma_semaphore, #tpu.memory_space<semaphore_mem>>) {add = true}
        %dma_wait3A_296 = arith.constant 0 : i32
        %dma_wait3A_297 = arith.constant 0 : i32
        %dma_wait3A_298 = tpu.memref_slice %arg11[%dma_wait3A_296, %dma_wait3A_297] : memref<10000x128xf32, #tpu.memory_space<vmem_shared>> -> memref<10000x128xf32, #tpu.memory_space<vmem_shared>>
        tpu.wait_indirect_dma semaphore(%run_scoped3A : memref<!tpu.dma_semaphore, #tpu.memory_space<semaphore_mem>>) src(%arg12 : memref<128x128xf32, #tpu.memory_space<vmem>>) dst(%dma_wait3A_298 : memref<10000x128xf32, #tpu.memory_space<vmem_shared>>)
        tpu.yield
      }) : () -> ()
    }
    %barrier3A_108 = arith.constant 0 : index
    tpu.barrier barrier_id(%barrier3A_108)
    %while3A_109 = arith.constant 0 : i32
    %while3A_110 = arith.constant 0 : i32
    %while3A_111 = arith.subi %select_n3A, %while3A_110 : i32
    %while3A_112 = arith.addi %while3A_110, %while3A_111 : i32
    %while3A_113 = arith.constant 1 : i32
    %while3A_114 = arith.divsi %while3A_111, %while3A_113 : i32
    %while3A_115 = arith.muli %while3A_114, %while3A_113 : i32
    %while3A_116 = arith.addi %while3A_110, %while3A_115 : i32
    %while3A_117 = arith.constant 1 : i32
    scf.for %while3A_119 = %while3A_110 to %while3A_116 step %while3A_117  : i32 {
      %mul3A_120 = arith.constant 16 : i32
      %mul3A_121 = arith.muli %while3A_119, %mul3A_120 : i32
      %add3A_122 = arith.addi %arg1, %mul3A_121 : i32
      %mul3A_123 = arith.constant 80 : i32
      %mul3A_124 = arith.muli %add3A_122, %mul3A_123 : i32
      "tpu.region"() ({
        %run_scoped3A = tpu.sem_alloc : memref<!tpu.dma_semaphore, #tpu.memory_space<semaphore_mem>>
        %dma_start3A = arith.constant 0 : i32
        %dma_start3A_125 = tpu.memref_slice %arg9[%arg0, %mul3A_124, %dma_start3A] : memref<2x10000x128xf32, #tpu.memory_space<hbm>> -> memref<1x80x128xf32, #tpu.memory_space<hbm>>
        %dma_start3A_126 = tpu.memref_squeeze %dma_start3A_125 : memref<1x80x128xf32, #tpu.memory_space<hbm>> -> memref<80x128xf32, #tpu.memory_space<hbm>>
        %dma_start3A_127 = arith.constant 0 : i32
        %dma_start3A_128 = tpu.memref_slice %arg11[%mul3A_124, %dma_start3A_127] : memref<10000x128xf32, #tpu.memory_space<vmem_shared>> -> memref<80x128xf32, #tpu.memory_space<vmem_shared>>
        tpu.enqueue_dma source(%dma_start3A_128 : memref<80x128xf32, #tpu.memory_space<vmem_shared>>) target(%dma_start3A_126 : memref<80x128xf32, #tpu.memory_space<hbm>>) target_semaphore(%run_scoped3A : memref<!tpu.dma_semaphore, #tpu.memory_space<semaphore_mem>>)
        %dma_wait3A = arith.constant 0 : i32
        %dma_wait3A_129 = tpu.memref_slice %arg9[%arg0, %mul3A_124, %dma_wait3A] : memref<2x10000x128xf32, #tpu.memory_space<hbm>> -> memref<1x80x128xf32, #tpu.memory_space<hbm>>
        %dma_wait3A_130 = tpu.memref_squeeze %dma_wait3A_129 : memref<1x80x128xf32, #tpu.memory_space<hbm>> -> memref<80x128xf32, #tpu.memory_space<hbm>>
        %dma_wait3A_131 = arith.constant 0 : i32
        %dma_wait3A_132 = tpu.memref_slice %arg11[%mul3A_124, %dma_wait3A_131] : memref<10000x128xf32, #tpu.memory_space<vmem_shared>> -> memref<80x128xf32, #tpu.memory_space<vmem_shared>>
        tpu.wait_dma2 semaphore(%run_scoped3A : memref<!tpu.dma_semaphore, #tpu.memory_space<semaphore_mem>>) src(%dma_wait3A_132 : memref<80x128xf32, #tpu.memory_space<vmem_shared>>) dst(%dma_wait3A_130 : memref<80x128xf32, #tpu.memory_space<hbm>>)
        tpu.yield
      }) : () -> ()
    }
    %while3A_118 = arith.constant 1 : i32
    scf.for %while3A_119 = %while3A_116 to %while3A_112 step %while3A_118  : i32 {
      %mul3A_120 = arith.constant 16 : i32
      %mul3A_121 = arith.muli %while3A_119, %mul3A_120 : i32
      %add3A_122 = arith.addi %arg1, %mul3A_121 : i32
      %mul3A_123 = arith.constant 80 : i32
      %mul3A_124 = arith.muli %add3A_122, %mul3A_123 : i32
      "tpu.region"() ({
        %run_scoped3A = tpu.sem_alloc : memref<!tpu.dma_semaphore, #tpu.memory_space<semaphore_mem>>
        %dma_start3A = arith.constant 0 : i32
        %dma_start3A_125 = tpu.memref_slice %arg9[%arg0, %mul3A_124, %dma_start3A] : memref<2x10000x128xf32, #tpu.memory_space<hbm>> -> memref<1x80x128xf32, #tpu.memory_space<hbm>>
        %dma_start3A_126 = tpu.memref_squeeze %dma_start3A_125 : memref<1x80x128xf32, #tpu.memory_space<hbm>> -> memref<80x128xf32, #tpu.memory_space<hbm>>
        %dma_start3A_127 = arith.constant 0 : i32
        %dma_start3A_128 = tpu.memref_slice %arg11[%mul3A_124, %dma_start3A_127] : memref<10000x128xf32, #tpu.memory_space<vmem_shared>> -> memref<80x128xf32, #tpu.memory_space<vmem_shared>>
        tpu.enqueue_dma source(%dma_start3A_128 : memref<80x128xf32, #tpu.memory_space<vmem_shared>>) target(%dma_start3A_126 : memref<80x128xf32, #tpu.memory_space<hbm>>) target_semaphore(%run_scoped3A : memref<!tpu.dma_semaphore, #tpu.memory_space<semaphore_mem>>)
        %dma_wait3A = arith.constant 0 : i32
        %dma_wait3A_129 = tpu.memref_slice %arg9[%arg0, %mul3A_124, %dma_wait3A] : memref<2x10000x128xf32, #tpu.memory_space<hbm>> -> memref<1x80x128xf32, #tpu.memory_space<hbm>>
        %dma_wait3A_130 = tpu.memref_squeeze %dma_wait3A_129 : memref<1x80x128xf32, #tpu.memory_space<hbm>> -> memref<80x128xf32, #tpu.memory_space<hbm>>
        %dma_wait3A_131 = arith.constant 0 : i32
        %dma_wait3A_132 = tpu.memref_slice %arg11[%mul3A_124, %dma_wait3A_131] : memref<10000x128xf32, #tpu.memory_space<vmem_shared>> -> memref<80x128xf32, #tpu.memory_space<vmem_shared>>
        tpu.wait_dma2 semaphore(%run_scoped3A : memref<!tpu.dma_semaphore, #tpu.memory_space<semaphore_mem>>) src(%dma_wait3A_132 : memref<80x128xf32, #tpu.memory_space<vmem_shared>>) dst(%dma_wait3A_130 : memref<80x128xf32, #tpu.memory_space<hbm>>)
        tpu.yield
      }) : () -> ()
    }
    "tpu.region"() ({
      %run_scoped3A = tpu.sem_alloc : memref<!tpu.dma_semaphore, #tpu.memory_space<semaphore_mem>>
      %dma_start3A = arith.constant 0 : i32
      %dma_start3A_119 = tpu.memref_slice %arg10[%arg0, %arg1, %dma_start3A] : memref<2x16x10000xf32, #tpu.memory_space<hbm>> -> memref<1x1x10000xf32, #tpu.memory_space<hbm>>
      %dma_start3A_120 = tpu.memref_squeeze %dma_start3A_119 : memref<1x1x10000xf32, #tpu.memory_space<hbm>> -> memref<10000xf32, #tpu.memory_space<hbm>>
      %dma_start3A_121 = arith.constant 0 : i32
      %dma_start3A_122 = tpu.memref_slice %arg10[%arg0, %arg1, %dma_start3A_121] : memref<2x16x10000xf32, #tpu.memory_space<hbm>> -> memref<1x1x10000xf32, #tpu.memory_space<hbm>>
      %dma_start3A_123 = tpu.memref_squeeze %dma_start3A_122 : memref<1x1x10000xf32, #tpu.memory_space<hbm>> -> memref<10000xf32, #tpu.memory_space<hbm>>
      tpu.enqueue_dma source(%arg20 : memref<10000xf32, #tpu.memory_space<vmem>>) target(%dma_start3A_123 : memref<10000xf32, #tpu.memory_space<hbm>>) target_semaphore(%run_scoped3A : memref<!tpu.dma_semaphore, #tpu.memory_space<semaphore_mem>>)
      %dma_wait3A = arith.constant 0 : i32
      %dma_wait3A_124 = tpu.memref_slice %arg10[%arg0, %arg1, %dma_wait3A] : memref<2x16x10000xf32, #tpu.memory_space<hbm>> -> memref<1x1x10000xf32, #tpu.memory_space<hbm>>
      %dma_wait3A_125 = tpu.memref_squeeze %dma_wait3A_124 : memref<1x1x10000xf32, #tpu.memory_space<hbm>> -> memref<10000xf32, #tpu.memory_space<hbm>>
      %dma_wait3A_126 = arith.constant 0 : i32
      %dma_wait3A_127 = tpu.memref_slice %arg10[%arg0, %arg1, %dma_wait3A_126] : memref<2x16x10000xf32, #tpu.memory_space<hbm>> -> memref<1x1x10000xf32, #tpu.memory_space<hbm>>
      %dma_wait3A_128 = tpu.memref_squeeze %dma_wait3A_127 : memref<1x1x10000xf32, #tpu.memory_space<hbm>> -> memref<10000xf32, #tpu.memory_space<hbm>>
      tpu.wait_dma2 semaphore(%run_scoped3A : memref<!tpu.dma_semaphore, #tpu.memory_space<semaphore_mem>>) src(%arg20 : memref<10000xf32, #tpu.memory_space<vmem>>) dst(%dma_wait3A_128 : memref<10000xf32, #tpu.memory_space<hbm>>)
      tpu.yield
    }) : () -> ()
    return
  }
}

#map = affine_map<(d0, d1) -> (0, 0)>
#map1 = affine_map<(d0, d1) -> (0)>
#map2 = affine_map<(d0, d1) -> (0, 0, 0)>
module attributes {stable_mosaic.version = 14 : i64} {
  func.func @_sc_body(%arg0: i32, %arg1: i32, %arg2: memref<80000x128xf32, #tpu.memory_space<hbm>>, %arg3: memref<80000xf32, #tpu.memory_space<hbm>>, %arg4: memref<80000xf32, #tpu.memory_space<hbm>>, %arg5: memref<320000xi32, #tpu.memory_space<hbm>>, %arg6: memref<320000xi32, #tpu.memory_space<hbm>>, %arg7: memref<320000xi32, #tpu.memory_space<hbm>>, %arg8: memref<128xf32, #tpu.memory_space<hbm>>, %arg9: memref<2x10000x128xf32, #tpu.memory_space<hbm>>, %arg10: memref<2x16x10000xf32, #tpu.memory_space<hbm>>, %arg11: memref<10000x128xf32, #tpu.memory_space<vmem_shared>>, %arg12: memref<128x128xf32, #tpu.memory_space<vmem>>, %arg13: memref<128xf32, #tpu.memory_space<vmem>>, %arg14: memref<128xf32, #tpu.memory_space<vmem>>, %arg15: memref<128xi32, #tpu.memory_space<vmem>>, %arg16: memref<128xi32, #tpu.memory_space<vmem>>, %arg17: memref<128xi32, #tpu.memory_space<vmem>>, %arg18: memref<144xf32, #tpu.memory_space<vmem>>, %arg19: memref<128xf32, #tpu.memory_space<vmem>>, %arg20: memref<10000xf32, #tpu.memory_space<vmem>>, %arg21: memref<!tpu.dma_semaphore, #tpu.memory_space<semaphore_mem>>, %arg22: memref<!tpu.dma_semaphore, #tpu.memory_space<semaphore_mem>>) attributes {dimension_semantics = [#tpu.dimension_semantics<core_parallel>, #tpu.dimension_semantics<subcore_parallel>], iteration_bounds = array<i64: 2, 16>, scalar_prefetch = 0 : i64, scratch_operands = 12 : i64, tpu.core_type = #tpu.core_type<sc_vector_subcore>, window_params = [{transform_indices = #map}, {transform_indices = #map1}, {transform_indices = #map1}, {transform_indices = #map1}, {transform_indices = #map1}, {transform_indices = #map1}, {transform_indices = #map1}, {transform_indices = #map2}, {transform_indices = #map2}]} {
    %mul3A = arith.constant 16 : i32
    %mul3A_0 = arith.muli %arg0, %mul3A : i32
    %add3A = arith.addi %mul3A_0, %arg1 : i32
    "tpu.region"() ({
      %run_scoped3A = tpu.sem_alloc : memref<!tpu.dma_semaphore, #tpu.memory_space<semaphore_mem>>
      tpu.enqueue_dma source(%arg8 : memref<128xf32, #tpu.memory_space<hbm>>) target(%arg19 : memref<128xf32, #tpu.memory_space<vmem>>) target_semaphore(%run_scoped3A : memref<!tpu.dma_semaphore, #tpu.memory_space<semaphore_mem>>)
      tpu.wait_dma2 semaphore(%run_scoped3A : memref<!tpu.dma_semaphore, #tpu.memory_space<semaphore_mem>>) src(%arg8 : memref<128xf32, #tpu.memory_space<hbm>>) dst(%arg19 : memref<128xf32, #tpu.memory_space<vmem>>)
      tpu.yield
    }) : () -> ()
    %broadcast_in_dim3A = arith.constant 0.000000e+00 : f32
    %broadcast_in_dim3A_1 = vector.broadcast %broadcast_in_dim3A : f32 to vector<16xf32>
    %scan3A = arith.constant 0 : i32
    %scan3A_2 = arith.constant 0 : i32
    %scan3A_3 = arith.constant 128 : i32
    %scan3A_4 = arith.addi %scan3A_2, %scan3A_3 : i32
    %scan3A_5 = arith.constant 1 : i32
    scf.for %scan3A_119 = %scan3A_2 to %scan3A_4 step %scan3A_5  : i32 {
      %swap3A = arith.index_cast %scan3A_119 : i32 to index
      %swap3A_120 = arith.constant 0 : index
      %swap3A_121 = tpu.vector_load %arg12[%swap3A, %swap3A_120] {strides = array<i32>} : memref<128x128xf32, #tpu.memory_space<vmem>>, vector<16xf32>,
      tpu.vector_store %arg12[%swap3A, %swap3A_120], %broadcast_in_dim3A_1 {strides = array<i32>} : memref<128x128xf32, #tpu.memory_space<vmem>>, vector<16xf32>,
      %swap3A_122 = arith.index_cast %scan3A_119 : i32 to index
      %swap3A_123 = arith.constant 16 : index
      %swap3A_124 = tpu.vector_load %arg12[%swap3A_122, %swap3A_123] {strides = array<i32>} : memref<128x128xf32, #tpu.memory_space<vmem>>, vector<16xf32>,
      tpu.vector_store %arg12[%swap3A_122, %swap3A_123], %broadcast_in_dim3A_1 {strides = array<i32>} : memref<128x128xf32, #tpu.memory_space<vmem>>, vector<16xf32>,
      %swap3A_125 = arith.index_cast %scan3A_119 : i32 to index
      %swap3A_126 = arith.constant 32 : index
      %swap3A_127 = tpu.vector_load %arg12[%swap3A_125, %swap3A_126] {strides = array<i32>} : memref<128x128xf32, #tpu.memory_space<vmem>>, vector<16xf32>,
      tpu.vector_store %arg12[%swap3A_125, %swap3A_126], %broadcast_in_dim3A_1 {strides = array<i32>} : memref<128x128xf32, #tpu.memory_space<vmem>>, vector<16xf32>,
      %swap3A_128 = arith.index_cast %scan3A_119 : i32 to index
      %swap3A_129 = arith.constant 48 : index
      %swap3A_130 = tpu.vector_load %arg12[%swap3A_128, %swap3A_129] {strides = array<i32>} : memref<128x128xf32, #tpu.memory_space<vmem>>, vector<16xf32>,
      tpu.vector_store %arg12[%swap3A_128, %swap3A_129], %broadcast_in_dim3A_1 {strides = array<i32>} : memref<128x128xf32, #tpu.memory_space<vmem>>, vector<16xf32>,
      %swap3A_131 = arith.index_cast %scan3A_119 : i32 to index
      %swap3A_132 = arith.constant 64 : index
      %swap3A_133 = tpu.vector_load %arg12[%swap3A_131, %swap3A_132] {strides = array<i32>} : memref<128x128xf32, #tpu.memory_space<vmem>>, vector<16xf32>,
      tpu.vector_store %arg12[%swap3A_131, %swap3A_132], %broadcast_in_dim3A_1 {strides = array<i32>} : memref<128x128xf32, #tpu.memory_space<vmem>>, vector<16xf32>,
      %swap3A_134 = arith.index_cast %scan3A_119 : i32 to index
      %swap3A_135 = arith.constant 80 : index
      %swap3A_136 = tpu.vector_load %arg12[%swap3A_134, %swap3A_135] {strides = array<i32>} : memref<128x128xf32, #tpu.memory_space<vmem>>, vector<16xf32>,
      tpu.vector_store %arg12[%swap3A_134, %swap3A_135], %broadcast_in_dim3A_1 {strides = array<i32>} : memref<128x128xf32, #tpu.memory_space<vmem>>, vector<16xf32>,
      %swap3A_137 = arith.index_cast %scan3A_119 : i32 to index
      %swap3A_138 = arith.constant 96 : index
      %swap3A_139 = tpu.vector_load %arg12[%swap3A_137, %swap3A_138] {strides = array<i32>} : memref<128x128xf32, #tpu.memory_space<vmem>>, vector<16xf32>,
      tpu.vector_store %arg12[%swap3A_137, %swap3A_138], %broadcast_in_dim3A_1 {strides = array<i32>} : memref<128x128xf32, #tpu.memory_space<vmem>>, vector<16xf32>,
      %swap3A_140 = arith.index_cast %scan3A_119 : i32 to index
      %swap3A_141 = arith.constant 112 : index
      %swap3A_142 = tpu.vector_load %arg12[%swap3A_140, %swap3A_141] {strides = array<i32>} : memref<128x128xf32, #tpu.memory_space<vmem>>, vector<16xf32>,
      tpu.vector_store %arg12[%swap3A_140, %swap3A_141], %broadcast_in_dim3A_1 {strides = array<i32>} : memref<128x128xf32, #tpu.memory_space<vmem>>, vector<16xf32>,
    }
    %scan3A_6 = arith.constant 128 : i32
    %scan3A_7 = arith.constant 0 : i32
    %scan3A_8 = arith.constant 0 : i32
    %scan3A_9 = arith.constant 625 : i32
    %scan3A_10 = arith.addi %scan3A_8, %scan3A_9 : i32
    %scan3A_11 = arith.constant 1 : i32
    scf.for %scan3A_119 = %scan3A_8 to %scan3A_10 step %scan3A_11  : i32 {
      %mul3A_120 = arith.constant 16 : i32
      %mul3A_121 = arith.muli %mul3A_120, %scan3A_119 : i32
      %swap3A = arith.index_cast %mul3A_121 : i32 to index
      %swap3A_122 = tpu.vector_load %arg20[%swap3A] {strides = array<i32>} : memref<10000xf32, #tpu.memory_space<vmem>>, vector<16xf32>,
      tpu.vector_store %arg20[%swap3A], %broadcast_in_dim3A_1 {strides = array<i32>} : memref<10000xf32, #tpu.memory_space<vmem>>, vector<16xf32>,
    }
    %scan3A_12 = arith.constant 625 : i32
    %sub3A = arith.constant 125 : i32
    %sub3A_13 = arith.subi %sub3A, %arg1 : i32
    %add3A_14 = arith.constant 16 : i32
    %add3A_15 = arith.addi %sub3A_13, %add3A_14 : i32
    %sub3A_16 = arith.constant 1 : i32
    %sub3A_17 = arith.subi %add3A_15, %sub3A_16 : i32
    %jit3A = arith.constant 16 : i32
    %div3A = arith.divsi %sub3A_17, %jit3A : i32
    %sign3A = arith.constant 0 : i32
    %sign3A_18 = arith.cmpi sgt, %sub3A_17, %sign3A : i32
    %sign3A_19 = arith.extui %sign3A_18 : i1 to i32
    %sign3A_20 = arith.constant 0 : i32
    %sign3A_21 = arith.cmpi slt, %sub3A_17, %sign3A_20 : i32
    %sign3A_22 = arith.extui %sign3A_21 : i1 to i32
    %sign3A_23 = arith.subi %sign3A_19, %sign3A_22 : i32
    %sign3A_24 = arith.constant 0 : i32
    %sign3A_25 = arith.cmpi sgt, %jit3A, %sign3A_24 : i32
    %sign3A_26 = arith.extui %sign3A_25 : i1 to i32
    %sign3A_27 = arith.constant 0 : i32
    %sign3A_28 = arith.cmpi slt, %jit3A, %sign3A_27 : i32
    %sign3A_29 = arith.extui %sign3A_28 : i1 to i32
    %sign3A_30 = arith.subi %sign3A_26, %sign3A_29 : i32
    %ne3A = arith.cmpi ne, %sign3A_23, %sign3A_30 : i32
    %rem3A = arith.remsi %sub3A_17, %jit3A : i32
    %ne3A_31 = arith.constant 0 : i32
    %ne3A_32 = arith.cmpi ne, %rem3A, %ne3A_31 : i32
    %and3A = arith.andi %ne3A, %ne3A_32 : i1
    %sub3A_33 = arith.constant 1 : i32
    %sub3A_34 = arith.subi %div3A, %sub3A_33 : i32
    %select_n3A = arith.select %and3A, %sub3A_34, %div3A : i32
    %while3A = arith.constant 0 : i32
    %while3A_35 = arith.constant 0 : i32
    %while3A_36 = arith.subi %select_n3A, %while3A_35 : i32
    %while3A_37 = arith.addi %while3A_35, %while3A_36 : i32
    %while3A_38 = arith.constant 1 : i32
    %while3A_39 = arith.divsi %while3A_36, %while3A_38 : i32
    %while3A_40 = arith.muli %while3A_39, %while3A_38 : i32
    %while3A_41 = arith.addi %while3A_35, %while3A_40 : i32
    %while3A_42 = arith.constant 1 : i32
    scf.for %while3A_119 = %while3A_35 to %while3A_41 step %while3A_42  : i32 {
      %mul3A_120 = arith.constant 16 : i32
      %mul3A_121 = arith.muli %while3A_119, %mul3A_120 : i32
      %add3A_122 = arith.addi %arg1, %mul3A_121 : i32
      %mul3A_123 = arith.constant 80 : i32
      %mul3A_124 = arith.muli %add3A_122, %mul3A_123 : i32
      "tpu.region"() ({
        %run_scoped3A = tpu.sem_alloc : memref<!tpu.dma_semaphore, #tpu.memory_space<semaphore_mem>>
        %dma_start3A = arith.constant 0 : i32
        %dma_start3A_125 = arith.constant 0 : i32
        %dma_start3A_126 = tpu.memref_slice %arg12[%dma_start3A, %dma_start3A_125] : memref<128x128xf32, #tpu.memory_space<vmem>> -> memref<80x128xf32, #tpu.memory_space<vmem>>
        %dma_start3A_127 = arith.constant 0 : i32
        %dma_start3A_128 = tpu.memref_slice %arg11[%mul3A_124, %dma_start3A_127] : memref<10000x128xf32, #tpu.memory_space<vmem_shared>> -> memref<80x128xf32, #tpu.memory_space<vmem_shared>>
        %dma_start3A_129 = arith.constant 0 : i32
        %dma_start3A_130 = tpu.memref_slice %arg11[%mul3A_124, %dma_start3A_129] : memref<10000x128xf32, #tpu.memory_space<vmem_shared>> -> memref<80x128xf32, #tpu.memory_space<vmem_shared>>
        %dma_start3A_131 = arith.constant 0 : i32
        %dma_start3A_132 = arith.constant 0 : i32
        %dma_start3A_133 = tpu.memref_slice %arg12[%dma_start3A_131, %dma_start3A_132] : memref<128x128xf32, #tpu.memory_space<vmem>> -> memref<80x128xf32, #tpu.memory_space<vmem>>
        tpu.enqueue_dma source(%dma_start3A_133 : memref<80x128xf32, #tpu.memory_space<vmem>>) target(%dma_start3A_130 : memref<80x128xf32, #tpu.memory_space<vmem_shared>>) target_semaphore(%run_scoped3A : memref<!tpu.dma_semaphore, #tpu.memory_space<semaphore_mem>>)
        %dma_wait3A = arith.constant 0 : i32
        %dma_wait3A_134 = arith.constant 0 : i32
        %dma_wait3A_135 = tpu.memref_slice %arg12[%dma_wait3A, %dma_wait3A_134] : memref<128x128xf32, #tpu.memory_space<vmem>> -> memref<80x128xf32, #tpu.memory_space<vmem>>
        %dma_wait3A_136 = arith.constant 0 : i32
        %dma_wait3A_137 = tpu.memref_slice %arg11[%mul3A_124, %dma_wait3A_136] : memref<10000x128xf32, #tpu.memory_space<vmem_shared>> -> memref<80x128xf32, #tpu.memory_space<vmem_shared>>
        %dma_wait3A_138 = arith.constant 0 : i32
        %dma_wait3A_139 = tpu.memref_slice %arg11[%mul3A_124, %dma_wait3A_138] : memref<10000x128xf32, #tpu.memory_space<vmem_shared>> -> memref<80x128xf32, #tpu.memory_space<vmem_shared>>
        %dma_wait3A_140 = arith.constant 0 : i32
        %dma_wait3A_141 = arith.constant 0 : i32
        %dma_wait3A_142 = tpu.memref_slice %arg12[%dma_wait3A_140, %dma_wait3A_141] : memref<128x128xf32, #tpu.memory_space<vmem>> -> memref<80x128xf32, #tpu.memory_space<vmem>>
        tpu.wait_dma2 semaphore(%run_scoped3A : memref<!tpu.dma_semaphore, #tpu.memory_space<semaphore_mem>>) src(%dma_wait3A_142 : memref<80x128xf32, #tpu.memory_space<vmem>>) dst(%dma_wait3A_139 : memref<80x128xf32, #tpu.memory_space<vmem_shared>>)
        tpu.yield
      }) : () -> ()
    }
    %while3A_43 = arith.constant 1 : i32
    scf.for %while3A_119 = %while3A_41 to %while3A_37 step %while3A_43  : i32 {
      %mul3A_120 = arith.constant 16 : i32
      %mul3A_121 = arith.muli %while3A_119, %mul3A_120 : i32
      %add3A_122 = arith.addi %arg1, %mul3A_121 : i32
      %mul3A_123 = arith.constant 80 : i32
      %mul3A_124 = arith.muli %add3A_122, %mul3A_123 : i32
      "tpu.region"() ({
        %run_scoped3A = tpu.sem_alloc : memref<!tpu.dma_semaphore, #tpu.memory_space<semaphore_mem>>
        %dma_start3A = arith.constant 0 : i32
        %dma_start3A_125 = arith.constant 0 : i32
        %dma_start3A_126 = tpu.memref_slice %arg12[%dma_start3A, %dma_start3A_125] : memref<128x128xf32, #tpu.memory_space<vmem>> -> memref<80x128xf32, #tpu.memory_space<vmem>>
        %dma_start3A_127 = arith.constant 0 : i32
        %dma_start3A_128 = tpu.memref_slice %arg11[%mul3A_124, %dma_start3A_127] : memref<10000x128xf32, #tpu.memory_space<vmem_shared>> -> memref<80x128xf32, #tpu.memory_space<vmem_shared>>
        %dma_start3A_129 = arith.constant 0 : i32
        %dma_start3A_130 = tpu.memref_slice %arg11[%mul3A_124, %dma_start3A_129] : memref<10000x128xf32, #tpu.memory_space<vmem_shared>> -> memref<80x128xf32, #tpu.memory_space<vmem_shared>>
        %dma_start3A_131 = arith.constant 0 : i32
        %dma_start3A_132 = arith.constant 0 : i32
        %dma_start3A_133 = tpu.memref_slice %arg12[%dma_start3A_131, %dma_start3A_132] : memref<128x128xf32, #tpu.memory_space<vmem>> -> memref<80x128xf32, #tpu.memory_space<vmem>>
        tpu.enqueue_dma source(%dma_start3A_133 : memref<80x128xf32, #tpu.memory_space<vmem>>) target(%dma_start3A_130 : memref<80x128xf32, #tpu.memory_space<vmem_shared>>) target_semaphore(%run_scoped3A : memref<!tpu.dma_semaphore, #tpu.memory_space<semaphore_mem>>)
        %dma_wait3A = arith.constant 0 : i32
        %dma_wait3A_134 = arith.constant 0 : i32
        %dma_wait3A_135 = tpu.memref_slice %arg12[%dma_wait3A, %dma_wait3A_134] : memref<128x128xf32, #tpu.memory_space<vmem>> -> memref<80x128xf32, #tpu.memory_space<vmem>>
        %dma_wait3A_136 = arith.constant 0 : i32
        %dma_wait3A_137 = tpu.memref_slice %arg11[%mul3A_124, %dma_wait3A_136] : memref<10000x128xf32, #tpu.memory_space<vmem_shared>> -> memref<80x128xf32, #tpu.memory_space<vmem_shared>>
        %dma_wait3A_138 = arith.constant 0 : i32
        %dma_wait3A_139 = tpu.memref_slice %arg11[%mul3A_124, %dma_wait3A_138] : memref<10000x128xf32, #tpu.memory_space<vmem_shared>> -> memref<80x128xf32, #tpu.memory_space<vmem_shared>>
        %dma_wait3A_140 = arith.constant 0 : i32
        %dma_wait3A_141 = arith.constant 0 : i32
        %dma_wait3A_142 = tpu.memref_slice %arg12[%dma_wait3A_140, %dma_wait3A_141] : memref<128x128xf32, #tpu.memory_space<vmem>> -> memref<80x128xf32, #tpu.memory_space<vmem>>
        tpu.wait_dma2 semaphore(%run_scoped3A : memref<!tpu.dma_semaphore, #tpu.memory_space<semaphore_mem>>) src(%dma_wait3A_142 : memref<80x128xf32, #tpu.memory_space<vmem>>) dst(%dma_wait3A_139 : memref<80x128xf32, #tpu.memory_space<vmem_shared>>)
        tpu.yield
      }) : () -> ()
    }
    %barrier3A = arith.constant 0 : index
    tpu.barrier barrier_id(%barrier3A)
    %get3A = arith.constant 0 : index
    %get3A_44 = tpu.vector_load %arg19[%get3A] {strides = array<i32>} : memref<128xf32, #tpu.memory_space<vmem>>, vector<16xf32>,
    %mul3A_45 = arith.constant 2500 : i32
    %mul3A_46 = arith.muli %add3A, %mul3A_45 : i32
    %jit3A_47 = arith.constant 32 : i32
    %div3A_48 = arith.divsi %mul3A_46, %jit3A_47 : i32
    %sign3A_49 = arith.constant 0 : i32
    %sign3A_50 = arith.cmpi sgt, %mul3A_46, %sign3A_49 : i32
    %sign3A_51 = arith.extui %sign3A_50 : i1 to i32
    %sign3A_52 = arith.constant 0 : i32
    %sign3A_53 = arith.cmpi slt, %mul3A_46, %sign3A_52 : i32
    %sign3A_54 = arith.extui %sign3A_53 : i1 to i32
    %sign3A_55 = arith.subi %sign3A_51, %sign3A_54 : i32
    %sign3A_56 = arith.constant 0 : i32
    %sign3A_57 = arith.cmpi sgt, %jit3A_47, %sign3A_56 : i32
    %sign3A_58 = arith.extui %sign3A_57 : i1 to i32
    %sign3A_59 = arith.constant 0 : i32
    %sign3A_60 = arith.cmpi slt, %jit3A_47, %sign3A_59 : i32
    %sign3A_61 = arith.extui %sign3A_60 : i1 to i32
    %sign3A_62 = arith.subi %sign3A_58, %sign3A_61 : i32
    %ne3A_63 = arith.cmpi ne, %sign3A_55, %sign3A_62 : i32
    %rem3A_64 = arith.remsi %mul3A_46, %jit3A_47 : i32
    %ne3A_65 = arith.constant 0 : i32
    %ne3A_66 = arith.cmpi ne, %rem3A_64, %ne3A_65 : i32
    %and3A_67 = arith.andi %ne3A_63, %ne3A_66 : i1
    %sub3A_68 = arith.constant 1 : i32
    %sub3A_69 = arith.subi %div3A_48, %sub3A_68 : i32
    %select_n3A_70 = arith.select %and3A_67, %sub3A_69, %div3A_48 : i32
    %add3A_71 = arith.constant 1 : i32
    %add3A_72 = arith.addi %add3A, %add3A_71 : i32
    %mul3A_73 = arith.constant 2500 : i32
    %mul3A_74 = arith.muli %add3A_72, %mul3A_73 : i32
    %jit3A_75 = arith.constant 32 : i32
    %div3A_76 = arith.divsi %mul3A_74, %jit3A_75 : i32
    %sign3A_77 = arith.constant 0 : i32
    %sign3A_78 = arith.cmpi sgt, %mul3A_74, %sign3A_77 : i32
    %sign3A_79 = arith.extui %sign3A_78 : i1 to i32
    %sign3A_80 = arith.constant 0 : i32
    %sign3A_81 = arith.cmpi slt, %mul3A_74, %sign3A_80 : i32
    %sign3A_82 = arith.extui %sign3A_81 : i1 to i32
    %sign3A_83 = arith.subi %sign3A_79, %sign3A_82 : i32
    %sign3A_84 = arith.constant 0 : i32
    %sign3A_85 = arith.cmpi sgt, %jit3A_75, %sign3A_84 : i32
    %sign3A_86 = arith.extui %sign3A_85 : i1 to i32
    %sign3A_87 = arith.constant 0 : i32
    %sign3A_88 = arith.cmpi slt, %jit3A_75, %sign3A_87 : i32
    %sign3A_89 = arith.extui %sign3A_88 : i1 to i32
    %sign3A_90 = arith.subi %sign3A_86, %sign3A_89 : i32
    %ne3A_91 = arith.cmpi ne, %sign3A_83, %sign3A_90 : i32
    %rem3A_92 = arith.remsi %mul3A_74, %jit3A_75 : i32
    %ne3A_93 = arith.constant 0 : i32
    %ne3A_94 = arith.cmpi ne, %rem3A_92, %ne3A_93 : i32
    %and3A_95 = arith.andi %ne3A_91, %ne3A_94 : i1
    %sub3A_96 = arith.constant 1 : i32
    %sub3A_97 = arith.subi %div3A_76, %sub3A_96 : i32
    %select_n3A_98 = arith.select %and3A_95, %sub3A_97, %div3A_76 : i32
    %while3A_99 = arith.constant 0 : i32
    %while3A_100 = arith.subi %select_n3A_98, %select_n3A_70 : i32
    %while3A_101 = arith.addi %select_n3A_70, %while3A_100 : i32
    %while3A_102 = arith.constant 1 : i32
    %while3A_103 = arith.divsi %while3A_100, %while3A_102 : i32
    %while3A_104 = arith.muli %while3A_103, %while3A_102 : i32
    %while3A_105 = arith.addi %select_n3A_70, %while3A_104 : i32
    %while3A_106 = arith.constant 1 : i32
    scf.for %while3A_119 = %select_n3A_70 to %while3A_105 step %while3A_106  : i32 {
      %mul3A_120 = arith.constant 128 : i32
      %mul3A_121 = arith.muli %while3A_119, %mul3A_120 : i32
      %dma_start3A = tpu.memref_slice %arg5[%mul3A_121] : memref<320000xi32, #tpu.memory_space<hbm>> -> memref<128xi32, #tpu.memory_space<hbm>>
      %dma_start3A_122 = tpu.memref_slice %arg5[%mul3A_121] : memref<320000xi32, #tpu.memory_space<hbm>> -> memref<128xi32, #tpu.memory_space<hbm>>
      tpu.enqueue_dma source(%dma_start3A_122 : memref<128xi32, #tpu.memory_space<hbm>>) target(%arg15 : memref<128xi32, #tpu.memory_space<vmem>>) target_semaphore(%arg21 : memref<!tpu.dma_semaphore, #tpu.memory_space<semaphore_mem>>)
      %dma_start3A_123 = tpu.memref_slice %arg6[%mul3A_121] : memref<320000xi32, #tpu.memory_space<hbm>> -> memref<128xi32, #tpu.memory_space<hbm>>
      %dma_start3A_124 = tpu.memref_slice %arg6[%mul3A_121] : memref<320000xi32, #tpu.memory_space<hbm>> -> memref<128xi32, #tpu.memory_space<hbm>>
      tpu.enqueue_dma source(%dma_start3A_124 : memref<128xi32, #tpu.memory_space<hbm>>) target(%arg16 : memref<128xi32, #tpu.memory_space<vmem>>) target_semaphore(%arg21 : memref<!tpu.dma_semaphore, #tpu.memory_space<semaphore_mem>>)
      %dma_start3A_125 = tpu.memref_slice %arg7[%mul3A_121] : memref<320000xi32, #tpu.memory_space<hbm>> -> memref<128xi32, #tpu.memory_space<hbm>>
      %dma_start3A_126 = tpu.memref_slice %arg7[%mul3A_121] : memref<320000xi32, #tpu.memory_space<hbm>> -> memref<128xi32, #tpu.memory_space<hbm>>
      tpu.enqueue_dma source(%dma_start3A_126 : memref<128xi32, #tpu.memory_space<hbm>>) target(%arg17 : memref<128xi32, #tpu.memory_space<vmem>>) target_semaphore(%arg21 : memref<!tpu.dma_semaphore, #tpu.memory_space<semaphore_mem>>)
      %dma_wait3A = tpu.memref_slice %arg5[%mul3A_121] : memref<320000xi32, #tpu.memory_space<hbm>> -> memref<128xi32, #tpu.memory_space<hbm>>
      %dma_wait3A_127 = tpu.memref_slice %arg5[%mul3A_121] : memref<320000xi32, #tpu.memory_space<hbm>> -> memref<128xi32, #tpu.memory_space<hbm>>
      tpu.wait_dma2 semaphore(%arg21 : memref<!tpu.dma_semaphore, #tpu.memory_space<semaphore_mem>>) src(%dma_wait3A_127 : memref<128xi32, #tpu.memory_space<hbm>>) dst(%arg15 : memref<128xi32, #tpu.memory_space<vmem>>)
      %dma_wait3A_128 = tpu.memref_slice %arg6[%mul3A_121] : memref<320000xi32, #tpu.memory_space<hbm>> -> memref<128xi32, #tpu.memory_space<hbm>>
      %dma_wait3A_129 = tpu.memref_slice %arg6[%mul3A_121] : memref<320000xi32, #tpu.memory_space<hbm>> -> memref<128xi32, #tpu.memory_space<hbm>>
      tpu.wait_dma2 semaphore(%arg21 : memref<!tpu.dma_semaphore, #tpu.memory_space<semaphore_mem>>) src(%dma_wait3A_129 : memref<128xi32, #tpu.memory_space<hbm>>) dst(%arg16 : memref<128xi32, #tpu.memory_space<vmem>>)
      %dma_wait3A_130 = tpu.memref_slice %arg7[%mul3A_121] : memref<320000xi32, #tpu.memory_space<hbm>> -> memref<128xi32, #tpu.memory_space<hbm>>
      %dma_wait3A_131 = tpu.memref_slice %arg7[%mul3A_121] : memref<320000xi32, #tpu.memory_space<hbm>> -> memref<128xi32, #tpu.memory_space<hbm>>
      tpu.wait_dma2 semaphore(%arg21 : memref<!tpu.dma_semaphore, #tpu.memory_space<semaphore_mem>>) src(%dma_wait3A_131 : memref<128xi32, #tpu.memory_space<hbm>>) dst(%arg17 : memref<128xi32, #tpu.memory_space<vmem>>)
      %dma_start3A_132 = arith.constant 0 : i32
      %dma_start3A_133 = arith.constant 0 : i32
      %dma_start3A_134 = tpu.memref_slice %arg2[%dma_start3A_132, %dma_start3A_133] : memref<80000x128xf32, #tpu.memory_space<hbm>> -> memref<80000x128xf32, #tpu.memory_space<hbm>>
      tpu.enqueue_indirect_dma source(%dma_start3A_134 : memref<80000x128xf32, #tpu.memory_space<hbm>>) target(%arg12 : memref<128x128xf32, #tpu.memory_space<vmem>>) offsets(%arg15 : memref<128xi32, #tpu.memory_space<vmem>>) semaphore(%arg22 : memref<!tpu.dma_semaphore, #tpu.memory_space<semaphore_mem>>)
      %dma_start3A_135 = arith.constant 0 : i32
      %dma_start3A_136 = tpu.memref_slice %arg3[%dma_start3A_135] : memref<80000xf32, #tpu.memory_space<hbm>> -> memref<80000xf32, #tpu.memory_space<hbm>>
      tpu.enqueue_indirect_dma source(%dma_start3A_136 : memref<80000xf32, #tpu.memory_space<hbm>>) target(%arg13 : memref<128xf32, #tpu.memory_space<vmem>>) offsets(%arg16 : memref<128xi32, #tpu.memory_space<vmem>>) semaphore(%arg22 : memref<!tpu.dma_semaphore, #tpu.memory_space<semaphore_mem>>)
      %dma_start3A_137 = arith.constant 0 : i32
      %dma_start3A_138 = tpu.memref_slice %arg4[%dma_start3A_137] : memref<80000xf32, #tpu.memory_space<hbm>> -> memref<80000xf32, #tpu.memory_space<hbm>>
      tpu.enqueue_indirect_dma source(%dma_start3A_138 : memref<80000xf32, #tpu.memory_space<hbm>>) target(%arg14 : memref<128xf32, #tpu.memory_space<vmem>>) offsets(%arg15 : memref<128xi32, #tpu.memory_space<vmem>>) semaphore(%arg22 : memref<!tpu.dma_semaphore, #tpu.memory_space<semaphore_mem>>)
      %dma_wait3A_139 = arith.constant 0 : i32
      %dma_wait3A_140 = arith.constant 0 : i32
      %dma_wait3A_141 = tpu.memref_slice %arg2[%dma_wait3A_139, %dma_wait3A_140] : memref<80000x128xf32, #tpu.memory_space<hbm>> -> memref<80000x128xf32, #tpu.memory_space<hbm>>
      tpu.wait_indirect_dma semaphore(%arg22 : memref<!tpu.dma_semaphore, #tpu.memory_space<semaphore_mem>>) src(%dma_wait3A_141 : memref<80000x128xf32, #tpu.memory_space<hbm>>) dst(%arg12 : memref<128x128xf32, #tpu.memory_space<vmem>>)
      %dma_wait3A_142 = arith.constant 0 : i32
      %dma_wait3A_143 = tpu.memref_slice %arg3[%dma_wait3A_142] : memref<80000xf32, #tpu.memory_space<hbm>> -> memref<80000xf32, #tpu.memory_space<hbm>>
      tpu.wait_indirect_dma semaphore(%arg22 : memref<!tpu.dma_semaphore, #tpu.memory_space<semaphore_mem>>) src(%dma_wait3A_143 : memref<80000xf32, #tpu.memory_space<hbm>>) dst(%arg13 : memref<128xf32, #tpu.memory_space<vmem>>)
      %dma_wait3A_144 = arith.constant 0 : i32
      %dma_wait3A_145 = tpu.memref_slice %arg4[%dma_wait3A_144] : memref<80000xf32, #tpu.memory_space<hbm>> -> memref<80000xf32, #tpu.memory_space<hbm>>
      tpu.wait_indirect_dma semaphore(%arg22 : memref<!tpu.dma_semaphore, #tpu.memory_space<semaphore_mem>>) src(%dma_wait3A_145 : memref<80000xf32, #tpu.memory_space<hbm>>) dst(%arg14 : memref<128xf32, #tpu.memory_space<vmem>>)
      %get3A_146 = arith.constant 0 : index
      %get3A_147 = tpu.vector_load %arg13[%get3A_146] {strides = array<i32>} : memref<128xf32, #tpu.memory_space<vmem>>, vector<16xf32>,
      %get3A_148 = arith.constant 0 : index
      %get3A_149 = tpu.vector_load %arg14[%get3A_148] {strides = array<i32>} : memref<128xf32, #tpu.memory_space<vmem>>, vector<16xf32>,
      %add3A_150 = arith.addf %get3A_147, %get3A_149 : vector<16xf32>
      %gt3A = arith.constant 0.000000e+00 : f32
      %gt3A_151 = vector.broadcast %gt3A : f32 to vector<16xf32>
      %gt3A_152 = arith.cmpf ogt, %add3A_150, %gt3A_151 : vector<16xf32>
      %mul3A_153 = arith.constant 2.000000e-01 : f32
      %mul3A_154 = vector.broadcast %mul3A_153 : f32 to vector<16xf32>
      %mul3A_155 = arith.mulf %mul3A_154, %add3A_150 : vector<16xf32>
      %select_n3A_156 = arith.select %gt3A_152, %add3A_150, %mul3A_155 : vector<16xi1>, vector<16xf32>
      %sub3A_157 = arith.subf %select_n3A_156, %get3A_44 : vector<16xf32>
      %exp3A = math.exp %sub3A_157 : vector<16xf32>
      %swap3A = arith.constant 0 : index
      %swap3A_158 = tpu.vector_load %arg18[%swap3A] {strides = array<i32>} : memref<144xf32, #tpu.memory_space<vmem>>, vector<16xf32>,
      tpu.vector_store %arg18[%swap3A], %exp3A {strides = array<i32>} : memref<144xf32, #tpu.memory_space<vmem>>, vector<16xf32>,
      %get3A_159 = arith.constant 0 : index
      %get3A_160 = tpu.vector_load %arg17[%get3A_159] {strides = array<i32>} : memref<128xi32, #tpu.memory_space<vmem>>, vector<16xi32>,
      tpu.vector_store_idx %arg20[%get3A_160], %exp3A {add = true} : memref<10000xf32, #tpu.memory_space<vmem>>[vector<16xi32>], vector<16xf32>,
      %get3A_161 = arith.constant 16 : index
      %get3A_162 = tpu.vector_load %arg13[%get3A_161] {strides = array<i32>} : memref<128xf32, #tpu.memory_space<vmem>>, vector<16xf32>,
      %get3A_163 = arith.constant 16 : index
      %get3A_164 = tpu.vector_load %arg14[%get3A_163] {strides = array<i32>} : memref<128xf32, #tpu.memory_space<vmem>>, vector<16xf32>,
      %add3A_165 = arith.addf %get3A_162, %get3A_164 : vector<16xf32>
      %gt3A_166 = arith.constant 0.000000e+00 : f32
      %gt3A_167 = vector.broadcast %gt3A_166 : f32 to vector<16xf32>
      %gt3A_168 = arith.cmpf ogt, %add3A_165, %gt3A_167 : vector<16xf32>
      %mul3A_169 = arith.constant 2.000000e-01 : f32
      %mul3A_170 = vector.broadcast %mul3A_169 : f32 to vector<16xf32>
      %mul3A_171 = arith.mulf %mul3A_170, %add3A_165 : vector<16xf32>
      %select_n3A_172 = arith.select %gt3A_168, %add3A_165, %mul3A_171 : vector<16xi1>, vector<16xf32>
      %sub3A_173 = arith.subf %select_n3A_172, %get3A_44 : vector<16xf32>
      %exp3A_174 = math.exp %sub3A_173 : vector<16xf32>
      %swap3A_175 = arith.constant 16 : index
      %swap3A_176 = tpu.vector_load %arg18[%swap3A_175] {strides = array<i32>} : memref<144xf32, #tpu.memory_space<vmem>>, vector<16xf32>,
      tpu.vector_store %arg18[%swap3A_175], %exp3A_174 {strides = array<i32>} : memref<144xf32, #tpu.memory_space<vmem>>, vector<16xf32>,
      %get3A_177 = arith.constant 16 : index
      %get3A_178 = tpu.vector_load %arg17[%get3A_177] {strides = array<i32>} : memref<128xi32, #tpu.memory_space<vmem>>, vector<16xi32>,
      tpu.vector_store_idx %arg20[%get3A_178], %exp3A_174 {add = true} : memref<10000xf32, #tpu.memory_space<vmem>>[vector<16xi32>], vector<16xf32>,
      %get3A_179 = arith.constant 32 : index
      %get3A_180 = tpu.vector_load %arg13[%get3A_179] {strides = array<i32>} : memref<128xf32, #tpu.memory_space<vmem>>, vector<16xf32>,
      %get3A_181 = arith.constant 32 : index
      %get3A_182 = tpu.vector_load %arg14[%get3A_181] {strides = array<i32>} : memref<128xf32, #tpu.memory_space<vmem>>, vector<16xf32>,
      %add3A_183 = arith.addf %get3A_180, %get3A_182 : vector<16xf32>
      %gt3A_184 = arith.constant 0.000000e+00 : f32
      %gt3A_185 = vector.broadcast %gt3A_184 : f32 to vector<16xf32>
      %gt3A_186 = arith.cmpf ogt, %add3A_183, %gt3A_185 : vector<16xf32>
      %mul3A_187 = arith.constant 2.000000e-01 : f32
      %mul3A_188 = vector.broadcast %mul3A_187 : f32 to vector<16xf32>
      %mul3A_189 = arith.mulf %mul3A_188, %add3A_183 : vector<16xf32>
      %select_n3A_190 = arith.select %gt3A_186, %add3A_183, %mul3A_189 : vector<16xi1>, vector<16xf32>
      %sub3A_191 = arith.subf %select_n3A_190, %get3A_44 : vector<16xf32>
      %exp3A_192 = math.exp %sub3A_191 : vector<16xf32>
      %swap3A_193 = arith.constant 32 : index
      %swap3A_194 = tpu.vector_load %arg18[%swap3A_193] {strides = array<i32>} : memref<144xf32, #tpu.memory_space<vmem>>, vector<16xf32>,
      tpu.vector_store %arg18[%swap3A_193], %exp3A_192 {strides = array<i32>} : memref<144xf32, #tpu.memory_space<vmem>>, vector<16xf32>,
      %get3A_195 = arith.constant 32 : index
      %get3A_196 = tpu.vector_load %arg17[%get3A_195] {strides = array<i32>} : memref<128xi32, #tpu.memory_space<vmem>>, vector<16xi32>,
      tpu.vector_store_idx %arg20[%get3A_196], %exp3A_192 {add = true} : memref<10000xf32, #tpu.memory_space<vmem>>[vector<16xi32>], vector<16xf32>,
      %get3A_197 = arith.constant 48 : index
      %get3A_198 = tpu.vector_load %arg13[%get3A_197] {strides = array<i32>} : memref<128xf32, #tpu.memory_space<vmem>>, vector<16xf32>,
      %get3A_199 = arith.constant 48 : index
      %get3A_200 = tpu.vector_load %arg14[%get3A_199] {strides = array<i32>} : memref<128xf32, #tpu.memory_space<vmem>>, vector<16xf32>,
      %add3A_201 = arith.addf %get3A_198, %get3A_200 : vector<16xf32>
      %gt3A_202 = arith.constant 0.000000e+00 : f32
      %gt3A_203 = vector.broadcast %gt3A_202 : f32 to vector<16xf32>
      %gt3A_204 = arith.cmpf ogt, %add3A_201, %gt3A_203 : vector<16xf32>
      %mul3A_205 = arith.constant 2.000000e-01 : f32
      %mul3A_206 = vector.broadcast %mul3A_205 : f32 to vector<16xf32>
      %mul3A_207 = arith.mulf %mul3A_206, %add3A_201 : vector<16xf32>
      %select_n3A_208 = arith.select %gt3A_204, %add3A_201, %mul3A_207 : vector<16xi1>, vector<16xf32>
      %sub3A_209 = arith.subf %select_n3A_208, %get3A_44 : vector<16xf32>
      %exp3A_210 = math.exp %sub3A_209 : vector<16xf32>
      %swap3A_211 = arith.constant 48 : index
      %swap3A_212 = tpu.vector_load %arg18[%swap3A_211] {strides = array<i32>} : memref<144xf32, #tpu.memory_space<vmem>>, vector<16xf32>,
      tpu.vector_store %arg18[%swap3A_211], %exp3A_210 {strides = array<i32>} : memref<144xf32, #tpu.memory_space<vmem>>, vector<16xf32>,
      %get3A_213 = arith.constant 48 : index
      %get3A_214 = tpu.vector_load %arg17[%get3A_213] {strides = array<i32>} : memref<128xi32, #tpu.memory_space<vmem>>, vector<16xi32>,
      tpu.vector_store_idx %arg20[%get3A_214], %exp3A_210 {add = true} : memref<10000xf32, #tpu.memory_space<vmem>>[vector<16xi32>], vector<16xf32>,
      %get3A_215 = arith.constant 64 : index
      %get3A_216 = tpu.vector_load %arg13[%get3A_215] {strides = array<i32>} : memref<128xf32, #tpu.memory_space<vmem>>, vector<16xf32>,
      %get3A_217 = arith.constant 64 : index
      %get3A_218 = tpu.vector_load %arg14[%get3A_217] {strides = array<i32>} : memref<128xf32, #tpu.memory_space<vmem>>, vector<16xf32>,
      %add3A_219 = arith.addf %get3A_216, %get3A_218 : vector<16xf32>
      %gt3A_220 = arith.constant 0.000000e+00 : f32
      %gt3A_221 = vector.broadcast %gt3A_220 : f32 to vector<16xf32>
      %gt3A_222 = arith.cmpf ogt, %add3A_219, %gt3A_221 : vector<16xf32>
      %mul3A_223 = arith.constant 2.000000e-01 : f32
      %mul3A_224 = vector.broadcast %mul3A_223 : f32 to vector<16xf32>
      %mul3A_225 = arith.mulf %mul3A_224, %add3A_219 : vector<16xf32>
      %select_n3A_226 = arith.select %gt3A_222, %add3A_219, %mul3A_225 : vector<16xi1>, vector<16xf32>
      %sub3A_227 = arith.subf %select_n3A_226, %get3A_44 : vector<16xf32>
      %exp3A_228 = math.exp %sub3A_227 : vector<16xf32>
      %swap3A_229 = arith.constant 64 : index
      %swap3A_230 = tpu.vector_load %arg18[%swap3A_229] {strides = array<i32>} : memref<144xf32, #tpu.memory_space<vmem>>, vector<16xf32>,
      tpu.vector_store %arg18[%swap3A_229], %exp3A_228 {strides = array<i32>} : memref<144xf32, #tpu.memory_space<vmem>>, vector<16xf32>,
      %get3A_231 = arith.constant 64 : index
      %get3A_232 = tpu.vector_load %arg17[%get3A_231] {strides = array<i32>} : memref<128xi32, #tpu.memory_space<vmem>>, vector<16xi32>,
      tpu.vector_store_idx %arg20[%get3A_232], %exp3A_228 {add = true} : memref<10000xf32, #tpu.memory_space<vmem>>[vector<16xi32>], vector<16xf32>,
      %get3A_233 = arith.constant 80 : index
      %get3A_234 = tpu.vector_load %arg13[%get3A_233] {strides = array<i32>} : memref<128xf32, #tpu.memory_space<vmem>>, vector<16xf32>,
      %get3A_235 = arith.constant 80 : index
      %get3A_236 = tpu.vector_load %arg14[%get3A_235] {strides = array<i32>} : memref<128xf32, #tpu.memory_space<vmem>>, vector<16xf32>,
      %add3A_237 = arith.addf %get3A_234, %get3A_236 : vector<16xf32>
      %gt3A_238 = arith.constant 0.000000e+00 : f32
      %gt3A_239 = vector.broadcast %gt3A_238 : f32 to vector<16xf32>
      %gt3A_240 = arith.cmpf ogt, %add3A_237, %gt3A_239 : vector<16xf32>
      %mul3A_241 = arith.constant 2.000000e-01 : f32
      %mul3A_242 = vector.broadcast %mul3A_241 : f32 to vector<16xf32>
      %mul3A_243 = arith.mulf %mul3A_242, %add3A_237 : vector<16xf32>
      %select_n3A_244 = arith.select %gt3A_240, %add3A_237, %mul3A_243 : vector<16xi1>, vector<16xf32>
      %sub3A_245 = arith.subf %select_n3A_244, %get3A_44 : vector<16xf32>
      %exp3A_246 = math.exp %sub3A_245 : vector<16xf32>
      %swap3A_247 = arith.constant 80 : index
      %swap3A_248 = tpu.vector_load %arg18[%swap3A_247] {strides = array<i32>} : memref<144xf32, #tpu.memory_space<vmem>>, vector<16xf32>,
      tpu.vector_store %arg18[%swap3A_247], %exp3A_246 {strides = array<i32>} : memref<144xf32, #tpu.memory_space<vmem>>, vector<16xf32>,
      %get3A_249 = arith.constant 80 : index
      %get3A_250 = tpu.vector_load %arg17[%get3A_249] {strides = array<i32>} : memref<128xi32, #tpu.memory_space<vmem>>, vector<16xi32>,
      tpu.vector_store_idx %arg20[%get3A_250], %exp3A_246 {add = true} : memref<10000xf32, #tpu.memory_space<vmem>>[vector<16xi32>], vector<16xf32>,
      %get3A_251 = arith.constant 96 : index
      %get3A_252 = tpu.vector_load %arg13[%get3A_251] {strides = array<i32>} : memref<128xf32, #tpu.memory_space<vmem>>, vector<16xf32>,
      %get3A_253 = arith.constant 96 : index
      %get3A_254 = tpu.vector_load %arg14[%get3A_253] {strides = array<i32>} : memref<128xf32, #tpu.memory_space<vmem>>, vector<16xf32>,
      %add3A_255 = arith.addf %get3A_252, %get3A_254 : vector<16xf32>
      %gt3A_256 = arith.constant 0.000000e+00 : f32
      %gt3A_257 = vector.broadcast %gt3A_256 : f32 to vector<16xf32>
      %gt3A_258 = arith.cmpf ogt, %add3A_255, %gt3A_257 : vector<16xf32>
      %mul3A_259 = arith.constant 2.000000e-01 : f32
      %mul3A_260 = vector.broadcast %mul3A_259 : f32 to vector<16xf32>
      %mul3A_261 = arith.mulf %mul3A_260, %add3A_255 : vector<16xf32>
      %select_n3A_262 = arith.select %gt3A_258, %add3A_255, %mul3A_261 : vector<16xi1>, vector<16xf32>
      %sub3A_263 = arith.subf %select_n3A_262, %get3A_44 : vector<16xf32>
      %exp3A_264 = math.exp %sub3A_263 : vector<16xf32>
      %swap3A_265 = arith.constant 96 : index
      %swap3A_266 = tpu.vector_load %arg18[%swap3A_265] {strides = array<i32>} : memref<144xf32, #tpu.memory_space<vmem>>, vector<16xf32>,
      tpu.vector_store %arg18[%swap3A_265], %exp3A_264 {strides = array<i32>} : memref<144xf32, #tpu.memory_space<vmem>>, vector<16xf32>,
      %get3A_267 = arith.constant 96 : index
      %get3A_268 = tpu.vector_load %arg17[%get3A_267] {strides = array<i32>} : memref<128xi32, #tpu.memory_space<vmem>>, vector<16xi32>,
      tpu.vector_store_idx %arg20[%get3A_268], %exp3A_264 {add = true} : memref<10000xf32, #tpu.memory_space<vmem>>[vector<16xi32>], vector<16xf32>,
      %get3A_269 = arith.constant 112 : index
      %get3A_270 = tpu.vector_load %arg13[%get3A_269] {strides = array<i32>} : memref<128xf32, #tpu.memory_space<vmem>>, vector<16xf32>,
      %get3A_271 = arith.constant 112 : index
      %get3A_272 = tpu.vector_load %arg14[%get3A_271] {strides = array<i32>} : memref<128xf32, #tpu.memory_space<vmem>>, vector<16xf32>,
      %add3A_273 = arith.addf %get3A_270, %get3A_272 : vector<16xf32>
      %gt3A_274 = arith.constant 0.000000e+00 : f32
      %gt3A_275 = vector.broadcast %gt3A_274 : f32 to vector<16xf32>
      %gt3A_276 = arith.cmpf ogt, %add3A_273, %gt3A_275 : vector<16xf32>
      %mul3A_277 = arith.constant 2.000000e-01 : f32
      %mul3A_278 = vector.broadcast %mul3A_277 : f32 to vector<16xf32>
      %mul3A_279 = arith.mulf %mul3A_278, %add3A_273 : vector<16xf32>
      %select_n3A_280 = arith.select %gt3A_276, %add3A_273, %mul3A_279 : vector<16xi1>, vector<16xf32>
      %sub3A_281 = arith.subf %select_n3A_280, %get3A_44 : vector<16xf32>
      %exp3A_282 = math.exp %sub3A_281 : vector<16xf32>
      %swap3A_283 = arith.constant 112 : index
      %swap3A_284 = tpu.vector_load %arg18[%swap3A_283] {strides = array<i32>} : memref<144xf32, #tpu.memory_space<vmem>>, vector<16xf32>,
      tpu.vector_store %arg18[%swap3A_283], %exp3A_282 {strides = array<i32>} : memref<144xf32, #tpu.memory_space<vmem>>, vector<16xf32>,
      %get3A_285 = arith.constant 112 : index
      %get3A_286 = tpu.vector_load %arg17[%get3A_285] {strides = array<i32>} : memref<128xi32, #tpu.memory_space<vmem>>, vector<16xi32>,
      tpu.vector_store_idx %arg20[%get3A_286], %exp3A_282 {add = true} : memref<10000xf32, #tpu.memory_space<vmem>>[vector<16xi32>], vector<16xf32>,
      %scan3A_287 = arith.constant 0 : i32
      %scan3A_288 = arith.constant 0 : i32
      %scan3A_289 = arith.constant 128 : i32
      %scan3A_290 = arith.addi %scan3A_288, %scan3A_289 : i32
      %scan3A_291 = arith.constant 1 : i32
      scf.for %scan3A_293 = %scan3A_288 to %scan3A_290 step %scan3A_291  : i32 {
        %get3A_294 = arith.index_cast %scan3A_293 : i32 to index
        %get3A_295 = tpu.vector_load %arg18[%get3A_294] {strides = array<i32>} : memref<144xf32, #tpu.memory_space<vmem>>, vector<16xf32>,
        %slice3A = vector.extract_strided_slice %get3A_295 {offsets = [0], sizes = [1], strides = [1]} : vector<16xf32> to vector<1xf32>
        %squeeze3A = vector.extract %slice3A[0] : f32 from vector<1xf32>
        %get3A_296 = arith.index_cast %scan3A_293 : i32 to index
        %get3A_297 = arith.constant 0 : index
        %get3A_298 = tpu.vector_load %arg12[%get3A_296, %get3A_297] {strides = array<i32>} : memref<128x128xf32, #tpu.memory_space<vmem>>, vector<16xf32>,
        %mul3A_299 = vector.broadcast %squeeze3A : f32 to vector<16xf32>
        %mul3A_300 = arith.mulf %get3A_298, %mul3A_299 : vector<16xf32>
        %swap3A_301 = arith.index_cast %scan3A_293 : i32 to index
        %swap3A_302 = arith.constant 0 : index
        %swap3A_303 = tpu.vector_load %arg12[%swap3A_301, %swap3A_302] {strides = array<i32>} : memref<128x128xf32, #tpu.memory_space<vmem>>, vector<16xf32>,
        tpu.vector_store %arg12[%swap3A_301, %swap3A_302], %mul3A_300 {strides = array<i32>} : memref<128x128xf32, #tpu.memory_space<vmem>>, vector<16xf32>,
        %get3A_304 = arith.index_cast %scan3A_293 : i32 to index
        %get3A_305 = arith.constant 16 : index
        %get3A_306 = tpu.vector_load %arg12[%get3A_304, %get3A_305] {strides = array<i32>} : memref<128x128xf32, #tpu.memory_space<vmem>>, vector<16xf32>,
        %mul3A_307 = vector.broadcast %squeeze3A : f32 to vector<16xf32>
        %mul3A_308 = arith.mulf %get3A_306, %mul3A_307 : vector<16xf32>
        %swap3A_309 = arith.index_cast %scan3A_293 : i32 to index
        %swap3A_310 = arith.constant 16 : index
        %swap3A_311 = tpu.vector_load %arg12[%swap3A_309, %swap3A_310] {strides = array<i32>} : memref<128x128xf32, #tpu.memory_space<vmem>>, vector<16xf32>,
        tpu.vector_store %arg12[%swap3A_309, %swap3A_310], %mul3A_308 {strides = array<i32>} : memref<128x128xf32, #tpu.memory_space<vmem>>, vector<16xf32>,
        %get3A_312 = arith.index_cast %scan3A_293 : i32 to index
        %get3A_313 = arith.constant 32 : index
        %get3A_314 = tpu.vector_load %arg12[%get3A_312, %get3A_313] {strides = array<i32>} : memref<128x128xf32, #tpu.memory_space<vmem>>, vector<16xf32>,
        %mul3A_315 = vector.broadcast %squeeze3A : f32 to vector<16xf32>
        %mul3A_316 = arith.mulf %get3A_314, %mul3A_315 : vector<16xf32>
        %swap3A_317 = arith.index_cast %scan3A_293 : i32 to index
        %swap3A_318 = arith.constant 32 : index
        %swap3A_319 = tpu.vector_load %arg12[%swap3A_317, %swap3A_318] {strides = array<i32>} : memref<128x128xf32, #tpu.memory_space<vmem>>, vector<16xf32>,
        tpu.vector_store %arg12[%swap3A_317, %swap3A_318], %mul3A_316 {strides = array<i32>} : memref<128x128xf32, #tpu.memory_space<vmem>>, vector<16xf32>,
        %get3A_320 = arith.index_cast %scan3A_293 : i32 to index
        %get3A_321 = arith.constant 48 : index
        %get3A_322 = tpu.vector_load %arg12[%get3A_320, %get3A_321] {strides = array<i32>} : memref<128x128xf32, #tpu.memory_space<vmem>>, vector<16xf32>,
        %mul3A_323 = vector.broadcast %squeeze3A : f32 to vector<16xf32>
        %mul3A_324 = arith.mulf %get3A_322, %mul3A_323 : vector<16xf32>
        %swap3A_325 = arith.index_cast %scan3A_293 : i32 to index
        %swap3A_326 = arith.constant 48 : index
        %swap3A_327 = tpu.vector_load %arg12[%swap3A_325, %swap3A_326] {strides = array<i32>} : memref<128x128xf32, #tpu.memory_space<vmem>>, vector<16xf32>,
        tpu.vector_store %arg12[%swap3A_325, %swap3A_326], %mul3A_324 {strides = array<i32>} : memref<128x128xf32, #tpu.memory_space<vmem>>, vector<16xf32>,
        %get3A_328 = arith.index_cast %scan3A_293 : i32 to index
        %get3A_329 = arith.constant 64 : index
        %get3A_330 = tpu.vector_load %arg12[%get3A_328, %get3A_329] {strides = array<i32>} : memref<128x128xf32, #tpu.memory_space<vmem>>, vector<16xf32>,
        %mul3A_331 = vector.broadcast %squeeze3A : f32 to vector<16xf32>
        %mul3A_332 = arith.mulf %get3A_330, %mul3A_331 : vector<16xf32>
        %swap3A_333 = arith.index_cast %scan3A_293 : i32 to index
        %swap3A_334 = arith.constant 64 : index
        %swap3A_335 = tpu.vector_load %arg12[%swap3A_333, %swap3A_334] {strides = array<i32>} : memref<128x128xf32, #tpu.memory_space<vmem>>, vector<16xf32>,
        tpu.vector_store %arg12[%swap3A_333, %swap3A_334], %mul3A_332 {strides = array<i32>} : memref<128x128xf32, #tpu.memory_space<vmem>>, vector<16xf32>,
        %get3A_336 = arith.index_cast %scan3A_293 : i32 to index
        %get3A_337 = arith.constant 80 : index
        %get3A_338 = tpu.vector_load %arg12[%get3A_336, %get3A_337] {strides = array<i32>} : memref<128x128xf32, #tpu.memory_space<vmem>>, vector<16xf32>,
        %mul3A_339 = vector.broadcast %squeeze3A : f32 to vector<16xf32>
        %mul3A_340 = arith.mulf %get3A_338, %mul3A_339 : vector<16xf32>
        %swap3A_341 = arith.index_cast %scan3A_293 : i32 to index
        %swap3A_342 = arith.constant 80 : index
        %swap3A_343 = tpu.vector_load %arg12[%swap3A_341, %swap3A_342] {strides = array<i32>} : memref<128x128xf32, #tpu.memory_space<vmem>>, vector<16xf32>,
        tpu.vector_store %arg12[%swap3A_341, %swap3A_342], %mul3A_340 {strides = array<i32>} : memref<128x128xf32, #tpu.memory_space<vmem>>, vector<16xf32>,
        %get3A_344 = arith.index_cast %scan3A_293 : i32 to index
        %get3A_345 = arith.constant 96 : index
        %get3A_346 = tpu.vector_load %arg12[%get3A_344, %get3A_345] {strides = array<i32>} : memref<128x128xf32, #tpu.memory_space<vmem>>, vector<16xf32>,
        %mul3A_347 = vector.broadcast %squeeze3A : f32 to vector<16xf32>
        %mul3A_348 = arith.mulf %get3A_346, %mul3A_347 : vector<16xf32>
        %swap3A_349 = arith.index_cast %scan3A_293 : i32 to index
        %swap3A_350 = arith.constant 96 : index
        %swap3A_351 = tpu.vector_load %arg12[%swap3A_349, %swap3A_350] {strides = array<i32>} : memref<128x128xf32, #tpu.memory_space<vmem>>, vector<16xf32>,
        tpu.vector_store %arg12[%swap3A_349, %swap3A_350], %mul3A_348 {strides = array<i32>} : memref<128x128xf32, #tpu.memory_space<vmem>>, vector<16xf32>,
        %get3A_352 = arith.index_cast %scan3A_293 : i32 to index
        %get3A_353 = arith.constant 112 : index
        %get3A_354 = tpu.vector_load %arg12[%get3A_352, %get3A_353] {strides = array<i32>} : memref<128x128xf32, #tpu.memory_space<vmem>>, vector<16xf32>,
        %mul3A_355 = vector.broadcast %squeeze3A : f32 to vector<16xf32>
        %mul3A_356 = arith.mulf %get3A_354, %mul3A_355 : vector<16xf32>
        %swap3A_357 = arith.index_cast %scan3A_293 : i32 to index
        %swap3A_358 = arith.constant 112 : index
        %swap3A_359 = tpu.vector_load %arg12[%swap3A_357, %swap3A_358] {strides = array<i32>} : memref<128x128xf32, #tpu.memory_space<vmem>>, vector<16xf32>,
        tpu.vector_store %arg12[%swap3A_357, %swap3A_358], %mul3A_356 {strides = array<i32>} : memref<128x128xf32, #tpu.memory_space<vmem>>, vector<16xf32>,
      }
      %scan3A_292 = arith.constant 128 : i32
      "tpu.region"() ({
        %run_scoped3A = tpu.sem_alloc : memref<!tpu.dma_semaphore, #tpu.memory_space<semaphore_mem>>
        %dma_start3A_293 = arith.constant 0 : i32
        %dma_start3A_294 = arith.constant 0 : i32
        %dma_start3A_295 = tpu.memref_slice %arg11[%dma_start3A_293, %dma_start3A_294] : memref<10000x128xf32, #tpu.memory_space<vmem_shared>> -> memref<10000x128xf32, #tpu.memory_space<vmem_shared>>
        tpu.enqueue_indirect_dma source(%arg12 : memref<128x128xf32, #tpu.memory_space<vmem>>) target(%dma_start3A_295 : memref<10000x128xf32, #tpu.memory_space<vmem_shared>>) offsets(%arg17 : memref<128xi32, #tpu.memory_space<vmem>>) semaphore(%run_scoped3A : memref<!tpu.dma_semaphore, #tpu.memory_space<semaphore_mem>>) {add = true}
        %dma_wait3A_296 = arith.constant 0 : i32
        %dma_wait3A_297 = arith.constant 0 : i32
        %dma_wait3A_298 = tpu.memref_slice %arg11[%dma_wait3A_296, %dma_wait3A_297] : memref<10000x128xf32, #tpu.memory_space<vmem_shared>> -> memref<10000x128xf32, #tpu.memory_space<vmem_shared>>
        tpu.wait_indirect_dma semaphore(%run_scoped3A : memref<!tpu.dma_semaphore, #tpu.memory_space<semaphore_mem>>) src(%arg12 : memref<128x128xf32, #tpu.memory_space<vmem>>) dst(%dma_wait3A_298 : memref<10000x128xf32, #tpu.memory_space<vmem_shared>>)
        tpu.yield
      }) : () -> ()
    }
    %while3A_107 = arith.constant 1 : i32
    scf.for %while3A_119 = %while3A_105 to %while3A_101 step %while3A_107  : i32 {
      %mul3A_120 = arith.constant 128 : i32
      %mul3A_121 = arith.muli %while3A_119, %mul3A_120 : i32
      %dma_start3A = tpu.memref_slice %arg5[%mul3A_121] : memref<320000xi32, #tpu.memory_space<hbm>> -> memref<128xi32, #tpu.memory_space<hbm>>
      %dma_start3A_122 = tpu.memref_slice %arg5[%mul3A_121] : memref<320000xi32, #tpu.memory_space<hbm>> -> memref<128xi32, #tpu.memory_space<hbm>>
      tpu.enqueue_dma source(%dma_start3A_122 : memref<128xi32, #tpu.memory_space<hbm>>) target(%arg15 : memref<128xi32, #tpu.memory_space<vmem>>) target_semaphore(%arg21 : memref<!tpu.dma_semaphore, #tpu.memory_space<semaphore_mem>>)
      %dma_start3A_123 = tpu.memref_slice %arg6[%mul3A_121] : memref<320000xi32, #tpu.memory_space<hbm>> -> memref<128xi32, #tpu.memory_space<hbm>>
      %dma_start3A_124 = tpu.memref_slice %arg6[%mul3A_121] : memref<320000xi32, #tpu.memory_space<hbm>> -> memref<128xi32, #tpu.memory_space<hbm>>
      tpu.enqueue_dma source(%dma_start3A_124 : memref<128xi32, #tpu.memory_space<hbm>>) target(%arg16 : memref<128xi32, #tpu.memory_space<vmem>>) target_semaphore(%arg21 : memref<!tpu.dma_semaphore, #tpu.memory_space<semaphore_mem>>)
      %dma_start3A_125 = tpu.memref_slice %arg7[%mul3A_121] : memref<320000xi32, #tpu.memory_space<hbm>> -> memref<128xi32, #tpu.memory_space<hbm>>
      %dma_start3A_126 = tpu.memref_slice %arg7[%mul3A_121] : memref<320000xi32, #tpu.memory_space<hbm>> -> memref<128xi32, #tpu.memory_space<hbm>>
      tpu.enqueue_dma source(%dma_start3A_126 : memref<128xi32, #tpu.memory_space<hbm>>) target(%arg17 : memref<128xi32, #tpu.memory_space<vmem>>) target_semaphore(%arg21 : memref<!tpu.dma_semaphore, #tpu.memory_space<semaphore_mem>>)
      %dma_wait3A = tpu.memref_slice %arg5[%mul3A_121] : memref<320000xi32, #tpu.memory_space<hbm>> -> memref<128xi32, #tpu.memory_space<hbm>>
      %dma_wait3A_127 = tpu.memref_slice %arg5[%mul3A_121] : memref<320000xi32, #tpu.memory_space<hbm>> -> memref<128xi32, #tpu.memory_space<hbm>>
      tpu.wait_dma2 semaphore(%arg21 : memref<!tpu.dma_semaphore, #tpu.memory_space<semaphore_mem>>) src(%dma_wait3A_127 : memref<128xi32, #tpu.memory_space<hbm>>) dst(%arg15 : memref<128xi32, #tpu.memory_space<vmem>>)
      %dma_wait3A_128 = tpu.memref_slice %arg6[%mul3A_121] : memref<320000xi32, #tpu.memory_space<hbm>> -> memref<128xi32, #tpu.memory_space<hbm>>
      %dma_wait3A_129 = tpu.memref_slice %arg6[%mul3A_121] : memref<320000xi32, #tpu.memory_space<hbm>> -> memref<128xi32, #tpu.memory_space<hbm>>
      tpu.wait_dma2 semaphore(%arg21 : memref<!tpu.dma_semaphore, #tpu.memory_space<semaphore_mem>>) src(%dma_wait3A_129 : memref<128xi32, #tpu.memory_space<hbm>>) dst(%arg16 : memref<128xi32, #tpu.memory_space<vmem>>)
      %dma_wait3A_130 = tpu.memref_slice %arg7[%mul3A_121] : memref<320000xi32, #tpu.memory_space<hbm>> -> memref<128xi32, #tpu.memory_space<hbm>>
      %dma_wait3A_131 = tpu.memref_slice %arg7[%mul3A_121] : memref<320000xi32, #tpu.memory_space<hbm>> -> memref<128xi32, #tpu.memory_space<hbm>>
      tpu.wait_dma2 semaphore(%arg21 : memref<!tpu.dma_semaphore, #tpu.memory_space<semaphore_mem>>) src(%dma_wait3A_131 : memref<128xi32, #tpu.memory_space<hbm>>) dst(%arg17 : memref<128xi32, #tpu.memory_space<vmem>>)
      %dma_start3A_132 = arith.constant 0 : i32
      %dma_start3A_133 = arith.constant 0 : i32
      %dma_start3A_134 = tpu.memref_slice %arg2[%dma_start3A_132, %dma_start3A_133] : memref<80000x128xf32, #tpu.memory_space<hbm>> -> memref<80000x128xf32, #tpu.memory_space<hbm>>
      tpu.enqueue_indirect_dma source(%dma_start3A_134 : memref<80000x128xf32, #tpu.memory_space<hbm>>) target(%arg12 : memref<128x128xf32, #tpu.memory_space<vmem>>) offsets(%arg15 : memref<128xi32, #tpu.memory_space<vmem>>) semaphore(%arg22 : memref<!tpu.dma_semaphore, #tpu.memory_space<semaphore_mem>>)
      %dma_start3A_135 = arith.constant 0 : i32
      %dma_start3A_136 = tpu.memref_slice %arg3[%dma_start3A_135] : memref<80000xf32, #tpu.memory_space<hbm>> -> memref<80000xf32, #tpu.memory_space<hbm>>
      tpu.enqueue_indirect_dma source(%dma_start3A_136 : memref<80000xf32, #tpu.memory_space<hbm>>) target(%arg13 : memref<128xf32, #tpu.memory_space<vmem>>) offsets(%arg16 : memref<128xi32, #tpu.memory_space<vmem>>) semaphore(%arg22 : memref<!tpu.dma_semaphore, #tpu.memory_space<semaphore_mem>>)
      %dma_start3A_137 = arith.constant 0 : i32
      %dma_start3A_138 = tpu.memref_slice %arg4[%dma_start3A_137] : memref<80000xf32, #tpu.memory_space<hbm>> -> memref<80000xf32, #tpu.memory_space<hbm>>
      tpu.enqueue_indirect_dma source(%dma_start3A_138 : memref<80000xf32, #tpu.memory_space<hbm>>) target(%arg14 : memref<128xf32, #tpu.memory_space<vmem>>) offsets(%arg15 : memref<128xi32, #tpu.memory_space<vmem>>) semaphore(%arg22 : memref<!tpu.dma_semaphore, #tpu.memory_space<semaphore_mem>>)
      %dma_wait3A_139 = arith.constant 0 : i32
      %dma_wait3A_140 = arith.constant 0 : i32
      %dma_wait3A_141 = tpu.memref_slice %arg2[%dma_wait3A_139, %dma_wait3A_140] : memref<80000x128xf32, #tpu.memory_space<hbm>> -> memref<80000x128xf32, #tpu.memory_space<hbm>>
      tpu.wait_indirect_dma semaphore(%arg22 : memref<!tpu.dma_semaphore, #tpu.memory_space<semaphore_mem>>) src(%dma_wait3A_141 : memref<80000x128xf32, #tpu.memory_space<hbm>>) dst(%arg12 : memref<128x128xf32, #tpu.memory_space<vmem>>)
      %dma_wait3A_142 = arith.constant 0 : i32
      %dma_wait3A_143 = tpu.memref_slice %arg3[%dma_wait3A_142] : memref<80000xf32, #tpu.memory_space<hbm>> -> memref<80000xf32, #tpu.memory_space<hbm>>
      tpu.wait_indirect_dma semaphore(%arg22 : memref<!tpu.dma_semaphore, #tpu.memory_space<semaphore_mem>>) src(%dma_wait3A_143 : memref<80000xf32, #tpu.memory_space<hbm>>) dst(%arg13 : memref<128xf32, #tpu.memory_space<vmem>>)
      %dma_wait3A_144 = arith.constant 0 : i32
      %dma_wait3A_145 = tpu.memref_slice %arg4[%dma_wait3A_144] : memref<80000xf32, #tpu.memory_space<hbm>> -> memref<80000xf32, #tpu.memory_space<hbm>>
      tpu.wait_indirect_dma semaphore(%arg22 : memref<!tpu.dma_semaphore, #tpu.memory_space<semaphore_mem>>) src(%dma_wait3A_145 : memref<80000xf32, #tpu.memory_space<hbm>>) dst(%arg14 : memref<128xf32, #tpu.memory_space<vmem>>)
      %get3A_146 = arith.constant 0 : index
      %get3A_147 = tpu.vector_load %arg13[%get3A_146] {strides = array<i32>} : memref<128xf32, #tpu.memory_space<vmem>>, vector<16xf32>,
      %get3A_148 = arith.constant 0 : index
      %get3A_149 = tpu.vector_load %arg14[%get3A_148] {strides = array<i32>} : memref<128xf32, #tpu.memory_space<vmem>>, vector<16xf32>,
      %add3A_150 = arith.addf %get3A_147, %get3A_149 : vector<16xf32>
      %gt3A = arith.constant 0.000000e+00 : f32
      %gt3A_151 = vector.broadcast %gt3A : f32 to vector<16xf32>
      %gt3A_152 = arith.cmpf ogt, %add3A_150, %gt3A_151 : vector<16xf32>
      %mul3A_153 = arith.constant 2.000000e-01 : f32
      %mul3A_154 = vector.broadcast %mul3A_153 : f32 to vector<16xf32>
      %mul3A_155 = arith.mulf %mul3A_154, %add3A_150 : vector<16xf32>
      %select_n3A_156 = arith.select %gt3A_152, %add3A_150, %mul3A_155 : vector<16xi1>, vector<16xf32>
      %sub3A_157 = arith.subf %select_n3A_156, %get3A_44 : vector<16xf32>
      %exp3A = math.exp %sub3A_157 : vector<16xf32>
      %swap3A = arith.constant 0 : index
      %swap3A_158 = tpu.vector_load %arg18[%swap3A] {strides = array<i32>} : memref<144xf32, #tpu.memory_space<vmem>>, vector<16xf32>,
      tpu.vector_store %arg18[%swap3A], %exp3A {strides = array<i32>} : memref<144xf32, #tpu.memory_space<vmem>>, vector<16xf32>,
      %get3A_159 = arith.constant 0 : index
      %get3A_160 = tpu.vector_load %arg17[%get3A_159] {strides = array<i32>} : memref<128xi32, #tpu.memory_space<vmem>>, vector<16xi32>,
      tpu.vector_store_idx %arg20[%get3A_160], %exp3A {add = true} : memref<10000xf32, #tpu.memory_space<vmem>>[vector<16xi32>], vector<16xf32>,
      %get3A_161 = arith.constant 16 : index
      %get3A_162 = tpu.vector_load %arg13[%get3A_161] {strides = array<i32>} : memref<128xf32, #tpu.memory_space<vmem>>, vector<16xf32>,
      %get3A_163 = arith.constant 16 : index
      %get3A_164 = tpu.vector_load %arg14[%get3A_163] {strides = array<i32>} : memref<128xf32, #tpu.memory_space<vmem>>, vector<16xf32>,
      %add3A_165 = arith.addf %get3A_162, %get3A_164 : vector<16xf32>
      %gt3A_166 = arith.constant 0.000000e+00 : f32
      %gt3A_167 = vector.broadcast %gt3A_166 : f32 to vector<16xf32>
      %gt3A_168 = arith.cmpf ogt, %add3A_165, %gt3A_167 : vector<16xf32>
      %mul3A_169 = arith.constant 2.000000e-01 : f32
      %mul3A_170 = vector.broadcast %mul3A_169 : f32 to vector<16xf32>
      %mul3A_171 = arith.mulf %mul3A_170, %add3A_165 : vector<16xf32>
      %select_n3A_172 = arith.select %gt3A_168, %add3A_165, %mul3A_171 : vector<16xi1>, vector<16xf32>
      %sub3A_173 = arith.subf %select_n3A_172, %get3A_44 : vector<16xf32>
      %exp3A_174 = math.exp %sub3A_173 : vector<16xf32>
      %swap3A_175 = arith.constant 16 : index
      %swap3A_176 = tpu.vector_load %arg18[%swap3A_175] {strides = array<i32>} : memref<144xf32, #tpu.memory_space<vmem>>, vector<16xf32>,
      tpu.vector_store %arg18[%swap3A_175], %exp3A_174 {strides = array<i32>} : memref<144xf32, #tpu.memory_space<vmem>>, vector<16xf32>,
      %get3A_177 = arith.constant 16 : index
      %get3A_178 = tpu.vector_load %arg17[%get3A_177] {strides = array<i32>} : memref<128xi32, #tpu.memory_space<vmem>>, vector<16xi32>,
      tpu.vector_store_idx %arg20[%get3A_178], %exp3A_174 {add = true} : memref<10000xf32, #tpu.memory_space<vmem>>[vector<16xi32>], vector<16xf32>,
      %get3A_179 = arith.constant 32 : index
      %get3A_180 = tpu.vector_load %arg13[%get3A_179] {strides = array<i32>} : memref<128xf32, #tpu.memory_space<vmem>>, vector<16xf32>,
      %get3A_181 = arith.constant 32 : index
      %get3A_182 = tpu.vector_load %arg14[%get3A_181] {strides = array<i32>} : memref<128xf32, #tpu.memory_space<vmem>>, vector<16xf32>,
      %add3A_183 = arith.addf %get3A_180, %get3A_182 : vector<16xf32>
      %gt3A_184 = arith.constant 0.000000e+00 : f32
      %gt3A_185 = vector.broadcast %gt3A_184 : f32 to vector<16xf32>
      %gt3A_186 = arith.cmpf ogt, %add3A_183, %gt3A_185 : vector<16xf32>
      %mul3A_187 = arith.constant 2.000000e-01 : f32
      %mul3A_188 = vector.broadcast %mul3A_187 : f32 to vector<16xf32>
      %mul3A_189 = arith.mulf %mul3A_188, %add3A_183 : vector<16xf32>
      %select_n3A_190 = arith.select %gt3A_186, %add3A_183, %mul3A_189 : vector<16xi1>, vector<16xf32>
      %sub3A_191 = arith.subf %select_n3A_190, %get3A_44 : vector<16xf32>
      %exp3A_192 = math.exp %sub3A_191 : vector<16xf32>
      %swap3A_193 = arith.constant 32 : index
      %swap3A_194 = tpu.vector_load %arg18[%swap3A_193] {strides = array<i32>} : memref<144xf32, #tpu.memory_space<vmem>>, vector<16xf32>,
      tpu.vector_store %arg18[%swap3A_193], %exp3A_192 {strides = array<i32>} : memref<144xf32, #tpu.memory_space<vmem>>, vector<16xf32>,
      %get3A_195 = arith.constant 32 : index
      %get3A_196 = tpu.vector_load %arg17[%get3A_195] {strides = array<i32>} : memref<128xi32, #tpu.memory_space<vmem>>, vector<16xi32>,
      tpu.vector_store_idx %arg20[%get3A_196], %exp3A_192 {add = true} : memref<10000xf32, #tpu.memory_space<vmem>>[vector<16xi32>], vector<16xf32>,
      %get3A_197 = arith.constant 48 : index
      %get3A_198 = tpu.vector_load %arg13[%get3A_197] {strides = array<i32>} : memref<128xf32, #tpu.memory_space<vmem>>, vector<16xf32>,
      %get3A_199 = arith.constant 48 : index
      %get3A_200 = tpu.vector_load %arg14[%get3A_199] {strides = array<i32>} : memref<128xf32, #tpu.memory_space<vmem>>, vector<16xf32>,
      %add3A_201 = arith.addf %get3A_198, %get3A_200 : vector<16xf32>
      %gt3A_202 = arith.constant 0.000000e+00 : f32
      %gt3A_203 = vector.broadcast %gt3A_202 : f32 to vector<16xf32>
      %gt3A_204 = arith.cmpf ogt, %add3A_201, %gt3A_203 : vector<16xf32>
      %mul3A_205 = arith.constant 2.000000e-01 : f32
      %mul3A_206 = vector.broadcast %mul3A_205 : f32 to vector<16xf32>
      %mul3A_207 = arith.mulf %mul3A_206, %add3A_201 : vector<16xf32>
      %select_n3A_208 = arith.select %gt3A_204, %add3A_201, %mul3A_207 : vector<16xi1>, vector<16xf32>
      %sub3A_209 = arith.subf %select_n3A_208, %get3A_44 : vector<16xf32>
      %exp3A_210 = math.exp %sub3A_209 : vector<16xf32>
      %swap3A_211 = arith.constant 48 : index
      %swap3A_212 = tpu.vector_load %arg18[%swap3A_211] {strides = array<i32>} : memref<144xf32, #tpu.memory_space<vmem>>, vector<16xf32>,
      tpu.vector_store %arg18[%swap3A_211], %exp3A_210 {strides = array<i32>} : memref<144xf32, #tpu.memory_space<vmem>>, vector<16xf32>,
      %get3A_213 = arith.constant 48 : index
      %get3A_214 = tpu.vector_load %arg17[%get3A_213] {strides = array<i32>} : memref<128xi32, #tpu.memory_space<vmem>>, vector<16xi32>,
      tpu.vector_store_idx %arg20[%get3A_214], %exp3A_210 {add = true} : memref<10000xf32, #tpu.memory_space<vmem>>[vector<16xi32>], vector<16xf32>,
      %get3A_215 = arith.constant 64 : index
      %get3A_216 = tpu.vector_load %arg13[%get3A_215] {strides = array<i32>} : memref<128xf32, #tpu.memory_space<vmem>>, vector<16xf32>,
      %get3A_217 = arith.constant 64 : index
      %get3A_218 = tpu.vector_load %arg14[%get3A_217] {strides = array<i32>} : memref<128xf32, #tpu.memory_space<vmem>>, vector<16xf32>,
      %add3A_219 = arith.addf %get3A_216, %get3A_218 : vector<16xf32>
      %gt3A_220 = arith.constant 0.000000e+00 : f32
      %gt3A_221 = vector.broadcast %gt3A_220 : f32 to vector<16xf32>
      %gt3A_222 = arith.cmpf ogt, %add3A_219, %gt3A_221 : vector<16xf32>
      %mul3A_223 = arith.constant 2.000000e-01 : f32
      %mul3A_224 = vector.broadcast %mul3A_223 : f32 to vector<16xf32>
      %mul3A_225 = arith.mulf %mul3A_224, %add3A_219 : vector<16xf32>
      %select_n3A_226 = arith.select %gt3A_222, %add3A_219, %mul3A_225 : vector<16xi1>, vector<16xf32>
      %sub3A_227 = arith.subf %select_n3A_226, %get3A_44 : vector<16xf32>
      %exp3A_228 = math.exp %sub3A_227 : vector<16xf32>
      %swap3A_229 = arith.constant 64 : index
      %swap3A_230 = tpu.vector_load %arg18[%swap3A_229] {strides = array<i32>} : memref<144xf32, #tpu.memory_space<vmem>>, vector<16xf32>,
      tpu.vector_store %arg18[%swap3A_229], %exp3A_228 {strides = array<i32>} : memref<144xf32, #tpu.memory_space<vmem>>, vector<16xf32>,
      %get3A_231 = arith.constant 64 : index
      %get3A_232 = tpu.vector_load %arg17[%get3A_231] {strides = array<i32>} : memref<128xi32, #tpu.memory_space<vmem>>, vector<16xi32>,
      tpu.vector_store_idx %arg20[%get3A_232], %exp3A_228 {add = true} : memref<10000xf32, #tpu.memory_space<vmem>>[vector<16xi32>], vector<16xf32>,
      %get3A_233 = arith.constant 80 : index
      %get3A_234 = tpu.vector_load %arg13[%get3A_233] {strides = array<i32>} : memref<128xf32, #tpu.memory_space<vmem>>, vector<16xf32>,
      %get3A_235 = arith.constant 80 : index
      %get3A_236 = tpu.vector_load %arg14[%get3A_235] {strides = array<i32>} : memref<128xf32, #tpu.memory_space<vmem>>, vector<16xf32>,
      %add3A_237 = arith.addf %get3A_234, %get3A_236 : vector<16xf32>
      %gt3A_238 = arith.constant 0.000000e+00 : f32
      %gt3A_239 = vector.broadcast %gt3A_238 : f32 to vector<16xf32>
      %gt3A_240 = arith.cmpf ogt, %add3A_237, %gt3A_239 : vector<16xf32>
      %mul3A_241 = arith.constant 2.000000e-01 : f32
      %mul3A_242 = vector.broadcast %mul3A_241 : f32 to vector<16xf32>
      %mul3A_243 = arith.mulf %mul3A_242, %add3A_237 : vector<16xf32>
      %select_n3A_244 = arith.select %gt3A_240, %add3A_237, %mul3A_243 : vector<16xi1>, vector<16xf32>
      %sub3A_245 = arith.subf %select_n3A_244, %get3A_44 : vector<16xf32>
      %exp3A_246 = math.exp %sub3A_245 : vector<16xf32>
      %swap3A_247 = arith.constant 80 : index
      %swap3A_248 = tpu.vector_load %arg18[%swap3A_247] {strides = array<i32>} : memref<144xf32, #tpu.memory_space<vmem>>, vector<16xf32>,
      tpu.vector_store %arg18[%swap3A_247], %exp3A_246 {strides = array<i32>} : memref<144xf32, #tpu.memory_space<vmem>>, vector<16xf32>,
      %get3A_249 = arith.constant 80 : index
      %get3A_250 = tpu.vector_load %arg17[%get3A_249] {strides = array<i32>} : memref<128xi32, #tpu.memory_space<vmem>>, vector<16xi32>,
      tpu.vector_store_idx %arg20[%get3A_250], %exp3A_246 {add = true} : memref<10000xf32, #tpu.memory_space<vmem>>[vector<16xi32>], vector<16xf32>,
      %get3A_251 = arith.constant 96 : index
      %get3A_252 = tpu.vector_load %arg13[%get3A_251] {strides = array<i32>} : memref<128xf32, #tpu.memory_space<vmem>>, vector<16xf32>,
      %get3A_253 = arith.constant 96 : index
      %get3A_254 = tpu.vector_load %arg14[%get3A_253] {strides = array<i32>} : memref<128xf32, #tpu.memory_space<vmem>>, vector<16xf32>,
      %add3A_255 = arith.addf %get3A_252, %get3A_254 : vector<16xf32>
      %gt3A_256 = arith.constant 0.000000e+00 : f32
      %gt3A_257 = vector.broadcast %gt3A_256 : f32 to vector<16xf32>
      %gt3A_258 = arith.cmpf ogt, %add3A_255, %gt3A_257 : vector<16xf32>
      %mul3A_259 = arith.constant 2.000000e-01 : f32
      %mul3A_260 = vector.broadcast %mul3A_259 : f32 to vector<16xf32>
      %mul3A_261 = arith.mulf %mul3A_260, %add3A_255 : vector<16xf32>
      %select_n3A_262 = arith.select %gt3A_258, %add3A_255, %mul3A_261 : vector<16xi1>, vector<16xf32>
      %sub3A_263 = arith.subf %select_n3A_262, %get3A_44 : vector<16xf32>
      %exp3A_264 = math.exp %sub3A_263 : vector<16xf32>
      %swap3A_265 = arith.constant 96 : index
      %swap3A_266 = tpu.vector_load %arg18[%swap3A_265] {strides = array<i32>} : memref<144xf32, #tpu.memory_space<vmem>>, vector<16xf32>,
      tpu.vector_store %arg18[%swap3A_265], %exp3A_264 {strides = array<i32>} : memref<144xf32, #tpu.memory_space<vmem>>, vector<16xf32>,
      %get3A_267 = arith.constant 96 : index
      %get3A_268 = tpu.vector_load %arg17[%get3A_267] {strides = array<i32>} : memref<128xi32, #tpu.memory_space<vmem>>, vector<16xi32>,
      tpu.vector_store_idx %arg20[%get3A_268], %exp3A_264 {add = true} : memref<10000xf32, #tpu.memory_space<vmem>>[vector<16xi32>], vector<16xf32>,
      %get3A_269 = arith.constant 112 : index
      %get3A_270 = tpu.vector_load %arg13[%get3A_269] {strides = array<i32>} : memref<128xf32, #tpu.memory_space<vmem>>, vector<16xf32>,
      %get3A_271 = arith.constant 112 : index
      %get3A_272 = tpu.vector_load %arg14[%get3A_271] {strides = array<i32>} : memref<128xf32, #tpu.memory_space<vmem>>, vector<16xf32>,
      %add3A_273 = arith.addf %get3A_270, %get3A_272 : vector<16xf32>
      %gt3A_274 = arith.constant 0.000000e+00 : f32
      %gt3A_275 = vector.broadcast %gt3A_274 : f32 to vector<16xf32>
      %gt3A_276 = arith.cmpf ogt, %add3A_273, %gt3A_275 : vector<16xf32>
      %mul3A_277 = arith.constant 2.000000e-01 : f32
      %mul3A_278 = vector.broadcast %mul3A_277 : f32 to vector<16xf32>
      %mul3A_279 = arith.mulf %mul3A_278, %add3A_273 : vector<16xf32>
      %select_n3A_280 = arith.select %gt3A_276, %add3A_273, %mul3A_279 : vector<16xi1>, vector<16xf32>
      %sub3A_281 = arith.subf %select_n3A_280, %get3A_44 : vector<16xf32>
      %exp3A_282 = math.exp %sub3A_281 : vector<16xf32>
      %swap3A_283 = arith.constant 112 : index
      %swap3A_284 = tpu.vector_load %arg18[%swap3A_283] {strides = array<i32>} : memref<144xf32, #tpu.memory_space<vmem>>, vector<16xf32>,
      tpu.vector_store %arg18[%swap3A_283], %exp3A_282 {strides = array<i32>} : memref<144xf32, #tpu.memory_space<vmem>>, vector<16xf32>,
      %get3A_285 = arith.constant 112 : index
      %get3A_286 = tpu.vector_load %arg17[%get3A_285] {strides = array<i32>} : memref<128xi32, #tpu.memory_space<vmem>>, vector<16xi32>,
      tpu.vector_store_idx %arg20[%get3A_286], %exp3A_282 {add = true} : memref<10000xf32, #tpu.memory_space<vmem>>[vector<16xi32>], vector<16xf32>,
      %scan3A_287 = arith.constant 0 : i32
      %scan3A_288 = arith.constant 0 : i32
      %scan3A_289 = arith.constant 128 : i32
      %scan3A_290 = arith.addi %scan3A_288, %scan3A_289 : i32
      %scan3A_291 = arith.constant 1 : i32
      scf.for %scan3A_293 = %scan3A_288 to %scan3A_290 step %scan3A_291  : i32 {
        %get3A_294 = arith.index_cast %scan3A_293 : i32 to index
        %get3A_295 = tpu.vector_load %arg18[%get3A_294] {strides = array<i32>} : memref<144xf32, #tpu.memory_space<vmem>>, vector<16xf32>,
        %slice3A = vector.extract_strided_slice %get3A_295 {offsets = [0], sizes = [1], strides = [1]} : vector<16xf32> to vector<1xf32>
        %squeeze3A = vector.extract %slice3A[0] : f32 from vector<1xf32>
        %get3A_296 = arith.index_cast %scan3A_293 : i32 to index
        %get3A_297 = arith.constant 0 : index
        %get3A_298 = tpu.vector_load %arg12[%get3A_296, %get3A_297] {strides = array<i32>} : memref<128x128xf32, #tpu.memory_space<vmem>>, vector<16xf32>,
        %mul3A_299 = vector.broadcast %squeeze3A : f32 to vector<16xf32>
        %mul3A_300 = arith.mulf %get3A_298, %mul3A_299 : vector<16xf32>
        %swap3A_301 = arith.index_cast %scan3A_293 : i32 to index
        %swap3A_302 = arith.constant 0 : index
        %swap3A_303 = tpu.vector_load %arg12[%swap3A_301, %swap3A_302] {strides = array<i32>} : memref<128x128xf32, #tpu.memory_space<vmem>>, vector<16xf32>,
        tpu.vector_store %arg12[%swap3A_301, %swap3A_302], %mul3A_300 {strides = array<i32>} : memref<128x128xf32, #tpu.memory_space<vmem>>, vector<16xf32>,
        %get3A_304 = arith.index_cast %scan3A_293 : i32 to index
        %get3A_305 = arith.constant 16 : index
        %get3A_306 = tpu.vector_load %arg12[%get3A_304, %get3A_305] {strides = array<i32>} : memref<128x128xf32, #tpu.memory_space<vmem>>, vector<16xf32>,
        %mul3A_307 = vector.broadcast %squeeze3A : f32 to vector<16xf32>
        %mul3A_308 = arith.mulf %get3A_306, %mul3A_307 : vector<16xf32>
        %swap3A_309 = arith.index_cast %scan3A_293 : i32 to index
        %swap3A_310 = arith.constant 16 : index
        %swap3A_311 = tpu.vector_load %arg12[%swap3A_309, %swap3A_310] {strides = array<i32>} : memref<128x128xf32, #tpu.memory_space<vmem>>, vector<16xf32>,
        tpu.vector_store %arg12[%swap3A_309, %swap3A_310], %mul3A_308 {strides = array<i32>} : memref<128x128xf32, #tpu.memory_space<vmem>>, vector<16xf32>,
        %get3A_312 = arith.index_cast %scan3A_293 : i32 to index
        %get3A_313 = arith.constant 32 : index
        %get3A_314 = tpu.vector_load %arg12[%get3A_312, %get3A_313] {strides = array<i32>} : memref<128x128xf32, #tpu.memory_space<vmem>>, vector<16xf32>,
        %mul3A_315 = vector.broadcast %squeeze3A : f32 to vector<16xf32>
        %mul3A_316 = arith.mulf %get3A_314, %mul3A_315 : vector<16xf32>
        %swap3A_317 = arith.index_cast %scan3A_293 : i32 to index
        %swap3A_318 = arith.constant 32 : index
        %swap3A_319 = tpu.vector_load %arg12[%swap3A_317, %swap3A_318] {strides = array<i32>} : memref<128x128xf32, #tpu.memory_space<vmem>>, vector<16xf32>,
        tpu.vector_store %arg12[%swap3A_317, %swap3A_318], %mul3A_316 {strides = array<i32>} : memref<128x128xf32, #tpu.memory_space<vmem>>, vector<16xf32>,
        %get3A_320 = arith.index_cast %scan3A_293 : i32 to index
        %get3A_321 = arith.constant 48 : index
        %get3A_322 = tpu.vector_load %arg12[%get3A_320, %get3A_321] {strides = array<i32>} : memref<128x128xf32, #tpu.memory_space<vmem>>, vector<16xf32>,
        %mul3A_323 = vector.broadcast %squeeze3A : f32 to vector<16xf32>
        %mul3A_324 = arith.mulf %get3A_322, %mul3A_323 : vector<16xf32>
        %swap3A_325 = arith.index_cast %scan3A_293 : i32 to index
        %swap3A_326 = arith.constant 48 : index
        %swap3A_327 = tpu.vector_load %arg12[%swap3A_325, %swap3A_326] {strides = array<i32>} : memref<128x128xf32, #tpu.memory_space<vmem>>, vector<16xf32>,
        tpu.vector_store %arg12[%swap3A_325, %swap3A_326], %mul3A_324 {strides = array<i32>} : memref<128x128xf32, #tpu.memory_space<vmem>>, vector<16xf32>,
        %get3A_328 = arith.index_cast %scan3A_293 : i32 to index
        %get3A_329 = arith.constant 64 : index
        %get3A_330 = tpu.vector_load %arg12[%get3A_328, %get3A_329] {strides = array<i32>} : memref<128x128xf32, #tpu.memory_space<vmem>>, vector<16xf32>,
        %mul3A_331 = vector.broadcast %squeeze3A : f32 to vector<16xf32>
        %mul3A_332 = arith.mulf %get3A_330, %mul3A_331 : vector<16xf32>
        %swap3A_333 = arith.index_cast %scan3A_293 : i32 to index
        %swap3A_334 = arith.constant 64 : index
        %swap3A_335 = tpu.vector_load %arg12[%swap3A_333, %swap3A_334] {strides = array<i32>} : memref<128x128xf32, #tpu.memory_space<vmem>>, vector<16xf32>,
        tpu.vector_store %arg12[%swap3A_333, %swap3A_334], %mul3A_332 {strides = array<i32>} : memref<128x128xf32, #tpu.memory_space<vmem>>, vector<16xf32>,
        %get3A_336 = arith.index_cast %scan3A_293 : i32 to index
        %get3A_337 = arith.constant 80 : index
        %get3A_338 = tpu.vector_load %arg12[%get3A_336, %get3A_337] {strides = array<i32>} : memref<128x128xf32, #tpu.memory_space<vmem>>, vector<16xf32>,
        %mul3A_339 = vector.broadcast %squeeze3A : f32 to vector<16xf32>
        %mul3A_340 = arith.mulf %get3A_338, %mul3A_339 : vector<16xf32>
        %swap3A_341 = arith.index_cast %scan3A_293 : i32 to index
        %swap3A_342 = arith.constant 80 : index
        %swap3A_343 = tpu.vector_load %arg12[%swap3A_341, %swap3A_342] {strides = array<i32>} : memref<128x128xf32, #tpu.memory_space<vmem>>, vector<16xf32>,
        tpu.vector_store %arg12[%swap3A_341, %swap3A_342], %mul3A_340 {strides = array<i32>} : memref<128x128xf32, #tpu.memory_space<vmem>>, vector<16xf32>,
        %get3A_344 = arith.index_cast %scan3A_293 : i32 to index
        %get3A_345 = arith.constant 96 : index
        %get3A_346 = tpu.vector_load %arg12[%get3A_344, %get3A_345] {strides = array<i32>} : memref<128x128xf32, #tpu.memory_space<vmem>>, vector<16xf32>,
        %mul3A_347 = vector.broadcast %squeeze3A : f32 to vector<16xf32>
        %mul3A_348 = arith.mulf %get3A_346, %mul3A_347 : vector<16xf32>
        %swap3A_349 = arith.index_cast %scan3A_293 : i32 to index
        %swap3A_350 = arith.constant 96 : index
        %swap3A_351 = tpu.vector_load %arg12[%swap3A_349, %swap3A_350] {strides = array<i32>} : memref<128x128xf32, #tpu.memory_space<vmem>>, vector<16xf32>,
        tpu.vector_store %arg12[%swap3A_349, %swap3A_350], %mul3A_348 {strides = array<i32>} : memref<128x128xf32, #tpu.memory_space<vmem>>, vector<16xf32>,
        %get3A_352 = arith.index_cast %scan3A_293 : i32 to index
        %get3A_353 = arith.constant 112 : index
        %get3A_354 = tpu.vector_load %arg12[%get3A_352, %get3A_353] {strides = array<i32>} : memref<128x128xf32, #tpu.memory_space<vmem>>, vector<16xf32>,
        %mul3A_355 = vector.broadcast %squeeze3A : f32 to vector<16xf32>
        %mul3A_356 = arith.mulf %get3A_354, %mul3A_355 : vector<16xf32>
        %swap3A_357 = arith.index_cast %scan3A_293 : i32 to index
        %swap3A_358 = arith.constant 112 : index
        %swap3A_359 = tpu.vector_load %arg12[%swap3A_357, %swap3A_358] {strides = array<i32>} : memref<128x128xf32, #tpu.memory_space<vmem>>, vector<16xf32>,
        tpu.vector_store %arg12[%swap3A_357, %swap3A_358], %mul3A_356 {strides = array<i32>} : memref<128x128xf32, #tpu.memory_space<vmem>>, vector<16xf32>,
      }
      %scan3A_292 = arith.constant 128 : i32
      "tpu.region"() ({
        %run_scoped3A = tpu.sem_alloc : memref<!tpu.dma_semaphore, #tpu.memory_space<semaphore_mem>>
        %dma_start3A_293 = arith.constant 0 : i32
        %dma_start3A_294 = arith.constant 0 : i32
        %dma_start3A_295 = tpu.memref_slice %arg11[%dma_start3A_293, %dma_start3A_294] : memref<10000x128xf32, #tpu.memory_space<vmem_shared>> -> memref<10000x128xf32, #tpu.memory_space<vmem_shared>>
        tpu.enqueue_indirect_dma source(%arg12 : memref<128x128xf32, #tpu.memory_space<vmem>>) target(%dma_start3A_295 : memref<10000x128xf32, #tpu.memory_space<vmem_shared>>) offsets(%arg17 : memref<128xi32, #tpu.memory_space<vmem>>) semaphore(%run_scoped3A : memref<!tpu.dma_semaphore, #tpu.memory_space<semaphore_mem>>) {add = true}
        %dma_wait3A_296 = arith.constant 0 : i32
        %dma_wait3A_297 = arith.constant 0 : i32
        %dma_wait3A_298 = tpu.memref_slice %arg11[%dma_wait3A_296, %dma_wait3A_297] : memref<10000x128xf32, #tpu.memory_space<vmem_shared>> -> memref<10000x128xf32, #tpu.memory_space<vmem_shared>>
        tpu.wait_indirect_dma semaphore(%run_scoped3A : memref<!tpu.dma_semaphore, #tpu.memory_space<semaphore_mem>>) src(%arg12 : memref<128x128xf32, #tpu.memory_space<vmem>>) dst(%dma_wait3A_298 : memref<10000x128xf32, #tpu.memory_space<vmem_shared>>)
        tpu.yield
      }) : () -> ()
    }
    %barrier3A_108 = arith.constant 0 : index
    tpu.barrier barrier_id(%barrier3A_108)
    %while3A_109 = arith.constant 0 : i32
    %while3A_110 = arith.constant 0 : i32
    %while3A_111 = arith.subi %select_n3A, %while3A_110 : i32
    %while3A_112 = arith.addi %while3A_110, %while3A_111 : i32
    %while3A_113 = arith.constant 1 : i32
    %while3A_114 = arith.divsi %while3A_111, %while3A_113 : i32
    %while3A_115 = arith.muli %while3A_114, %while3A_113 : i32
    %while3A_116 = arith.addi %while3A_110, %while3A_115 : i32
    %while3A_117 = arith.constant 1 : i32
    scf.for %while3A_119 = %while3A_110 to %while3A_116 step %while3A_117  : i32 {
      %mul3A_120 = arith.constant 16 : i32
      %mul3A_121 = arith.muli %while3A_119, %mul3A_120 : i32
      %add3A_122 = arith.addi %arg1, %mul3A_121 : i32
      %mul3A_123 = arith.constant 80 : i32
      %mul3A_124 = arith.muli %add3A_122, %mul3A_123 : i32
      "tpu.region"() ({
        %run_scoped3A = tpu.sem_alloc : memref<!tpu.dma_semaphore, #tpu.memory_space<semaphore_mem>>
        %dma_start3A = arith.constant 0 : i32
        %dma_start3A_125 = tpu.memref_slice %arg9[%arg0, %mul3A_124, %dma_start3A] : memref<2x10000x128xf32, #tpu.memory_space<hbm>> -> memref<1x80x128xf32, #tpu.memory_space<hbm>>
        %dma_start3A_126 = tpu.memref_squeeze %dma_start3A_125 : memref<1x80x128xf32, #tpu.memory_space<hbm>> -> memref<80x128xf32, #tpu.memory_space<hbm>>
        %dma_start3A_127 = arith.constant 0 : i32
        %dma_start3A_128 = tpu.memref_slice %arg11[%mul3A_124, %dma_start3A_127] : memref<10000x128xf32, #tpu.memory_space<vmem_shared>> -> memref<80x128xf32, #tpu.memory_space<vmem_shared>>
        tpu.enqueue_dma source(%dma_start3A_128 : memref<80x128xf32, #tpu.memory_space<vmem_shared>>) target(%dma_start3A_126 : memref<80x128xf32, #tpu.memory_space<hbm>>) target_semaphore(%run_scoped3A : memref<!tpu.dma_semaphore, #tpu.memory_space<semaphore_mem>>)
        %dma_wait3A = arith.constant 0 : i32
        %dma_wait3A_129 = tpu.memref_slice %arg9[%arg0, %mul3A_124, %dma_wait3A] : memref<2x10000x128xf32, #tpu.memory_space<hbm>> -> memref<1x80x128xf32, #tpu.memory_space<hbm>>
        %dma_wait3A_130 = tpu.memref_squeeze %dma_wait3A_129 : memref<1x80x128xf32, #tpu.memory_space<hbm>> -> memref<80x128xf32, #tpu.memory_space<hbm>>
        %dma_wait3A_131 = arith.constant 0 : i32
        %dma_wait3A_132 = tpu.memref_slice %arg11[%mul3A_124, %dma_wait3A_131] : memref<10000x128xf32, #tpu.memory_space<vmem_shared>> -> memref<80x128xf32, #tpu.memory_space<vmem_shared>>
        tpu.wait_dma2 semaphore(%run_scoped3A : memref<!tpu.dma_semaphore, #tpu.memory_space<semaphore_mem>>) src(%dma_wait3A_132 : memref<80x128xf32, #tpu.memory_space<vmem_shared>>) dst(%dma_wait3A_130 : memref<80x128xf32, #tpu.memory_space<hbm>>)
        tpu.yield
      }) : () -> ()
    }
    %while3A_118 = arith.constant 1 : i32
    scf.for %while3A_119 = %while3A_116 to %while3A_112 step %while3A_118  : i32 {
      %mul3A_120 = arith.constant 16 : i32
      %mul3A_121 = arith.muli %while3A_119, %mul3A_120 : i32
      %add3A_122 = arith.addi %arg1, %mul3A_121 : i32
      %mul3A_123 = arith.constant 80 : i32
      %mul3A_124 = arith.muli %add3A_122, %mul3A_123 : i32
      "tpu.region"() ({
        %run_scoped3A = tpu.sem_alloc : memref<!tpu.dma_semaphore, #tpu.memory_space<semaphore_mem>>
        %dma_start3A = arith.constant 0 : i32
        %dma_start3A_125 = tpu.memref_slice %arg9[%arg0, %mul3A_124, %dma_start3A] : memref<2x10000x128xf32, #tpu.memory_space<hbm>> -> memref<1x80x128xf32, #tpu.memory_space<hbm>>
        %dma_start3A_126 = tpu.memref_squeeze %dma_start3A_125 : memref<1x80x128xf32, #tpu.memory_space<hbm>> -> memref<80x128xf32, #tpu.memory_space<hbm>>
        %dma_start3A_127 = arith.constant 0 : i32
        %dma_start3A_128 = tpu.memref_slice %arg11[%mul3A_124, %dma_start3A_127] : memref<10000x128xf32, #tpu.memory_space<vmem_shared>> -> memref<80x128xf32, #tpu.memory_space<vmem_shared>>
        tpu.enqueue_dma source(%dma_start3A_128 : memref<80x128xf32, #tpu.memory_space<vmem_shared>>) target(%dma_start3A_126 : memref<80x128xf32, #tpu.memory_space<hbm>>) target_semaphore(%run_scoped3A : memref<!tpu.dma_semaphore, #tpu.memory_space<semaphore_mem>>)
        %dma_wait3A = arith.constant 0 : i32
        %dma_wait3A_129 = tpu.memref_slice %arg9[%arg0, %mul3A_124, %dma_wait3A] : memref<2x10000x128xf32, #tpu.memory_space<hbm>> -> memref<1x80x128xf32, #tpu.memory_space<hbm>>
        %dma_wait3A_130 = tpu.memref_squeeze %dma_wait3A_129 : memref<1x80x128xf32, #tpu.memory_space<hbm>> -> memref<80x128xf32, #tpu.memory_space<hbm>>
        %dma_wait3A_131 = arith.constant 0 : i32
        %dma_wait3A_132 = tpu.memref_slice %arg11[%mul3A_124, %dma_wait3A_131] : memref<10000x128xf32, #tpu.memory_space<vmem_shared>> -> memref<80x128xf32, #tpu.memory_space<vmem_shared>>
        tpu.wait_dma2 semaphore(%run_scoped3A : memref<!tpu.dma_semaphore, #tpu.memory_space<semaphore_mem>>) src(%dma_wait3A_132 : memref<80x128xf32, #tpu.memory_space<vmem_shared>>) dst(%dma_wait3A_130 : memref<80x128xf32, #tpu.memory_space<hbm>>)
        tpu.yield
      }) : () -> ()
    }
    "tpu.region"() ({
      %run_scoped3A = tpu.sem_alloc : memref<!tpu.dma_semaphore, #tpu.memory_space<semaphore_mem>>
      %dma_start3A = arith.constant 0 : i32
      %dma_start3A_119 = tpu.memref_slice %arg10[%arg0, %arg1, %dma_start3A] : memref<2x16x10000xf32, #tpu.memory_space<hbm>> -> memref<1x1x10000xf32, #tpu.memory_space<hbm>>
      %dma_start3A_120 = tpu.memref_squeeze %dma_start3A_119 : memref<1x1x10000xf32, #tpu.memory_space<hbm>> -> memref<10000xf32, #tpu.memory_space<hbm>>
      %dma_start3A_121 = arith.constant 0 : i32
      %dma_start3A_122 = tpu.memref_slice %arg10[%arg0, %arg1, %dma_start3A_121] : memref<2x16x10000xf32, #tpu.memory_space<hbm>> -> memref<1x1x10000xf32, #tpu.memory_space<hbm>>
      %dma_start3A_123 = tpu.memref_squeeze %dma_start3A_122 : memref<1x1x10000xf32, #tpu.memory_space<hbm>> -> memref<10000xf32, #tpu.memory_space<hbm>>
      tpu.enqueue_dma source(%arg20 : memref<10000xf32, #tpu.memory_space<vmem>>) target(%dma_start3A_123 : memref<10000xf32, #tpu.memory_space<hbm>>) target_semaphore(%run_scoped3A : memref<!tpu.dma_semaphore, #tpu.memory_space<semaphore_mem>>)
      %dma_wait3A = arith.constant 0 : i32
      %dma_wait3A_124 = tpu.memref_slice %arg10[%arg0, %arg1, %dma_wait3A] : memref<2x16x10000xf32, #tpu.memory_space<hbm>> -> memref<1x1x10000xf32, #tpu.memory_space<hbm>>
      %dma_wait3A_125 = tpu.memref_squeeze %dma_wait3A_124 : memref<1x1x10000xf32, #tpu.memory_space<hbm>> -> memref<10000xf32, #tpu.memory_space<hbm>>
      %dma_wait3A_126 = arith.constant 0 : i32
      %dma_wait3A_127 = tpu.memref_slice %arg10[%arg0, %arg1, %dma_wait3A_126] : memref<2x16x10000xf32, #tpu.memory_space<hbm>> -> memref<1x1x10000xf32, #tpu.memory_space<hbm>>
      %dma_wait3A_128 = tpu.memref_squeeze %dma_wait3A_127 : memref<1x1x10000xf32, #tpu.memory_space<hbm>> -> memref<10000xf32, #tpu.memory_space<hbm>>
      tpu.wait_dma2 semaphore(%run_scoped3A : memref<!tpu.dma_semaphore, #tpu.memory_space<semaphore_mem>>) src(%arg20 : memref<10000xf32, #tpu.memory_space<vmem>>) dst(%dma_wait3A_128 : memref<10000xf32, #tpu.memory_space<hbm>>)
      tpu.yield
    }) : () -> ()
    return
  }
}

#map = affine_map<(d0, d1) -> (0, 0)>
#map1 = affine_map<(d0, d1) -> (0)>
#map2 = affine_map<(d0, d1) -> (0, 0, 0)>
module attributes {stable_mosaic.version = 14 : i64} {
  func.func @_sc_body(%arg0: i32, %arg1: i32, %arg2: memref<80000x128xf32, #tpu.memory_space<hbm>>, %arg3: memref<80000xf32, #tpu.memory_space<hbm>>, %arg4: memref<80000xf32, #tpu.memory_space<hbm>>, %arg5: memref<320000xi32, #tpu.memory_space<hbm>>, %arg6: memref<320000xi32, #tpu.memory_space<hbm>>, %arg7: memref<320000xi32, #tpu.memory_space<hbm>>, %arg8: memref<128xf32, #tpu.memory_space<hbm>>, %arg9: memref<2x10000x128xf32, #tpu.memory_space<hbm>>, %arg10: memref<2x16x10000xf32, #tpu.memory_space<hbm>>, %arg11: memref<10000x128xf32, #tpu.memory_space<vmem_shared>>, %arg12: memref<128x128xf32, #tpu.memory_space<vmem>>, %arg13: memref<128xf32, #tpu.memory_space<vmem>>, %arg14: memref<128xf32, #tpu.memory_space<vmem>>, %arg15: memref<128xi32, #tpu.memory_space<vmem>>, %arg16: memref<128xi32, #tpu.memory_space<vmem>>, %arg17: memref<128xi32, #tpu.memory_space<vmem>>, %arg18: memref<144xf32, #tpu.memory_space<vmem>>, %arg19: memref<128xf32, #tpu.memory_space<vmem>>, %arg20: memref<10000xf32, #tpu.memory_space<vmem>>, %arg21: memref<!tpu.dma_semaphore, #tpu.memory_space<semaphore_mem>>, %arg22: memref<!tpu.dma_semaphore, #tpu.memory_space<semaphore_mem>>) attributes {dimension_semantics = [#tpu.dimension_semantics<core_parallel>, #tpu.dimension_semantics<subcore_parallel>], iteration_bounds = array<i64: 2, 16>, scalar_prefetch = 0 : i64, scratch_operands = 12 : i64, tpu.core_type = #tpu.core_type<sc_vector_subcore>, window_params = [{transform_indices = #map}, {transform_indices = #map1}, {transform_indices = #map1}, {transform_indices = #map1}, {transform_indices = #map1}, {transform_indices = #map1}, {transform_indices = #map1}, {transform_indices = #map2}, {transform_indices = #map2}]} {
    %mul3A = arith.constant 16 : i32
    %mul3A_0 = arith.muli %arg0, %mul3A : i32
    %add3A = arith.addi %mul3A_0, %arg1 : i32
    "tpu.region"() ({
      %run_scoped3A = tpu.sem_alloc : memref<!tpu.dma_semaphore, #tpu.memory_space<semaphore_mem>>
      tpu.enqueue_dma source(%arg8 : memref<128xf32, #tpu.memory_space<hbm>>) target(%arg19 : memref<128xf32, #tpu.memory_space<vmem>>) target_semaphore(%run_scoped3A : memref<!tpu.dma_semaphore, #tpu.memory_space<semaphore_mem>>)
      tpu.wait_dma2 semaphore(%run_scoped3A : memref<!tpu.dma_semaphore, #tpu.memory_space<semaphore_mem>>) src(%arg8 : memref<128xf32, #tpu.memory_space<hbm>>) dst(%arg19 : memref<128xf32, #tpu.memory_space<vmem>>)
      tpu.yield
    }) : () -> ()
    %broadcast_in_dim3A = arith.constant 0.000000e+00 : f32
    %broadcast_in_dim3A_1 = vector.broadcast %broadcast_in_dim3A : f32 to vector<16xf32>
    %scan3A = arith.constant 0 : i32
    %scan3A_2 = arith.constant 0 : i32
    %scan3A_3 = arith.constant 128 : i32
    %scan3A_4 = arith.addi %scan3A_2, %scan3A_3 : i32
    %scan3A_5 = arith.constant 1 : i32
    scf.for %scan3A_119 = %scan3A_2 to %scan3A_4 step %scan3A_5  : i32 {
      %swap3A = arith.index_cast %scan3A_119 : i32 to index
      %swap3A_120 = arith.constant 0 : index
      %swap3A_121 = tpu.vector_load %arg12[%swap3A, %swap3A_120] {strides = array<i32>} : memref<128x128xf32, #tpu.memory_space<vmem>>, vector<16xf32>,
      tpu.vector_store %arg12[%swap3A, %swap3A_120], %broadcast_in_dim3A_1 {strides = array<i32>} : memref<128x128xf32, #tpu.memory_space<vmem>>, vector<16xf32>,
      %swap3A_122 = arith.index_cast %scan3A_119 : i32 to index
      %swap3A_123 = arith.constant 16 : index
      %swap3A_124 = tpu.vector_load %arg12[%swap3A_122, %swap3A_123] {strides = array<i32>} : memref<128x128xf32, #tpu.memory_space<vmem>>, vector<16xf32>,
      tpu.vector_store %arg12[%swap3A_122, %swap3A_123], %broadcast_in_dim3A_1 {strides = array<i32>} : memref<128x128xf32, #tpu.memory_space<vmem>>, vector<16xf32>,
      %swap3A_125 = arith.index_cast %scan3A_119 : i32 to index
      %swap3A_126 = arith.constant 32 : index
      %swap3A_127 = tpu.vector_load %arg12[%swap3A_125, %swap3A_126] {strides = array<i32>} : memref<128x128xf32, #tpu.memory_space<vmem>>, vector<16xf32>,
      tpu.vector_store %arg12[%swap3A_125, %swap3A_126], %broadcast_in_dim3A_1 {strides = array<i32>} : memref<128x128xf32, #tpu.memory_space<vmem>>, vector<16xf32>,
      %swap3A_128 = arith.index_cast %scan3A_119 : i32 to index
      %swap3A_129 = arith.constant 48 : index
      %swap3A_130 = tpu.vector_load %arg12[%swap3A_128, %swap3A_129] {strides = array<i32>} : memref<128x128xf32, #tpu.memory_space<vmem>>, vector<16xf32>,
      tpu.vector_store %arg12[%swap3A_128, %swap3A_129], %broadcast_in_dim3A_1 {strides = array<i32>} : memref<128x128xf32, #tpu.memory_space<vmem>>, vector<16xf32>,
      %swap3A_131 = arith.index_cast %scan3A_119 : i32 to index
      %swap3A_132 = arith.constant 64 : index
      %swap3A_133 = tpu.vector_load %arg12[%swap3A_131, %swap3A_132] {strides = array<i32>} : memref<128x128xf32, #tpu.memory_space<vmem>>, vector<16xf32>,
      tpu.vector_store %arg12[%swap3A_131, %swap3A_132], %broadcast_in_dim3A_1 {strides = array<i32>} : memref<128x128xf32, #tpu.memory_space<vmem>>, vector<16xf32>,
      %swap3A_134 = arith.index_cast %scan3A_119 : i32 to index
      %swap3A_135 = arith.constant 80 : index
      %swap3A_136 = tpu.vector_load %arg12[%swap3A_134, %swap3A_135] {strides = array<i32>} : memref<128x128xf32, #tpu.memory_space<vmem>>, vector<16xf32>,
      tpu.vector_store %arg12[%swap3A_134, %swap3A_135], %broadcast_in_dim3A_1 {strides = array<i32>} : memref<128x128xf32, #tpu.memory_space<vmem>>, vector<16xf32>,
      %swap3A_137 = arith.index_cast %scan3A_119 : i32 to index
      %swap3A_138 = arith.constant 96 : index
      %swap3A_139 = tpu.vector_load %arg12[%swap3A_137, %swap3A_138] {strides = array<i32>} : memref<128x128xf32, #tpu.memory_space<vmem>>, vector<16xf32>,
      tpu.vector_store %arg12[%swap3A_137, %swap3A_138], %broadcast_in_dim3A_1 {strides = array<i32>} : memref<128x128xf32, #tpu.memory_space<vmem>>, vector<16xf32>,
      %swap3A_140 = arith.index_cast %scan3A_119 : i32 to index
      %swap3A_141 = arith.constant 112 : index
      %swap3A_142 = tpu.vector_load %arg12[%swap3A_140, %swap3A_141] {strides = array<i32>} : memref<128x128xf32, #tpu.memory_space<vmem>>, vector<16xf32>,
      tpu.vector_store %arg12[%swap3A_140, %swap3A_141], %broadcast_in_dim3A_1 {strides = array<i32>} : memref<128x128xf32, #tpu.memory_space<vmem>>, vector<16xf32>,
    }
    %scan3A_6 = arith.constant 128 : i32
    %scan3A_7 = arith.constant 0 : i32
    %scan3A_8 = arith.constant 0 : i32
    %scan3A_9 = arith.constant 625 : i32
    %scan3A_10 = arith.addi %scan3A_8, %scan3A_9 : i32
    %scan3A_11 = arith.constant 1 : i32
    scf.for %scan3A_119 = %scan3A_8 to %scan3A_10 step %scan3A_11  : i32 {
      %mul3A_120 = arith.constant 16 : i32
      %mul3A_121 = arith.muli %mul3A_120, %scan3A_119 : i32
      %swap3A = arith.index_cast %mul3A_121 : i32 to index
      %swap3A_122 = tpu.vector_load %arg20[%swap3A] {strides = array<i32>} : memref<10000xf32, #tpu.memory_space<vmem>>, vector<16xf32>,
      tpu.vector_store %arg20[%swap3A], %broadcast_in_dim3A_1 {strides = array<i32>} : memref<10000xf32, #tpu.memory_space<vmem>>, vector<16xf32>,
    }
    %scan3A_12 = arith.constant 625 : i32
    %sub3A = arith.constant 125 : i32
    %sub3A_13 = arith.subi %sub3A, %arg1 : i32
    %add3A_14 = arith.constant 16 : i32
    %add3A_15 = arith.addi %sub3A_13, %add3A_14 : i32
    %sub3A_16 = arith.constant 1 : i32
    %sub3A_17 = arith.subi %add3A_15, %sub3A_16 : i32
    %jit3A = arith.constant 16 : i32
    %div3A = arith.divsi %sub3A_17, %jit3A : i32
    %sign3A = arith.constant 0 : i32
    %sign3A_18 = arith.cmpi sgt, %sub3A_17, %sign3A : i32
    %sign3A_19 = arith.extui %sign3A_18 : i1 to i32
    %sign3A_20 = arith.constant 0 : i32
    %sign3A_21 = arith.cmpi slt, %sub3A_17, %sign3A_20 : i32
    %sign3A_22 = arith.extui %sign3A_21 : i1 to i32
    %sign3A_23 = arith.subi %sign3A_19, %sign3A_22 : i32
    %sign3A_24 = arith.constant 0 : i32
    %sign3A_25 = arith.cmpi sgt, %jit3A, %sign3A_24 : i32
    %sign3A_26 = arith.extui %sign3A_25 : i1 to i32
    %sign3A_27 = arith.constant 0 : i32
    %sign3A_28 = arith.cmpi slt, %jit3A, %sign3A_27 : i32
    %sign3A_29 = arith.extui %sign3A_28 : i1 to i32
    %sign3A_30 = arith.subi %sign3A_26, %sign3A_29 : i32
    %ne3A = arith.cmpi ne, %sign3A_23, %sign3A_30 : i32
    %rem3A = arith.remsi %sub3A_17, %jit3A : i32
    %ne3A_31 = arith.constant 0 : i32
    %ne3A_32 = arith.cmpi ne, %rem3A, %ne3A_31 : i32
    %and3A = arith.andi %ne3A, %ne3A_32 : i1
    %sub3A_33 = arith.constant 1 : i32
    %sub3A_34 = arith.subi %div3A, %sub3A_33 : i32
    %select_n3A = arith.select %and3A, %sub3A_34, %div3A : i32
    %while3A = arith.constant 0 : i32
    %while3A_35 = arith.constant 0 : i32
    %while3A_36 = arith.subi %select_n3A, %while3A_35 : i32
    %while3A_37 = arith.addi %while3A_35, %while3A_36 : i32
    %while3A_38 = arith.constant 1 : i32
    %while3A_39 = arith.divsi %while3A_36, %while3A_38 : i32
    %while3A_40 = arith.muli %while3A_39, %while3A_38 : i32
    %while3A_41 = arith.addi %while3A_35, %while3A_40 : i32
    %while3A_42 = arith.constant 1 : i32
    scf.for %while3A_119 = %while3A_35 to %while3A_41 step %while3A_42  : i32 {
      %mul3A_120 = arith.constant 16 : i32
      %mul3A_121 = arith.muli %while3A_119, %mul3A_120 : i32
      %add3A_122 = arith.addi %arg1, %mul3A_121 : i32
      %mul3A_123 = arith.constant 80 : i32
      %mul3A_124 = arith.muli %add3A_122, %mul3A_123 : i32
      "tpu.region"() ({
        %run_scoped3A = tpu.sem_alloc : memref<!tpu.dma_semaphore, #tpu.memory_space<semaphore_mem>>
        %dma_start3A = arith.constant 0 : i32
        %dma_start3A_125 = arith.constant 0 : i32
        %dma_start3A_126 = tpu.memref_slice %arg12[%dma_start3A, %dma_start3A_125] : memref<128x128xf32, #tpu.memory_space<vmem>> -> memref<80x128xf32, #tpu.memory_space<vmem>>
        %dma_start3A_127 = arith.constant 0 : i32
        %dma_start3A_128 = tpu.memref_slice %arg11[%mul3A_124, %dma_start3A_127] : memref<10000x128xf32, #tpu.memory_space<vmem_shared>> -> memref<80x128xf32, #tpu.memory_space<vmem_shared>>
        %dma_start3A_129 = arith.constant 0 : i32
        %dma_start3A_130 = tpu.memref_slice %arg11[%mul3A_124, %dma_start3A_129] : memref<10000x128xf32, #tpu.memory_space<vmem_shared>> -> memref<80x128xf32, #tpu.memory_space<vmem_shared>>
        %dma_start3A_131 = arith.constant 0 : i32
        %dma_start3A_132 = arith.constant 0 : i32
        %dma_start3A_133 = tpu.memref_slice %arg12[%dma_start3A_131, %dma_start3A_132] : memref<128x128xf32, #tpu.memory_space<vmem>> -> memref<80x128xf32, #tpu.memory_space<vmem>>
        tpu.enqueue_dma source(%dma_start3A_133 : memref<80x128xf32, #tpu.memory_space<vmem>>) target(%dma_start3A_130 : memref<80x128xf32, #tpu.memory_space<vmem_shared>>) target_semaphore(%run_scoped3A : memref<!tpu.dma_semaphore, #tpu.memory_space<semaphore_mem>>)
        %dma_wait3A = arith.constant 0 : i32
        %dma_wait3A_134 = arith.constant 0 : i32
        %dma_wait3A_135 = tpu.memref_slice %arg12[%dma_wait3A, %dma_wait3A_134] : memref<128x128xf32, #tpu.memory_space<vmem>> -> memref<80x128xf32, #tpu.memory_space<vmem>>
        %dma_wait3A_136 = arith.constant 0 : i32
        %dma_wait3A_137 = tpu.memref_slice %arg11[%mul3A_124, %dma_wait3A_136] : memref<10000x128xf32, #tpu.memory_space<vmem_shared>> -> memref<80x128xf32, #tpu.memory_space<vmem_shared>>
        %dma_wait3A_138 = arith.constant 0 : i32
        %dma_wait3A_139 = tpu.memref_slice %arg11[%mul3A_124, %dma_wait3A_138] : memref<10000x128xf32, #tpu.memory_space<vmem_shared>> -> memref<80x128xf32, #tpu.memory_space<vmem_shared>>
        %dma_wait3A_140 = arith.constant 0 : i32
        %dma_wait3A_141 = arith.constant 0 : i32
        %dma_wait3A_142 = tpu.memref_slice %arg12[%dma_wait3A_140, %dma_wait3A_141] : memref<128x128xf32, #tpu.memory_space<vmem>> -> memref<80x128xf32, #tpu.memory_space<vmem>>
        tpu.wait_dma2 semaphore(%run_scoped3A : memref<!tpu.dma_semaphore, #tpu.memory_space<semaphore_mem>>) src(%dma_wait3A_142 : memref<80x128xf32, #tpu.memory_space<vmem>>) dst(%dma_wait3A_139 : memref<80x128xf32, #tpu.memory_space<vmem_shared>>)
        tpu.yield
      }) : () -> ()
    }
    %while3A_43 = arith.constant 1 : i32
    scf.for %while3A_119 = %while3A_41 to %while3A_37 step %while3A_43  : i32 {
      %mul3A_120 = arith.constant 16 : i32
      %mul3A_121 = arith.muli %while3A_119, %mul3A_120 : i32
      %add3A_122 = arith.addi %arg1, %mul3A_121 : i32
      %mul3A_123 = arith.constant 80 : i32
      %mul3A_124 = arith.muli %add3A_122, %mul3A_123 : i32
      "tpu.region"() ({
        %run_scoped3A = tpu.sem_alloc : memref<!tpu.dma_semaphore, #tpu.memory_space<semaphore_mem>>
        %dma_start3A = arith.constant 0 : i32
        %dma_start3A_125 = arith.constant 0 : i32
        %dma_start3A_126 = tpu.memref_slice %arg12[%dma_start3A, %dma_start3A_125] : memref<128x128xf32, #tpu.memory_space<vmem>> -> memref<80x128xf32, #tpu.memory_space<vmem>>
        %dma_start3A_127 = arith.constant 0 : i32
        %dma_start3A_128 = tpu.memref_slice %arg11[%mul3A_124, %dma_start3A_127] : memref<10000x128xf32, #tpu.memory_space<vmem_shared>> -> memref<80x128xf32, #tpu.memory_space<vmem_shared>>
        %dma_start3A_129 = arith.constant 0 : i32
        %dma_start3A_130 = tpu.memref_slice %arg11[%mul3A_124, %dma_start3A_129] : memref<10000x128xf32, #tpu.memory_space<vmem_shared>> -> memref<80x128xf32, #tpu.memory_space<vmem_shared>>
        %dma_start3A_131 = arith.constant 0 : i32
        %dma_start3A_132 = arith.constant 0 : i32
        %dma_start3A_133 = tpu.memref_slice %arg12[%dma_start3A_131, %dma_start3A_132] : memref<128x128xf32, #tpu.memory_space<vmem>> -> memref<80x128xf32, #tpu.memory_space<vmem>>
        tpu.enqueue_dma source(%dma_start3A_133 : memref<80x128xf32, #tpu.memory_space<vmem>>) target(%dma_start3A_130 : memref<80x128xf32, #tpu.memory_space<vmem_shared>>) target_semaphore(%run_scoped3A : memref<!tpu.dma_semaphore, #tpu.memory_space<semaphore_mem>>)
        %dma_wait3A = arith.constant 0 : i32
        %dma_wait3A_134 = arith.constant 0 : i32
        %dma_wait3A_135 = tpu.memref_slice %arg12[%dma_wait3A, %dma_wait3A_134] : memref<128x128xf32, #tpu.memory_space<vmem>> -> memref<80x128xf32, #tpu.memory_space<vmem>>
        %dma_wait3A_136 = arith.constant 0 : i32
        %dma_wait3A_137 = tpu.memref_slice %arg11[%mul3A_124, %dma_wait3A_136] : memref<10000x128xf32, #tpu.memory_space<vmem_shared>> -> memref<80x128xf32, #tpu.memory_space<vmem_shared>>
        %dma_wait3A_138 = arith.constant 0 : i32
        %dma_wait3A_139 = tpu.memref_slice %arg11[%mul3A_124, %dma_wait3A_138] : memref<10000x128xf32, #tpu.memory_space<vmem_shared>> -> memref<80x128xf32, #tpu.memory_space<vmem_shared>>
        %dma_wait3A_140 = arith.constant 0 : i32
        %dma_wait3A_141 = arith.constant 0 : i32
        %dma_wait3A_142 = tpu.memref_slice %arg12[%dma_wait3A_140, %dma_wait3A_141] : memref<128x128xf32, #tpu.memory_space<vmem>> -> memref<80x128xf32, #tpu.memory_space<vmem>>
        tpu.wait_dma2 semaphore(%run_scoped3A : memref<!tpu.dma_semaphore, #tpu.memory_space<semaphore_mem>>) src(%dma_wait3A_142 : memref<80x128xf32, #tpu.memory_space<vmem>>) dst(%dma_wait3A_139 : memref<80x128xf32, #tpu.memory_space<vmem_shared>>)
        tpu.yield
      }) : () -> ()
    }
    %barrier3A = arith.constant 0 : index
    tpu.barrier barrier_id(%barrier3A)
    %get3A = arith.constant 0 : index
    %get3A_44 = tpu.vector_load %arg19[%get3A] {strides = array<i32>} : memref<128xf32, #tpu.memory_space<vmem>>, vector<16xf32>,
    %mul3A_45 = arith.constant 2500 : i32
    %mul3A_46 = arith.muli %add3A, %mul3A_45 : i32
    %jit3A_47 = arith.constant 32 : i32
    %div3A_48 = arith.divsi %mul3A_46, %jit3A_47 : i32
    %sign3A_49 = arith.constant 0 : i32
    %sign3A_50 = arith.cmpi sgt, %mul3A_46, %sign3A_49 : i32
    %sign3A_51 = arith.extui %sign3A_50 : i1 to i32
    %sign3A_52 = arith.constant 0 : i32
    %sign3A_53 = arith.cmpi slt, %mul3A_46, %sign3A_52 : i32
    %sign3A_54 = arith.extui %sign3A_53 : i1 to i32
    %sign3A_55 = arith.subi %sign3A_51, %sign3A_54 : i32
    %sign3A_56 = arith.constant 0 : i32
    %sign3A_57 = arith.cmpi sgt, %jit3A_47, %sign3A_56 : i32
    %sign3A_58 = arith.extui %sign3A_57 : i1 to i32
    %sign3A_59 = arith.constant 0 : i32
    %sign3A_60 = arith.cmpi slt, %jit3A_47, %sign3A_59 : i32
    %sign3A_61 = arith.extui %sign3A_60 : i1 to i32
    %sign3A_62 = arith.subi %sign3A_58, %sign3A_61 : i32
    %ne3A_63 = arith.cmpi ne, %sign3A_55, %sign3A_62 : i32
    %rem3A_64 = arith.remsi %mul3A_46, %jit3A_47 : i32
    %ne3A_65 = arith.constant 0 : i32
    %ne3A_66 = arith.cmpi ne, %rem3A_64, %ne3A_65 : i32
    %and3A_67 = arith.andi %ne3A_63, %ne3A_66 : i1
    %sub3A_68 = arith.constant 1 : i32
    %sub3A_69 = arith.subi %div3A_48, %sub3A_68 : i32
    %select_n3A_70 = arith.select %and3A_67, %sub3A_69, %div3A_48 : i32
    %add3A_71 = arith.constant 1 : i32
    %add3A_72 = arith.addi %add3A, %add3A_71 : i32
    %mul3A_73 = arith.constant 2500 : i32
    %mul3A_74 = arith.muli %add3A_72, %mul3A_73 : i32
    %jit3A_75 = arith.constant 32 : i32
    %div3A_76 = arith.divsi %mul3A_74, %jit3A_75 : i32
    %sign3A_77 = arith.constant 0 : i32
    %sign3A_78 = arith.cmpi sgt, %mul3A_74, %sign3A_77 : i32
    %sign3A_79 = arith.extui %sign3A_78 : i1 to i32
    %sign3A_80 = arith.constant 0 : i32
    %sign3A_81 = arith.cmpi slt, %mul3A_74, %sign3A_80 : i32
    %sign3A_82 = arith.extui %sign3A_81 : i1 to i32
    %sign3A_83 = arith.subi %sign3A_79, %sign3A_82 : i32
    %sign3A_84 = arith.constant 0 : i32
    %sign3A_85 = arith.cmpi sgt, %jit3A_75, %sign3A_84 : i32
    %sign3A_86 = arith.extui %sign3A_85 : i1 to i32
    %sign3A_87 = arith.constant 0 : i32
    %sign3A_88 = arith.cmpi slt, %jit3A_75, %sign3A_87 : i32
    %sign3A_89 = arith.extui %sign3A_88 : i1 to i32
    %sign3A_90 = arith.subi %sign3A_86, %sign3A_89 : i32
    %ne3A_91 = arith.cmpi ne, %sign3A_83, %sign3A_90 : i32
    %rem3A_92 = arith.remsi %mul3A_74, %jit3A_75 : i32
    %ne3A_93 = arith.constant 0 : i32
    %ne3A_94 = arith.cmpi ne, %rem3A_92, %ne3A_93 : i32
    %and3A_95 = arith.andi %ne3A_91, %ne3A_94 : i1
    %sub3A_96 = arith.constant 1 : i32
    %sub3A_97 = arith.subi %div3A_76, %sub3A_96 : i32
    %select_n3A_98 = arith.select %and3A_95, %sub3A_97, %div3A_76 : i32
    %while3A_99 = arith.constant 0 : i32
    %while3A_100 = arith.subi %select_n3A_98, %select_n3A_70 : i32
    %while3A_101 = arith.addi %select_n3A_70, %while3A_100 : i32
    %while3A_102 = arith.constant 1 : i32
    %while3A_103 = arith.divsi %while3A_100, %while3A_102 : i32
    %while3A_104 = arith.muli %while3A_103, %while3A_102 : i32
    %while3A_105 = arith.addi %select_n3A_70, %while3A_104 : i32
    %while3A_106 = arith.constant 1 : i32
    scf.for %while3A_119 = %select_n3A_70 to %while3A_105 step %while3A_106  : i32 {
      %mul3A_120 = arith.constant 128 : i32
      %mul3A_121 = arith.muli %while3A_119, %mul3A_120 : i32
      %dma_start3A = tpu.memref_slice %arg5[%mul3A_121] : memref<320000xi32, #tpu.memory_space<hbm>> -> memref<128xi32, #tpu.memory_space<hbm>>
      %dma_start3A_122 = tpu.memref_slice %arg5[%mul3A_121] : memref<320000xi32, #tpu.memory_space<hbm>> -> memref<128xi32, #tpu.memory_space<hbm>>
      tpu.enqueue_dma source(%dma_start3A_122 : memref<128xi32, #tpu.memory_space<hbm>>) target(%arg15 : memref<128xi32, #tpu.memory_space<vmem>>) target_semaphore(%arg21 : memref<!tpu.dma_semaphore, #tpu.memory_space<semaphore_mem>>)
      %dma_start3A_123 = tpu.memref_slice %arg6[%mul3A_121] : memref<320000xi32, #tpu.memory_space<hbm>> -> memref<128xi32, #tpu.memory_space<hbm>>
      %dma_start3A_124 = tpu.memref_slice %arg6[%mul3A_121] : memref<320000xi32, #tpu.memory_space<hbm>> -> memref<128xi32, #tpu.memory_space<hbm>>
      tpu.enqueue_dma source(%dma_start3A_124 : memref<128xi32, #tpu.memory_space<hbm>>) target(%arg16 : memref<128xi32, #tpu.memory_space<vmem>>) target_semaphore(%arg21 : memref<!tpu.dma_semaphore, #tpu.memory_space<semaphore_mem>>)
      %dma_start3A_125 = tpu.memref_slice %arg7[%mul3A_121] : memref<320000xi32, #tpu.memory_space<hbm>> -> memref<128xi32, #tpu.memory_space<hbm>>
      %dma_start3A_126 = tpu.memref_slice %arg7[%mul3A_121] : memref<320000xi32, #tpu.memory_space<hbm>> -> memref<128xi32, #tpu.memory_space<hbm>>
      tpu.enqueue_dma source(%dma_start3A_126 : memref<128xi32, #tpu.memory_space<hbm>>) target(%arg17 : memref<128xi32, #tpu.memory_space<vmem>>) target_semaphore(%arg21 : memref<!tpu.dma_semaphore, #tpu.memory_space<semaphore_mem>>)
      %dma_wait3A = tpu.memref_slice %arg5[%mul3A_121] : memref<320000xi32, #tpu.memory_space<hbm>> -> memref<128xi32, #tpu.memory_space<hbm>>
      %dma_wait3A_127 = tpu.memref_slice %arg5[%mul3A_121] : memref<320000xi32, #tpu.memory_space<hbm>> -> memref<128xi32, #tpu.memory_space<hbm>>
      tpu.wait_dma2 semaphore(%arg21 : memref<!tpu.dma_semaphore, #tpu.memory_space<semaphore_mem>>) src(%dma_wait3A_127 : memref<128xi32, #tpu.memory_space<hbm>>) dst(%arg15 : memref<128xi32, #tpu.memory_space<vmem>>)
      %dma_wait3A_128 = tpu.memref_slice %arg6[%mul3A_121] : memref<320000xi32, #tpu.memory_space<hbm>> -> memref<128xi32, #tpu.memory_space<hbm>>
      %dma_wait3A_129 = tpu.memref_slice %arg6[%mul3A_121] : memref<320000xi32, #tpu.memory_space<hbm>> -> memref<128xi32, #tpu.memory_space<hbm>>
      tpu.wait_dma2 semaphore(%arg21 : memref<!tpu.dma_semaphore, #tpu.memory_space<semaphore_mem>>) src(%dma_wait3A_129 : memref<128xi32, #tpu.memory_space<hbm>>) dst(%arg16 : memref<128xi32, #tpu.memory_space<vmem>>)
      %dma_wait3A_130 = tpu.memref_slice %arg7[%mul3A_121] : memref<320000xi32, #tpu.memory_space<hbm>> -> memref<128xi32, #tpu.memory_space<hbm>>
      %dma_wait3A_131 = tpu.memref_slice %arg7[%mul3A_121] : memref<320000xi32, #tpu.memory_space<hbm>> -> memref<128xi32, #tpu.memory_space<hbm>>
      tpu.wait_dma2 semaphore(%arg21 : memref<!tpu.dma_semaphore, #tpu.memory_space<semaphore_mem>>) src(%dma_wait3A_131 : memref<128xi32, #tpu.memory_space<hbm>>) dst(%arg17 : memref<128xi32, #tpu.memory_space<vmem>>)
      %dma_start3A_132 = arith.constant 0 : i32
      %dma_start3A_133 = arith.constant 0 : i32
      %dma_start3A_134 = tpu.memref_slice %arg2[%dma_start3A_132, %dma_start3A_133] : memref<80000x128xf32, #tpu.memory_space<hbm>> -> memref<80000x128xf32, #tpu.memory_space<hbm>>
      tpu.enqueue_indirect_dma source(%dma_start3A_134 : memref<80000x128xf32, #tpu.memory_space<hbm>>) target(%arg12 : memref<128x128xf32, #tpu.memory_space<vmem>>) offsets(%arg15 : memref<128xi32, #tpu.memory_space<vmem>>) semaphore(%arg22 : memref<!tpu.dma_semaphore, #tpu.memory_space<semaphore_mem>>)
      %dma_start3A_135 = arith.constant 0 : i32
      %dma_start3A_136 = tpu.memref_slice %arg3[%dma_start3A_135] : memref<80000xf32, #tpu.memory_space<hbm>> -> memref<80000xf32, #tpu.memory_space<hbm>>
      tpu.enqueue_indirect_dma source(%dma_start3A_136 : memref<80000xf32, #tpu.memory_space<hbm>>) target(%arg13 : memref<128xf32, #tpu.memory_space<vmem>>) offsets(%arg16 : memref<128xi32, #tpu.memory_space<vmem>>) semaphore(%arg22 : memref<!tpu.dma_semaphore, #tpu.memory_space<semaphore_mem>>)
      %dma_start3A_137 = arith.constant 0 : i32
      %dma_start3A_138 = tpu.memref_slice %arg4[%dma_start3A_137] : memref<80000xf32, #tpu.memory_space<hbm>> -> memref<80000xf32, #tpu.memory_space<hbm>>
      tpu.enqueue_indirect_dma source(%dma_start3A_138 : memref<80000xf32, #tpu.memory_space<hbm>>) target(%arg14 : memref<128xf32, #tpu.memory_space<vmem>>) offsets(%arg15 : memref<128xi32, #tpu.memory_space<vmem>>) semaphore(%arg22 : memref<!tpu.dma_semaphore, #tpu.memory_space<semaphore_mem>>)
      %dma_wait3A_139 = arith.constant 0 : i32
      %dma_wait3A_140 = arith.constant 0 : i32
      %dma_wait3A_141 = tpu.memref_slice %arg2[%dma_wait3A_139, %dma_wait3A_140] : memref<80000x128xf32, #tpu.memory_space<hbm>> -> memref<80000x128xf32, #tpu.memory_space<hbm>>
      tpu.wait_indirect_dma semaphore(%arg22 : memref<!tpu.dma_semaphore, #tpu.memory_space<semaphore_mem>>) src(%dma_wait3A_141 : memref<80000x128xf32, #tpu.memory_space<hbm>>) dst(%arg12 : memref<128x128xf32, #tpu.memory_space<vmem>>)
      %dma_wait3A_142 = arith.constant 0 : i32
      %dma_wait3A_143 = tpu.memref_slice %arg3[%dma_wait3A_142] : memref<80000xf32, #tpu.memory_space<hbm>> -> memref<80000xf32, #tpu.memory_space<hbm>>
      tpu.wait_indirect_dma semaphore(%arg22 : memref<!tpu.dma_semaphore, #tpu.memory_space<semaphore_mem>>) src(%dma_wait3A_143 : memref<80000xf32, #tpu.memory_space<hbm>>) dst(%arg13 : memref<128xf32, #tpu.memory_space<vmem>>)
      %dma_wait3A_144 = arith.constant 0 : i32
      %dma_wait3A_145 = tpu.memref_slice %arg4[%dma_wait3A_144] : memref<80000xf32, #tpu.memory_space<hbm>> -> memref<80000xf32, #tpu.memory_space<hbm>>
      tpu.wait_indirect_dma semaphore(%arg22 : memref<!tpu.dma_semaphore, #tpu.memory_space<semaphore_mem>>) src(%dma_wait3A_145 : memref<80000xf32, #tpu.memory_space<hbm>>) dst(%arg14 : memref<128xf32, #tpu.memory_space<vmem>>)
      %get3A_146 = arith.constant 0 : index
      %get3A_147 = tpu.vector_load %arg13[%get3A_146] {strides = array<i32>} : memref<128xf32, #tpu.memory_space<vmem>>, vector<16xf32>,
      %get3A_148 = arith.constant 0 : index
      %get3A_149 = tpu.vector_load %arg14[%get3A_148] {strides = array<i32>} : memref<128xf32, #tpu.memory_space<vmem>>, vector<16xf32>,
      %add3A_150 = arith.addf %get3A_147, %get3A_149 : vector<16xf32>
      %gt3A = arith.constant 0.000000e+00 : f32
      %gt3A_151 = vector.broadcast %gt3A : f32 to vector<16xf32>
      %gt3A_152 = arith.cmpf ogt, %add3A_150, %gt3A_151 : vector<16xf32>
      %mul3A_153 = arith.constant 2.000000e-01 : f32
      %mul3A_154 = vector.broadcast %mul3A_153 : f32 to vector<16xf32>
      %mul3A_155 = arith.mulf %mul3A_154, %add3A_150 : vector<16xf32>
      %select_n3A_156 = arith.select %gt3A_152, %add3A_150, %mul3A_155 : vector<16xi1>, vector<16xf32>
      %sub3A_157 = arith.subf %select_n3A_156, %get3A_44 : vector<16xf32>
      %exp3A = math.exp %sub3A_157 : vector<16xf32>
      %swap3A = arith.constant 0 : index
      %swap3A_158 = tpu.vector_load %arg18[%swap3A] {strides = array<i32>} : memref<144xf32, #tpu.memory_space<vmem>>, vector<16xf32>,
      tpu.vector_store %arg18[%swap3A], %exp3A {strides = array<i32>} : memref<144xf32, #tpu.memory_space<vmem>>, vector<16xf32>,
      %get3A_159 = arith.constant 0 : index
      %get3A_160 = tpu.vector_load %arg17[%get3A_159] {strides = array<i32>} : memref<128xi32, #tpu.memory_space<vmem>>, vector<16xi32>,
      tpu.vector_store_idx %arg20[%get3A_160], %exp3A {add = true} : memref<10000xf32, #tpu.memory_space<vmem>>[vector<16xi32>], vector<16xf32>,
      %get3A_161 = arith.constant 16 : index
      %get3A_162 = tpu.vector_load %arg13[%get3A_161] {strides = array<i32>} : memref<128xf32, #tpu.memory_space<vmem>>, vector<16xf32>,
      %get3A_163 = arith.constant 16 : index
      %get3A_164 = tpu.vector_load %arg14[%get3A_163] {strides = array<i32>} : memref<128xf32, #tpu.memory_space<vmem>>, vector<16xf32>,
      %add3A_165 = arith.addf %get3A_162, %get3A_164 : vector<16xf32>
      %gt3A_166 = arith.constant 0.000000e+00 : f32
      %gt3A_167 = vector.broadcast %gt3A_166 : f32 to vector<16xf32>
      %gt3A_168 = arith.cmpf ogt, %add3A_165, %gt3A_167 : vector<16xf32>
      %mul3A_169 = arith.constant 2.000000e-01 : f32
      %mul3A_170 = vector.broadcast %mul3A_169 : f32 to vector<16xf32>
      %mul3A_171 = arith.mulf %mul3A_170, %add3A_165 : vector<16xf32>
      %select_n3A_172 = arith.select %gt3A_168, %add3A_165, %mul3A_171 : vector<16xi1>, vector<16xf32>
      %sub3A_173 = arith.subf %select_n3A_172, %get3A_44 : vector<16xf32>
      %exp3A_174 = math.exp %sub3A_173 : vector<16xf32>
      %swap3A_175 = arith.constant 16 : index
      %swap3A_176 = tpu.vector_load %arg18[%swap3A_175] {strides = array<i32>} : memref<144xf32, #tpu.memory_space<vmem>>, vector<16xf32>,
      tpu.vector_store %arg18[%swap3A_175], %exp3A_174 {strides = array<i32>} : memref<144xf32, #tpu.memory_space<vmem>>, vector<16xf32>,
      %get3A_177 = arith.constant 16 : index
      %get3A_178 = tpu.vector_load %arg17[%get3A_177] {strides = array<i32>} : memref<128xi32, #tpu.memory_space<vmem>>, vector<16xi32>,
      tpu.vector_store_idx %arg20[%get3A_178], %exp3A_174 {add = true} : memref<10000xf32, #tpu.memory_space<vmem>>[vector<16xi32>], vector<16xf32>,
      %get3A_179 = arith.constant 32 : index
      %get3A_180 = tpu.vector_load %arg13[%get3A_179] {strides = array<i32>} : memref<128xf32, #tpu.memory_space<vmem>>, vector<16xf32>,
      %get3A_181 = arith.constant 32 : index
      %get3A_182 = tpu.vector_load %arg14[%get3A_181] {strides = array<i32>} : memref<128xf32, #tpu.memory_space<vmem>>, vector<16xf32>,
      %add3A_183 = arith.addf %get3A_180, %get3A_182 : vector<16xf32>
      %gt3A_184 = arith.constant 0.000000e+00 : f32
      %gt3A_185 = vector.broadcast %gt3A_184 : f32 to vector<16xf32>
      %gt3A_186 = arith.cmpf ogt, %add3A_183, %gt3A_185 : vector<16xf32>
      %mul3A_187 = arith.constant 2.000000e-01 : f32
      %mul3A_188 = vector.broadcast %mul3A_187 : f32 to vector<16xf32>
      %mul3A_189 = arith.mulf %mul3A_188, %add3A_183 : vector<16xf32>
      %select_n3A_190 = arith.select %gt3A_186, %add3A_183, %mul3A_189 : vector<16xi1>, vector<16xf32>
      %sub3A_191 = arith.subf %select_n3A_190, %get3A_44 : vector<16xf32>
      %exp3A_192 = math.exp %sub3A_191 : vector<16xf32>
      %swap3A_193 = arith.constant 32 : index
      %swap3A_194 = tpu.vector_load %arg18[%swap3A_193] {strides = array<i32>} : memref<144xf32, #tpu.memory_space<vmem>>, vector<16xf32>,
      tpu.vector_store %arg18[%swap3A_193], %exp3A_192 {strides = array<i32>} : memref<144xf32, #tpu.memory_space<vmem>>, vector<16xf32>,
      %get3A_195 = arith.constant 32 : index
      %get3A_196 = tpu.vector_load %arg17[%get3A_195] {strides = array<i32>} : memref<128xi32, #tpu.memory_space<vmem>>, vector<16xi32>,
      tpu.vector_store_idx %arg20[%get3A_196], %exp3A_192 {add = true} : memref<10000xf32, #tpu.memory_space<vmem>>[vector<16xi32>], vector<16xf32>,
      %get3A_197 = arith.constant 48 : index
      %get3A_198 = tpu.vector_load %arg13[%get3A_197] {strides = array<i32>} : memref<128xf32, #tpu.memory_space<vmem>>, vector<16xf32>,
      %get3A_199 = arith.constant 48 : index
      %get3A_200 = tpu.vector_load %arg14[%get3A_199] {strides = array<i32>} : memref<128xf32, #tpu.memory_space<vmem>>, vector<16xf32>,
      %add3A_201 = arith.addf %get3A_198, %get3A_200 : vector<16xf32>
      %gt3A_202 = arith.constant 0.000000e+00 : f32
      %gt3A_203 = vector.broadcast %gt3A_202 : f32 to vector<16xf32>
      %gt3A_204 = arith.cmpf ogt, %add3A_201, %gt3A_203 : vector<16xf32>
      %mul3A_205 = arith.constant 2.000000e-01 : f32
      %mul3A_206 = vector.broadcast %mul3A_205 : f32 to vector<16xf32>
      %mul3A_207 = arith.mulf %mul3A_206, %add3A_201 : vector<16xf32>
      %select_n3A_208 = arith.select %gt3A_204, %add3A_201, %mul3A_207 : vector<16xi1>, vector<16xf32>
      %sub3A_209 = arith.subf %select_n3A_208, %get3A_44 : vector<16xf32>
      %exp3A_210 = math.exp %sub3A_209 : vector<16xf32>
      %swap3A_211 = arith.constant 48 : index
      %swap3A_212 = tpu.vector_load %arg18[%swap3A_211] {strides = array<i32>} : memref<144xf32, #tpu.memory_space<vmem>>, vector<16xf32>,
      tpu.vector_store %arg18[%swap3A_211], %exp3A_210 {strides = array<i32>} : memref<144xf32, #tpu.memory_space<vmem>>, vector<16xf32>,
      %get3A_213 = arith.constant 48 : index
      %get3A_214 = tpu.vector_load %arg17[%get3A_213] {strides = array<i32>} : memref<128xi32, #tpu.memory_space<vmem>>, vector<16xi32>,
      tpu.vector_store_idx %arg20[%get3A_214], %exp3A_210 {add = true} : memref<10000xf32, #tpu.memory_space<vmem>>[vector<16xi32>], vector<16xf32>,
      %get3A_215 = arith.constant 64 : index
      %get3A_216 = tpu.vector_load %arg13[%get3A_215] {strides = array<i32>} : memref<128xf32, #tpu.memory_space<vmem>>, vector<16xf32>,
      %get3A_217 = arith.constant 64 : index
      %get3A_218 = tpu.vector_load %arg14[%get3A_217] {strides = array<i32>} : memref<128xf32, #tpu.memory_space<vmem>>, vector<16xf32>,
      %add3A_219 = arith.addf %get3A_216, %get3A_218 : vector<16xf32>
      %gt3A_220 = arith.constant 0.000000e+00 : f32
      %gt3A_221 = vector.broadcast %gt3A_220 : f32 to vector<16xf32>
      %gt3A_222 = arith.cmpf ogt, %add3A_219, %gt3A_221 : vector<16xf32>
      %mul3A_223 = arith.constant 2.000000e-01 : f32
      %mul3A_224 = vector.broadcast %mul3A_223 : f32 to vector<16xf32>
      %mul3A_225 = arith.mulf %mul3A_224, %add3A_219 : vector<16xf32>
      %select_n3A_226 = arith.select %gt3A_222, %add3A_219, %mul3A_225 : vector<16xi1>, vector<16xf32>
      %sub3A_227 = arith.subf %select_n3A_226, %get3A_44 : vector<16xf32>
      %exp3A_228 = math.exp %sub3A_227 : vector<16xf32>
      %swap3A_229 = arith.constant 64 : index
      %swap3A_230 = tpu.vector_load %arg18[%swap3A_229] {strides = array<i32>} : memref<144xf32, #tpu.memory_space<vmem>>, vector<16xf32>,
      tpu.vector_store %arg18[%swap3A_229], %exp3A_228 {strides = array<i32>} : memref<144xf32, #tpu.memory_space<vmem>>, vector<16xf32>,
      %get3A_231 = arith.constant 64 : index
      %get3A_232 = tpu.vector_load %arg17[%get3A_231] {strides = array<i32>} : memref<128xi32, #tpu.memory_space<vmem>>, vector<16xi32>,
      tpu.vector_store_idx %arg20[%get3A_232], %exp3A_228 {add = true} : memref<10000xf32, #tpu.memory_space<vmem>>[vector<16xi32>], vector<16xf32>,
      %get3A_233 = arith.constant 80 : index
      %get3A_234 = tpu.vector_load %arg13[%get3A_233] {strides = array<i32>} : memref<128xf32, #tpu.memory_space<vmem>>, vector<16xf32>,
      %get3A_235 = arith.constant 80 : index
      %get3A_236 = tpu.vector_load %arg14[%get3A_235] {strides = array<i32>} : memref<128xf32, #tpu.memory_space<vmem>>, vector<16xf32>,
      %add3A_237 = arith.addf %get3A_234, %get3A_236 : vector<16xf32>
      %gt3A_238 = arith.constant 0.000000e+00 : f32
      %gt3A_239 = vector.broadcast %gt3A_238 : f32 to vector<16xf32>
      %gt3A_240 = arith.cmpf ogt, %add3A_237, %gt3A_239 : vector<16xf32>
      %mul3A_241 = arith.constant 2.000000e-01 : f32
      %mul3A_242 = vector.broadcast %mul3A_241 : f32 to vector<16xf32>
      %mul3A_243 = arith.mulf %mul3A_242, %add3A_237 : vector<16xf32>
      %select_n3A_244 = arith.select %gt3A_240, %add3A_237, %mul3A_243 : vector<16xi1>, vector<16xf32>
      %sub3A_245 = arith.subf %select_n3A_244, %get3A_44 : vector<16xf32>
      %exp3A_246 = math.exp %sub3A_245 : vector<16xf32>
      %swap3A_247 = arith.constant 80 : index
      %swap3A_248 = tpu.vector_load %arg18[%swap3A_247] {strides = array<i32>} : memref<144xf32, #tpu.memory_space<vmem>>, vector<16xf32>,
      tpu.vector_store %arg18[%swap3A_247], %exp3A_246 {strides = array<i32>} : memref<144xf32, #tpu.memory_space<vmem>>, vector<16xf32>,
      %get3A_249 = arith.constant 80 : index
      %get3A_250 = tpu.vector_load %arg17[%get3A_249] {strides = array<i32>} : memref<128xi32, #tpu.memory_space<vmem>>, vector<16xi32>,
      tpu.vector_store_idx %arg20[%get3A_250], %exp3A_246 {add = true} : memref<10000xf32, #tpu.memory_space<vmem>>[vector<16xi32>], vector<16xf32>,
      %get3A_251 = arith.constant 96 : index
      %get3A_252 = tpu.vector_load %arg13[%get3A_251] {strides = array<i32>} : memref<128xf32, #tpu.memory_space<vmem>>, vector<16xf32>,
      %get3A_253 = arith.constant 96 : index
      %get3A_254 = tpu.vector_load %arg14[%get3A_253] {strides = array<i32>} : memref<128xf32, #tpu.memory_space<vmem>>, vector<16xf32>,
      %add3A_255 = arith.addf %get3A_252, %get3A_254 : vector<16xf32>
      %gt3A_256 = arith.constant 0.000000e+00 : f32
      %gt3A_257 = vector.broadcast %gt3A_256 : f32 to vector<16xf32>
      %gt3A_258 = arith.cmpf ogt, %add3A_255, %gt3A_257 : vector<16xf32>
      %mul3A_259 = arith.constant 2.000000e-01 : f32
      %mul3A_260 = vector.broadcast %mul3A_259 : f32 to vector<16xf32>
      %mul3A_261 = arith.mulf %mul3A_260, %add3A_255 : vector<16xf32>
      %select_n3A_262 = arith.select %gt3A_258, %add3A_255, %mul3A_261 : vector<16xi1>, vector<16xf32>
      %sub3A_263 = arith.subf %select_n3A_262, %get3A_44 : vector<16xf32>
      %exp3A_264 = math.exp %sub3A_263 : vector<16xf32>
      %swap3A_265 = arith.constant 96 : index
      %swap3A_266 = tpu.vector_load %arg18[%swap3A_265] {strides = array<i32>} : memref<144xf32, #tpu.memory_space<vmem>>, vector<16xf32>,
      tpu.vector_store %arg18[%swap3A_265], %exp3A_264 {strides = array<i32>} : memref<144xf32, #tpu.memory_space<vmem>>, vector<16xf32>,
      %get3A_267 = arith.constant 96 : index
      %get3A_268 = tpu.vector_load %arg17[%get3A_267] {strides = array<i32>} : memref<128xi32, #tpu.memory_space<vmem>>, vector<16xi32>,
      tpu.vector_store_idx %arg20[%get3A_268], %exp3A_264 {add = true} : memref<10000xf32, #tpu.memory_space<vmem>>[vector<16xi32>], vector<16xf32>,
      %get3A_269 = arith.constant 112 : index
      %get3A_270 = tpu.vector_load %arg13[%get3A_269] {strides = array<i32>} : memref<128xf32, #tpu.memory_space<vmem>>, vector<16xf32>,
      %get3A_271 = arith.constant 112 : index
      %get3A_272 = tpu.vector_load %arg14[%get3A_271] {strides = array<i32>} : memref<128xf32, #tpu.memory_space<vmem>>, vector<16xf32>,
      %add3A_273 = arith.addf %get3A_270, %get3A_272 : vector<16xf32>
      %gt3A_274 = arith.constant 0.000000e+00 : f32
      %gt3A_275 = vector.broadcast %gt3A_274 : f32 to vector<16xf32>
      %gt3A_276 = arith.cmpf ogt, %add3A_273, %gt3A_275 : vector<16xf32>
      %mul3A_277 = arith.constant 2.000000e-01 : f32
      %mul3A_278 = vector.broadcast %mul3A_277 : f32 to vector<16xf32>
      %mul3A_279 = arith.mulf %mul3A_278, %add3A_273 : vector<16xf32>
      %select_n3A_280 = arith.select %gt3A_276, %add3A_273, %mul3A_279 : vector<16xi1>, vector<16xf32>
      %sub3A_281 = arith.subf %select_n3A_280, %get3A_44 : vector<16xf32>
      %exp3A_282 = math.exp %sub3A_281 : vector<16xf32>
      %swap3A_283 = arith.constant 112 : index
      %swap3A_284 = tpu.vector_load %arg18[%swap3A_283] {strides = array<i32>} : memref<144xf32, #tpu.memory_space<vmem>>, vector<16xf32>,
      tpu.vector_store %arg18[%swap3A_283], %exp3A_282 {strides = array<i32>} : memref<144xf32, #tpu.memory_space<vmem>>, vector<16xf32>,
      %get3A_285 = arith.constant 112 : index
      %get3A_286 = tpu.vector_load %arg17[%get3A_285] {strides = array<i32>} : memref<128xi32, #tpu.memory_space<vmem>>, vector<16xi32>,
      tpu.vector_store_idx %arg20[%get3A_286], %exp3A_282 {add = true} : memref<10000xf32, #tpu.memory_space<vmem>>[vector<16xi32>], vector<16xf32>,
      %scan3A_287 = arith.constant 0 : i32
      %scan3A_288 = arith.constant 0 : i32
      %scan3A_289 = arith.constant 128 : i32
      %scan3A_290 = arith.addi %scan3A_288, %scan3A_289 : i32
      %scan3A_291 = arith.constant 1 : i32
      scf.for %scan3A_293 = %scan3A_288 to %scan3A_290 step %scan3A_291  : i32 {
        %get3A_294 = arith.index_cast %scan3A_293 : i32 to index
        %get3A_295 = tpu.vector_load %arg18[%get3A_294] {strides = array<i32>} : memref<144xf32, #tpu.memory_space<vmem>>, vector<16xf32>,
        %slice3A = vector.extract_strided_slice %get3A_295 {offsets = [0], sizes = [1], strides = [1]} : vector<16xf32> to vector<1xf32>
        %squeeze3A = vector.extract %slice3A[0] : f32 from vector<1xf32>
        %get3A_296 = arith.index_cast %scan3A_293 : i32 to index
        %get3A_297 = arith.constant 0 : index
        %get3A_298 = tpu.vector_load %arg12[%get3A_296, %get3A_297] {strides = array<i32>} : memref<128x128xf32, #tpu.memory_space<vmem>>, vector<16xf32>,
        %mul3A_299 = vector.broadcast %squeeze3A : f32 to vector<16xf32>
        %mul3A_300 = arith.mulf %get3A_298, %mul3A_299 : vector<16xf32>
        %swap3A_301 = arith.index_cast %scan3A_293 : i32 to index
        %swap3A_302 = arith.constant 0 : index
        %swap3A_303 = tpu.vector_load %arg12[%swap3A_301, %swap3A_302] {strides = array<i32>} : memref<128x128xf32, #tpu.memory_space<vmem>>, vector<16xf32>,
        tpu.vector_store %arg12[%swap3A_301, %swap3A_302], %mul3A_300 {strides = array<i32>} : memref<128x128xf32, #tpu.memory_space<vmem>>, vector<16xf32>,
        %get3A_304 = arith.index_cast %scan3A_293 : i32 to index
        %get3A_305 = arith.constant 16 : index
        %get3A_306 = tpu.vector_load %arg12[%get3A_304, %get3A_305] {strides = array<i32>} : memref<128x128xf32, #tpu.memory_space<vmem>>, vector<16xf32>,
        %mul3A_307 = vector.broadcast %squeeze3A : f32 to vector<16xf32>
        %mul3A_308 = arith.mulf %get3A_306, %mul3A_307 : vector<16xf32>
        %swap3A_309 = arith.index_cast %scan3A_293 : i32 to index
        %swap3A_310 = arith.constant 16 : index
        %swap3A_311 = tpu.vector_load %arg12[%swap3A_309, %swap3A_310] {strides = array<i32>} : memref<128x128xf32, #tpu.memory_space<vmem>>, vector<16xf32>,
        tpu.vector_store %arg12[%swap3A_309, %swap3A_310], %mul3A_308 {strides = array<i32>} : memref<128x128xf32, #tpu.memory_space<vmem>>, vector<16xf32>,
        %get3A_312 = arith.index_cast %scan3A_293 : i32 to index
        %get3A_313 = arith.constant 32 : index
        %get3A_314 = tpu.vector_load %arg12[%get3A_312, %get3A_313] {strides = array<i32>} : memref<128x128xf32, #tpu.memory_space<vmem>>, vector<16xf32>,
        %mul3A_315 = vector.broadcast %squeeze3A : f32 to vector<16xf32>
        %mul3A_316 = arith.mulf %get3A_314, %mul3A_315 : vector<16xf32>
        %swap3A_317 = arith.index_cast %scan3A_293 : i32 to index
        %swap3A_318 = arith.constant 32 : index
        %swap3A_319 = tpu.vector_load %arg12[%swap3A_317, %swap3A_318] {strides = array<i32>} : memref<128x128xf32, #tpu.memory_space<vmem>>, vector<16xf32>,
        tpu.vector_store %arg12[%swap3A_317, %swap3A_318], %mul3A_316 {strides = array<i32>} : memref<128x128xf32, #tpu.memory_space<vmem>>, vector<16xf32>,
        %get3A_320 = arith.index_cast %scan3A_293 : i32 to index
        %get3A_321 = arith.constant 48 : index
        %get3A_322 = tpu.vector_load %arg12[%get3A_320, %get3A_321] {strides = array<i32>} : memref<128x128xf32, #tpu.memory_space<vmem>>, vector<16xf32>,
        %mul3A_323 = vector.broadcast %squeeze3A : f32 to vector<16xf32>
        %mul3A_324 = arith.mulf %get3A_322, %mul3A_323 : vector<16xf32>
        %swap3A_325 = arith.index_cast %scan3A_293 : i32 to index
        %swap3A_326 = arith.constant 48 : index
        %swap3A_327 = tpu.vector_load %arg12[%swap3A_325, %swap3A_326] {strides = array<i32>} : memref<128x128xf32, #tpu.memory_space<vmem>>, vector<16xf32>,
        tpu.vector_store %arg12[%swap3A_325, %swap3A_326], %mul3A_324 {strides = array<i32>} : memref<128x128xf32, #tpu.memory_space<vmem>>, vector<16xf32>,
        %get3A_328 = arith.index_cast %scan3A_293 : i32 to index
        %get3A_329 = arith.constant 64 : index
        %get3A_330 = tpu.vector_load %arg12[%get3A_328, %get3A_329] {strides = array<i32>} : memref<128x128xf32, #tpu.memory_space<vmem>>, vector<16xf32>,
        %mul3A_331 = vector.broadcast %squeeze3A : f32 to vector<16xf32>
        %mul3A_332 = arith.mulf %get3A_330, %mul3A_331 : vector<16xf32>
        %swap3A_333 = arith.index_cast %scan3A_293 : i32 to index
        %swap3A_334 = arith.constant 64 : index
        %swap3A_335 = tpu.vector_load %arg12[%swap3A_333, %swap3A_334] {strides = array<i32>} : memref<128x128xf32, #tpu.memory_space<vmem>>, vector<16xf32>,
        tpu.vector_store %arg12[%swap3A_333, %swap3A_334], %mul3A_332 {strides = array<i32>} : memref<128x128xf32, #tpu.memory_space<vmem>>, vector<16xf32>,
        %get3A_336 = arith.index_cast %scan3A_293 : i32 to index
        %get3A_337 = arith.constant 80 : index
        %get3A_338 = tpu.vector_load %arg12[%get3A_336, %get3A_337] {strides = array<i32>} : memref<128x128xf32, #tpu.memory_space<vmem>>, vector<16xf32>,
        %mul3A_339 = vector.broadcast %squeeze3A : f32 to vector<16xf32>
        %mul3A_340 = arith.mulf %get3A_338, %mul3A_339 : vector<16xf32>
        %swap3A_341 = arith.index_cast %scan3A_293 : i32 to index
        %swap3A_342 = arith.constant 80 : index
        %swap3A_343 = tpu.vector_load %arg12[%swap3A_341, %swap3A_342] {strides = array<i32>} : memref<128x128xf32, #tpu.memory_space<vmem>>, vector<16xf32>,
        tpu.vector_store %arg12[%swap3A_341, %swap3A_342], %mul3A_340 {strides = array<i32>} : memref<128x128xf32, #tpu.memory_space<vmem>>, vector<16xf32>,
        %get3A_344 = arith.index_cast %scan3A_293 : i32 to index
        %get3A_345 = arith.constant 96 : index
        %get3A_346 = tpu.vector_load %arg12[%get3A_344, %get3A_345] {strides = array<i32>} : memref<128x128xf32, #tpu.memory_space<vmem>>, vector<16xf32>,
        %mul3A_347 = vector.broadcast %squeeze3A : f32 to vector<16xf32>
        %mul3A_348 = arith.mulf %get3A_346, %mul3A_347 : vector<16xf32>
        %swap3A_349 = arith.index_cast %scan3A_293 : i32 to index
        %swap3A_350 = arith.constant 96 : index
        %swap3A_351 = tpu.vector_load %arg12[%swap3A_349, %swap3A_350] {strides = array<i32>} : memref<128x128xf32, #tpu.memory_space<vmem>>, vector<16xf32>,
        tpu.vector_store %arg12[%swap3A_349, %swap3A_350], %mul3A_348 {strides = array<i32>} : memref<128x128xf32, #tpu.memory_space<vmem>>, vector<16xf32>,
        %get3A_352 = arith.index_cast %scan3A_293 : i32 to index
        %get3A_353 = arith.constant 112 : index
        %get3A_354 = tpu.vector_load %arg12[%get3A_352, %get3A_353] {strides = array<i32>} : memref<128x128xf32, #tpu.memory_space<vmem>>, vector<16xf32>,
        %mul3A_355 = vector.broadcast %squeeze3A : f32 to vector<16xf32>
        %mul3A_356 = arith.mulf %get3A_354, %mul3A_355 : vector<16xf32>
        %swap3A_357 = arith.index_cast %scan3A_293 : i32 to index
        %swap3A_358 = arith.constant 112 : index
        %swap3A_359 = tpu.vector_load %arg12[%swap3A_357, %swap3A_358] {strides = array<i32>} : memref<128x128xf32, #tpu.memory_space<vmem>>, vector<16xf32>,
        tpu.vector_store %arg12[%swap3A_357, %swap3A_358], %mul3A_356 {strides = array<i32>} : memref<128x128xf32, #tpu.memory_space<vmem>>, vector<16xf32>,
      }
      %scan3A_292 = arith.constant 128 : i32
      "tpu.region"() ({
        %run_scoped3A = tpu.sem_alloc : memref<!tpu.dma_semaphore, #tpu.memory_space<semaphore_mem>>
        %dma_start3A_293 = arith.constant 0 : i32
        %dma_start3A_294 = arith.constant 0 : i32
        %dma_start3A_295 = tpu.memref_slice %arg11[%dma_start3A_293, %dma_start3A_294] : memref<10000x128xf32, #tpu.memory_space<vmem_shared>> -> memref<10000x128xf32, #tpu.memory_space<vmem_shared>>
        tpu.enqueue_indirect_dma source(%arg12 : memref<128x128xf32, #tpu.memory_space<vmem>>) target(%dma_start3A_295 : memref<10000x128xf32, #tpu.memory_space<vmem_shared>>) offsets(%arg17 : memref<128xi32, #tpu.memory_space<vmem>>) semaphore(%run_scoped3A : memref<!tpu.dma_semaphore, #tpu.memory_space<semaphore_mem>>) {add = true}
        %dma_wait3A_296 = arith.constant 0 : i32
        %dma_wait3A_297 = arith.constant 0 : i32
        %dma_wait3A_298 = tpu.memref_slice %arg11[%dma_wait3A_296, %dma_wait3A_297] : memref<10000x128xf32, #tpu.memory_space<vmem_shared>> -> memref<10000x128xf32, #tpu.memory_space<vmem_shared>>
        tpu.wait_indirect_dma semaphore(%run_scoped3A : memref<!tpu.dma_semaphore, #tpu.memory_space<semaphore_mem>>) src(%arg12 : memref<128x128xf32, #tpu.memory_space<vmem>>) dst(%dma_wait3A_298 : memref<10000x128xf32, #tpu.memory_space<vmem_shared>>)
        tpu.yield
      }) : () -> ()
    }
    %while3A_107 = arith.constant 1 : i32
    scf.for %while3A_119 = %while3A_105 to %while3A_101 step %while3A_107  : i32 {
      %mul3A_120 = arith.constant 128 : i32
      %mul3A_121 = arith.muli %while3A_119, %mul3A_120 : i32
      %dma_start3A = tpu.memref_slice %arg5[%mul3A_121] : memref<320000xi32, #tpu.memory_space<hbm>> -> memref<128xi32, #tpu.memory_space<hbm>>
      %dma_start3A_122 = tpu.memref_slice %arg5[%mul3A_121] : memref<320000xi32, #tpu.memory_space<hbm>> -> memref<128xi32, #tpu.memory_space<hbm>>
      tpu.enqueue_dma source(%dma_start3A_122 : memref<128xi32, #tpu.memory_space<hbm>>) target(%arg15 : memref<128xi32, #tpu.memory_space<vmem>>) target_semaphore(%arg21 : memref<!tpu.dma_semaphore, #tpu.memory_space<semaphore_mem>>)
      %dma_start3A_123 = tpu.memref_slice %arg6[%mul3A_121] : memref<320000xi32, #tpu.memory_space<hbm>> -> memref<128xi32, #tpu.memory_space<hbm>>
      %dma_start3A_124 = tpu.memref_slice %arg6[%mul3A_121] : memref<320000xi32, #tpu.memory_space<hbm>> -> memref<128xi32, #tpu.memory_space<hbm>>
      tpu.enqueue_dma source(%dma_start3A_124 : memref<128xi32, #tpu.memory_space<hbm>>) target(%arg16 : memref<128xi32, #tpu.memory_space<vmem>>) target_semaphore(%arg21 : memref<!tpu.dma_semaphore, #tpu.memory_space<semaphore_mem>>)
      %dma_start3A_125 = tpu.memref_slice %arg7[%mul3A_121] : memref<320000xi32, #tpu.memory_space<hbm>> -> memref<128xi32, #tpu.memory_space<hbm>>
      %dma_start3A_126 = tpu.memref_slice %arg7[%mul3A_121] : memref<320000xi32, #tpu.memory_space<hbm>> -> memref<128xi32, #tpu.memory_space<hbm>>
      tpu.enqueue_dma source(%dma_start3A_126 : memref<128xi32, #tpu.memory_space<hbm>>) target(%arg17 : memref<128xi32, #tpu.memory_space<vmem>>) target_semaphore(%arg21 : memref<!tpu.dma_semaphore, #tpu.memory_space<semaphore_mem>>)
      %dma_wait3A = tpu.memref_slice %arg5[%mul3A_121] : memref<320000xi32, #tpu.memory_space<hbm>> -> memref<128xi32, #tpu.memory_space<hbm>>
      %dma_wait3A_127 = tpu.memref_slice %arg5[%mul3A_121] : memref<320000xi32, #tpu.memory_space<hbm>> -> memref<128xi32, #tpu.memory_space<hbm>>
      tpu.wait_dma2 semaphore(%arg21 : memref<!tpu.dma_semaphore, #tpu.memory_space<semaphore_mem>>) src(%dma_wait3A_127 : memref<128xi32, #tpu.memory_space<hbm>>) dst(%arg15 : memref<128xi32, #tpu.memory_space<vmem>>)
      %dma_wait3A_128 = tpu.memref_slice %arg6[%mul3A_121] : memref<320000xi32, #tpu.memory_space<hbm>> -> memref<128xi32, #tpu.memory_space<hbm>>
      %dma_wait3A_129 = tpu.memref_slice %arg6[%mul3A_121] : memref<320000xi32, #tpu.memory_space<hbm>> -> memref<128xi32, #tpu.memory_space<hbm>>
      tpu.wait_dma2 semaphore(%arg21 : memref<!tpu.dma_semaphore, #tpu.memory_space<semaphore_mem>>) src(%dma_wait3A_129 : memref<128xi32, #tpu.memory_space<hbm>>) dst(%arg16 : memref<128xi32, #tpu.memory_space<vmem>>)
      %dma_wait3A_130 = tpu.memref_slice %arg7[%mul3A_121] : memref<320000xi32, #tpu.memory_space<hbm>> -> memref<128xi32, #tpu.memory_space<hbm>>
      %dma_wait3A_131 = tpu.memref_slice %arg7[%mul3A_121] : memref<320000xi32, #tpu.memory_space<hbm>> -> memref<128xi32, #tpu.memory_space<hbm>>
      tpu.wait_dma2 semaphore(%arg21 : memref<!tpu.dma_semaphore, #tpu.memory_space<semaphore_mem>>) src(%dma_wait3A_131 : memref<128xi32, #tpu.memory_space<hbm>>) dst(%arg17 : memref<128xi32, #tpu.memory_space<vmem>>)
      %dma_start3A_132 = arith.constant 0 : i32
      %dma_start3A_133 = arith.constant 0 : i32
      %dma_start3A_134 = tpu.memref_slice %arg2[%dma_start3A_132, %dma_start3A_133] : memref<80000x128xf32, #tpu.memory_space<hbm>> -> memref<80000x128xf32, #tpu.memory_space<hbm>>
      tpu.enqueue_indirect_dma source(%dma_start3A_134 : memref<80000x128xf32, #tpu.memory_space<hbm>>) target(%arg12 : memref<128x128xf32, #tpu.memory_space<vmem>>) offsets(%arg15 : memref<128xi32, #tpu.memory_space<vmem>>) semaphore(%arg22 : memref<!tpu.dma_semaphore, #tpu.memory_space<semaphore_mem>>)
      %dma_start3A_135 = arith.constant 0 : i32
      %dma_start3A_136 = tpu.memref_slice %arg3[%dma_start3A_135] : memref<80000xf32, #tpu.memory_space<hbm>> -> memref<80000xf32, #tpu.memory_space<hbm>>
      tpu.enqueue_indirect_dma source(%dma_start3A_136 : memref<80000xf32, #tpu.memory_space<hbm>>) target(%arg13 : memref<128xf32, #tpu.memory_space<vmem>>) offsets(%arg16 : memref<128xi32, #tpu.memory_space<vmem>>) semaphore(%arg22 : memref<!tpu.dma_semaphore, #tpu.memory_space<semaphore_mem>>)
      %dma_start3A_137 = arith.constant 0 : i32
      %dma_start3A_138 = tpu.memref_slice %arg4[%dma_start3A_137] : memref<80000xf32, #tpu.memory_space<hbm>> -> memref<80000xf32, #tpu.memory_space<hbm>>
      tpu.enqueue_indirect_dma source(%dma_start3A_138 : memref<80000xf32, #tpu.memory_space<hbm>>) target(%arg14 : memref<128xf32, #tpu.memory_space<vmem>>) offsets(%arg15 : memref<128xi32, #tpu.memory_space<vmem>>) semaphore(%arg22 : memref<!tpu.dma_semaphore, #tpu.memory_space<semaphore_mem>>)
      %dma_wait3A_139 = arith.constant 0 : i32
      %dma_wait3A_140 = arith.constant 0 : i32
      %dma_wait3A_141 = tpu.memref_slice %arg2[%dma_wait3A_139, %dma_wait3A_140] : memref<80000x128xf32, #tpu.memory_space<hbm>> -> memref<80000x128xf32, #tpu.memory_space<hbm>>
      tpu.wait_indirect_dma semaphore(%arg22 : memref<!tpu.dma_semaphore, #tpu.memory_space<semaphore_mem>>) src(%dma_wait3A_141 : memref<80000x128xf32, #tpu.memory_space<hbm>>) dst(%arg12 : memref<128x128xf32, #tpu.memory_space<vmem>>)
      %dma_wait3A_142 = arith.constant 0 : i32
      %dma_wait3A_143 = tpu.memref_slice %arg3[%dma_wait3A_142] : memref<80000xf32, #tpu.memory_space<hbm>> -> memref<80000xf32, #tpu.memory_space<hbm>>
      tpu.wait_indirect_dma semaphore(%arg22 : memref<!tpu.dma_semaphore, #tpu.memory_space<semaphore_mem>>) src(%dma_wait3A_143 : memref<80000xf32, #tpu.memory_space<hbm>>) dst(%arg13 : memref<128xf32, #tpu.memory_space<vmem>>)
      %dma_wait3A_144 = arith.constant 0 : i32
      %dma_wait3A_145 = tpu.memref_slice %arg4[%dma_wait3A_144] : memref<80000xf32, #tpu.memory_space<hbm>> -> memref<80000xf32, #tpu.memory_space<hbm>>
      tpu.wait_indirect_dma semaphore(%arg22 : memref<!tpu.dma_semaphore, #tpu.memory_space<semaphore_mem>>) src(%dma_wait3A_145 : memref<80000xf32, #tpu.memory_space<hbm>>) dst(%arg14 : memref<128xf32, #tpu.memory_space<vmem>>)
      %get3A_146 = arith.constant 0 : index
      %get3A_147 = tpu.vector_load %arg13[%get3A_146] {strides = array<i32>} : memref<128xf32, #tpu.memory_space<vmem>>, vector<16xf32>,
      %get3A_148 = arith.constant 0 : index
      %get3A_149 = tpu.vector_load %arg14[%get3A_148] {strides = array<i32>} : memref<128xf32, #tpu.memory_space<vmem>>, vector<16xf32>,
      %add3A_150 = arith.addf %get3A_147, %get3A_149 : vector<16xf32>
      %gt3A = arith.constant 0.000000e+00 : f32
      %gt3A_151 = vector.broadcast %gt3A : f32 to vector<16xf32>
      %gt3A_152 = arith.cmpf ogt, %add3A_150, %gt3A_151 : vector<16xf32>
      %mul3A_153 = arith.constant 2.000000e-01 : f32
      %mul3A_154 = vector.broadcast %mul3A_153 : f32 to vector<16xf32>
      %mul3A_155 = arith.mulf %mul3A_154, %add3A_150 : vector<16xf32>
      %select_n3A_156 = arith.select %gt3A_152, %add3A_150, %mul3A_155 : vector<16xi1>, vector<16xf32>
      %sub3A_157 = arith.subf %select_n3A_156, %get3A_44 : vector<16xf32>
      %exp3A = math.exp %sub3A_157 : vector<16xf32>
      %swap3A = arith.constant 0 : index
      %swap3A_158 = tpu.vector_load %arg18[%swap3A] {strides = array<i32>} : memref<144xf32, #tpu.memory_space<vmem>>, vector<16xf32>,
      tpu.vector_store %arg18[%swap3A], %exp3A {strides = array<i32>} : memref<144xf32, #tpu.memory_space<vmem>>, vector<16xf32>,
      %get3A_159 = arith.constant 0 : index
      %get3A_160 = tpu.vector_load %arg17[%get3A_159] {strides = array<i32>} : memref<128xi32, #tpu.memory_space<vmem>>, vector<16xi32>,
      tpu.vector_store_idx %arg20[%get3A_160], %exp3A {add = true} : memref<10000xf32, #tpu.memory_space<vmem>>[vector<16xi32>], vector<16xf32>,
      %get3A_161 = arith.constant 16 : index
      %get3A_162 = tpu.vector_load %arg13[%get3A_161] {strides = array<i32>} : memref<128xf32, #tpu.memory_space<vmem>>, vector<16xf32>,
      %get3A_163 = arith.constant 16 : index
      %get3A_164 = tpu.vector_load %arg14[%get3A_163] {strides = array<i32>} : memref<128xf32, #tpu.memory_space<vmem>>, vector<16xf32>,
      %add3A_165 = arith.addf %get3A_162, %get3A_164 : vector<16xf32>
      %gt3A_166 = arith.constant 0.000000e+00 : f32
      %gt3A_167 = vector.broadcast %gt3A_166 : f32 to vector<16xf32>
      %gt3A_168 = arith.cmpf ogt, %add3A_165, %gt3A_167 : vector<16xf32>
      %mul3A_169 = arith.constant 2.000000e-01 : f32
      %mul3A_170 = vector.broadcast %mul3A_169 : f32 to vector<16xf32>
      %mul3A_171 = arith.mulf %mul3A_170, %add3A_165 : vector<16xf32>
      %select_n3A_172 = arith.select %gt3A_168, %add3A_165, %mul3A_171 : vector<16xi1>, vector<16xf32>
      %sub3A_173 = arith.subf %select_n3A_172, %get3A_44 : vector<16xf32>
      %exp3A_174 = math.exp %sub3A_173 : vector<16xf32>
      %swap3A_175 = arith.constant 16 : index
      %swap3A_176 = tpu.vector_load %arg18[%swap3A_175] {strides = array<i32>} : memref<144xf32, #tpu.memory_space<vmem>>, vector<16xf32>,
      tpu.vector_store %arg18[%swap3A_175], %exp3A_174 {strides = array<i32>} : memref<144xf32, #tpu.memory_space<vmem>>, vector<16xf32>,
      %get3A_177 = arith.constant 16 : index
      %get3A_178 = tpu.vector_load %arg17[%get3A_177] {strides = array<i32>} : memref<128xi32, #tpu.memory_space<vmem>>, vector<16xi32>,
      tpu.vector_store_idx %arg20[%get3A_178], %exp3A_174 {add = true} : memref<10000xf32, #tpu.memory_space<vmem>>[vector<16xi32>], vector<16xf32>,
      %get3A_179 = arith.constant 32 : index
      %get3A_180 = tpu.vector_load %arg13[%get3A_179] {strides = array<i32>} : memref<128xf32, #tpu.memory_space<vmem>>, vector<16xf32>,
      %get3A_181 = arith.constant 32 : index
      %get3A_182 = tpu.vector_load %arg14[%get3A_181] {strides = array<i32>} : memref<128xf32, #tpu.memory_space<vmem>>, vector<16xf32>,
      %add3A_183 = arith.addf %get3A_180, %get3A_182 : vector<16xf32>
      %gt3A_184 = arith.constant 0.000000e+00 : f32
      %gt3A_185 = vector.broadcast %gt3A_184 : f32 to vector<16xf32>
      %gt3A_186 = arith.cmpf ogt, %add3A_183, %gt3A_185 : vector<16xf32>
      %mul3A_187 = arith.constant 2.000000e-01 : f32
      %mul3A_188 = vector.broadcast %mul3A_187 : f32 to vector<16xf32>
      %mul3A_189 = arith.mulf %mul3A_188, %add3A_183 : vector<16xf32>
      %select_n3A_190 = arith.select %gt3A_186, %add3A_183, %mul3A_189 : vector<16xi1>, vector<16xf32>
      %sub3A_191 = arith.subf %select_n3A_190, %get3A_44 : vector<16xf32>
      %exp3A_192 = math.exp %sub3A_191 : vector<16xf32>
      %swap3A_193 = arith.constant 32 : index
      %swap3A_194 = tpu.vector_load %arg18[%swap3A_193] {strides = array<i32>} : memref<144xf32, #tpu.memory_space<vmem>>, vector<16xf32>,
      tpu.vector_store %arg18[%swap3A_193], %exp3A_192 {strides = array<i32>} : memref<144xf32, #tpu.memory_space<vmem>>, vector<16xf32>,
      %get3A_195 = arith.constant 32 : index
      %get3A_196 = tpu.vector_load %arg17[%get3A_195] {strides = array<i32>} : memref<128xi32, #tpu.memory_space<vmem>>, vector<16xi32>,
      tpu.vector_store_idx %arg20[%get3A_196], %exp3A_192 {add = true} : memref<10000xf32, #tpu.memory_space<vmem>>[vector<16xi32>], vector<16xf32>,
      %get3A_197 = arith.constant 48 : index
      %get3A_198 = tpu.vector_load %arg13[%get3A_197] {strides = array<i32>} : memref<128xf32, #tpu.memory_space<vmem>>, vector<16xf32>,
      %get3A_199 = arith.constant 48 : index
      %get3A_200 = tpu.vector_load %arg14[%get3A_199] {strides = array<i32>} : memref<128xf32, #tpu.memory_space<vmem>>, vector<16xf32>,
      %add3A_201 = arith.addf %get3A_198, %get3A_200 : vector<16xf32>
      %gt3A_202 = arith.constant 0.000000e+00 : f32
      %gt3A_203 = vector.broadcast %gt3A_202 : f32 to vector<16xf32>
      %gt3A_204 = arith.cmpf ogt, %add3A_201, %gt3A_203 : vector<16xf32>
      %mul3A_205 = arith.constant 2.000000e-01 : f32
      %mul3A_206 = vector.broadcast %mul3A_205 : f32 to vector<16xf32>
      %mul3A_207 = arith.mulf %mul3A_206, %add3A_201 : vector<16xf32>
      %select_n3A_208 = arith.select %gt3A_204, %add3A_201, %mul3A_207 : vector<16xi1>, vector<16xf32>
      %sub3A_209 = arith.subf %select_n3A_208, %get3A_44 : vector<16xf32>
      %exp3A_210 = math.exp %sub3A_209 : vector<16xf32>
      %swap3A_211 = arith.constant 48 : index
      %swap3A_212 = tpu.vector_load %arg18[%swap3A_211] {strides = array<i32>} : memref<144xf32, #tpu.memory_space<vmem>>, vector<16xf32>,
      tpu.vector_store %arg18[%swap3A_211], %exp3A_210 {strides = array<i32>} : memref<144xf32, #tpu.memory_space<vmem>>, vector<16xf32>,
      %get3A_213 = arith.constant 48 : index
      %get3A_214 = tpu.vector_load %arg17[%get3A_213] {strides = array<i32>} : memref<128xi32, #tpu.memory_space<vmem>>, vector<16xi32>,
      tpu.vector_store_idx %arg20[%get3A_214], %exp3A_210 {add = true} : memref<10000xf32, #tpu.memory_space<vmem>>[vector<16xi32>], vector<16xf32>,
      %get3A_215 = arith.constant 64 : index
      %get3A_216 = tpu.vector_load %arg13[%get3A_215] {strides = array<i32>} : memref<128xf32, #tpu.memory_space<vmem>>, vector<16xf32>,
      %get3A_217 = arith.constant 64 : index
      %get3A_218 = tpu.vector_load %arg14[%get3A_217] {strides = array<i32>} : memref<128xf32, #tpu.memory_space<vmem>>, vector<16xf32>,
      %add3A_219 = arith.addf %get3A_216, %get3A_218 : vector<16xf32>
      %gt3A_220 = arith.constant 0.000000e+00 : f32
      %gt3A_221 = vector.broadcast %gt3A_220 : f32 to vector<16xf32>
      %gt3A_222 = arith.cmpf ogt, %add3A_219, %gt3A_221 : vector<16xf32>
      %mul3A_223 = arith.constant 2.000000e-01 : f32
      %mul3A_224 = vector.broadcast %mul3A_223 : f32 to vector<16xf32>
      %mul3A_225 = arith.mulf %mul3A_224, %add3A_219 : vector<16xf32>
      %select_n3A_226 = arith.select %gt3A_222, %add3A_219, %mul3A_225 : vector<16xi1>, vector<16xf32>
      %sub3A_227 = arith.subf %select_n3A_226, %get3A_44 : vector<16xf32>
      %exp3A_228 = math.exp %sub3A_227 : vector<16xf32>
      %swap3A_229 = arith.constant 64 : index
      %swap3A_230 = tpu.vector_load %arg18[%swap3A_229] {strides = array<i32>} : memref<144xf32, #tpu.memory_space<vmem>>, vector<16xf32>,
      tpu.vector_store %arg18[%swap3A_229], %exp3A_228 {strides = array<i32>} : memref<144xf32, #tpu.memory_space<vmem>>, vector<16xf32>,
      %get3A_231 = arith.constant 64 : index
      %get3A_232 = tpu.vector_load %arg17[%get3A_231] {strides = array<i32>} : memref<128xi32, #tpu.memory_space<vmem>>, vector<16xi32>,
      tpu.vector_store_idx %arg20[%get3A_232], %exp3A_228 {add = true} : memref<10000xf32, #tpu.memory_space<vmem>>[vector<16xi32>], vector<16xf32>,
      %get3A_233 = arith.constant 80 : index
      %get3A_234 = tpu.vector_load %arg13[%get3A_233] {strides = array<i32>} : memref<128xf32, #tpu.memory_space<vmem>>, vector<16xf32>,
      %get3A_235 = arith.constant 80 : index
      %get3A_236 = tpu.vector_load %arg14[%get3A_235] {strides = array<i32>} : memref<128xf32, #tpu.memory_space<vmem>>, vector<16xf32>,
      %add3A_237 = arith.addf %get3A_234, %get3A_236 : vector<16xf32>
      %gt3A_238 = arith.constant 0.000000e+00 : f32
      %gt3A_239 = vector.broadcast %gt3A_238 : f32 to vector<16xf32>
      %gt3A_240 = arith.cmpf ogt, %add3A_237, %gt3A_239 : vector<16xf32>
      %mul3A_241 = arith.constant 2.000000e-01 : f32
      %mul3A_242 = vector.broadcast %mul3A_241 : f32 to vector<16xf32>
      %mul3A_243 = arith.mulf %mul3A_242, %add3A_237 : vector<16xf32>
      %select_n3A_244 = arith.select %gt3A_240, %add3A_237, %mul3A_243 : vector<16xi1>, vector<16xf32>
      %sub3A_245 = arith.subf %select_n3A_244, %get3A_44 : vector<16xf32>
      %exp3A_246 = math.exp %sub3A_245 : vector<16xf32>
      %swap3A_247 = arith.constant 80 : index
      %swap3A_248 = tpu.vector_load %arg18[%swap3A_247] {strides = array<i32>} : memref<144xf32, #tpu.memory_space<vmem>>, vector<16xf32>,
      tpu.vector_store %arg18[%swap3A_247], %exp3A_246 {strides = array<i32>} : memref<144xf32, #tpu.memory_space<vmem>>, vector<16xf32>,
      %get3A_249 = arith.constant 80 : index
      %get3A_250 = tpu.vector_load %arg17[%get3A_249] {strides = array<i32>} : memref<128xi32, #tpu.memory_space<vmem>>, vector<16xi32>,
      tpu.vector_store_idx %arg20[%get3A_250], %exp3A_246 {add = true} : memref<10000xf32, #tpu.memory_space<vmem>>[vector<16xi32>], vector<16xf32>,
      %get3A_251 = arith.constant 96 : index
      %get3A_252 = tpu.vector_load %arg13[%get3A_251] {strides = array<i32>} : memref<128xf32, #tpu.memory_space<vmem>>, vector<16xf32>,
      %get3A_253 = arith.constant 96 : index
      %get3A_254 = tpu.vector_load %arg14[%get3A_253] {strides = array<i32>} : memref<128xf32, #tpu.memory_space<vmem>>, vector<16xf32>,
      %add3A_255 = arith.addf %get3A_252, %get3A_254 : vector<16xf32>
      %gt3A_256 = arith.constant 0.000000e+00 : f32
      %gt3A_257 = vector.broadcast %gt3A_256 : f32 to vector<16xf32>
      %gt3A_258 = arith.cmpf ogt, %add3A_255, %gt3A_257 : vector<16xf32>
      %mul3A_259 = arith.constant 2.000000e-01 : f32
      %mul3A_260 = vector.broadcast %mul3A_259 : f32 to vector<16xf32>
      %mul3A_261 = arith.mulf %mul3A_260, %add3A_255 : vector<16xf32>
      %select_n3A_262 = arith.select %gt3A_258, %add3A_255, %mul3A_261 : vector<16xi1>, vector<16xf32>
      %sub3A_263 = arith.subf %select_n3A_262, %get3A_44 : vector<16xf32>
      %exp3A_264 = math.exp %sub3A_263 : vector<16xf32>
      %swap3A_265 = arith.constant 96 : index
      %swap3A_266 = tpu.vector_load %arg18[%swap3A_265] {strides = array<i32>} : memref<144xf32, #tpu.memory_space<vmem>>, vector<16xf32>,
      tpu.vector_store %arg18[%swap3A_265], %exp3A_264 {strides = array<i32>} : memref<144xf32, #tpu.memory_space<vmem>>, vector<16xf32>,
      %get3A_267 = arith.constant 96 : index
      %get3A_268 = tpu.vector_load %arg17[%get3A_267] {strides = array<i32>} : memref<128xi32, #tpu.memory_space<vmem>>, vector<16xi32>,
      tpu.vector_store_idx %arg20[%get3A_268], %exp3A_264 {add = true} : memref<10000xf32, #tpu.memory_space<vmem>>[vector<16xi32>], vector<16xf32>,
      %get3A_269 = arith.constant 112 : index
      %get3A_270 = tpu.vector_load %arg13[%get3A_269] {strides = array<i32>} : memref<128xf32, #tpu.memory_space<vmem>>, vector<16xf32>,
      %get3A_271 = arith.constant 112 : index
      %get3A_272 = tpu.vector_load %arg14[%get3A_271] {strides = array<i32>} : memref<128xf32, #tpu.memory_space<vmem>>, vector<16xf32>,
      %add3A_273 = arith.addf %get3A_270, %get3A_272 : vector<16xf32>
      %gt3A_274 = arith.constant 0.000000e+00 : f32
      %gt3A_275 = vector.broadcast %gt3A_274 : f32 to vector<16xf32>
      %gt3A_276 = arith.cmpf ogt, %add3A_273, %gt3A_275 : vector<16xf32>
      %mul3A_277 = arith.constant 2.000000e-01 : f32
      %mul3A_278 = vector.broadcast %mul3A_277 : f32 to vector<16xf32>
      %mul3A_279 = arith.mulf %mul3A_278, %add3A_273 : vector<16xf32>
      %select_n3A_280 = arith.select %gt3A_276, %add3A_273, %mul3A_279 : vector<16xi1>, vector<16xf32>
      %sub3A_281 = arith.subf %select_n3A_280, %get3A_44 : vector<16xf32>
      %exp3A_282 = math.exp %sub3A_281 : vector<16xf32>
      %swap3A_283 = arith.constant 112 : index
      %swap3A_284 = tpu.vector_load %arg18[%swap3A_283] {strides = array<i32>} : memref<144xf32, #tpu.memory_space<vmem>>, vector<16xf32>,
      tpu.vector_store %arg18[%swap3A_283], %exp3A_282 {strides = array<i32>} : memref<144xf32, #tpu.memory_space<vmem>>, vector<16xf32>,
      %get3A_285 = arith.constant 112 : index
      %get3A_286 = tpu.vector_load %arg17[%get3A_285] {strides = array<i32>} : memref<128xi32, #tpu.memory_space<vmem>>, vector<16xi32>,
      tpu.vector_store_idx %arg20[%get3A_286], %exp3A_282 {add = true} : memref<10000xf32, #tpu.memory_space<vmem>>[vector<16xi32>], vector<16xf32>,
      %scan3A_287 = arith.constant 0 : i32
      %scan3A_288 = arith.constant 0 : i32
      %scan3A_289 = arith.constant 128 : i32
      %scan3A_290 = arith.addi %scan3A_288, %scan3A_289 : i32
      %scan3A_291 = arith.constant 1 : i32
      scf.for %scan3A_293 = %scan3A_288 to %scan3A_290 step %scan3A_291  : i32 {
        %get3A_294 = arith.index_cast %scan3A_293 : i32 to index
        %get3A_295 = tpu.vector_load %arg18[%get3A_294] {strides = array<i32>} : memref<144xf32, #tpu.memory_space<vmem>>, vector<16xf32>,
        %slice3A = vector.extract_strided_slice %get3A_295 {offsets = [0], sizes = [1], strides = [1]} : vector<16xf32> to vector<1xf32>
        %squeeze3A = vector.extract %slice3A[0] : f32 from vector<1xf32>
        %get3A_296 = arith.index_cast %scan3A_293 : i32 to index
        %get3A_297 = arith.constant 0 : index
        %get3A_298 = tpu.vector_load %arg12[%get3A_296, %get3A_297] {strides = array<i32>} : memref<128x128xf32, #tpu.memory_space<vmem>>, vector<16xf32>,
        %mul3A_299 = vector.broadcast %squeeze3A : f32 to vector<16xf32>
        %mul3A_300 = arith.mulf %get3A_298, %mul3A_299 : vector<16xf32>
        %swap3A_301 = arith.index_cast %scan3A_293 : i32 to index
        %swap3A_302 = arith.constant 0 : index
        %swap3A_303 = tpu.vector_load %arg12[%swap3A_301, %swap3A_302] {strides = array<i32>} : memref<128x128xf32, #tpu.memory_space<vmem>>, vector<16xf32>,
        tpu.vector_store %arg12[%swap3A_301, %swap3A_302], %mul3A_300 {strides = array<i32>} : memref<128x128xf32, #tpu.memory_space<vmem>>, vector<16xf32>,
        %get3A_304 = arith.index_cast %scan3A_293 : i32 to index
        %get3A_305 = arith.constant 16 : index
        %get3A_306 = tpu.vector_load %arg12[%get3A_304, %get3A_305] {strides = array<i32>} : memref<128x128xf32, #tpu.memory_space<vmem>>, vector<16xf32>,
        %mul3A_307 = vector.broadcast %squeeze3A : f32 to vector<16xf32>
        %mul3A_308 = arith.mulf %get3A_306, %mul3A_307 : vector<16xf32>
        %swap3A_309 = arith.index_cast %scan3A_293 : i32 to index
        %swap3A_310 = arith.constant 16 : index
        %swap3A_311 = tpu.vector_load %arg12[%swap3A_309, %swap3A_310] {strides = array<i32>} : memref<128x128xf32, #tpu.memory_space<vmem>>, vector<16xf32>,
        tpu.vector_store %arg12[%swap3A_309, %swap3A_310], %mul3A_308 {strides = array<i32>} : memref<128x128xf32, #tpu.memory_space<vmem>>, vector<16xf32>,
        %get3A_312 = arith.index_cast %scan3A_293 : i32 to index
        %get3A_313 = arith.constant 32 : index
        %get3A_314 = tpu.vector_load %arg12[%get3A_312, %get3A_313] {strides = array<i32>} : memref<128x128xf32, #tpu.memory_space<vmem>>, vector<16xf32>,
        %mul3A_315 = vector.broadcast %squeeze3A : f32 to vector<16xf32>
        %mul3A_316 = arith.mulf %get3A_314, %mul3A_315 : vector<16xf32>
        %swap3A_317 = arith.index_cast %scan3A_293 : i32 to index
        %swap3A_318 = arith.constant 32 : index
        %swap3A_319 = tpu.vector_load %arg12[%swap3A_317, %swap3A_318] {strides = array<i32>} : memref<128x128xf32, #tpu.memory_space<vmem>>, vector<16xf32>,
        tpu.vector_store %arg12[%swap3A_317, %swap3A_318], %mul3A_316 {strides = array<i32>} : memref<128x128xf32, #tpu.memory_space<vmem>>, vector<16xf32>,
        %get3A_320 = arith.index_cast %scan3A_293 : i32 to index
        %get3A_321 = arith.constant 48 : index
        %get3A_322 = tpu.vector_load %arg12[%get3A_320, %get3A_321] {strides = array<i32>} : memref<128x128xf32, #tpu.memory_space<vmem>>, vector<16xf32>,
        %mul3A_323 = vector.broadcast %squeeze3A : f32 to vector<16xf32>
        %mul3A_324 = arith.mulf %get3A_322, %mul3A_323 : vector<16xf32>
        %swap3A_325 = arith.index_cast %scan3A_293 : i32 to index
        %swap3A_326 = arith.constant 48 : index
        %swap3A_327 = tpu.vector_load %arg12[%swap3A_325, %swap3A_326] {strides = array<i32>} : memref<128x128xf32, #tpu.memory_space<vmem>>, vector<16xf32>,
        tpu.vector_store %arg12[%swap3A_325, %swap3A_326], %mul3A_324 {strides = array<i32>} : memref<128x128xf32, #tpu.memory_space<vmem>>, vector<16xf32>,
        %get3A_328 = arith.index_cast %scan3A_293 : i32 to index
        %get3A_329 = arith.constant 64 : index
        %get3A_330 = tpu.vector_load %arg12[%get3A_328, %get3A_329] {strides = array<i32>} : memref<128x128xf32, #tpu.memory_space<vmem>>, vector<16xf32>,
        %mul3A_331 = vector.broadcast %squeeze3A : f32 to vector<16xf32>
        %mul3A_332 = arith.mulf %get3A_330, %mul3A_331 : vector<16xf32>
        %swap3A_333 = arith.index_cast %scan3A_293 : i32 to index
        %swap3A_334 = arith.constant 64 : index
        %swap3A_335 = tpu.vector_load %arg12[%swap3A_333, %swap3A_334] {strides = array<i32>} : memref<128x128xf32, #tpu.memory_space<vmem>>, vector<16xf32>,
        tpu.vector_store %arg12[%swap3A_333, %swap3A_334], %mul3A_332 {strides = array<i32>} : memref<128x128xf32, #tpu.memory_space<vmem>>, vector<16xf32>,
        %get3A_336 = arith.index_cast %scan3A_293 : i32 to index
        %get3A_337 = arith.constant 80 : index
        %get3A_338 = tpu.vector_load %arg12[%get3A_336, %get3A_337] {strides = array<i32>} : memref<128x128xf32, #tpu.memory_space<vmem>>, vector<16xf32>,
        %mul3A_339 = vector.broadcast %squeeze3A : f32 to vector<16xf32>
        %mul3A_340 = arith.mulf %get3A_338, %mul3A_339 : vector<16xf32>
        %swap3A_341 = arith.index_cast %scan3A_293 : i32 to index
        %swap3A_342 = arith.constant 80 : index
        %swap3A_343 = tpu.vector_load %arg12[%swap3A_341, %swap3A_342] {strides = array<i32>} : memref<128x128xf32, #tpu.memory_space<vmem>>, vector<16xf32>,
        tpu.vector_store %arg12[%swap3A_341, %swap3A_342], %mul3A_340 {strides = array<i32>} : memref<128x128xf32, #tpu.memory_space<vmem>>, vector<16xf32>,
        %get3A_344 = arith.index_cast %scan3A_293 : i32 to index
        %get3A_345 = arith.constant 96 : index
        %get3A_346 = tpu.vector_load %arg12[%get3A_344, %get3A_345] {strides = array<i32>} : memref<128x128xf32, #tpu.memory_space<vmem>>, vector<16xf32>,
        %mul3A_347 = vector.broadcast %squeeze3A : f32 to vector<16xf32>
        %mul3A_348 = arith.mulf %get3A_346, %mul3A_347 : vector<16xf32>
        %swap3A_349 = arith.index_cast %scan3A_293 : i32 to index
        %swap3A_350 = arith.constant 96 : index
        %swap3A_351 = tpu.vector_load %arg12[%swap3A_349, %swap3A_350] {strides = array<i32>} : memref<128x128xf32, #tpu.memory_space<vmem>>, vector<16xf32>,
        tpu.vector_store %arg12[%swap3A_349, %swap3A_350], %mul3A_348 {strides = array<i32>} : memref<128x128xf32, #tpu.memory_space<vmem>>, vector<16xf32>,
        %get3A_352 = arith.index_cast %scan3A_293 : i32 to index
        %get3A_353 = arith.constant 112 : index
        %get3A_354 = tpu.vector_load %arg12[%get3A_352, %get3A_353] {strides = array<i32>} : memref<128x128xf32, #tpu.memory_space<vmem>>, vector<16xf32>,
        %mul3A_355 = vector.broadcast %squeeze3A : f32 to vector<16xf32>
        %mul3A_356 = arith.mulf %get3A_354, %mul3A_355 : vector<16xf32>
        %swap3A_357 = arith.index_cast %scan3A_293 : i32 to index
        %swap3A_358 = arith.constant 112 : index
        %swap3A_359 = tpu.vector_load %arg12[%swap3A_357, %swap3A_358] {strides = array<i32>} : memref<128x128xf32, #tpu.memory_space<vmem>>, vector<16xf32>,
        tpu.vector_store %arg12[%swap3A_357, %swap3A_358], %mul3A_356 {strides = array<i32>} : memref<128x128xf32, #tpu.memory_space<vmem>>, vector<16xf32>,
      }
      %scan3A_292 = arith.constant 128 : i32
      "tpu.region"() ({
        %run_scoped3A = tpu.sem_alloc : memref<!tpu.dma_semaphore, #tpu.memory_space<semaphore_mem>>
        %dma_start3A_293 = arith.constant 0 : i32
        %dma_start3A_294 = arith.constant 0 : i32
        %dma_start3A_295 = tpu.memref_slice %arg11[%dma_start3A_293, %dma_start3A_294] : memref<10000x128xf32, #tpu.memory_space<vmem_shared>> -> memref<10000x128xf32, #tpu.memory_space<vmem_shared>>
        tpu.enqueue_indirect_dma source(%arg12 : memref<128x128xf32, #tpu.memory_space<vmem>>) target(%dma_start3A_295 : memref<10000x128xf32, #tpu.memory_space<vmem_shared>>) offsets(%arg17 : memref<128xi32, #tpu.memory_space<vmem>>) semaphore(%run_scoped3A : memref<!tpu.dma_semaphore, #tpu.memory_space<semaphore_mem>>) {add = true}
        %dma_wait3A_296 = arith.constant 0 : i32
        %dma_wait3A_297 = arith.constant 0 : i32
        %dma_wait3A_298 = tpu.memref_slice %arg11[%dma_wait3A_296, %dma_wait3A_297] : memref<10000x128xf32, #tpu.memory_space<vmem_shared>> -> memref<10000x128xf32, #tpu.memory_space<vmem_shared>>
        tpu.wait_indirect_dma semaphore(%run_scoped3A : memref<!tpu.dma_semaphore, #tpu.memory_space<semaphore_mem>>) src(%arg12 : memref<128x128xf32, #tpu.memory_space<vmem>>) dst(%dma_wait3A_298 : memref<10000x128xf32, #tpu.memory_space<vmem_shared>>)
        tpu.yield
      }) : () -> ()
    }
    %barrier3A_108 = arith.constant 0 : index
    tpu.barrier barrier_id(%barrier3A_108)
    %while3A_109 = arith.constant 0 : i32
    %while3A_110 = arith.constant 0 : i32
    %while3A_111 = arith.subi %select_n3A, %while3A_110 : i32
    %while3A_112 = arith.addi %while3A_110, %while3A_111 : i32
    %while3A_113 = arith.constant 1 : i32
    %while3A_114 = arith.divsi %while3A_111, %while3A_113 : i32
    %while3A_115 = arith.muli %while3A_114, %while3A_113 : i32
    %while3A_116 = arith.addi %while3A_110, %while3A_115 : i32
    %while3A_117 = arith.constant 1 : i32
    scf.for %while3A_119 = %while3A_110 to %while3A_116 step %while3A_117  : i32 {
      %mul3A_120 = arith.constant 16 : i32
      %mul3A_121 = arith.muli %while3A_119, %mul3A_120 : i32
      %add3A_122 = arith.addi %arg1, %mul3A_121 : i32
      %mul3A_123 = arith.constant 80 : i32
      %mul3A_124 = arith.muli %add3A_122, %mul3A_123 : i32
      "tpu.region"() ({
        %run_scoped3A = tpu.sem_alloc : memref<!tpu.dma_semaphore, #tpu.memory_space<semaphore_mem>>
        %dma_start3A = arith.constant 0 : i32
        %dma_start3A_125 = tpu.memref_slice %arg9[%arg0, %mul3A_124, %dma_start3A] : memref<2x10000x128xf32, #tpu.memory_space<hbm>> -> memref<1x80x128xf32, #tpu.memory_space<hbm>>
        %dma_start3A_126 = tpu.memref_squeeze %dma_start3A_125 : memref<1x80x128xf32, #tpu.memory_space<hbm>> -> memref<80x128xf32, #tpu.memory_space<hbm>>
        %dma_start3A_127 = arith.constant 0 : i32
        %dma_start3A_128 = tpu.memref_slice %arg11[%mul3A_124, %dma_start3A_127] : memref<10000x128xf32, #tpu.memory_space<vmem_shared>> -> memref<80x128xf32, #tpu.memory_space<vmem_shared>>
        tpu.enqueue_dma source(%dma_start3A_128 : memref<80x128xf32, #tpu.memory_space<vmem_shared>>) target(%dma_start3A_126 : memref<80x128xf32, #tpu.memory_space<hbm>>) target_semaphore(%run_scoped3A : memref<!tpu.dma_semaphore, #tpu.memory_space<semaphore_mem>>)
        %dma_wait3A = arith.constant 0 : i32
        %dma_wait3A_129 = tpu.memref_slice %arg9[%arg0, %mul3A_124, %dma_wait3A] : memref<2x10000x128xf32, #tpu.memory_space<hbm>> -> memref<1x80x128xf32, #tpu.memory_space<hbm>>
        %dma_wait3A_130 = tpu.memref_squeeze %dma_wait3A_129 : memref<1x80x128xf32, #tpu.memory_space<hbm>> -> memref<80x128xf32, #tpu.memory_space<hbm>>
        %dma_wait3A_131 = arith.constant 0 : i32
        %dma_wait3A_132 = tpu.memref_slice %arg11[%mul3A_124, %dma_wait3A_131] : memref<10000x128xf32, #tpu.memory_space<vmem_shared>> -> memref<80x128xf32, #tpu.memory_space<vmem_shared>>
        tpu.wait_dma2 semaphore(%run_scoped3A : memref<!tpu.dma_semaphore, #tpu.memory_space<semaphore_mem>>) src(%dma_wait3A_132 : memref<80x128xf32, #tpu.memory_space<vmem_shared>>) dst(%dma_wait3A_130 : memref<80x128xf32, #tpu.memory_space<hbm>>)
        tpu.yield
      }) : () -> ()
    }
    %while3A_118 = arith.constant 1 : i32
    scf.for %while3A_119 = %while3A_116 to %while3A_112 step %while3A_118  : i32 {
      %mul3A_120 = arith.constant 16 : i32
      %mul3A_121 = arith.muli %while3A_119, %mul3A_120 : i32
      %add3A_122 = arith.addi %arg1, %mul3A_121 : i32
      %mul3A_123 = arith.constant 80 : i32
      %mul3A_124 = arith.muli %add3A_122, %mul3A_123 : i32
      "tpu.region"() ({
        %run_scoped3A = tpu.sem_alloc : memref<!tpu.dma_semaphore, #tpu.memory_space<semaphore_mem>>
        %dma_start3A = arith.constant 0 : i32
        %dma_start3A_125 = tpu.memref_slice %arg9[%arg0, %mul3A_124, %dma_start3A] : memref<2x10000x128xf32, #tpu.memory_space<hbm>> -> memref<1x80x128xf32, #tpu.memory_space<hbm>>
        %dma_start3A_126 = tpu.memref_squeeze %dma_start3A_125 : memref<1x80x128xf32, #tpu.memory_space<hbm>> -> memref<80x128xf32, #tpu.memory_space<hbm>>
        %dma_start3A_127 = arith.constant 0 : i32
        %dma_start3A_128 = tpu.memref_slice %arg11[%mul3A_124, %dma_start3A_127] : memref<10000x128xf32, #tpu.memory_space<vmem_shared>> -> memref<80x128xf32, #tpu.memory_space<vmem_shared>>
        tpu.enqueue_dma source(%dma_start3A_128 : memref<80x128xf32, #tpu.memory_space<vmem_shared>>) target(%dma_start3A_126 : memref<80x128xf32, #tpu.memory_space<hbm>>) target_semaphore(%run_scoped3A : memref<!tpu.dma_semaphore, #tpu.memory_space<semaphore_mem>>)
        %dma_wait3A = arith.constant 0 : i32
        %dma_wait3A_129 = tpu.memref_slice %arg9[%arg0, %mul3A_124, %dma_wait3A] : memref<2x10000x128xf32, #tpu.memory_space<hbm>> -> memref<1x80x128xf32, #tpu.memory_space<hbm>>
        %dma_wait3A_130 = tpu.memref_squeeze %dma_wait3A_129 : memref<1x80x128xf32, #tpu.memory_space<hbm>> -> memref<80x128xf32, #tpu.memory_space<hbm>>
        %dma_wait3A_131 = arith.constant 0 : i32
        %dma_wait3A_132 = tpu.memref_slice %arg11[%mul3A_124, %dma_wait3A_131] : memref<10000x128xf32, #tpu.memory_space<vmem_shared>> -> memref<80x128xf32, #tpu.memory_space<vmem_shared>>
        tpu.wait_dma2 semaphore(%run_scoped3A : memref<!tpu.dma_semaphore, #tpu.memory_space<semaphore_mem>>) src(%dma_wait3A_132 : memref<80x128xf32, #tpu.memory_space<vmem_shared>>) dst(%dma_wait3A_130 : memref<80x128xf32, #tpu.memory_space<hbm>>)
        tpu.yield
      }) : () -> ()
    }
    "tpu.region"() ({
      %run_scoped3A = tpu.sem_alloc : memref<!tpu.dma_semaphore, #tpu.memory_space<semaphore_mem>>
      %dma_start3A = arith.constant 0 : i32
      %dma_start3A_119 = tpu.memref_slice %arg10[%arg0, %arg1, %dma_start3A] : memref<2x16x10000xf32, #tpu.memory_space<hbm>> -> memref<1x1x10000xf32, #tpu.memory_space<hbm>>
      %dma_start3A_120 = tpu.memref_squeeze %dma_start3A_119 : memref<1x1x10000xf32, #tpu.memory_space<hbm>> -> memref<10000xf32, #tpu.memory_space<hbm>>
      %dma_start3A_121 = arith.constant 0 : i32
      %dma_start3A_122 = tpu.memref_slice %arg10[%arg0, %arg1, %dma_start3A_121] : memref<2x16x10000xf32, #tpu.memory_space<hbm>> -> memref<1x1x10000xf32, #tpu.memory_space<hbm>>
      %dma_start3A_123 = tpu.memref_squeeze %dma_start3A_122 : memref<1x1x10000xf32, #tpu.memory_space<hbm>> -> memref<10000xf32, #tpu.memory_space<hbm>>
      tpu.enqueue_dma source(%arg20 : memref<10000xf32, #tpu.memory_space<vmem>>) target(%dma_start3A_123 : memref<10000xf32, #tpu.memory_space<hbm>>) target_semaphore(%run_scoped3A : memref<!tpu.dma_semaphore, #tpu.memory_space<semaphore_mem>>)
      %dma_wait3A = arith.constant 0 : i32
      %dma_wait3A_124 = tpu.memref_slice %arg10[%arg0, %arg1, %dma_wait3A] : memref<2x16x10000xf32, #tpu.memory_space<hbm>> -> memref<1x1x10000xf32, #tpu.memory_space<hbm>>
      %dma_wait3A_125 = tpu.memref_squeeze %dma_wait3A_124 : memref<1x1x10000xf32, #tpu.memory_space<hbm>> -> memref<10000xf32, #tpu.memory_space<hbm>>
      %dma_wait3A_126 = arith.constant 0 : i32
      %dma_wait3A_127 = tpu.memref_slice %arg10[%arg0, %arg1, %dma_wait3A_126] : memref<2x16x10000xf32, #tpu.memory_space<hbm>> -> memref<1x1x10000xf32, #tpu.memory_space<hbm>>
      %dma_wait3A_128 = tpu.memref_squeeze %dma_wait3A_127 : memref<1x1x10000xf32, #tpu.memory_space<hbm>> -> memref<10000xf32, #tpu.memory_space<hbm>>
      tpu.wait_dma2 semaphore(%run_scoped3A : memref<!tpu.dma_semaphore, #tpu.memory_space<semaphore_mem>>) src(%arg20 : memref<10000xf32, #tpu.memory_space<vmem>>) dst(%dma_wait3A_128 : memref<10000xf32, #tpu.memory_space<hbm>>)
      tpu.yield
    }) : () -> ()
    return
  }
}

module attributes {stable_mosaic.version = 14 : i64} {
  func.func @_tc1_body(%arg0: i32, %arg1: i32, %arg2: memref<1000x128xf32, #tpu.memory_space<vmem>>, %arg3: memref<1x128x128xf32, #tpu.memory_space<vmem>>, %arg4: memref<128x1xf32, #tpu.memory_space<vmem>>, %arg5: memref<128x1xf32, #tpu.memory_space<vmem>>, %arg6: memref<1000x128xf32, #tpu.memory_space<vmem>>, %arg7: memref<1000x1xf32, #tpu.memory_space<vmem>>, %arg8: memref<1000x1xf32, #tpu.memory_space<vmem>>) attributes {dimension_semantics = [#tpu.dimension_semantics<arbitrary>, #tpu.dimension_semantics<arbitrary>], iteration_bounds = array<i64: 10, 8>, scalar_prefetch = 0 : i64, scratch_operands = 0 : i64, tpu.core_type = #tpu.core_type<tc>, window_params = [{transform_indices = @transform_0, window_bounds = array<i64: 1000, 128>}, {transform_indices = @transform_1, window_bounds = array<i64: 1, 128, 128>}, {pipeline_mode = #tpu.pipeline_mode<synchronous>, transform_indices = @transform_2, window_bounds = array<i64: 128, 1>}, {pipeline_mode = #tpu.pipeline_mode<synchronous>, transform_indices = @transform_3, window_bounds = array<i64: 128, 1>}, {transform_indices = @transform_4, window_bounds = array<i64: 1000, 128>}, {transform_indices = @transform_5, window_bounds = array<i64: 1000, 1>}, {transform_indices = @transform_6, window_bounds = array<i64: 1000, 1>}]} {
    %get3A = arith.constant 0 : index
    %get3A_0 = arith.constant 0 : index
    %get3A_1 = vector.load %arg2[%get3A, %get3A_0] : memref<1000x128xf32, #tpu.memory_space<vmem>>, vector<1000x128xf32>
    %get3A_2 = arith.constant 0 : index
    %get3A_3 = arith.constant 0 : index
    %get3A_4 = arith.constant 0 : index
    %get3A_5 = vector.load %arg3[%get3A_2, %get3A_3, %get3A_4] : memref<1x128x128xf32, #tpu.memory_space<vmem>>, vector<1x128x128xf32>
    %get3A_6 = vector.shape_cast %get3A_5 : vector<1x128x128xf32> to vector<128x128xf32>
    %dot_general3A = arith.constant dense<0.000000e+00> : vector<1000x128xf32>
    %dot_general3A_7 = tpu.matmul %get3A_1, %get3A_6, %dot_general3A {dimension_numbers = #tpu.dot_dimension_numbers<[1], [0], [0], [1], [0, 0, 1, 1], [], []>, transpose_lhs_hint = false} : vector<1000x128xf32>, vector<128x128xf32>, vector<1000x128xf32> -> vector<1000x128xf32>
    %swap3A = arith.constant 0 : index
    %swap3A_8 = arith.constant 0 : index
    %swap3A_9 = vector.load %arg6[%swap3A, %swap3A_8] : memref<1000x128xf32, #tpu.memory_space<vmem>>, vector<1000x128xf32>
    tpu.vector_store %arg6[%swap3A, %swap3A_8], %dot_general3A_7 {strides = array<i32>} : memref<1000x128xf32, #tpu.memory_space<vmem>>, vector<1000x128xf32>,
    %get3A_10 = arith.constant 0 : index
    %get3A_11 = arith.constant 0 : index
    %get3A_12 = vector.load %arg4[%get3A_10, %get3A_11] : memref<128x1xf32, #tpu.memory_space<vmem>>, vector<128x1xf32>
    %dot_general3A_13 = arith.constant dense<0.000000e+00> : vector<1000x1xf32>
    %dot_general3A_14 = tpu.matmul %dot_general3A_7, %get3A_12, %dot_general3A_13 {dimension_numbers = #tpu.dot_dimension_numbers<[1], [0], [0], [1], [0, 0, 1, 1], [], []>, transpose_lhs_hint = false} : vector<1000x128xf32>, vector<128x1xf32>, vector<1000x1xf32> -> vector<1000x1xf32>
    %get3A_15 = arith.constant 0 : index
    %get3A_16 = arith.constant 0 : index
    %get3A_17 = vector.load %arg5[%get3A_15, %get3A_16] : memref<128x1xf32, #tpu.memory_space<vmem>>, vector<128x1xf32>
    %dot_general3A_18 = arith.constant dense<0.000000e+00> : vector<1000x1xf32>
    %dot_general3A_19 = tpu.matmul %dot_general3A_7, %get3A_17, %dot_general3A_18 {dimension_numbers = #tpu.dot_dimension_numbers<[1], [0], [0], [1], [0, 0, 1, 1], [], []>, transpose_lhs_hint = false} : vector<1000x128xf32>, vector<128x1xf32>, vector<1000x1xf32> -> vector<1000x1xf32>
    %swap3A_20 = arith.constant 0 : index
    %swap3A_21 = arith.constant 0 : index
    %swap3A_22 = vector.load %arg7[%swap3A_20, %swap3A_21] : memref<1000x1xf32, #tpu.memory_space<vmem>>, vector<1000x1xf32>
    tpu.vector_store %arg7[%swap3A_20, %swap3A_21], %dot_general3A_14 {strides = array<i32>} : memref<1000x1xf32, #tpu.memory_space<vmem>>, vector<1000x1xf32>,
    %swap3A_23 = arith.constant 0 : index
    %swap3A_24 = arith.constant 0 : index
    %swap3A_25 = vector.load %arg8[%swap3A_23, %swap3A_24] : memref<1000x1xf32, #tpu.memory_space<vmem>>, vector<1000x1xf32>
    tpu.vector_store %arg8[%swap3A_23, %swap3A_24], %dot_general3A_19 {strides = array<i32>} : memref<1000x1xf32, #tpu.memory_space<vmem>>, vector<1000x1xf32>,
    return
  }
  func.func @transform_0(%arg0: i32, %arg1: i32) -> (i32, i32) {
    %c0_i32 = arith.constant 0 : i32
    %c0_i32_0 = arith.constant 0 : i32
    return %arg0, %c0_i32 : i32, i32
  }
  func.func @transform_1(%arg0: i32, %arg1: i32) -> (i32, i32, i32) {
    %c0_i32 = arith.constant 0 : i32
    %c0_i32_0 = arith.constant 0 : i32
    %c0_i32_1 = arith.constant 0 : i32
    return %arg1, %c0_i32, %c0_i32_0 : i32, i32, i32
  }
  func.func @transform_2(%arg0: i32, %arg1: i32) -> (i32, i32) {
    %c0_i32 = arith.constant 0 : i32
    %c0_i32_0 = arith.constant 0 : i32
    %c0_i32_1 = arith.constant 0 : i32
    return %c0_i32, %c0_i32_0 : i32, i32
  }
  func.func @transform_3(%arg0: i32, %arg1: i32) -> (i32, i32) {
    %c0_i32 = arith.constant 0 : i32
    %c0_i32_0 = arith.constant 0 : i32
    %c0_i32_1 = arith.constant 0 : i32
    return %c0_i32, %c0_i32_0 : i32, i32
  }
  func.func @transform_4(%arg0: i32, %arg1: i32) -> (i32, i32) {
    %mul3A = arith.constant 10 : i32
    %mul3A_0 = arith.muli %arg1, %mul3A : i32
    %add3A = arith.addi %mul3A_0, %arg0 : i32
    %c0_i32 = arith.constant 0 : i32
    %c0_i32_1 = arith.constant 0 : i32
    return %add3A, %c0_i32 : i32, i32
  }
  func.func @transform_5(%arg0: i32, %arg1: i32) -> (i32, i32) {
    %mul3A = arith.constant 10 : i32
    %mul3A_0 = arith.muli %arg1, %mul3A : i32
    %add3A = arith.addi %mul3A_0, %arg0 : i32
    %c0_i32 = arith.constant 0 : i32
    %c0_i32_1 = arith.constant 0 : i32
    return %add3A, %c0_i32 : i32, i32
  }
  func.func @transform_6(%arg0: i32, %arg1: i32) -> (i32, i32) {
    %mul3A = arith.constant 10 : i32
    %mul3A_0 = arith.muli %arg1, %mul3A : i32
    %add3A = arith.addi %mul3A_0, %arg0 : i32
    %c0_i32 = arith.constant 0 : i32
    %c0_i32_1 = arith.constant 0 : i32
    return %add3A, %c0_i32 : i32, i32
  }
}

module attributes {stable_mosaic.version = 14 : i64} {
  func.func @_tc2_body_plain(%arg0: i32, %arg1: memref<2x1000x128xf32, #tpu.memory_space<vmem>>, %arg2: memref<1000x1xf32, #tpu.memory_space<vmem>>, %arg3: memref<1x128xf32, #tpu.memory_space<vmem>>, %arg4: memref<1000x128xf32, #tpu.memory_space<vmem>>) attributes {dimension_semantics = [#tpu.dimension_semantics<arbitrary>], iteration_bounds = array<i64: 10>, scalar_prefetch = 0 : i64, scratch_operands = 0 : i64, tpu.core_type = #tpu.core_type<tc>, window_params = [{transform_indices = @transform_0, window_bounds = array<i64: 2, 1000, 128>}, {transform_indices = @transform_1, window_bounds = array<i64: 1000, 1>}, {pipeline_mode = #tpu.pipeline_mode<synchronous>, transform_indices = @transform_2, window_bounds = array<i64: 1, 128>}, {transform_indices = @transform_3, window_bounds = array<i64: 1000, 128>}]} {
    %get3A = arith.constant 0 : index
    %get3A_0 = arith.constant 0 : index
    %get3A_1 = arith.constant 0 : index
    %get3A_2 = vector.load %arg1[%get3A, %get3A_0, %get3A_1] : memref<2x1000x128xf32, #tpu.memory_space<vmem>>, vector<1x1000x128xf32>
    %get3A_3 = vector.shape_cast %get3A_2 : vector<1x1000x128xf32> to vector<1000x128xf32>
    %get3A_4 = arith.constant 1 : index
    %get3A_5 = arith.constant 0 : index
    %get3A_6 = arith.constant 0 : index
    %get3A_7 = vector.load %arg1[%get3A_4, %get3A_5, %get3A_6] : memref<2x1000x128xf32, #tpu.memory_space<vmem>>, vector<1x1000x128xf32>
    %get3A_8 = vector.shape_cast %get3A_7 : vector<1x1000x128xf32> to vector<1000x128xf32>
    %add3A = arith.addf %get3A_3, %get3A_8 : vector<1000x128xf32>
    %get3A_9 = arith.constant 0 : index
    %get3A_10 = arith.constant 0 : index
    %get3A_11 = vector.load %arg2[%get3A_9, %get3A_10] : memref<1000x1xf32, #tpu.memory_space<vmem>>, vector<1000x1xf32>
    %gt3A = arith.constant 0.000000e+00 : f32
    %gt3A_12 = vector.broadcast %gt3A : f32 to vector<1000x1xf32>
    %gt3A_13 = arith.cmpf ogt, %get3A_11, %gt3A_12 : vector<1000x1xf32>
    %div3A = vector.broadcast %get3A_11 : vector<1000x1xf32> to vector<1000x128xf32>
    %div3A_14 = arith.divf %add3A, %div3A : vector<1000x128xf32>
    %jit3A = arith.constant 0.000000e+00 : f32
    %broadcast_in_dim3A = vector.shape_cast %gt3A_13 : vector<1000x1xi1> to vector<1000x1xi1>
    %broadcast_in_dim3A_15 = vector.broadcast %broadcast_in_dim3A : vector<1000x1xi1> to vector<1000x128xi1>
    %broadcast_in_dim3A_16 = vector.broadcast %jit3A : f32 to vector<1000x128xf32>
    %select_n3A = arith.select %broadcast_in_dim3A_15, %div3A_14, %broadcast_in_dim3A_16 : vector<1000x128xi1>, vector<1000x128xf32>
    %get3A_17 = arith.constant 0 : index
    %get3A_18 = arith.constant 0 : index
    %get3A_19 = vector.load %arg3[%get3A_17, %get3A_18] : memref<1x128xf32, #tpu.memory_space<vmem>>, vector<1x128xf32>
    %add3A_20 = vector.broadcast %get3A_19 : vector<1x128xf32> to vector<1000x128xf32>
    %add3A_21 = arith.addf %select_n3A, %add3A_20 : vector<1000x128xf32>
    %max3A = arith.constant 0.000000e+00 : f32
    %max3A_22 = vector.broadcast %max3A : f32 to vector<1000x128xf32>
    %max3A_23 = arith.maximumf %add3A_21, %max3A_22 : vector<1000x128xf32>
    %swap3A = arith.constant 0 : index
    %swap3A_24 = arith.constant 0 : index
    %swap3A_25 = vector.load %arg4[%swap3A, %swap3A_24] : memref<1000x128xf32, #tpu.memory_space<vmem>>, vector<1000x128xf32>
    tpu.vector_store %arg4[%swap3A, %swap3A_24], %max3A_23 {strides = array<i32>} : memref<1000x128xf32, #tpu.memory_space<vmem>>, vector<1000x128xf32>,
    return
  }
  func.func @transform_0(%arg0: i32) -> (i32, i32, i32) {
    %c0_i32 = arith.constant 0 : i32
    %c0_i32_0 = arith.constant 0 : i32
    %c0_i32_1 = arith.constant 0 : i32
    return %c0_i32, %arg0, %c0_i32_0 : i32, i32, i32
  }
  func.func @transform_1(%arg0: i32) -> (i32, i32) {
    %c0_i32 = arith.constant 0 : i32
    %c0_i32_0 = arith.constant 0 : i32
    return %arg0, %c0_i32 : i32, i32
  }
  func.func @transform_2(%arg0: i32) -> (i32, i32) {
    %c0_i32 = arith.constant 0 : i32
    %c0_i32_0 = arith.constant 0 : i32
    %c0_i32_1 = arith.constant 0 : i32
    return %c0_i32, %c0_i32_0 : i32, i32
  }
  func.func @transform_3(%arg0: i32) -> (i32, i32) {
    %c0_i32 = arith.constant 0 : i32
    %c0_i32_0 = arith.constant 0 : i32
    return %arg0, %c0_i32 : i32, i32
  }
}

module attributes {stable_mosaic.version = 14 : i64} {
  func.func @_tc2_body_linear(%arg0: i32, %arg1: memref<2x1000x128xf32, #tpu.memory_space<vmem>>, %arg2: memref<1000x1xf32, #tpu.memory_space<vmem>>, %arg3: memref<1x128xf32, #tpu.memory_space<vmem>>, %arg4: memref<128x64xf32, #tpu.memory_space<vmem>>, %arg5: memref<1x64xf32, #tpu.memory_space<vmem>>, %arg6: memref<1000x64xf32, #tpu.memory_space<vmem>>) attributes {dimension_semantics = [#tpu.dimension_semantics<arbitrary>], iteration_bounds = array<i64: 10>, scalar_prefetch = 0 : i64, scratch_operands = 0 : i64, tpu.core_type = #tpu.core_type<tc>, window_params = [{transform_indices = @transform_0, window_bounds = array<i64: 2, 1000, 128>}, {transform_indices = @transform_1, window_bounds = array<i64: 1000, 1>}, {pipeline_mode = #tpu.pipeline_mode<synchronous>, transform_indices = @transform_2, window_bounds = array<i64: 1, 128>}, {pipeline_mode = #tpu.pipeline_mode<synchronous>, transform_indices = @transform_3, window_bounds = array<i64: 128, 64>}, {pipeline_mode = #tpu.pipeline_mode<synchronous>, transform_indices = @transform_4, window_bounds = array<i64: 1, 64>}, {transform_indices = @transform_5, window_bounds = array<i64: 1000, 64>}]} {
    %get3A = arith.constant 0 : index
    %get3A_0 = arith.constant 0 : index
    %get3A_1 = arith.constant 0 : index
    %get3A_2 = vector.load %arg1[%get3A, %get3A_0, %get3A_1] : memref<2x1000x128xf32, #tpu.memory_space<vmem>>, vector<1x1000x128xf32>
    %get3A_3 = vector.shape_cast %get3A_2 : vector<1x1000x128xf32> to vector<1000x128xf32>
    %get3A_4 = arith.constant 1 : index
    %get3A_5 = arith.constant 0 : index
    %get3A_6 = arith.constant 0 : index
    %get3A_7 = vector.load %arg1[%get3A_4, %get3A_5, %get3A_6] : memref<2x1000x128xf32, #tpu.memory_space<vmem>>, vector<1x1000x128xf32>
    %get3A_8 = vector.shape_cast %get3A_7 : vector<1x1000x128xf32> to vector<1000x128xf32>
    %add3A = arith.addf %get3A_3, %get3A_8 : vector<1000x128xf32>
    %get3A_9 = arith.constant 0 : index
    %get3A_10 = arith.constant 0 : index
    %get3A_11 = vector.load %arg2[%get3A_9, %get3A_10] : memref<1000x1xf32, #tpu.memory_space<vmem>>, vector<1000x1xf32>
    %gt3A = arith.constant 0.000000e+00 : f32
    %gt3A_12 = vector.broadcast %gt3A : f32 to vector<1000x1xf32>
    %gt3A_13 = arith.cmpf ogt, %get3A_11, %gt3A_12 : vector<1000x1xf32>
    %div3A = vector.broadcast %get3A_11 : vector<1000x1xf32> to vector<1000x128xf32>
    %div3A_14 = arith.divf %add3A, %div3A : vector<1000x128xf32>
    %jit3A = arith.constant 0.000000e+00 : f32
    %broadcast_in_dim3A = vector.shape_cast %gt3A_13 : vector<1000x1xi1> to vector<1000x1xi1>
    %broadcast_in_dim3A_15 = vector.broadcast %broadcast_in_dim3A : vector<1000x1xi1> to vector<1000x128xi1>
    %broadcast_in_dim3A_16 = vector.broadcast %jit3A : f32 to vector<1000x128xf32>
    %select_n3A = arith.select %broadcast_in_dim3A_15, %div3A_14, %broadcast_in_dim3A_16 : vector<1000x128xi1>, vector<1000x128xf32>
    %get3A_17 = arith.constant 0 : index
    %get3A_18 = arith.constant 0 : index
    %get3A_19 = vector.load %arg3[%get3A_17, %get3A_18] : memref<1x128xf32, #tpu.memory_space<vmem>>, vector<1x128xf32>
    %add3A_20 = vector.broadcast %get3A_19 : vector<1x128xf32> to vector<1000x128xf32>
    %add3A_21 = arith.addf %select_n3A, %add3A_20 : vector<1000x128xf32>
    %max3A = arith.constant 0.000000e+00 : f32
    %max3A_22 = vector.broadcast %max3A : f32 to vector<1000x128xf32>
    %max3A_23 = arith.maximumf %add3A_21, %max3A_22 : vector<1000x128xf32>
    %get3A_24 = arith.constant 0 : index
    %get3A_25 = arith.constant 0 : index
    %get3A_26 = vector.load %arg4[%get3A_24, %get3A_25] : memref<128x64xf32, #tpu.memory_space<vmem>>, vector<128x64xf32>
    %dot_general3A = arith.constant dense<0.000000e+00> : vector<1000x64xf32>
    %dot_general3A_27 = tpu.matmul %max3A_23, %get3A_26, %dot_general3A {dimension_numbers = #tpu.dot_dimension_numbers<[1], [0], [0], [1], [0, 0, 1, 1], [], []>, transpose_lhs_hint = false} : vector<1000x128xf32>, vector<128x64xf32>, vector<1000x64xf32> -> vector<1000x64xf32>
    %get3A_28 = arith.constant 0 : index
    %get3A_29 = arith.constant 0 : index
    %get3A_30 = vector.load %arg5[%get3A_28, %get3A_29] : memref<1x64xf32, #tpu.memory_space<vmem>>, vector<1x64xf32>
    %add3A_31 = vector.broadcast %get3A_30 : vector<1x64xf32> to vector<1000x64xf32>
    %add3A_32 = arith.addf %dot_general3A_27, %add3A_31 : vector<1000x64xf32>
    %swap3A = arith.constant 0 : index
    %swap3A_33 = arith.constant 0 : index
    %swap3A_34 = vector.load %arg6[%swap3A, %swap3A_33] : memref<1000x64xf32, #tpu.memory_space<vmem>>, vector<1000x64xf32>
    tpu.vector_store %arg6[%swap3A, %swap3A_33], %add3A_32 {strides = array<i32>} : memref<1000x64xf32, #tpu.memory_space<vmem>>, vector<1000x64xf32>,
    return
  }
  func.func @transform_0(%arg0: i32) -> (i32, i32, i32) {
    %c0_i32 = arith.constant 0 : i32
    %c0_i32_0 = arith.constant 0 : i32
    %c0_i32_1 = arith.constant 0 : i32
    return %c0_i32, %arg0, %c0_i32_0 : i32, i32, i32
  }
  func.func @transform_1(%arg0: i32) -> (i32, i32) {
    %c0_i32 = arith.constant 0 : i32
    %c0_i32_0 = arith.constant 0 : i32
    return %arg0, %c0_i32 : i32, i32
  }
  func.func @transform_2(%arg0: i32) -> (i32, i32) {
    %c0_i32 = arith.constant 0 : i32
    %c0_i32_0 = arith.constant 0 : i32
    %c0_i32_1 = arith.constant 0 : i32
    return %c0_i32, %c0_i32_0 : i32, i32
  }
  func.func @transform_3(%arg0: i32) -> (i32, i32) {
    %c0_i32 = arith.constant 0 : i32
    %c0_i32_0 = arith.constant 0 : i32
    %c0_i32_1 = arith.constant 0 : i32
    return %c0_i32, %c0_i32_0 : i32, i32
  }
  func.func @transform_4(%arg0: i32) -> (i32, i32) {
    %c0_i32 = arith.constant 0 : i32
    %c0_i32_0 = arith.constant 0 : i32
    %c0_i32_1 = arith.constant 0 : i32
    return %c0_i32, %c0_i32_0 : i32, i32
  }
  func.func @transform_5(%arg0: i32) -> (i32, i32) {
    %c0_i32 = arith.constant 0 : i32
    %c0_i32_0 = arith.constant 0 : i32
    return %arg0, %c0_i32 : i32, i32
  }
}

</mosaic_0001>

<sc_bundles>
// kernel: kernel.11.cloned.1.call-start
scs
__scs_entry_jumppad:
0x0: {  	(pc) =	sbr.rel $0x88, $3  }
0x1: {  	(tag) =	ssettag $0x0;
	lr =	simm.s32 $0x1  }
0x2: {  	[smem:$0x3F8E] =	sst lr;
	_ =	strace $0xD0000000  }
0x3: {  	_ = 	snop  }
0x4: {  	_ = 	snop  }
0x5: {  	_ = 	snop  }
0x6: {  	_ = 	snop  }
0x7: {  	_ = 	snop  }
__scs_overlays_trampoline_lowered:
0x8: {  	[smem:$0x3F9D] =	sst s0  }
0x9: {  	[smem:$0x3F9E] =	sst s1  }
0xa: {  	[smem:$0x3F9F] =	sst s2  }
0xb: {  	[smem:$0x3FA0] =	sst s3  }
0xc: {  	[smem:$0x3FA1] =	sst s4  }
0xd: {  	[smem:$0x3FA2] =	sst s5  }
0xe: {  	[smem:$0x3FA3] =	sst s6  }
0xf: {  	[smem:$0x3FA4] =	sst s7  }
0x10: {  	[smem:$0x3FA5] =	sst s8  }
0x11: {  	[smem:$0x3FA6] =	sst s9;
	s0 =	simm.s32 @!p0 $0x0  }
0x12: {  	s1 =	sld [smem:$0x3F8C];
	s0 =	simm.s32 @p0 $0x1  }
0x13: {  	[smem:$0x3FA7] =	sst s0;
	s0 =	simm.s32 @!p1 $0x0  }
0x14: {  	s2 =	sld [smem:$0x3F8B];
	s0 =	simm.s32 @p1 $0x1  }
0x15: {  	[smem:$0x3FA8] =	sst s0;
	s0 =	simm.s32 @!p2 $0x0  }
0x16: {  	s3 =	sld [smem:$0x3FDB];
	s0 =	simm.s32 @p2 $0x1  }
0x17: {  	s4 =	simm.s32 $0x1BF5;
	[smem:$0x3FAA] =	sst s0  }
0x18: {  	s0 =	sld [smem:$0x3F8D];
	_ =	swait.ge [sflag:s4], $0x0  }
0x19: {  	s7 =	sld [smem:$0x3F8E]  }
0x1a: {  	s8 =	sadd.s32 $0xFFFFE003, lr  }
0x1b: {  	s9 =	sadd.s32 $0xFFFFFEF7, lr;
	s5 =	simm.s32 $0xFFFFFFFF;
	p2 =	slt.u32 s8, $0xFFFFF086  }
0x1c: {  	p1 =	slt.u32 s9, $0xF7A;
	s5 =	simm.s32 @!p2 $0x0  }
0x1d: {  	s5 =	simm.s32 @p1 $0x1;
	p0 =	seq.s32 s7, s2  }
0x1e: {  	s7 =	smul.u32 @!p0 $0xF7A, s2;
	p2 =	seq.s32 @!p0 s5, $0x0  }
0x1f: {  	s9 =	smul.u32 $0xF7A, s1;
	s8 =	simm.s32 @!p0 $0x1BF5;
	p2 =	por !p2, p0  }
0x20: {  	[sflag:s8] =	ssyncset.s32 @!p0 $0xFFFFF086;
	s6 =	sadd.s32 @!p0 s3, s7;
	s7 =	simm.s32 @!p0 $0x108  }
0x21: {  	s3 =	sadd.s32 s3, s9;
	s6 =	sadd.s32 @!p0 $0x88, s6;
	s7 =	simm.s32 @p2 $0x1082  }
0x22: {  	[simem:s7], [sflag:s8] =	dma.local @!p0 [hbm:s6], $0xF7A  }
0x23: {  	s9 =	sor.u32 $0xD0000000, s2;
	s6 =	simm.s32 $0x108;
	_ =	swait.ge @!p0 [sflag:s8], $0x0  }
0x24: {  	s3 =	sadd.s32 $0x88, s3;
	s6 =	simm.s32 @!p1 $0x1082;
	[sflag:s4] =	ssyncset.s32 $0xFFFFF086  }
0x25: {  	[simem:s6], [sflag:s4] =	dma.local [hbm:s3], $0xF7A  }
0x26: {  	[smem:$0x3F8E] =	sst s1;
	(tag) =	ssettag s2;
	_ =	strace s9  }
0x27: {  	s1 =	sld [smem:$0x3F9E]  }
0x28: {  	s2 =	sld [smem:$0x3F9F]  }
0x29: {  	s4 =	sld [smem:$0x3FA1]  }
0x2a: {  	p0 =	seq.s32 s5, $0x0;
	s5 =	sld [smem:$0x3FA2]  }
0x2b: {  	s6 =	sld [smem:$0x3FA3]  }
0x2c: {  	s7 =	sld [smem:$0x3FA4]  }
0x2d: {  	s3 =	simm.s32 $0x108;
	s8 =	sld [smem:$0x3FA5]  }
0x2e: {  	s3 =	simm.s32 @!p0 $0x1082;
	s9 =	sld [smem:$0x3FA6]  }
0x2f: {  	lr =	sadd.s32 s0, s3;
	s0 =	sld [smem:$0x3F9D]  }
0x30: {  	s3 =	sld [smem:$0x3FA0]  }
0x31: {  	[smem:$0x3FA9] =	sst s10  }
0x32: {  	s10 =	sld [smem:$0x3FA7];
	_ =	sdelay $0x3  }
0x33: {  	p0 =	seq.s32 s10, $0x1;
	s10 =	sld [smem:$0x3FA9];
	_ =	sdelay $0x3  }
0x34: {  	[smem:$0x3FA9] =	sst s10  }
0x35: {  	s10 =	sld [smem:$0x3FA8];
	_ =	sdelay $0x3  }
0x36: {  	p1 =	seq.s32 s10, $0x1;
	s10 =	sld [smem:$0x3FA9];
	_ =	sdelay $0x3  }
0x37: {  	[smem:$0x3FA9] =	sst s10  }
0x38: {  	s10 =	sld [smem:$0x3FAA]  }
0x39: {  	_ = 	snop;
	(pc) =	sbr.ind lr, $3  }
0x3a: {  	_ = 	snop  }
0x3b: {  	_ = 	snop  }
0x3c: {  	p2 =	seq.s32 s10, $0x1;
	s10 =	sld [smem:$0x3FA9]  }
0x3d: {  	_ =	shalt  }
0x3e: {  	_ =	shalt  }
0x3f: {  	_ =	shalt  }
0x40: {  	_ =	shalt  }
0x41: {  	_ =	shalt  }
0x42: {  	_ =	shalt  }
0x43: {  	_ =	shalt  }
0x44: {  	_ =	shalt  }
0x45: {  	_ =	shalt  }
0x46: {  	_ =	shalt  }
0x47: {  	_ =	shalt  }
0x48: {  	_ =	shalt  }
0x49: {  	_ =	shalt  }
0x4a: {  	_ =	shalt  }
0x4b: {  	_ =	shalt  }
0x4c: {  	_ =	shalt  }
0x4d: {  	_ =	shalt  }
0x4e: {  	_ =	shalt  }
0x4f: {  	_ =	shalt  }
0x50: {  	_ =	shalt  }
0x51: {  	_ =	shalt  }
0x52: {  	_ =	shalt  }
0x53: {  	_ =	shalt  }
0x54: {  	_ =	shalt  }
0x55: {  	_ =	shalt  }
0x56: {  	_ =	shalt  }
0x57: {  	_ =	shalt  }
0x58: {  	_ =	shalt  }
0x59: {  	_ =	shalt  }
0x5a: {  	_ =	shalt  }
0x5b: {  	_ =	shalt  }
0x5c: {  	_ =	shalt  }
0x5d: {  	_ =	shalt  }
0x5e: {  	_ =	shalt  }
0x5f: {  	_ =	shalt  }
0x60: {  	_ =	shalt  }
0x61: {  	_ =	shalt  }
0x62: {  	_ =	shalt  }
0x63: {  	_ =	shalt  }
0x64: {  	_ =	shalt  }
0x65: {  	_ =	shalt  }
0x66: {  	_ =	shalt  }
0x67: {  	_ =	shalt  }
0x68: {  	_ =	shalt  }
0x69: {  	_ =	shalt  }
0x6a: {  	_ =	shalt  }
0x6b: {  	_ =	shalt  }
0x6c: {  	_ =	shalt  }
0x6d: {  	_ =	shalt  }
0x6e: {  	_ =	shalt  }
0x6f: {  	_ =	shalt  }
0x70: {  	_ =	shalt  }
0x71: {  	_ =	shalt  }
0x72: {  	_ =	shalt  }
0x73: {  	_ =	shalt  }
0x74: {  	_ =	shalt  }
0x75: {  	_ =	shalt  }
0x76: {  	_ =	shalt  }
0x77: {  	_ =	shalt  }
0x78: {  	_ =	shalt  }
0x79: {  	_ =	shalt  }
0x7a: {  	_ =	shalt  }
0x7b: {  	_ =	shalt  }
0x7c: {  	_ =	shalt  }
0x7d: {  	_ =	shalt  }
0x7e: {  	_ =	shalt  }
0x7f: {  	_ =	shalt  }
0x80: {  	_ =	shalt  }
0x81: {  	_ =	shalt  }
0x82: {  	_ =	shalt  }
0x83: {  	_ =	shalt  }
0x84: {  	_ =	shalt  }
0x85: {  	_ =	shalt  }
0x86: {  	_ =	shalt  }
0x87: {  	_ =	shalt  }
.Lfunc_end0:
.L_simem_size_0:
called_computation_lowered:
.L_overlay_start_0:
0x88: {  	s2 =	sld [smem:$0x3FD9]  }
0x89: {  	s3 =	sld [smem:$0x3FFE];
	_ =	sdelay $0x1  }
0x8a: {  	s1 =	srdreg.scid  }
0x8b: {  	s0 =	sand.u32 $0x1, s1  }
0x8c: {  	s14 =	sshll.u32 s0, $0xA;
	s2 =	sadd.s32 s3, s2  }
0x8d: {  	s2 =	sadd.s32 s2, s14  }
0x8e: {  	[smem:$0x3FB5] =	sst s2  }
0x8f: {  	_ = 	snop  }
0x90: {  	s2 =	sld [smem:$0x3FD0];
	_ =	sdelay $0x2  }
0x91: {  	s15 =	simm.s32 $0xB;
	s4 =	simm.s32 $0x10  }
0x92: {  	[smem:s4], [sflag:s15] =	dma.local [hbm:s2], $0x1  }
0x93: {  	_ =	swait.eq [sflag:s15], $0x1  }
0x94: {  	[sflag:s15] =	ssyncset.done $0x0  }
0x95: {  	s16 =	sld [smem:$0x10];
	[sflag:s15] =	ssyncadd.s32 $0xFFFFFFFF  }
0x96: {  	s17 =	sld [smem:$0x11];
	(tm) =	ssettm $0x1  }
0x97: {  	s18 =	sld [smem:$0x3FFB];
	_ =	sdelay $0x3  }
0x98: {  	_ =	strace s18  }
0x99: {  	s4 =	sld [smem:$0x3FFC];
	_ =	sdelay $0x3  }
0x9a: {  	_ =	strace s4  }
0x9b: {  	s4 =	sld [smem:$0x3FFD];
	_ =	sdelay $0x3  }
0x9c: {  	_ =	strace s4  }
0x9d: {  	_ =	strace $0x8FFFFFFF  }
0x9e: {  	s19 =	sld [smem:$0x3FDB];
	_ =	sdelay $0x1  }
0x9f: {  	s5 =	simm.s32 $_scs_section_size  }
0xa0: {  	s6 =	simm.s32 $_size__tile_overlayer_lowered;
	s7 =	simm.s32 $_tile_overlayer_lowered  }
0xa1: {  	s22 =	simm.s32 $0x1BFF;
	s21 =	sshll.u32 s7, $0x1;
	s4 =	sadd.s32 s5, s19  }
0xa2: {  	s8 =	simm.s32 $0x0;
	s20 =	sshll.u32 s6, $0x1;
	s6 =	sadd.s32 s21, s4  }
0xa3: {  	[timem:s8], [sflag:s22] =	dma.local [hbm:s6], s20  }
0xa4: {  	_ =	swait.ge [sflag:s22], s20  }
0xa5: {  	s5 =	ssub.s32 $0x0, s20;
	[sflag:s22] =	ssyncset.done $0x0  }
0xa6: {  	[sflag:s22] =	ssyncadd.s32 s5;
	_ =	sdelay $0x1  }
0xa7: {  	s23 =	simm.s32 $0x1B8B  }
0xa8: {  	_ =	swait.ge [sflag:s23], $0x1  }
0xa9: {  	[sflag:s23] =	ssyncset.done $0x0  }
0xaa: {  	s25 =	simm.s32 $0x1B8E;
	s24 =	sld [smem:$0x3FFE];
	[sflag:s23] =	ssyncadd.s32 $0xFFFFFFFF  }
0xab: {  	s26 =	simm.s32 $execute0_lowered;
	[smem:$0x3FD2] =	sst s25  }
0xac: {  	s6 =	sshll.u32 s26, $0x1;
	_ =	strace $0x80000046;
	[dreg:$0x1] =	wrdreg $0xFFFFFFFF  }
0xad: {  	s28 =	simm.s32 $_size_execute0_lowered;
	s4 =	sadd.s32 s4, s6;
	[dreg:$0x0] =	wrdreg $0x0  }
0xae: {  	s6 =	sshll.u32 s28, $0x1;
	[dreg:$0x2] =	wrdreg s4  }
0xaf: {  	[dreg:$0x3] =	wrdreg s6  }
0xb0: {  	[dreg:$0x4] =	wrdreg $0xC0  }
0xb1: {  	_ =	task [dreg:s8], $0x5FFFF  }
0xb2: {  	[dreg:$0x1] =	wrdreg $0xFFFFFFFF  }
0xb3: {  	[dreg:$0x0] =	wrdreg $0x60  }
0xb4: {  	[dreg:$0x2] =	wrdreg s24  }
0xb5: {  	[dreg:$0x3] =	wrdreg s16  }
0xb6: {  	[dreg:$0x4] =	wrdreg s17  }
0xb7: {  	[dreg:$0x5] =	wrdreg $0x0  }
0xb8: {  	[dreg:$0x6] =	wrdreg $0x9  }
0xb9: {  	_ =	task.clear_ibuf [dreg:s8], $0x7FFFF;
	_ =	strace $0x90000046  }
0xba: {  	s29 =	simm.s32 $0x9;
	_ =	strace $0x80000048  }
0xbb: {  	_ =	swait.ge [sflag:s29], $0x1  }
0xbc: {  	[sflag:s29] =	ssyncadd.s32 $0xFFFFFFFF  }
0xbd: {  	_ =	strace $0x90000048  }
0xbe: {  	_ =	sfence  }
0xbf: {  	s30 =	sld [smem:$0x0];
	_ =	sdelay $0x2  }
0xc0: {  	s31 =	sshll.u32 s1, $0xD;
	s1 =	sshrl.u32 s1, $0x2  }
0xc1: {  	s3 =	sand.u32 $0x4000, s31;
	s1 =	sadd.s32 s1, s30  }
0xc2: {  	s0 =	sor.u32 s3, s0;
	s1 =	sshll.u32 s1, $0x11  }
0xc3: {  	s0 =	sor.u32 s1, s0  }
0xc4: {  	s0 =	sadd.s32 $0x8F2B, s0  }
0xc5: {  	[sflag:s0] =	ssyncadd.remote.s32 $0x1  }
0xc6: {  	_ =	sfence.sel $0xFFFF  }
0xc7: {  	[dreg:$0x0] =	wrdreg $0xFFFFFFFF;
	(pc) =	sbr.abs _section_cstart, $3  }
0xc8: {  	[dreg:$0x1] =	wrdreg $0xFFFFFFFF  }
0xc9: {  	_ =	task.clear_ibuf [dreg:s8], $0x2FFFF;
	_ =	strace $0x9FFFFFFF  }
0xca: {  	(tm) =	ssettm $0x7FFFFFFF  }
0xcb: {  	_ =	shalt  }
tec
execute0_lowered:
.L_overlay_start_1:
0x0: {  	(tag) =	ssettag $0x1  }
0x1: {  	s1 =	rddreg [dreg:$0x0]  }
0x2: {  	s2 =	rddreg [dreg:$0x1]  }
0x3: {  	s0 =	rddreg [dreg:$0x2]  }
0x4: {  	s3 =	rddreg [dreg:$0x3];
	s4 =	srdreg.scid  }
0x5: {  	s6 =	simm.s32 $0x0;
	s19 =	stileid.u32;
	s28 =	simm.s32 $0x17900  }
0x6: {  	s29 =	simm.s32 $0x2;
	s30 =	simm.s32 $0x17C80;
	s5 =	sand.u32 $0x1, s4  }
0x7: {  	[smem:$0x7FF] =	sst s6;
	s9 =	smul.u32 $0x2800, s19;
	s6 =	sadd.s32 $0x27AE00, s1  }
0x8: {  	s7 =	sadd.s32 $0x3B3800, s1;
	s15 =	sshrl.u32 s19, $0x3;
	s25 =	smul.u32 $0xA000, s19  }
0x9: {  	s22 =	ssub.s32 $0x8C, s19;
	s23 =	sshll.u32 s19, $0x7;
	s8 =	smul.u32 $0x138800, s5  }
0xa: {  	_ =	strace $0x80000047;
	s20 =	ssub.s32 $0x2, s5;
	s14 =	smul.u32 $0x27800, s5  }
0xb: {  	s5 =	sshll.u32 s5, $0x4;
	s21 =	smul.u32 $0x13C00, s15;
	s15 =	sand.u32 $0x380, s23  }
0xc: {  	s23 =	simm.s32 $0x17A80;
	s13 =	sshrl.u32 s20, $0x1;
	s5 =	sor.u32 s19, s5  }
0xd: {  	s31 =	sshrl.u32 s25, $0x2;
	s19 =	simm.s32 $0x3;
	s25 =	simm.s32 $0x80  }
0xe: {  	s10 =	sadd.s32 s9, s8;
	s8 =	sadd.s32 $0x13C00, s1;
	s9 =	sadd.s32 $0x9E00, s1  }
0xf: {  	s16 =	ssub.s32 s20, s13;
	s5 =	smul.u32 $0x9C4, s5;
	s14 =	sadd.s32 s14, s21  }
0x10: {  	s20 =	simm.s32 $0x13880;
	s21 =	simm.s32 $0x17980;
	s11 =	sshrl.u32 s10, $0x3  }
0x11: {  	s10 =	sadd.s32 $0x3B3600, s1;
	s24 =	sor.u32 s15, s14;
	s15 =	smax.u32 s16, $0x1  }
0x12: {  	s16 =	sadd.s32 s31, s3;
	s12 =	sadd.s32 s11, s1;
	s11 =	sshrl.u32 s22, $0x4  }
0x13: {  	s26 =	sshrl.u32 s5, $0x5;
	s5 =	sadd.s32 $0x9C4, s5;
	s14 =	sshrl.u32 s24, $0x3  }
0x14: {  	s22 =	simm.s32 $0x17A00;
	s24 =	simm.s32 $0x1;
	s13 =	sshrl.u32 s5, $0x5  }
0x15: {  	s14 =	sadd.s32 s0, s14;
	s17 =	sadd.s32 $0x1DA00, s12;
	[dreg:$0x5] =	wrdreg s26  }
0x16: {  	v0 =	vimm.f32 $0.0e+00;
	s0 =	simm.s32 $0x0;
	p0 =	sge.u32 s26, s13;
	s26 =	simm.s32 $0x17880  }
.LBB2_1:
0x17: {  	s4 =	simm.s32 $0x0;
	s5 =	simm.s32 $0x17C00  }
0x18: {  	[tilespmem:s5], [sflag:$0x3] =	stream.linear.gather [hbm4b:s10+s4], $0x80, $0x38;
	[tilespmem:$0x1A400] =	vst v63  }
0x19: {  	_ =	swait.ge [sflag:s19], $0x80  }
0x1a: {  	[sflag:s19] =	ssyncset.done $0x0  }
0x1b: {  	s12 =	simm.s32 $0x200;
	s5 =	simm.s32 $0x0;
	[sflag:s19] =	ssyncadd.s32 $0xFFFFFF80  }
.LBB2_2:
0x1c: {  	p1 =	sne.s32 s12, $0xFE00;
	[tilespmem:s5+$0x138F0] =	vst v0  }
0x1d: {  	[tilespmem:s5+$0x13880] =	vst v0  }
0x1e: {  	[tilespmem:s5+$0x13890] =	vst v0  }
.Ltmp0:
0x1f: {  	[tilespmem:s5+$0x138A0] =	vst v0;
	(pc) =	sbr.rel @p1 .LBB2_2-.Ltmp0, $4  }
0x20: {  	[tilespmem:s5+$0x138B0] =	vst v0  }
0x21: {  	[tilespmem:s5+$0x138C0] =	vst v0  }
0x22: {  	[tilespmem:s5+$0x138D0] =	vst v0  }
0x23: {  	[tilespmem:s5+$0x138E0] =	vst v0;
	s5 =	sshra.s32 s12, $0x2;
	s12 =	sadd.s32 $0x200, s12  }
0x24: {  	[tilespmem:s5+$0x138F0] =	vst v0  }
0x25: {  	[tilespmem:s5+$0x13880] =	vst v0  }
0x26: {  	[tilespmem:s5+$0x13890] =	vst v0  }
0x27: {  	[tilespmem:s5+$0x138A0] =	vst v0  }
0x28: {  	[tilespmem:s5+$0x138B0] =	vst v0  }
0x29: {  	[tilespmem:s5+$0x138C0] =	vst v0  }
0x2a: {  	[tilespmem:s5+$0x138D0] =	vst v0  }
0x2b: {  	[tilespmem:s5+$0x138E0] =	vst v0;
	s5 =	simm.s32 $0x40;
	s12 =	simm.s32 $0x0  }
.LBB2_4:
0x2c: {  	p1 =	sne.s32 s5, $0x9C00;
	[tilespmem:s12+$0x17C80] =	vst v0;
	s12 =	smov.u32 s5;
	s5 =	sadd.s32 $0x40, s5  }
.Ltmp1:
0x2d: {  	(pc) =	sbr.rel @p1 .LBB2_4-.Ltmp1, $2  }
0x2e: {  	_ =	sdelay $0x2  }
0x2f: {  	s12 =	sshra.s32 s12, $0x2  }
0x30: {  	p1 =	sne.s32 s11, $0x1  }
.Ltmp2:
0x31: {  	_ = 	snop;
	(pc) =	sbr.rel @!p1 .LBB2_7-.Ltmp2, $4  }
0x32: {  	[tilespmem:s12+$0x17C80] =	vst v0  }
0x33: {  	[spmem:s16] =	stream.linear.scatter [tilespmem:s20], [sflag:$0x3], $0x2800, $0x38;
	[tilespmem:$0x1A400] =	vst v63  }
0x34: {  	_ =	swait.ge [sflag:s19], $0x2800  }
0x35: {  	s5 =	sadd.s32 $0xFFFFFFFF, s11;
	s12 =	smov.u32 s16;
	[sflag:s19] =	ssyncset.done $0x0  }
.LBB2_6:
0x36: {  	p2 =	sne.s32 s5, $0x1;
	[sflag:s19] =	ssyncadd.s32 $0xFFFFD800;
	s12 =	sadd.s32 $0x28000, s12  }
.Ltmp3:
0x37: {  	s5 =	sadd.s32 $0xFFFFFFFF, s5;
	(pc) =	sbr.rel @p2 .LBB2_6-.Ltmp3, $4  }
0x38: {  	_ = 	snop  }
0x39: {  	[spmem:s12] =	stream.linear.scatter [tilespmem:s20], [sflag:$0x3], $0x2800, $0x38;
	[tilespmem:$0x1A400] =	vst v63  }
0x3a: {  	_ =	swait.ge [sflag:s19], $0x2800  }
0x3b: {  	[sflag:s19] =	ssyncset.done $0x0  }
.LBB2_7:
.Ltmp4:
0x3c: {  	(pc) =	sbr.rel @p0 .LBB2_12-.Ltmp4, $3  }
0x3d: {  	_ = 	snop  }
0x3e: {  	[sflag:s19] =	ssyncadd.s32 $0xFFFFD800  }
0x3f: {  	[bflag:$0x0] =	sbarrier.arrive $0xFFFF;
	_ =	sdelay $0x1  }
0x40: {  	v1 =	vld [tilespmem:$0x17C00];
	s12 =	rddreg [dreg:$0x5]  }
.LBB2_9:
0x41: {  	s5 =	sshll.u32 s12, $0x4  }
0x42: {  	s31 =	simm.s32 $0x0;
	s18 =	sadd.s32 s8, s5  }
0x43: {  	[tilespmem:s21], [sflag:$0x1] =	stream.linear.gather [hbm4b:s18+s31], $0x80, $0x38;
	[tilespmem:$0x1A400] =	vst v63  }
0x44: {  	s4 =	sadd.s32 s9, s5  }
0x45: {  	[tilespmem:s22], [sflag:$0x1] =	stream.linear.gather [hbm4b:s4+s31], $0x80, $0x38;
	[tilespmem:$0x1A400] =	vst v63  }
0x46: {  	s5 =	sadd.s32 s1, s5  }
0x47: {  	[tilespmem:s23], [sflag:$0x1] =	stream.linear.gather [hbm4b:s5+s31], $0x80, $0x38;
	[tilespmem:$0x1A400] =	vst v63  }
0x48: {  	_ =	swait.ge [sflag:s24], $0x80  }
0x49: {  	[sflag:s24] =	ssyncset.done $0x0  }
0x4a: {  	[sflag:s24] =	ssyncadd.s32 $0xFFFFFF80  }
0x4b: {  	_ =	swait.ge [sflag:s24], $0x80  }
0x4c: {  	[sflag:s24] =	ssyncset.done $0x0  }
0x4d: {  	[sflag:s24] =	ssyncadd.s32 $0xFFFFFF80  }
0x4e: {  	_ =	swait.ge [sflag:s24], $0x80  }
0x4f: {  	[sflag:s24] =	ssyncset.done $0x0  }
0x50: {  	[sflag:s24] =	ssyncadd.s32 $0xFFFFFF80  }
0x51: {  	[tilespmem:s20], [sflag:$0x2] =	stream.indirect.gather [hbm4b:s6+s25], $0x80, s21, s25, $0xb8;
	[tilespmem:$0x1A400] =	vst v63  }
0x52: {  	_ = 	snop  }
0x53: {  	[tilespmem:s26], [sflag:$0x2] =	stream.indirect.gather [hbm4b:s7+s25], $0x1, s22, s25, $0xb8;
	[tilespmem:$0x1A400] =	vst v63  }
0x54: {  	_ = 	snop  }
0x55: {  	[tilespmem:s28], [sflag:$0x2] =	stream.indirect.gather [hbm4b:s2+s25], $0x1, s21, s25, $0xb8;
	[tilespmem:$0x1A400] =	vst v63  }
0x56: {  	_ =	swait.ge [sflag:s29], $0x4000  }
0x57: {  	[sflag:s29] =	ssyncset.done $0x0  }
0x58: {  	[sflag:s29] =	ssyncadd.s32 $0xFFFFC000  }
0x59: {  	_ =	swait.ge [sflag:s29], $0x80  }
0x5a: {  	[sflag:s29] =	ssyncset.done $0x0  }
0x5b: {  	[sflag:s29] =	ssyncadd.s32 $0xFFFFFF80  }
0x5c: {  	_ =	swait.ge [sflag:s29], $0x80  }
0x5d: {  	[sflag:s29] =	ssyncset.done $0x0  }
0x5e: {  	[sflag:s29] =	ssyncadd.s32 $0xFFFFFF80  }
0x5f: {  	v2 =	vld [tilespmem:$0x17880]  }
0x60: {  	v3 =	vld [tilespmem:$0x17900];
	_ =	sdelay $0x4  }
0x61: {  	v2 =	vadd.f32 v3, v2;
	_ =	sdelay $0x1  }
0x62: {  	v3 =	vmul.f32 $2.000000030e-01, v2  }
0x63: {  	vm0 =	vgt.f32 v2, $0.0e+00  }
0x64: {  	v2 =	vsel vm0, v2, v3  }
0x65: {  	v2 =	vsub.f32 v2, v1;
	_ =	sdelay $0x1  }
0x66: {  	v2 =	vmul.f32 $1.442695020e+00, v2;
	_ =	sdelay $0x1  }
0x67: {  	(erf) = vpow2.f32 v2;
	_ =	sdelay $0x2  }
0x68: {  	v2 =	vld [tilespmem:$0x17A80];
	_ =	sdelay $0x5  }
0x69: {  	v3 =	vpop (erf)  }
0x6a: {  	[tilespmem:$0x17B00] =	vst v3  }
0x6b: {  	[tilespmem:v2+s30+$0x0] =	vst.idx.add.f32.msk $0xffff, v3  }
0x6c: {  	v2 =	vld [tilespmem:$0x17890]  }
0x6d: {  	v3 =	vld [tilespmem:$0x17910];
	_ =	sdelay $0x4  }
0x6e: {  	v2 =	vadd.f32 v3, v2;
	_ =	sdelay $0x1  }
0x6f: {  	v3 =	vmul.f32 $2.000000030e-01, v2  }
0x70: {  	vm9 =	vgt.f32 v2, $0.0e+00  }
0x71: {  	v2 =	vsel vm9, v2, v3  }
0x72: {  	v2 =	vsub.f32 v2, v1;
	_ =	sdelay $0x1  }
0x73: {  	v2 =	vmul.f32 $1.442695020e+00, v2;
	_ =	sdelay $0x1  }
0x74: {  	(erf) = vpow2.f32 v2;
	_ =	sdelay $0x2  }
0x75: {  	v2 =	vld [tilespmem:$0x17A90];
	_ =	sdelay $0x5  }
0x76: {  	v3 =	vpop (erf)  }
0x77: {  	[tilespmem:$0x17B10] =	vst v3  }
0x78: {  	[tilespmem:v2+s30+$0x0] =	vst.idx.add.f32.msk $0xffff, v3  }
0x79: {  	v2 =	vld [tilespmem:$0x178A0]  }
0x7a: {  	v3 =	vld [tilespmem:$0x17920];
	_ =	sdelay $0x4  }
0x7b: {  	v2 =	vadd.f32 v3, v2;
	_ =	sdelay $0x1  }
0x7c: {  	v3 =	vmul.f32 $2.000000030e-01, v2  }
0x7d: {  	vm10 =	vgt.f32 v2, $0.0e+00  }
0x7e: {  	v2 =	vsel vm10, v2, v3  }
0x7f: {  	v2 =	vsub.f32 v2, v1;
	_ =	sdelay $0x1  }
0x80: {  	v2 =	vmul.f32 $1.442695020e+00, v2;
	_ =	sdelay $0x1  }
0x81: {  	(erf) = vpow2.f32 v2;
	_ =	sdelay $0x2  }
0x82: {  	v2 =	vld [tilespmem:$0x17AA0];
	_ =	sdelay $0x5  }
0x83: {  	v3 =	vpop (erf)  }
0x84: {  	[tilespmem:$0x17B20] =	vst v3  }
0x85: {  	[tilespmem:v2+s30+$0x0] =	vst.idx.add.f32.msk $0xffff, v3  }
0x86: {  	v2 =	vld [tilespmem:$0x178B0]  }
0x87: {  	v3 =	vld [tilespmem:$0x17930];
	_ =	sdelay $0x4  }
0x88: {  	v2 =	vadd.f32 v3, v2;
	_ =	sdelay $0x1  }
0x89: {  	v3 =	vmul.f32 $2.000000030e-01, v2  }
0x8a: {  	vm11 =	vgt.f32 v2, $0.0e+00  }
0x8b: {  	v2 =	vsel vm11, v2, v3  }
0x8c: {  	v2 =	vsub.f32 v2, v1;
	_ =	sdelay $0x1  }
0x8d: {  	v2 =	vmul.f32 $1.442695020e+00, v2;
	_ =	sdelay $0x1  }
0x8e: {  	(erf) = vpow2.f32 v2;
	_ =	sdelay $0x2  }
0x8f: {  	v2 =	vld [tilespmem:$0x17AB0];
	_ =	sdelay $0x5  }
0x90: {  	v3 =	vpop (erf)  }
0x91: {  	[tilespmem:$0x17B30] =	vst v3  }
0x92: {  	[tilespmem:v2+s30+$0x0] =	vst.idx.add.f32.msk $0xffff, v3  }
0x93: {  	v2 =	vld [tilespmem:$0x178C0]  }
0x94: {  	v3 =	vld [tilespmem:$0x17940];
	_ =	sdelay $0x4  }
0x95: {  	v2 =	vadd.f32 v3, v2;
	_ =	sdelay $0x1  }
0x96: {  	v3 =	vmul.f32 $2.000000030e-01, v2  }
0x97: {  	vm12 =	vgt.f32 v2, $0.0e+00  }
0x98: {  	v2 =	vsel vm12, v2, v3  }
0x99: {  	v2 =	vsub.f32 v2, v1;
	_ =	sdelay $0x1  }
0x9a: {  	v2 =	vmul.f32 $1.442695020e+00, v2;
	_ =	sdelay $0x1  }
0x9b: {  	(erf) = vpow2.f32 v2;
	_ =	sdelay $0x2  }
0x9c: {  	v2 =	vld [tilespmem:$0x17AC0];
	_ =	sdelay $0x5  }
0x9d: {  	v3 =	vpop (erf)  }
0x9e: {  	[tilespmem:$0x17B40] =	vst v3  }
0x9f: {  	[tilespmem:v2+s30+$0x0] =	vst.idx.add.f32.msk $0xffff, v3  }
0xa0: {  	v2 =	vld [tilespmem:$0x178D0]  }
0xa1: {  	v3 =	vld [tilespmem:$0x17950];
	_ =	sdelay $0x4  }
0xa2: {  	v2 =	vadd.f32 v3, v2;
	_ =	sdelay $0x1  }
0xa3: {  	v3 =	vmul.f32 $2.000000030e-01, v2  }
0xa4: {  	vm13 =	vgt.f32 v2, $0.0e+00  }
0xa5: {  	v2 =	vsel vm13, v2, v3  }
0xa6: {  	v2 =	vsub.f32 v2, v1;
	_ =	sdelay $0x1  }
0xa7: {  	v2 =	vmul.f32 $1.442695020e+00, v2;
	_ =	sdelay $0x1  }
0xa8: {  	(erf) = vpow2.f32 v2;
	_ =	sdelay $0x2  }
0xa9: {  	v2 =	vld [tilespmem:$0x17AD0];
	_ =	sdelay $0x5  }
0xaa: {  	v3 =	vpop (erf)  }
0xab: {  	[tilespmem:$0x17B50] =	vst v3  }
0xac: {  	[tilespmem:v2+s30+$0x0] =	vst.idx.add.f32.msk $0xffff, v3  }
0xad: {  	v2 =	vld [tilespmem:$0x178E0]  }
0xae: {  	v3 =	vld [tilespmem:$0x17960];
	_ =	sdelay $0x4  }
0xaf: {  	v2 =	vadd.f32 v3, v2;
	_ =	sdelay $0x1  }
0xb0: {  	v3 =	vmul.f32 $2.000000030e-01, v2  }
0xb1: {  	vm14 =	vgt.f32 v2, $0.0e+00  }
0xb2: {  	v2 =	vsel vm14, v2, v3  }
0xb3: {  	v2 =	vsub.f32 v2, v1;
	_ =	sdelay $0x1  }
0xb4: {  	v2 =	vmul.f32 $1.442695020e+00, v2;
	_ =	sdelay $0x1  }
0xb5: {  	(erf) = vpow2.f32 v2;
	_ =	sdelay $0x2  }
0xb6: {  	v2 =	vld [tilespmem:$0x17AE0];
	_ =	sdelay $0x5  }
0xb7: {  	v3 =	vpop (erf)  }
0xb8: {  	[tilespmem:$0x17B60] =	vst v3  }
0xb9: {  	[tilespmem:v2+s30+$0x0] =	vst.idx.add.f32.msk $0xffff, v3  }
0xba: {  	v2 =	vld [tilespmem:$0x178F0]  }
0xbb: {  	v3 =	vld [tilespmem:$0x17970];
	_ =	sdelay $0x4  }
0xbc: {  	v2 =	vadd.f32 v3, v2;
	_ =	sdelay $0x1  }
0xbd: {  	v3 =	vmul.f32 $2.000000030e-01, v2  }
0xbe: {  	vm15 =	vgt.f32 v2, $0.0e+00  }
0xbf: {  	v2 =	vsel vm15, v2, v3  }
0xc0: {  	v2 =	vsub.f32 v2, v1;
	_ =	sdelay $0x1  }
0xc1: {  	v2 =	vmul.f32 $1.442695020e+00, v2;
	_ =	sdelay $0x1  }
0xc2: {  	(erf) = vpow2.f32 v2;
	_ =	sdelay $0x2  }
0xc3: {  	v2 =	vld [tilespmem:$0x17AF0];
	_ =	sdelay $0x5  }
0xc4: {  	v3 =	vpop (erf)  }
0xc5: {  	[tilespmem:$0x17B70] =	vst v3  }
0xc6: {  	s18 =	simm.s32 $0x138C0;
	[tilespmem:v2+s30+$0x0] =	vst.idx.add.f32.msk $0xffff, v3  }
0xc7: {  	v6 =	vld [tilespmem:s18+$0x30]  }
0xc8: {  	v9 =	vld [tilespmem:s18+$0x10]  }
0xc9: {  	s4 =	simm.s32 $0x0;
	v7 =	vld [tilespmem:s18+$0xFFFFFFC0]  }
0xca: {  	v3 =	vld.msk [tilespmem:s4+$0x17B00 ss:$0x0], $0xffff  }
0xcb: {  	v11 =	vld [tilespmem:s18+$0xFFFFFFE0]  }
0xcc: {  	v2 =	vld [tilespmem:s18+$0xFFFFFFF0]  }
0xcd: {  	v4 =	vld [tilespmem:s18+$0x20]  }
0xce: {  	v5 =	vld [tilespmem:s18+$0xFFFFFFD0]  }
0xcf: {  	v10 =	vmul.f32 v6, v3;
	v6 =	vld [tilespmem:s18+$0x0]  }
0xd0: {  	v8 =	vmul.f32 v3, v7  }
0xd1: {  	s31 =	simm.s32 $0x4;
	s5 =	simm.s32 $0x138C0;
	v7 =	vmul.f32 v11, v3;
	v9 =	vmul.f32 v9, v3  }
.LBB2_10:
0xd2: {  	p2 =	sne.s32 s31, $0x1FC  }
0xd3: {  	v5 =	vmul.f32 v5, v3;
	v4 =	vmul.f32 v4, v3;
	[tilespmem:s18+$0x30] =	vst v10;
	s5 =	sadd.s32 $0x80, s5;
	s4 =	smov.u32 s31;
	s31 =	sadd.s32 $0x4, s31  }
0xd4: {  	[tilespmem:s18+$0xFFFFFFC0] =	vst v8;
	v8 =	vmul.f32 v2, v3;
	v3 =	vmul.f32 v6, v3  }
0xd5: {  	[tilespmem:s18+$0x10] =	vst v9  }
0xd6: {  	[tilespmem:s18+$0xFFFFFFE0] =	vst v7  }
0xd7: {  	v2 =	vld [tilespmem:s5+$0xFFFFFFF0];
	[tilespmem:s18+$0xFFFFFFF0] =	vst v8  }
0xd8: {  	v7 =	vld [tilespmem:s5+$0x30];
	[tilespmem:s18+$0x0] =	vst v3  }
0xd9: {  	v9 =	vld [tilespmem:s5+$0x10];
	[tilespmem:s18+$0x20] =	vst v4  }
0xda: {  	s4 =	sshra.s32 s4, $0x2;
	v8 =	vld [tilespmem:s5+$0xFFFFFFC0];
	[tilespmem:s18+$0xFFFFFFD0] =	vst v5;
	s18 =	smov.u32 s5  }
0xdb: {  	v3 =	vld.msk [tilespmem:s4+$0x17B00 ss:$0x0], $0xffff  }
0xdc: {  	v11 =	vld [tilespmem:s5+$0xFFFFFFE0]  }
0xdd: {  	v4 =	vld [tilespmem:s5+$0x20]  }
.Ltmp5:
0xde: {  	v5 =	vld [tilespmem:s5+$0xFFFFFFD0];
	(pc) =	sbr.rel @p2 .LBB2_10-.Ltmp5, $3  }
0xdf: {  	v6 =	vld [tilespmem:s5+$0x0];
	_ =	sdelay $0x1  }
0xe0: {  	v8 =	vmul.f32 v3, v8;
	v10 =	vmul.f32 v7, v3  }
0xe1: {  	v9 =	vmul.f32 v9, v3;
	v7 =	vmul.f32 v11, v3  }
0xe2: {  	[tilespmem:s18+$0x30] =	vst v10  }
0xe3: {  	[tilespmem:s18+$0xFFFFFFC0] =	vst v8  }
0xe4: {  	v2 =	vmul.f32 v2, v3;
	[tilespmem:s18+$0x10] =	vst v9  }
0xe5: {  	v4 =	vmul.f32 v4, v3;
	[tilespmem:s18+$0xFFFFFFE0] =	vst v7  }
0xe6: {  	v6 =	vmul.f32 v6, v3;
	[tilespmem:s18+$0xFFFFFFF0] =	vst v2  }
0xe7: {  	s12 =	sadd.s32 $0x1, s12;
	v2 =	vmul.f32 v5, v3;
	[tilespmem:s18+$0x20] =	vst v4  }
0xe8: {  	p2 =	slt.u32 s12, s13;
	[tilespmem:s18+$0x0] =	vst v6  }
.Ltmp6:
0xe9: {  	[tilespmem:s18+$0xFFFFFFD0] =	vst v2;
	(pc) =	sbr.rel @p2 .LBB2_9-.Ltmp6, $4  }
0xea: {  	[spmem:s3] =	stream.indirect.scatter.add.f32 [tilespmem:s20], [sflag:$0x3], $0x80, s23, s25, $0xb8;
	[tilespmem:$0x1A400] =	vst v63  }
0xeb: {  	_ =	swait.ge [sflag:s19], $0x4000  }
0xec: {  	[sflag:s19] =	ssyncset.done $0x0  }
0xed: {  	[sflag:s19] =	ssyncadd.s32 $0xFFFFC000  }
.LBB2_12:
.Ltmp7:
0xee: {  	s4 =	stileid.u32;
	(pc) =	sbr.rel @!p1 .LBB2_14-.Ltmp7, $4  }
0xef: {  	[bflag:$0x0] =	sbarrier.arrive $0xFFFF;
	s4 =	sshll.u32 s4, $0x6  }
0xf0: {  	s18 =	sshrl.u32 s16, $0x3;
	s12 =	sadd.s32 $0xFFFFFFFF, s11;
	s5 =	sor.u32 $0x1C03, s4  }
0xf1: {  	[hbm:s17], [sflag:s5] =	dma.local [spmem:s18], $0x500  }
0xf2: {  	s31 =	smov.u32 s16;
	s18 =	sadd.s32 $0x5000, s17;
	_ =	swait.ge [sflag:s19], $0x500  }
.LBB2_13:
0xf3: {  	[sflag:s19] =	ssyncset.done $0x0;
	s31 =	sadd.s32 $0x28000, s31;
	p1 =	sne.s32 s12, $0x1  }
.Ltmp8:
0xf4: {  	s4 =	sshrl.u32 s31, $0x3;
	[sflag:s19] =	ssyncadd.s32 $0xFFFFFB00;
	(pc) =	sbr.rel @p1 .LBB2_13-.Ltmp8, $3  }
0xf5: {  	[hbm:s18], [sflag:s5] =	dma.local [spmem:s4], $0x500  }
0xf6: {  	s12 =	sadd.s32 $0xFFFFFFFF, s12;
	_ =	sdelay $0x1  }
0xf7: {  	s18 =	sadd.s32 $0x5000, s18;
	_ =	swait.ge [sflag:s19], $0x500  }
.LBB2_14:
0xf8: {  	s0 =	sadd.s32 $0x1, s0  }
0xf9: {  	[sflag:s19] =	ssyncset.done $0x0;
	p1 =	sne.s32 s0, s15  }
.Ltmp9:
0xfa: {  	s4 =	simm.s32 $0x400;
	[sflag:s19] =	ssyncadd.s32 $0xFFFFFB00;
	(pc) =	sbr.rel @p1 .LBB2_1-.Ltmp9, $4  }
0xfb: {  	[hbm4b:s14+s25] =	stream.strided.scatter [tilespmem:s30], [sflag:$0x3], $0x2780, s4, s25, $0x38;
	[tilespmem:$0x1A400] =	vst v63  }
0xfc: {  	_ =	swait.ge [sflag:s19], $0x2780  }
0xfd: {  	[sflag:s19] =	ssyncset.done $0x0  }
0xfe: {  	[sflag:s19] =	ssyncadd.s32 $0xFFFFD880  }
0xff: {  	_ =	sfence.sel $0x180000  }
0x100: {  	[bflag:$0x0] =	sbarrier.arrive $0xFFFF  }
0x101: {  	_ =	strace $0x90000047  }
0x102: {  	s0 =	stileid.u32;
	[bflag:$0x2] =	sbarrier.arrive $0xFFFF  }
0x103: {  	p0 =	sne.s32 s0, $0x0;
	s0 =	rddreg [dreg:$0x4]  }
0x104: {  	s0 =	sadd.s32 @!p0 $0x100000, s0  }
0x105: {  	[sflag:s0] =	ssyncadd.tile.s32 @!p0 $0x1;
	_ =	shalt  }
.Lfunc_end2:
_tile_overlayer_lowered:
.L_overlay_start_2:
0x106: {  	(tag) =	ssettag $0x2  }
0x107: {  	s0 =	rddreg [dreg:$0x0];
	s2 =	stileid.u32  }
0x108: {  	s1 =	rddreg [dreg:$0x1];
	p0 =	sne.s32 s2, $0x0  }
0x109: {  	s3 =	rddreg [dreg:$0x2];
	[bflag:$0x3] =	sbarrier.arrive $0xFFFF;
	s2 =	simm.s32 @!p0 $0x1C03  }
0x10a: {  	[timem:s3], [sflag:s2] =	dma.local @!p0 [hbm:s0], s1  }
0x10b: {  	s0 =	simm.s32 @!p0 $0x3  }
0x10c: {  	_ =	swait.ge @!p0 [sflag:s0], s1  }
0x10d: {  	s1 =	ssub.s32 @!p0 $0x0, s1;
	[sflag:s0] =	ssyncset.done @!p0 $0x0  }
0x10e: {  	[sflag:s0] =	ssyncadd.s32 @!p0 s1  }
0x10f: {  	[bflag:$0x3] =	sbarrier.arrive $0xFFFF  }
0x110: {  	_ =	shalt  }

// kernel: kernel.14.cloned.1.call-start
scs
__scs_entry_jumppad:
0x0: {  	(pc) =	sbr.rel $0x88, $3  }
0x1: {  	(tag) =	ssettag $0x0;
	lr =	simm.s32 $0x1  }
0x2: {  	[smem:$0x3F8E] =	sst lr;
	_ =	strace $0xD0000000  }
0x3: {  	_ = 	snop  }
0x4: {  	_ = 	snop  }
0x5: {  	_ = 	snop  }
0x6: {  	_ = 	snop  }
0x7: {  	_ = 	snop  }
__scs_overlays_trampoline_lowered:
0x8: {  	[smem:$0x3F9D] =	sst s0  }
0x9: {  	[smem:$0x3F9E] =	sst s1  }
0xa: {  	[smem:$0x3F9F] =	sst s2  }
0xb: {  	[smem:$0x3FA0] =	sst s3  }
0xc: {  	[smem:$0x3FA1] =	sst s4  }
0xd: {  	[smem:$0x3FA2] =	sst s5  }
0xe: {  	[smem:$0x3FA3] =	sst s6  }
0xf: {  	[smem:$0x3FA4] =	sst s7  }
0x10: {  	[smem:$0x3FA5] =	sst s8  }
0x11: {  	[smem:$0x3FA6] =	sst s9;
	s0 =	simm.s32 @!p0 $0x0  }
0x12: {  	s1 =	sld [smem:$0x3F8C];
	s0 =	simm.s32 @p0 $0x1  }
0x13: {  	[smem:$0x3FA7] =	sst s0;
	s0 =	simm.s32 @!p1 $0x0  }
0x14: {  	s2 =	sld [smem:$0x3F8B];
	s0 =	simm.s32 @p1 $0x1  }
0x15: {  	[smem:$0x3FA8] =	sst s0;
	s0 =	simm.s32 @!p2 $0x0  }
0x16: {  	s3 =	sld [smem:$0x3FDB];
	s0 =	simm.s32 @p2 $0x1  }
0x17: {  	s4 =	simm.s32 $0x1BF5;
	[smem:$0x3FAA] =	sst s0  }
0x18: {  	s0 =	sld [smem:$0x3F8D];
	_ =	swait.ge [sflag:s4], $0x0  }
0x19: {  	s7 =	sld [smem:$0x3F8E]  }
0x1a: {  	s8 =	sadd.s32 $0xFFFFE003, lr  }
0x1b: {  	s9 =	sadd.s32 $0xFFFFFEF7, lr;
	s5 =	simm.s32 $0xFFFFFFFF;
	p2 =	slt.u32 s8, $0xFFFFF086  }
0x1c: {  	p1 =	slt.u32 s9, $0xF7A;
	s5 =	simm.s32 @!p2 $0x0  }
0x1d: {  	s5 =	simm.s32 @p1 $0x1;
	p0 =	seq.s32 s7, s2  }
0x1e: {  	s7 =	smul.u32 @!p0 $0xF7A, s2;
	p2 =	seq.s32 @!p0 s5, $0x0  }
0x1f: {  	s9 =	smul.u32 $0xF7A, s1;
	s8 =	simm.s32 @!p0 $0x1BF5;
	p2 =	por !p2, p0  }
0x20: {  	[sflag:s8] =	ssyncset.s32 @!p0 $0xFFFFF086;
	s6 =	sadd.s32 @!p0 s3, s7;
	s7 =	simm.s32 @!p0 $0x108  }
0x21: {  	s3 =	sadd.s32 s3, s9;
	s6 =	sadd.s32 @!p0 $0x88, s6;
	s7 =	simm.s32 @p2 $0x1082  }
0x22: {  	[simem:s7], [sflag:s8] =	dma.local @!p0 [hbm:s6], $0xF7A  }
0x23: {  	s9 =	sor.u32 $0xD0000000, s2;
	s6 =	simm.s32 $0x108;
	_ =	swait.ge @!p0 [sflag:s8], $0x0  }
0x24: {  	s3 =	sadd.s32 $0x88, s3;
	s6 =	simm.s32 @!p1 $0x1082;
	[sflag:s4] =	ssyncset.s32 $0xFFFFF086  }
0x25: {  	[simem:s6], [sflag:s4] =	dma.local [hbm:s3], $0xF7A  }
0x26: {  	[smem:$0x3F8E] =	sst s1;
	(tag) =	ssettag s2;
	_ =	strace s9  }
0x27: {  	s1 =	sld [smem:$0x3F9E]  }
0x28: {  	s2 =	sld [smem:$0x3F9F]  }
0x29: {  	s4 =	sld [smem:$0x3FA1]  }
0x2a: {  	p0 =	seq.s32 s5, $0x0;
	s5 =	sld [smem:$0x3FA2]  }
0x2b: {  	s6 =	sld [smem:$0x3FA3]  }
0x2c: {  	s7 =	sld [smem:$0x3FA4]  }
0x2d: {  	s3 =	simm.s32 $0x108;
	s8 =	sld [smem:$0x3FA5]  }
0x2e: {  	s3 =	simm.s32 @!p0 $0x1082;
	s9 =	sld [smem:$0x3FA6]  }
0x2f: {  	lr =	sadd.s32 s0, s3;
	s0 =	sld [smem:$0x3F9D]  }
0x30: {  	s3 =	sld [smem:$0x3FA0]  }
0x31: {  	[smem:$0x3FA9] =	sst s10  }
0x32: {  	s10 =	sld [smem:$0x3FA7];
	_ =	sdelay $0x3  }
0x33: {  	p0 =	seq.s32 s10, $0x1;
	s10 =	sld [smem:$0x3FA9];
	_ =	sdelay $0x3  }
0x34: {  	[smem:$0x3FA9] =	sst s10  }
0x35: {  	s10 =	sld [smem:$0x3FA8];
	_ =	sdelay $0x3  }
0x36: {  	p1 =	seq.s32 s10, $0x1;
	s10 =	sld [smem:$0x3FA9];
	_ =	sdelay $0x3  }
0x37: {  	[smem:$0x3FA9] =	sst s10  }
0x38: {  	s10 =	sld [smem:$0x3FAA]  }
0x39: {  	_ = 	snop;
	(pc) =	sbr.ind lr, $3  }
0x3a: {  	_ = 	snop  }
0x3b: {  	_ = 	snop  }
0x3c: {  	p2 =	seq.s32 s10, $0x1;
	s10 =	sld [smem:$0x3FA9]  }
0x3d: {  	_ =	shalt  }
0x3e: {  	_ =	shalt  }
0x3f: {  	_ =	shalt  }
0x40: {  	_ =	shalt  }
0x41: {  	_ =	shalt  }
0x42: {  	_ =	shalt  }
0x43: {  	_ =	shalt  }
0x44: {  	_ =	shalt  }
0x45: {  	_ =	shalt  }
0x46: {  	_ =	shalt  }
0x47: {  	_ =	shalt  }
0x48: {  	_ =	shalt  }
0x49: {  	_ =	shalt  }
0x4a: {  	_ =	shalt  }
0x4b: {  	_ =	shalt  }
0x4c: {  	_ =	shalt  }
0x4d: {  	_ =	shalt  }
0x4e: {  	_ =	shalt  }
0x4f: {  	_ =	shalt  }
0x50: {  	_ =	shalt  }
0x51: {  	_ =	shalt  }
0x52: {  	_ =	shalt  }
0x53: {  	_ =	shalt  }
0x54: {  	_ =	shalt  }
0x55: {  	_ =	shalt  }
0x56: {  	_ =	shalt  }
0x57: {  	_ =	shalt  }
0x58: {  	_ =	shalt  }
0x59: {  	_ =	shalt  }
0x5a: {  	_ =	shalt  }
0x5b: {  	_ =	shalt  }
0x5c: {  	_ =	shalt  }
0x5d: {  	_ =	shalt  }
0x5e: {  	_ =	shalt  }
0x5f: {  	_ =	shalt  }
0x60: {  	_ =	shalt  }
0x61: {  	_ =	shalt  }
0x62: {  	_ =	shalt  }
0x63: {  	_ =	shalt  }
0x64: {  	_ =	shalt  }
0x65: {  	_ =	shalt  }
0x66: {  	_ =	shalt  }
0x67: {  	_ =	shalt  }
0x68: {  	_ =	shalt  }
0x69: {  	_ =	shalt  }
0x6a: {  	_ =	shalt  }
0x6b: {  	_ =	shalt  }
0x6c: {  	_ =	shalt  }
0x6d: {  	_ =	shalt  }
0x6e: {  	_ =	shalt  }
0x6f: {  	_ =	shalt  }
0x70: {  	_ =	shalt  }
0x71: {  	_ =	shalt  }
0x72: {  	_ =	shalt  }
0x73: {  	_ =	shalt  }
0x74: {  	_ =	shalt  }
0x75: {  	_ =	shalt  }
0x76: {  	_ =	shalt  }
0x77: {  	_ =	shalt  }
0x78: {  	_ =	shalt  }
0x79: {  	_ =	shalt  }
0x7a: {  	_ =	shalt  }
0x7b: {  	_ =	shalt  }
0x7c: {  	_ =	shalt  }
0x7d: {  	_ =	shalt  }
0x7e: {  	_ =	shalt  }
0x7f: {  	_ =	shalt  }
0x80: {  	_ =	shalt  }
0x81: {  	_ =	shalt  }
0x82: {  	_ =	shalt  }
0x83: {  	_ =	shalt  }
0x84: {  	_ =	shalt  }
0x85: {  	_ =	shalt  }
0x86: {  	_ =	shalt  }
0x87: {  	_ =	shalt  }
.Lfunc_end0:
.L_simem_size_0:
called_computation.1_lowered:
.L_overlay_start_0:
0x88: {  	s2 =	sld [smem:$0x3FD9]  }
0x89: {  	s3 =	sld [smem:$0x3FFE];
	_ =	sdelay $0x1  }
0x8a: {  	s1 =	srdreg.scid  }
0x8b: {  	s0 =	sand.u32 $0x1, s1  }
0x8c: {  	s15 =	sshll.u32 s0, $0xA;
	s2 =	sadd.s32 s3, s2  }
0x8d: {  	s2 =	sadd.s32 s2, s15  }
0x8e: {  	[smem:$0x3FB5] =	sst s2  }
0x8f: {  	_ = 	snop  }
0x90: {  	s2 =	sld [smem:$0x3FD0];
	_ =	sdelay $0x2  }
0x91: {  	s16 =	simm.s32 $0xB;
	s4 =	simm.s32 $0x10  }
0x92: {  	[smem:s4], [sflag:s16] =	dma.local [hbm:s2], $0x1  }
0x93: {  	_ =	swait.eq [sflag:s16], $0x1  }
0x94: {  	[sflag:s16] =	ssyncset.done $0x0  }
0x95: {  	[sflag:s16] =	ssyncadd.s32 $0xFFFFFFFF  }
0x96: {  	s17 =	sld [smem:$0x10];
	(tm) =	ssettm $0x1  }
0x97: {  	s18 =	sld [smem:$0x3FFB];
	_ =	sdelay $0x3  }
0x98: {  	_ =	strace s18  }
0x99: {  	s2 =	sld [smem:$0x3FFC];
	_ =	sdelay $0x3  }
0x9a: {  	_ =	strace s2  }
0x9b: {  	s2 =	sld [smem:$0x3FFD];
	_ =	sdelay $0x3  }
0x9c: {  	_ =	strace s2  }
0x9d: {  	_ =	strace $0x8FFFFFFF  }
0x9e: {  	s19 =	sld [smem:$0x3FDB];
	_ =	sdelay $0x1  }
0x9f: {  	s20 =	simm.s32 $_scs_section_size  }
0xa0: {  	s5 =	simm.s32 $_size__tile_overlayer_lowered;
	s6 =	simm.s32 $_tile_overlayer_lowered  }
0xa1: {  	s7 =	simm.s32 $0x1BFF;
	s21 =	sshll.u32 s6, $0x1;
	s4 =	sadd.s32 s20, s19  }
0xa2: {  	s22 =	simm.s32 $0x0;
	s5 =	sshll.u32 s5, $0x1;
	s6 =	sadd.s32 s21, s4  }
0xa3: {  	[timem:s22], [sflag:s7] =	dma.local [hbm:s6], s5  }
0xa4: {  	_ =	swait.ge [sflag:s7], s5  }
0xa5: {  	s5 =	ssub.s32 $0x0, s5;
	[sflag:s7] =	ssyncset.done $0x0  }
0xa6: {  	[sflag:s7] =	ssyncadd.s32 s5;
	_ =	sdelay $0x1  }
0xa7: {  	s23 =	simm.s32 $0x1B8B  }
0xa8: {  	_ =	swait.ge [sflag:s23], $0x1  }
0xa9: {  	[sflag:s23] =	ssyncset.done $0x0  }
0xaa: {  	[sflag:s23] =	ssyncadd.s32 $0xFFFFFFFF  }
0xab: {  	s5 =	sld [smem:$0x0]  }
0xac: {  	s6 =	sand.u32 $0xFFFFFFFE, s1  }
0xad: {  	p0 =	sne.s32 s1, s6  }
0xae: {  	s6 =	sshll.u32 @p0 s6, $0xE  }
0xaf: {  	s6 =	sadd.s32 @p0 $0x11B8D, s6;
	s7 =	sshll.u32 @p0 s5, $0x11  }
0xb0: {  	s6 =	sor.u32 @p0 s7, s6  }
0xb1: {  	[sflag:s6] =	ssyncadd.remote.s32 @p0 $0x1;
	_ =	sdelay $0x1  }
0xb2: {  	s6 =	simm.s32 @p0 $0x1B8D  }
0xb3: {  	_ =	swait.eq @p0 [sflag:s6], $0x1  }
0xb4: {  	[sflag:s6] =	ssyncadd.s32 @p0 $0xFFFFFFFF  }
0xb5: {  	s7 =	sshll.u32 @!p0 s1, $0xE  }
0xb6: {  	s7 =	sor.u32 @!p0 $0x4000, s7;
	s6 =	simm.s32 @!p0 $0x1B8D  }
0xb7: {  	s5 =	sshll.u32 @!p0 s5, $0x11;
	s7 =	sadd.s32 @!p0 $0x11B8D, s7;
	_ =	swait.eq @!p0 [sflag:s6], $0x1  }
0xb8: {  	s5 =	sor.u32 @!p0 s5, s7;
	[sflag:s6] =	ssyncadd.s32 @!p0 $0xFFFFFFFF  }
0xb9: {  	s25 =	simm.s32 $0x1B8E;
	s24 =	sld [smem:$0x3FFE];
	[sflag:s5] =	ssyncadd.remote.s32 @!p0 $0x1  }
0xba: {  	s26 =	simm.s32 $execute0_lowered;
	[smem:$0x3FD2] =	sst s25  }
0xbb: {  	s6 =	sshll.u32 s26, $0x1;
	_ =	strace $0x8000004C;
	[dreg:$0x1] =	wrdreg $0xFFFFFFFF  }
0xbc: {  	s28 =	simm.s32 $_size_execute0_lowered;
	s4 =	sadd.s32 s4, s6;
	[dreg:$0x0] =	wrdreg $0x0  }
0xbd: {  	s6 =	sshll.u32 s28, $0x1;
	[dreg:$0x2] =	wrdreg s4  }
0xbe: {  	[dreg:$0x3] =	wrdreg s6  }
0xbf: {  	[dreg:$0x4] =	wrdreg $0xC0  }
0xc0: {  	_ =	task [dreg:s22], $0x5FFFF  }
0xc1: {  	[dreg:$0x1] =	wrdreg $0xFFFFFFFF  }
0xc2: {  	[dreg:$0x0] =	wrdreg $0x60  }
0xc3: {  	[dreg:$0x2] =	wrdreg s24  }
0xc4: {  	[dreg:$0x3] =	wrdreg s17  }
0xc5: {  	[dreg:$0x4] =	wrdreg $0x0  }
0xc6: {  	[dreg:$0x5] =	wrdreg $0x9  }
0xc7: {  	_ =	task.clear_ibuf [dreg:s22], $0x6FFFF;
	_ =	strace $0x9000004C  }
0xc8: {  	s29 =	simm.s32 $0x9;
	_ =	strace $0x8000004E  }
0xc9: {  	_ =	swait.ge [sflag:s29], $0x1  }
0xca: {  	[sflag:s29] =	ssyncadd.s32 $0xFFFFFFFF  }
0xcb: {  	_ =	strace $0x9000004E  }
0xcc: {  	_ =	sfence  }
0xcd: {  	s30 =	sld [smem:$0x0];
	_ =	sdelay $0x2  }
0xce: {  	s31 =	sshll.u32 s1, $0xD;
	s1 =	sshrl.u32 s1, $0x2  }
0xcf: {  	s4 =	sand.u32 $0x4000, s31;
	s1 =	sadd.s32 s1, s30  }
0xd0: {  	s0 =	sor.u32 s4, s0;
	s1 =	sshll.u32 s1, $0x11  }
0xd1: {  	s0 =	sor.u32 s1, s0  }
0xd2: {  	s0 =	sadd.s32 $0x8F2B, s0  }
0xd3: {  	[sflag:s0] =	ssyncadd.remote.s32 $0x1  }
0xd4: {  	_ =	sfence.sel $0xFFFF  }
0xd5: {  	[dreg:$0x0] =	wrdreg $0xFFFFFFFF;
	(pc) =	sbr.abs _section_cstart, $3  }
0xd6: {  	[dreg:$0x1] =	wrdreg $0xFFFFFFFF  }
0xd7: {  	_ =	task.clear_ibuf [dreg:s22], $0x2FFFF;
	_ =	strace $0x9FFFFFFF  }
0xd8: {  	(tm) =	ssettm $0x7FFFFFFF  }
0xd9: {  	_ =	shalt  }
tec
execute0_lowered:
.L_overlay_start_1:
0x0: {  	(tag) =	ssettag $0x1  }
0x1: {  	s1 =	rddreg [dreg:$0x0]  }
0x2: {  	s0 =	rddreg [dreg:$0x1]  }
0x3: {  	s2 =	rddreg [dreg:$0x2];
	s3 =	srdreg.scid;
	s5 =	simm.s32 $0x0  }
0x4: {  	s19 =	stileid.u32;
	s28 =	simm.s32 $0x17900;
	s29 =	simm.s32 $0x2  }
0x5: {  	s30 =	simm.s32 $0x17C80;
	[smem:$0x7FF] =	sst s5;
	s9 =	smul.u32 $0x2800, s19  }
0x6: {  	s4 =	sand.u32 $0x1, s3;
	s5 =	sadd.s32 $0x502200, s1;
	s6 =	sadd.s32 $0x1A9800, s1  }
0x7: {  	s7 =	sadd.s32 $0x1A7000, s1;
	s15 =	sshrl.u32 s19, $0x3;
	s25 =	smul.u32 $0xA000, s19  }
0x8: {  	s22 =	ssub.s32 $0x8C, s19;
	s23 =	sshll.u32 s19, $0x7;
	s8 =	smul.u32 $0x138800, s4  }
0x9: {  	_ =	strace $0x8000004D;
	s20 =	ssub.s32 $0x2, s4;
	s14 =	smul.u32 $0x27800, s4  }
0xa: {  	s4 =	sshll.u32 s4, $0x4;
	s21 =	smul.u32 $0x13C00, s15;
	s15 =	sand.u32 $0x380, s23  }
0xb: {  	s23 =	simm.s32 $0x17A80;
	s13 =	sshrl.u32 s20, $0x1;
	s4 =	sor.u32 s19, s4  }
0xc: {  	s31 =	sshrl.u32 s25, $0x2;
	s19 =	simm.s32 $0x3;
	s25 =	simm.s32 $0x80  }
0xd: {  	s10 =	sadd.s32 s9, s8;
	s8 =	sadd.s32 $0x13C00, s1;
	s9 =	sadd.s32 $0x9E00, s1  }
0xe: {  	s16 =	ssub.s32 s20, s13;
	s4 =	smul.u32 $0x9C4, s4;
	s14 =	sadd.s32 s14, s21  }
0xf: {  	s20 =	simm.s32 $0x13880;
	s21 =	simm.s32 $0x17980;
	s11 =	sshrl.u32 s10, $0x3  }
0x10: {  	s10 =	sadd.s32 $0x1AC000, s1;
	s24 =	sor.u32 s15, s14;
	s15 =	smax.u32 s16, $0x1  }
0x11: {  	s16 =	sadd.s32 s31, s2;
	s12 =	sadd.s32 s11, s1;
	s11 =	sshrl.u32 s22, $0x4  }
0x12: {  	s26 =	sshrl.u32 s4, $0x5;
	s4 =	sadd.s32 $0x9C4, s4;
	s14 =	sshrl.u32 s24, $0x3  }
0x13: {  	s22 =	simm.s32 $0x17A00;
	s24 =	simm.s32 $0x1;
	s13 =	sshrl.u32 s4, $0x5  }
0x14: {  	s14 =	sadd.s32 s0, s14;
	s17 =	sadd.s32 $0x1AC200, s12;
	[dreg:$0x4] =	wrdreg s26  }
0x15: {  	v0 =	vimm.f32 $0.0e+00;
	s0 =	simm.s32 $0x0;
	p0 =	sge.u32 s26, s13;
	s26 =	simm.s32 $0x17880  }
.LBB2_1:
0x16: {  	s3 =	simm.s32 $0x0;
	s4 =	simm.s32 $0x17C00  }
0x17: {  	[tilespmem:s4], [sflag:$0x3] =	stream.linear.gather [hbm4b:s10+s3], $0x80, $0x38;
	[tilespmem:$0x1A400] =	vst v63  }
0x18: {  	_ =	swait.ge [sflag:s19], $0x80  }
0x19: {  	[sflag:s19] =	ssyncset.done $0x0  }
0x1a: {  	s12 =	simm.s32 $0x200;
	s4 =	simm.s32 $0x0;
	[sflag:s19] =	ssyncadd.s32 $0xFFFFFF80  }
.LBB2_2:
0x1b: {  	p1 =	sne.s32 s12, $0xFE00;
	[tilespmem:s4+$0x138F0] =	vst v0  }
0x1c: {  	[tilespmem:s4+$0x13880] =	vst v0  }
0x1d: {  	[tilespmem:s4+$0x13890] =	vst v0  }
.Ltmp0:
0x1e: {  	[tilespmem:s4+$0x138A0] =	vst v0;
	(pc) =	sbr.rel @p1 .LBB2_2-.Ltmp0, $4  }
0x1f: {  	[tilespmem:s4+$0x138B0] =	vst v0  }
0x20: {  	[tilespmem:s4+$0x138C0] =	vst v0  }
0x21: {  	[tilespmem:s4+$0x138D0] =	vst v0  }
0x22: {  	[tilespmem:s4+$0x138E0] =	vst v0;
	s4 =	sshra.s32 s12, $0x2;
	s12 =	sadd.s32 $0x200, s12  }
0x23: {  	[tilespmem:s4+$0x138F0] =	vst v0  }
0x24: {  	[tilespmem:s4+$0x13880] =	vst v0  }
0x25: {  	[tilespmem:s4+$0x13890] =	vst v0  }
0x26: {  	[tilespmem:s4+$0x138A0] =	vst v0  }
0x27: {  	[tilespmem:s4+$0x138B0] =	vst v0  }
0x28: {  	[tilespmem:s4+$0x138C0] =	vst v0  }
0x29: {  	[tilespmem:s4+$0x138D0] =	vst v0  }
0x2a: {  	[tilespmem:s4+$0x138E0] =	vst v0;
	s4 =	simm.s32 $0x40;
	s12 =	simm.s32 $0x0  }
.LBB2_4:
0x2b: {  	p1 =	sne.s32 s4, $0x9C00;
	[tilespmem:s12+$0x17C80] =	vst v0;
	s12 =	smov.u32 s4;
	s4 =	sadd.s32 $0x40, s4  }
.Ltmp1:
0x2c: {  	(pc) =	sbr.rel @p1 .LBB2_4-.Ltmp1, $2  }
0x2d: {  	_ =	sdelay $0x2  }
0x2e: {  	s12 =	sshra.s32 s12, $0x2  }
0x2f: {  	p1 =	sne.s32 s11, $0x1  }
.Ltmp2:
0x30: {  	_ = 	snop;
	(pc) =	sbr.rel @!p1 .LBB2_7-.Ltmp2, $4  }
0x31: {  	[tilespmem:s12+$0x17C80] =	vst v0  }
0x32: {  	[spmem:s16] =	stream.linear.scatter [tilespmem:s20], [sflag:$0x3], $0x2800, $0x38;
	[tilespmem:$0x1A400] =	vst v63  }
0x33: {  	_ =	swait.ge [sflag:s19], $0x2800  }
0x34: {  	s4 =	sadd.s32 $0xFFFFFFFF, s11;
	s12 =	smov.u32 s16;
	[sflag:s19] =	ssyncset.done $0x0  }
.LBB2_6:
0x35: {  	p2 =	sne.s32 s4, $0x1;
	[sflag:s19] =	ssyncadd.s32 $0xFFFFD800;
	s12 =	sadd.s32 $0x28000, s12  }
.Ltmp3:
0x36: {  	s4 =	sadd.s32 $0xFFFFFFFF, s4;
	(pc) =	sbr.rel @p2 .LBB2_6-.Ltmp3, $4  }
0x37: {  	_ = 	snop  }
0x38: {  	[spmem:s12] =	stream.linear.scatter [tilespmem:s20], [sflag:$0x3], $0x2800, $0x38;
	[tilespmem:$0x1A400] =	vst v63  }
0x39: {  	_ =	swait.ge [sflag:s19], $0x2800  }
0x3a: {  	[sflag:s19] =	ssyncset.done $0x0  }
.LBB2_7:
.Ltmp4:
0x3b: {  	(pc) =	sbr.rel @p0 .LBB2_12-.Ltmp4, $3  }
0x3c: {  	_ = 	snop  }
0x3d: {  	[sflag:s19] =	ssyncadd.s32 $0xFFFFD800  }
0x3e: {  	[bflag:$0x0] =	sbarrier.arrive $0xFFFF;
	_ =	sdelay $0x1  }
0x3f: {  	v1 =	vld [tilespmem:$0x17C00];
	s12 =	rddreg [dreg:$0x4]  }
.LBB2_9:
0x40: {  	s4 =	sshll.u32 s12, $0x4  }
0x41: {  	s31 =	simm.s32 $0x0;
	s18 =	sadd.s32 s8, s4  }
0x42: {  	[tilespmem:s21], [sflag:$0x1] =	stream.linear.gather [hbm4b:s18+s31], $0x80, $0x38;
	[tilespmem:$0x1A400] =	vst v63  }
0x43: {  	s3 =	sadd.s32 s9, s4  }
0x44: {  	[tilespmem:s22], [sflag:$0x1] =	stream.linear.gather [hbm4b:s3+s31], $0x80, $0x38;
	[tilespmem:$0x1A400] =	vst v63  }
0x45: {  	s4 =	sadd.s32 s1, s4  }
0x46: {  	[tilespmem:s23], [sflag:$0x1] =	stream.linear.gather [hbm4b:s4+s31], $0x80, $0x38;
	[tilespmem:$0x1A400] =	vst v63  }
0x47: {  	_ =	swait.ge [sflag:s24], $0x80  }
0x48: {  	[sflag:s24] =	ssyncset.done $0x0  }
0x49: {  	[sflag:s24] =	ssyncadd.s32 $0xFFFFFF80  }
0x4a: {  	_ =	swait.ge [sflag:s24], $0x80  }
0x4b: {  	[sflag:s24] =	ssyncset.done $0x0  }
0x4c: {  	[sflag:s24] =	ssyncadd.s32 $0xFFFFFF80  }
0x4d: {  	_ =	swait.ge [sflag:s24], $0x80  }
0x4e: {  	[sflag:s24] =	ssyncset.done $0x0  }
0x4f: {  	[sflag:s24] =	ssyncadd.s32 $0xFFFFFF80  }
0x50: {  	[tilespmem:s20], [sflag:$0x2] =	stream.indirect.gather [hbm4b:s5+s25], $0x80, s21, s25, $0xb8;
	[tilespmem:$0x1A400] =	vst v63  }
0x51: {  	_ = 	snop  }
0x52: {  	[tilespmem:s26], [sflag:$0x2] =	stream.indirect.gather [hbm4b:s6+s25], $0x1, s22, s25, $0xb8;
	[tilespmem:$0x1A400] =	vst v63  }
0x53: {  	_ = 	snop  }
0x54: {  	[tilespmem:s28], [sflag:$0x2] =	stream.indirect.gather [hbm4b:s7+s25], $0x1, s21, s25, $0xb8;
	[tilespmem:$0x1A400] =	vst v63  }
0x55: {  	_ =	swait.ge [sflag:s29], $0x4000  }
0x56: {  	[sflag:s29] =	ssyncset.done $0x0  }
0x57: {  	[sflag:s29] =	ssyncadd.s32 $0xFFFFC000  }
0x58: {  	_ =	swait.ge [sflag:s29], $0x80  }
0x59: {  	[sflag:s29] =	ssyncset.done $0x0  }
0x5a: {  	[sflag:s29] =	ssyncadd.s32 $0xFFFFFF80  }
0x5b: {  	_ =	swait.ge [sflag:s29], $0x80  }
0x5c: {  	[sflag:s29] =	ssyncset.done $0x0  }
0x5d: {  	[sflag:s29] =	ssyncadd.s32 $0xFFFFFF80  }
0x5e: {  	v2 =	vld [tilespmem:$0x17880]  }
0x5f: {  	v3 =	vld [tilespmem:$0x17900];
	_ =	sdelay $0x4  }
0x60: {  	v2 =	vadd.f32 v3, v2;
	_ =	sdelay $0x1  }
0x61: {  	v3 =	vmul.f32 $2.000000030e-01, v2  }
0x62: {  	vm0 =	vgt.f32 v2, $0.0e+00  }
0x63: {  	v2 =	vsel vm0, v2, v3  }
0x64: {  	v2 =	vsub.f32 v2, v1;
	_ =	sdelay $0x1  }
0x65: {  	v2 =	vmul.f32 $1.442695020e+00, v2;
	_ =	sdelay $0x1  }
0x66: {  	(erf) = vpow2.f32 v2;
	_ =	sdelay $0x2  }
0x67: {  	v2 =	vld [tilespmem:$0x17A80];
	_ =	sdelay $0x5  }
0x68: {  	v3 =	vpop (erf)  }
0x69: {  	[tilespmem:$0x17B00] =	vst v3  }
0x6a: {  	[tilespmem:v2+s30+$0x0] =	vst.idx.add.f32.msk $0xffff, v3  }
0x6b: {  	v2 =	vld [tilespmem:$0x17890]  }
0x6c: {  	v3 =	vld [tilespmem:$0x17910];
	_ =	sdelay $0x4  }
0x6d: {  	v2 =	vadd.f32 v3, v2;
	_ =	sdelay $0x1  }
0x6e: {  	v3 =	vmul.f32 $2.000000030e-01, v2  }
0x6f: {  	vm9 =	vgt.f32 v2, $0.0e+00  }
0x70: {  	v2 =	vsel vm9, v2, v3  }
0x71: {  	v2 =	vsub.f32 v2, v1;
	_ =	sdelay $0x1  }
0x72: {  	v2 =	vmul.f32 $1.442695020e+00, v2;
	_ =	sdelay $0x1  }
0x73: {  	(erf) = vpow2.f32 v2;
	_ =	sdelay $0x2  }
0x74: {  	v2 =	vld [tilespmem:$0x17A90];
	_ =	sdelay $0x5  }
0x75: {  	v3 =	vpop (erf)  }
0x76: {  	[tilespmem:$0x17B10] =	vst v3  }
0x77: {  	[tilespmem:v2+s30+$0x0] =	vst.idx.add.f32.msk $0xffff, v3  }
0x78: {  	v2 =	vld [tilespmem:$0x178A0]  }
0x79: {  	v3 =	vld [tilespmem:$0x17920];
	_ =	sdelay $0x4  }
0x7a: {  	v2 =	vadd.f32 v3, v2;
	_ =	sdelay $0x1  }
0x7b: {  	v3 =	vmul.f32 $2.000000030e-01, v2  }
0x7c: {  	vm10 =	vgt.f32 v2, $0.0e+00  }
0x7d: {  	v2 =	vsel vm10, v2, v3  }
0x7e: {  	v2 =	vsub.f32 v2, v1;
	_ =	sdelay $0x1  }
0x7f: {  	v2 =	vmul.f32 $1.442695020e+00, v2;
	_ =	sdelay $0x1  }
0x80: {  	(erf) = vpow2.f32 v2;
	_ =	sdelay $0x2  }
0x81: {  	v2 =	vld [tilespmem:$0x17AA0];
	_ =	sdelay $0x5  }
0x82: {  	v3 =	vpop (erf)  }
0x83: {  	[tilespmem:$0x17B20] =	vst v3  }
0x84: {  	[tilespmem:v2+s30+$0x0] =	vst.idx.add.f32.msk $0xffff, v3  }
0x85: {  	v2 =	vld [tilespmem:$0x178B0]  }
0x86: {  	v3 =	vld [tilespmem:$0x17930];
	_ =	sdelay $0x4  }
0x87: {  	v2 =	vadd.f32 v3, v2;
	_ =	sdelay $0x1  }
0x88: {  	v3 =	vmul.f32 $2.000000030e-01, v2  }
0x89: {  	vm11 =	vgt.f32 v2, $0.0e+00  }
0x8a: {  	v2 =	vsel vm11, v2, v3  }
0x8b: {  	v2 =	vsub.f32 v2, v1;
	_ =	sdelay $0x1  }
0x8c: {  	v2 =	vmul.f32 $1.442695020e+00, v2;
	_ =	sdelay $0x1  }
0x8d: {  	(erf) = vpow2.f32 v2;
	_ =	sdelay $0x2  }
0x8e: {  	v2 =	vld [tilespmem:$0x17AB0];
	_ =	sdelay $0x5  }
0x8f: {  	v3 =	vpop (erf)  }
0x90: {  	[tilespmem:$0x17B30] =	vst v3  }
0x91: {  	[tilespmem:v2+s30+$0x0] =	vst.idx.add.f32.msk $0xffff, v3  }
0x92: {  	v2 =	vld [tilespmem:$0x178C0]  }
0x93: {  	v3 =	vld [tilespmem:$0x17940];
	_ =	sdelay $0x4  }
0x94: {  	v2 =	vadd.f32 v3, v2;
	_ =	sdelay $0x1  }
0x95: {  	v3 =	vmul.f32 $2.000000030e-01, v2  }
0x96: {  	vm12 =	vgt.f32 v2, $0.0e+00  }
0x97: {  	v2 =	vsel vm12, v2, v3  }
0x98: {  	v2 =	vsub.f32 v2, v1;
	_ =	sdelay $0x1  }
0x99: {  	v2 =	vmul.f32 $1.442695020e+00, v2;
	_ =	sdelay $0x1  }
0x9a: {  	(erf) = vpow2.f32 v2;
	_ =	sdelay $0x2  }
0x9b: {  	v2 =	vld [tilespmem:$0x17AC0];
	_ =	sdelay $0x5  }
0x9c: {  	v3 =	vpop (erf)  }
0x9d: {  	[tilespmem:$0x17B40] =	vst v3  }
0x9e: {  	[tilespmem:v2+s30+$0x0] =	vst.idx.add.f32.msk $0xffff, v3  }
0x9f: {  	v2 =	vld [tilespmem:$0x178D0]  }
0xa0: {  	v3 =	vld [tilespmem:$0x17950];
	_ =	sdelay $0x4  }
0xa1: {  	v2 =	vadd.f32 v3, v2;
	_ =	sdelay $0x1  }
0xa2: {  	v3 =	vmul.f32 $2.000000030e-01, v2  }
0xa3: {  	vm13 =	vgt.f32 v2, $0.0e+00  }
0xa4: {  	v2 =	vsel vm13, v2, v3  }
0xa5: {  	v2 =	vsub.f32 v2, v1;
	_ =	sdelay $0x1  }
0xa6: {  	v2 =	vmul.f32 $1.442695020e+00, v2;
	_ =	sdelay $0x1  }
0xa7: {  	(erf) = vpow2.f32 v2;
	_ =	sdelay $0x2  }
0xa8: {  	v2 =	vld [tilespmem:$0x17AD0];
	_ =	sdelay $0x5  }
0xa9: {  	v3 =	vpop (erf)  }
0xaa: {  	[tilespmem:$0x17B50] =	vst v3  }
0xab: {  	[tilespmem:v2+s30+$0x0] =	vst.idx.add.f32.msk $0xffff, v3  }
0xac: {  	v2 =	vld [tilespmem:$0x178E0]  }
0xad: {  	v3 =	vld [tilespmem:$0x17960];
	_ =	sdelay $0x4  }
0xae: {  	v2 =	vadd.f32 v3, v2;
	_ =	sdelay $0x1  }
0xaf: {  	v3 =	vmul.f32 $2.000000030e-01, v2  }
0xb0: {  	vm14 =	vgt.f32 v2, $0.0e+00  }
0xb1: {  	v2 =	vsel vm14, v2, v3  }
0xb2: {  	v2 =	vsub.f32 v2, v1;
	_ =	sdelay $0x1  }
0xb3: {  	v2 =	vmul.f32 $1.442695020e+00, v2;
	_ =	sdelay $0x1  }
0xb4: {  	(erf) = vpow2.f32 v2;
	_ =	sdelay $0x2  }
0xb5: {  	v2 =	vld [tilespmem:$0x17AE0];
	_ =	sdelay $0x5  }
0xb6: {  	v3 =	vpop (erf)  }
0xb7: {  	[tilespmem:$0x17B60] =	vst v3  }
0xb8: {  	[tilespmem:v2+s30+$0x0] =	vst.idx.add.f32.msk $0xffff, v3  }
0xb9: {  	v2 =	vld [tilespmem:$0x178F0]  }
0xba: {  	v3 =	vld [tilespmem:$0x17970];
	_ =	sdelay $0x4  }
0xbb: {  	v2 =	vadd.f32 v3, v2;
	_ =	sdelay $0x1  }
0xbc: {  	v3 =	vmul.f32 $2.000000030e-01, v2  }
0xbd: {  	vm15 =	vgt.f32 v2, $0.0e+00  }
0xbe: {  	v2 =	vsel vm15, v2, v3  }
0xbf: {  	v2 =	vsub.f32 v2, v1;
	_ =	sdelay $0x1  }
0xc0: {  	v2 =	vmul.f32 $1.442695020e+00, v2;
	_ =	sdelay $0x1  }
0xc1: {  	(erf) = vpow2.f32 v2;
	_ =	sdelay $0x2  }
0xc2: {  	v2 =	vld [tilespmem:$0x17AF0];
	_ =	sdelay $0x5  }
0xc3: {  	v3 =	vpop (erf)  }
0xc4: {  	[tilespmem:$0x17B70] =	vst v3  }
0xc5: {  	s18 =	simm.s32 $0x138C0;
	[tilespmem:v2+s30+$0x0] =	vst.idx.add.f32.msk $0xffff, v3  }
0xc6: {  	v6 =	vld [tilespmem:s18+$0x30]  }
0xc7: {  	v9 =	vld [tilespmem:s18+$0x10]  }
0xc8: {  	s3 =	simm.s32 $0x0;
	v7 =	vld [tilespmem:s18+$0xFFFFFFC0]  }
0xc9: {  	v3 =	vld.msk [tilespmem:s3+$0x17B00 ss:$0x0], $0xffff  }
0xca: {  	v11 =	vld [tilespmem:s18+$0xFFFFFFE0]  }
0xcb: {  	v2 =	vld [tilespmem:s18+$0xFFFFFFF0]  }
0xcc: {  	v4 =	vld [tilespmem:s18+$0x20]  }
0xcd: {  	v5 =	vld [tilespmem:s18+$0xFFFFFFD0]  }
0xce: {  	v10 =	vmul.f32 v6, v3;
	v6 =	vld [tilespmem:s18+$0x0]  }
0xcf: {  	v8 =	vmul.f32 v3, v7  }
0xd0: {  	s31 =	simm.s32 $0x4;
	s4 =	simm.s32 $0x138C0;
	v7 =	vmul.f32 v11, v3;
	v9 =	vmul.f32 v9, v3  }
.LBB2_10:
0xd1: {  	p2 =	sne.s32 s31, $0x1FC  }
0xd2: {  	v5 =	vmul.f32 v5, v3;
	v4 =	vmul.f32 v4, v3;
	[tilespmem:s18+$0x30] =	vst v10;
	s4 =	sadd.s32 $0x80, s4;
	s3 =	smov.u32 s31;
	s31 =	sadd.s32 $0x4, s31  }
0xd3: {  	[tilespmem:s18+$0xFFFFFFC0] =	vst v8;
	v8 =	vmul.f32 v2, v3;
	v3 =	vmul.f32 v6, v3  }
0xd4: {  	[tilespmem:s18+$0x10] =	vst v9  }
0xd5: {  	[tilespmem:s18+$0xFFFFFFE0] =	vst v7  }
0xd6: {  	v2 =	vld [tilespmem:s4+$0xFFFFFFF0];
	[tilespmem:s18+$0xFFFFFFF0] =	vst v8  }
0xd7: {  	v7 =	vld [tilespmem:s4+$0x30];
	[tilespmem:s18+$0x0] =	vst v3  }
0xd8: {  	v9 =	vld [tilespmem:s4+$0x10];
	[tilespmem:s18+$0x20] =	vst v4  }
0xd9: {  	s3 =	sshra.s32 s3, $0x2;
	v8 =	vld [tilespmem:s4+$0xFFFFFFC0];
	[tilespmem:s18+$0xFFFFFFD0] =	vst v5;
	s18 =	smov.u32 s4  }
0xda: {  	v3 =	vld.msk [tilespmem:s3+$0x17B00 ss:$0x0], $0xffff  }
0xdb: {  	v11 =	vld [tilespmem:s4+$0xFFFFFFE0]  }
0xdc: {  	v4 =	vld [tilespmem:s4+$0x20]  }
.Ltmp5:
0xdd: {  	v5 =	vld [tilespmem:s4+$0xFFFFFFD0];
	(pc) =	sbr.rel @p2 .LBB2_10-.Ltmp5, $3  }
0xde: {  	v6 =	vld [tilespmem:s4+$0x0];
	_ =	sdelay $0x1  }
0xdf: {  	v8 =	vmul.f32 v3, v8;
	v10 =	vmul.f32 v7, v3  }
0xe0: {  	v9 =	vmul.f32 v9, v3;
	v7 =	vmul.f32 v11, v3  }
0xe1: {  	[tilespmem:s18+$0x30] =	vst v10  }
0xe2: {  	[tilespmem:s18+$0xFFFFFFC0] =	vst v8  }
0xe3: {  	v2 =	vmul.f32 v2, v3;
	[tilespmem:s18+$0x10] =	vst v9  }
0xe4: {  	v4 =	vmul.f32 v4, v3;
	[tilespmem:s18+$0xFFFFFFE0] =	vst v7  }
0xe5: {  	v6 =	vmul.f32 v6, v3;
	[tilespmem:s18+$0xFFFFFFF0] =	vst v2  }
0xe6: {  	s12 =	sadd.s32 $0x1, s12;
	v2 =	vmul.f32 v5, v3;
	[tilespmem:s18+$0x20] =	vst v4  }
0xe7: {  	p2 =	slt.u32 s12, s13;
	[tilespmem:s18+$0x0] =	vst v6  }
.Ltmp6:
0xe8: {  	[tilespmem:s18+$0xFFFFFFD0] =	vst v2;
	(pc) =	sbr.rel @p2 .LBB2_9-.Ltmp6, $4  }
0xe9: {  	[spmem:s2] =	stream.indirect.scatter.add.f32 [tilespmem:s20], [sflag:$0x3], $0x80, s23, s25, $0xb8;
	[tilespmem:$0x1A400] =	vst v63  }
0xea: {  	_ =	swait.ge [sflag:s19], $0x4000  }
0xeb: {  	[sflag:s19] =	ssyncset.done $0x0  }
0xec: {  	[sflag:s19] =	ssyncadd.s32 $0xFFFFC000  }
.LBB2_12:
.Ltmp7:
0xed: {  	s3 =	stileid.u32;
	(pc) =	sbr.rel @!p1 .LBB2_14-.Ltmp7, $4  }
0xee: {  	[bflag:$0x0] =	sbarrier.arrive $0xFFFF;
	s3 =	sshll.u32 s3, $0x6  }
0xef: {  	s18 =	sshrl.u32 s16, $0x3;
	s12 =	sadd.s32 $0xFFFFFFFF, s11;
	s4 =	sor.u32 $0x1C03, s3  }
0xf0: {  	[hbm:s17], [sflag:s4] =	dma.local [spmem:s18], $0x500  }
0xf1: {  	s31 =	smov.u32 s16;
	s18 =	sadd.s32 $0x5000, s17;
	_ =	swait.ge [sflag:s19], $0x500  }
.LBB2_13:
0xf2: {  	[sflag:s19] =	ssyncset.done $0x0;
	s31 =	sadd.s32 $0x28000, s31;
	p1 =	sne.s32 s12, $0x1  }
.Ltmp8:
0xf3: {  	s3 =	sshrl.u32 s31, $0x3;
	[sflag:s19] =	ssyncadd.s32 $0xFFFFFB00;
	(pc) =	sbr.rel @p1 .LBB2_13-.Ltmp8, $3  }
0xf4: {  	[hbm:s18], [sflag:s4] =	dma.local [spmem:s3], $0x500  }
0xf5: {  	s12 =	sadd.s32 $0xFFFFFFFF, s12;
	_ =	sdelay $0x1  }
0xf6: {  	s18 =	sadd.s32 $0x5000, s18;
	_ =	swait.ge [sflag:s19], $0x500  }
.LBB2_14:
0xf7: {  	s0 =	sadd.s32 $0x1, s0  }
0xf8: {  	[sflag:s19] =	ssyncset.done $0x0;
	p1 =	sne.s32 s0, s15  }
.Ltmp9:
0xf9: {  	s3 =	simm.s32 $0x400;
	[sflag:s19] =	ssyncadd.s32 $0xFFFFFB00;
	(pc) =	sbr.rel @p1 .LBB2_1-.Ltmp9, $4  }
0xfa: {  	[hbm4b:s14+s25] =	stream.strided.scatter [tilespmem:s30], [sflag:$0x3], $0x2780, s3, s25, $0x38;
	[tilespmem:$0x1A400] =	vst v63  }
0xfb: {  	_ =	swait.ge [sflag:s19], $0x2780  }
0xfc: {  	[sflag:s19] =	ssyncset.done $0x0  }
0xfd: {  	[sflag:s19] =	ssyncadd.s32 $0xFFFFD880  }
0xfe: {  	_ =	sfence.sel $0x180000  }
0xff: {  	[bflag:$0x0] =	sbarrier.arrive $0xFFFF  }
0x100: {  	_ =	strace $0x9000004D  }
0x101: {  	s0 =	stileid.u32;
	[bflag:$0x2] =	sbarrier.arrive $0xFFFF  }
0x102: {  	p0 =	sne.s32 s0, $0x0;
	s0 =	rddreg [dreg:$0x3]  }
0x103: {  	s0 =	sadd.s32 @!p0 $0x100000, s0  }
0x104: {  	[sflag:s0] =	ssyncadd.tile.s32 @!p0 $0x1;
	_ =	shalt  }
.Lfunc_end2:
_tile_overlayer_lowered:
.L_overlay_start_2:
0x105: {  	(tag) =	ssettag $0x2  }
0x106: {  	s0 =	rddreg [dreg:$0x0];
	s2 =	stileid.u32  }
0x107: {  	s1 =	rddreg [dreg:$0x1];
	p0 =	sne.s32 s2, $0x0  }
0x108: {  	s3 =	rddreg [dreg:$0x2];
	[bflag:$0x3] =	sbarrier.arrive $0xFFFF;
	s2 =	simm.s32 @!p0 $0x1C03  }
0x109: {  	[timem:s3], [sflag:s2] =	dma.local @!p0 [hbm:s0], s1  }
0x10a: {  	s0 =	simm.s32 @!p0 $0x3  }
0x10b: {  	_ =	swait.ge @!p0 [sflag:s0], s1  }
0x10c: {  	s1 =	ssub.s32 @!p0 $0x0, s1;
	[sflag:s0] =	ssyncset.done @!p0 $0x0  }
0x10d: {  	[sflag:s0] =	ssyncadd.s32 @!p0 s1  }
0x10e: {  	[bflag:$0x3] =	sbarrier.arrive $0xFFFF  }
0x10f: {  	_ =	shalt  }

// kernel: kernel.17.cloned.1.call-start
scs
__scs_entry_jumppad:
0x0: {  	(pc) =	sbr.rel $0x88, $3  }
0x1: {  	(tag) =	ssettag $0x0;
	lr =	simm.s32 $0x1  }
0x2: {  	[smem:$0x3F8E] =	sst lr;
	_ =	strace $0xD0000000  }
0x3: {  	_ = 	snop  }
0x4: {  	_ = 	snop  }
0x5: {  	_ = 	snop  }
0x6: {  	_ = 	snop  }
0x7: {  	_ = 	snop  }
__scs_overlays_trampoline_lowered:
0x8: {  	[smem:$0x3F9D] =	sst s0  }
0x9: {  	[smem:$0x3F9E] =	sst s1  }
0xa: {  	[smem:$0x3F9F] =	sst s2  }
0xb: {  	[smem:$0x3FA0] =	sst s3  }
0xc: {  	[smem:$0x3FA1] =	sst s4  }
0xd: {  	[smem:$0x3FA2] =	sst s5  }
0xe: {  	[smem:$0x3FA3] =	sst s6  }
0xf: {  	[smem:$0x3FA4] =	sst s7  }
0x10: {  	[smem:$0x3FA5] =	sst s8  }
0x11: {  	[smem:$0x3FA6] =	sst s9;
	s0 =	simm.s32 @!p0 $0x0  }
0x12: {  	s1 =	sld [smem:$0x3F8C];
	s0 =	simm.s32 @p0 $0x1  }
0x13: {  	[smem:$0x3FA7] =	sst s0;
	s0 =	simm.s32 @!p1 $0x0  }
0x14: {  	s2 =	sld [smem:$0x3F8B];
	s0 =	simm.s32 @p1 $0x1  }
0x15: {  	[smem:$0x3FA8] =	sst s0;
	s0 =	simm.s32 @!p2 $0x0  }
0x16: {  	s3 =	sld [smem:$0x3FDB];
	s0 =	simm.s32 @p2 $0x1  }
0x17: {  	s4 =	simm.s32 $0x1BF5;
	[smem:$0x3FAA] =	sst s0  }
0x18: {  	s0 =	sld [smem:$0x3F8D];
	_ =	swait.ge [sflag:s4], $0x0  }
0x19: {  	s7 =	sld [smem:$0x3F8E]  }
0x1a: {  	s8 =	sadd.s32 $0xFFFFE003, lr  }
0x1b: {  	s9 =	sadd.s32 $0xFFFFFEF7, lr;
	s5 =	simm.s32 $0xFFFFFFFF;
	p2 =	slt.u32 s8, $0xFFFFF086  }
0x1c: {  	p1 =	slt.u32 s9, $0xF7A;
	s5 =	simm.s32 @!p2 $0x0  }
0x1d: {  	s5 =	simm.s32 @p1 $0x1;
	p0 =	seq.s32 s7, s2  }
0x1e: {  	s7 =	smul.u32 @!p0 $0xF7A, s2;
	p2 =	seq.s32 @!p0 s5, $0x0  }
0x1f: {  	s9 =	smul.u32 $0xF7A, s1;
	s8 =	simm.s32 @!p0 $0x1BF5;
	p2 =	por !p2, p0  }
0x20: {  	[sflag:s8] =	ssyncset.s32 @!p0 $0xFFFFF086;
	s6 =	sadd.s32 @!p0 s3, s7;
	s7 =	simm.s32 @!p0 $0x108  }
0x21: {  	s3 =	sadd.s32 s3, s9;
	s6 =	sadd.s32 @!p0 $0x88, s6;
	s7 =	simm.s32 @p2 $0x1082  }
0x22: {  	[simem:s7], [sflag:s8] =	dma.local @!p0 [hbm:s6], $0xF7A  }
0x23: {  	s9 =	sor.u32 $0xD0000000, s2;
	s6 =	simm.s32 $0x108;
	_ =	swait.ge @!p0 [sflag:s8], $0x0  }
0x24: {  	s3 =	sadd.s32 $0x88, s3;
	s6 =	simm.s32 @!p1 $0x1082;
	[sflag:s4] =	ssyncset.s32 $0xFFFFF086  }
0x25: {  	[simem:s6], [sflag:s4] =	dma.local [hbm:s3], $0xF7A  }
0x26: {  	[smem:$0x3F8E] =	sst s1;
	(tag) =	ssettag s2;
	_ =	strace s9  }
0x27: {  	s1 =	sld [smem:$0x3F9E]  }
0x28: {  	s2 =	sld [smem:$0x3F9F]  }
0x29: {  	s4 =	sld [smem:$0x3FA1]  }
0x2a: {  	p0 =	seq.s32 s5, $0x0;
	s5 =	sld [smem:$0x3FA2]  }
0x2b: {  	s6 =	sld [smem:$0x3FA3]  }
0x2c: {  	s7 =	sld [smem:$0x3FA4]  }
0x2d: {  	s3 =	simm.s32 $0x108;
	s8 =	sld [smem:$0x3FA5]  }
0x2e: {  	s3 =	simm.s32 @!p0 $0x1082;
	s9 =	sld [smem:$0x3FA6]  }
0x2f: {  	lr =	sadd.s32 s0, s3;
	s0 =	sld [smem:$0x3F9D]  }
0x30: {  	s3 =	sld [smem:$0x3FA0]  }
0x31: {  	[smem:$0x3FA9] =	sst s10  }
0x32: {  	s10 =	sld [smem:$0x3FA7];
	_ =	sdelay $0x3  }
0x33: {  	p0 =	seq.s32 s10, $0x1;
	s10 =	sld [smem:$0x3FA9];
	_ =	sdelay $0x3  }
0x34: {  	[smem:$0x3FA9] =	sst s10  }
0x35: {  	s10 =	sld [smem:$0x3FA8];
	_ =	sdelay $0x3  }
0x36: {  	p1 =	seq.s32 s10, $0x1;
	s10 =	sld [smem:$0x3FA9];
	_ =	sdelay $0x3  }
0x37: {  	[smem:$0x3FA9] =	sst s10  }
0x38: {  	s10 =	sld [smem:$0x3FAA]  }
0x39: {  	_ = 	snop;
	(pc) =	sbr.ind lr, $3  }
0x3a: {  	_ = 	snop  }
0x3b: {  	_ = 	snop  }
0x3c: {  	p2 =	seq.s32 s10, $0x1;
	s10 =	sld [smem:$0x3FA9]  }
0x3d: {  	_ =	shalt  }
0x3e: {  	_ =	shalt  }
0x3f: {  	_ =	shalt  }
0x40: {  	_ =	shalt  }
0x41: {  	_ =	shalt  }
0x42: {  	_ =	shalt  }
0x43: {  	_ =	shalt  }
0x44: {  	_ =	shalt  }
0x45: {  	_ =	shalt  }
0x46: {  	_ =	shalt  }
0x47: {  	_ =	shalt  }
0x48: {  	_ =	shalt  }
0x49: {  	_ =	shalt  }
0x4a: {  	_ =	shalt  }
0x4b: {  	_ =	shalt  }
0x4c: {  	_ =	shalt  }
0x4d: {  	_ =	shalt  }
0x4e: {  	_ =	shalt  }
0x4f: {  	_ =	shalt  }
0x50: {  	_ =	shalt  }
0x51: {  	_ =	shalt  }
0x52: {  	_ =	shalt  }
0x53: {  	_ =	shalt  }
0x54: {  	_ =	shalt  }
0x55: {  	_ =	shalt  }
0x56: {  	_ =	shalt  }
0x57: {  	_ =	shalt  }
0x58: {  	_ =	shalt  }
0x59: {  	_ =	shalt  }
0x5a: {  	_ =	shalt  }
0x5b: {  	_ =	shalt  }
0x5c: {  	_ =	shalt  }
0x5d: {  	_ =	shalt  }
0x5e: {  	_ =	shalt  }
0x5f: {  	_ =	shalt  }
0x60: {  	_ =	shalt  }
0x61: {  	_ =	shalt  }
0x62: {  	_ =	shalt  }
0x63: {  	_ =	shalt  }
0x64: {  	_ =	shalt  }
0x65: {  	_ =	shalt  }
0x66: {  	_ =	shalt  }
0x67: {  	_ =	shalt  }
0x68: {  	_ =	shalt  }
0x69: {  	_ =	shalt  }
0x6a: {  	_ =	shalt  }
0x6b: {  	_ =	shalt  }
0x6c: {  	_ =	shalt  }
0x6d: {  	_ =	shalt  }
0x6e: {  	_ =	shalt  }
0x6f: {  	_ =	shalt  }
0x70: {  	_ =	shalt  }
0x71: {  	_ =	shalt  }
0x72: {  	_ =	shalt  }
0x73: {  	_ =	shalt  }
0x74: {  	_ =	shalt  }
0x75: {  	_ =	shalt  }
0x76: {  	_ =	shalt  }
0x77: {  	_ =	shalt  }
0x78: {  	_ =	shalt  }
0x79: {  	_ =	shalt  }
0x7a: {  	_ =	shalt  }
0x7b: {  	_ =	shalt  }
0x7c: {  	_ =	shalt  }
0x7d: {  	_ =	shalt  }
0x7e: {  	_ =	shalt  }
0x7f: {  	_ =	shalt  }
0x80: {  	_ =	shalt  }
0x81: {  	_ =	shalt  }
0x82: {  	_ =	shalt  }
0x83: {  	_ =	shalt  }
0x84: {  	_ =	shalt  }
0x85: {  	_ =	shalt  }
0x86: {  	_ =	shalt  }
0x87: {  	_ =	shalt  }
.Lfunc_end0:
.L_simem_size_0:
called_computation.2_lowered:
.L_overlay_start_0:
0x88: {  	s2 =	sld [smem:$0x3FD9]  }
0x89: {  	s3 =	sld [smem:$0x3FFE];
	_ =	sdelay $0x1  }
0x8a: {  	s1 =	srdreg.scid  }
0x8b: {  	s0 =	sand.u32 $0x1, s1  }
0x8c: {  	s14 =	sshll.u32 s0, $0xA;
	s2 =	sadd.s32 s3, s2  }
0x8d: {  	s2 =	sadd.s32 s2, s14  }
0x8e: {  	[smem:$0x3FB5] =	sst s2  }
0x8f: {  	_ = 	snop  }
0x90: {  	s2 =	sld [smem:$0x3FD0];
	_ =	sdelay $0x2  }
0x91: {  	s15 =	simm.s32 $0xB;
	s4 =	simm.s32 $0x10  }
0x92: {  	[smem:s4], [sflag:s15] =	dma.local [hbm:s2], $0x1  }
0x93: {  	_ =	swait.eq [sflag:s15], $0x1  }
0x94: {  	[sflag:s15] =	ssyncset.done $0x0  }
0x95: {  	[sflag:s15] =	ssyncadd.s32 $0xFFFFFFFF  }
0x96: {  	s16 =	sld [smem:$0x11];
	(tm) =	ssettm $0x1  }
0x97: {  	s17 =	sld [smem:$0x3FFB];
	_ =	sdelay $0x3  }
0x98: {  	_ =	strace s17  }
0x99: {  	s3 =	sld [smem:$0x3FFC];
	_ =	sdelay $0x3  }
0x9a: {  	_ =	strace s3  }
0x9b: {  	s3 =	sld [smem:$0x3FFD];
	_ =	sdelay $0x3  }
0x9c: {  	_ =	strace s3  }
0x9d: {  	_ =	strace $0x8FFFFFFF  }
0x9e: {  	s18 =	sld [smem:$0x3FDB];
	_ =	sdelay $0x1  }
0x9f: {  	s19 =	simm.s32 $_scs_section_size  }
0xa0: {  	s5 =	simm.s32 $_size__tile_overlayer_lowered;
	s6 =	simm.s32 $_tile_overlayer_lowered  }
0xa1: {  	s22 =	simm.s32 $0x1BFF;
	s21 =	sshll.u32 s6, $0x1;
	s3 =	sadd.s32 s19, s18  }
0xa2: {  	s7 =	simm.s32 $0x0;
	s20 =	sshll.u32 s5, $0x1;
	s5 =	sadd.s32 s21, s3  }
0xa3: {  	[timem:s7], [sflag:s22] =	dma.local [hbm:s5], s20  }
0xa4: {  	_ =	swait.ge [sflag:s22], s20  }
0xa5: {  	s4 =	ssub.s32 $0x0, s20;
	[sflag:s22] =	ssyncset.done $0x0  }
0xa6: {  	[sflag:s22] =	ssyncadd.s32 s4;
	_ =	sdelay $0x1  }
0xa7: {  	s23 =	simm.s32 $0x1B8B  }
0xa8: {  	_ =	swait.ge [sflag:s23], $0x1  }
0xa9: {  	[sflag:s23] =	ssyncset.done $0x0  }
0xaa: {  	s25 =	simm.s32 $0x1B8E;
	s24 =	sld [smem:$0x3FFE];
	[sflag:s23] =	ssyncadd.s32 $0xFFFFFFFF  }
0xab: {  	s26 =	simm.s32 $execute0_lowered;
	[smem:$0x3FD2] =	sst s25  }
0xac: {  	s5 =	sshll.u32 s26, $0x1;
	_ =	strace $0x80000049;
	[dreg:$0x1] =	wrdreg $0xFFFFFFFF  }
0xad: {  	s28 =	simm.s32 $_size_execute0_lowered;
	s3 =	sadd.s32 s3, s5;
	[dreg:$0x0] =	wrdreg $0x0  }
0xae: {  	s5 =	sshll.u32 s28, $0x1;
	[dreg:$0x2] =	wrdreg s3  }
0xaf: {  	[dreg:$0x3] =	wrdreg s5  }
0xb0: {  	[dreg:$0x4] =	wrdreg $0xC0  }
0xb1: {  	_ =	task [dreg:s7], $0x5FFFF  }
0xb2: {  	[dreg:$0x1] =	wrdreg $0xFFFFFFFF  }
0xb3: {  	[dreg:$0x0] =	wrdreg $0x60  }
0xb4: {  	[dreg:$0x2] =	wrdreg s24  }
0xb5: {  	[dreg:$0x3] =	wrdreg s16  }
0xb6: {  	[dreg:$0x4] =	wrdreg $0x0  }
0xb7: {  	[dreg:$0x5] =	wrdreg $0xA  }
0xb8: {  	_ =	task.clear_ibuf [dreg:s7], $0x6FFFF;
	_ =	strace $0x90000049  }
0xb9: {  	s29 =	simm.s32 $0xA;
	_ =	strace $0x8000004B  }
0xba: {  	_ =	swait.ge [sflag:s29], $0x1  }
0xbb: {  	[sflag:s29] =	ssyncadd.s32 $0xFFFFFFFF  }
0xbc: {  	_ =	strace $0x9000004B  }
0xbd: {  	_ =	sfence  }
0xbe: {  	s30 =	sld [smem:$0x0];
	_ =	sdelay $0x2  }
0xbf: {  	s31 =	sshll.u32 s1, $0xD;
	s1 =	sshrl.u32 s1, $0x2  }
0xc0: {  	s3 =	sand.u32 $0x4000, s31;
	s1 =	sadd.s32 s1, s30  }
0xc1: {  	s0 =	sor.u32 s3, s0;
	s1 =	sshll.u32 s1, $0x11  }
0xc2: {  	s0 =	sor.u32 s1, s0  }
0xc3: {  	s0 =	sadd.s32 $0x8F2B, s0  }
0xc4: {  	[sflag:s0] =	ssyncadd.remote.s32 $0x1  }
0xc5: {  	_ =	sfence.sel $0xFFFF  }
0xc6: {  	[dreg:$0x0] =	wrdreg $0xFFFFFFFF;
	(pc) =	sbr.abs _section_cstart, $3  }
0xc7: {  	[dreg:$0x1] =	wrdreg $0xFFFFFFFF  }
0xc8: {  	_ =	task.clear_ibuf [dreg:s7], $0x2FFFF;
	_ =	strace $0x9FFFFFFF  }
0xc9: {  	(tm) =	ssettm $0x7FFFFFFF  }
tec
execute0_lowered:
.L_overlay_start_1:
0x0: {  	(tag) =	ssettag $0x1  }
0x1: {  	s1 =	rddreg [dreg:$0x0]  }
0x2: {  	s0 =	rddreg [dreg:$0x1]  }
0x3: {  	s2 =	rddreg [dreg:$0x2];
	s3 =	srdreg.scid;
	s5 =	simm.s32 $0x0  }
0x4: {  	s19 =	stileid.u32;
	s28 =	simm.s32 $0x17900;
	s29 =	simm.s32 $0x2  }
0x5: {  	s30 =	simm.s32 $0x17C80;
	s4 =	sand.u32 $0x1, s3;
	[smem:$0x7FF] =	sst s5  }
0x6: {  	s9 =	smul.u32 $0x2800, s19;
	s5 =	sadd.s32 $0x28EA00, s1;
	s6 =	sadd.s32 $0x1DA00, s1  }
0x7: {  	s7 =	sadd.s32 $0x3C7200, s1;
	s15 =	sshrl.u32 s19, $0x3;
	s25 =	smul.u32 $0xA000, s19  }
0x8: {  	s22 =	ssub.s32 $0x8C, s19;
	s23 =	sshll.u32 s19, $0x7;
	s8 =	smul.u32 $0x138800, s4  }
0x9: {  	_ =	strace $0x8000004A;
	s20 =	ssub.s32 $0x2, s4;
	s14 =	smul.u32 $0x27800, s4  }
0xa: {  	s4 =	sshll.u32 s4, $0x4;
	s21 =	smul.u32 $0x13C00, s15;
	s15 =	sand.u32 $0x380, s23  }
0xb: {  	s23 =	simm.s32 $0x17A80;
	s13 =	sshrl.u32 s20, $0x1;
	s4 =	sor.u32 s19, s4  }
0xc: {  	s31 =	sshrl.u32 s25, $0x2;
	s19 =	simm.s32 $0x3;
	s25 =	simm.s32 $0x80  }
0xd: {  	s10 =	sadd.s32 s9, s8;
	s8 =	sadd.s32 $0x13C00, s1;
	s9 =	sadd.s32 $0x9E00, s1  }
0xe: {  	s16 =	ssub.s32 s20, s13;
	s4 =	smul.u32 $0x9C4, s4;
	s14 =	sadd.s32 s14, s21  }
0xf: {  	s20 =	simm.s32 $0x13880;
	s21 =	simm.s32 $0x17980;
	s11 =	sshrl.u32 s10, $0x3  }
0x10: {  	s10 =	sadd.s32 $0x20200, s1;
	s24 =	sor.u32 s15, s14;
	s15 =	smax.u32 s16, $0x1  }
0x11: {  	s16 =	sadd.s32 s31, s2;
	s12 =	sadd.s32 s11, s1;
	s11 =	sshrl.u32 s22, $0x4  }
0x12: {  	s26 =	sshrl.u32 s4, $0x5;
	s4 =	sadd.s32 $0x9C4, s4;
	s14 =	sshrl.u32 s24, $0x3  }
0x13: {  	s22 =	simm.s32 $0x17A00;
	s24 =	simm.s32 $0x1;
	s13 =	sshrl.u32 s4, $0x5  }
0x14: {  	s14 =	sadd.s32 s0, s14;
	s17 =	sadd.s32 $0x20400, s12;
	[dreg:$0x4] =	wrdreg s26  }
0x15: {  	v0 =	vimm.f32 $0.0e+00;
	s0 =	simm.s32 $0x0;
	p0 =	sge.u32 s26, s13;
	s26 =	simm.s32 $0x17880  }
.LBB2_1:
0x16: {  	s3 =	simm.s32 $0x0;
	s4 =	simm.s32 $0x17C00  }
0x17: {  	[tilespmem:s4], [sflag:$0x3] =	stream.linear.gather [hbm4b:s10+s3], $0x80, $0x38;
	[tilespmem:$0x1A400] =	vst v63  }
0x18: {  	_ =	swait.ge [sflag:s19], $0x80  }
0x19: {  	[sflag:s19] =	ssyncset.done $0x0  }
0x1a: {  	s12 =	simm.s32 $0x200;
	s4 =	simm.s32 $0x0;
	[sflag:s19] =	ssyncadd.s32 $0xFFFFFF80  }
.LBB2_2:
0x1b: {  	p1 =	sne.s32 s12, $0xFE00;
	[tilespmem:s4+$0x138F0] =	vst v0  }
0x1c: {  	[tilespmem:s4+$0x13880] =	vst v0  }
0x1d: {  	[tilespmem:s4+$0x13890] =	vst v0  }
.Ltmp0:
0x1e: {  	[tilespmem:s4+$0x138A0] =	vst v0;
	(pc) =	sbr.rel @p1 .LBB2_2-.Ltmp0, $4  }
0x1f: {  	[tilespmem:s4+$0x138B0] =	vst v0  }
0x20: {  	[tilespmem:s4+$0x138C0] =	vst v0  }
0x21: {  	[tilespmem:s4+$0x138D0] =	vst v0  }
0x22: {  	[tilespmem:s4+$0x138E0] =	vst v0;
	s4 =	sshra.s32 s12, $0x2;
	s12 =	sadd.s32 $0x200, s12  }
0x23: {  	[tilespmem:s4+$0x138F0] =	vst v0  }
0x24: {  	[tilespmem:s4+$0x13880] =	vst v0  }
0x25: {  	[tilespmem:s4+$0x13890] =	vst v0  }
0x26: {  	[tilespmem:s4+$0x138A0] =	vst v0  }
0x27: {  	[tilespmem:s4+$0x138B0] =	vst v0  }
0x28: {  	[tilespmem:s4+$0x138C0] =	vst v0  }
0x29: {  	[tilespmem:s4+$0x138D0] =	vst v0  }
0x2a: {  	[tilespmem:s4+$0x138E0] =	vst v0;
	s4 =	simm.s32 $0x40;
	s12 =	simm.s32 $0x0  }
.LBB2_4:
0x2b: {  	p1 =	sne.s32 s4, $0x9C00;
	[tilespmem:s12+$0x17C80] =	vst v0;
	s12 =	smov.u32 s4;
	s4 =	sadd.s32 $0x40, s4  }
.Ltmp1:
0x2c: {  	(pc) =	sbr.rel @p1 .LBB2_4-.Ltmp1, $2  }
0x2d: {  	_ =	sdelay $0x2  }
0x2e: {  	s12 =	sshra.s32 s12, $0x2  }
0x2f: {  	p1 =	sne.s32 s11, $0x1  }
.Ltmp2:
0x30: {  	_ = 	snop;
	(pc) =	sbr.rel @!p1 .LBB2_7-.Ltmp2, $4  }
0x31: {  	[tilespmem:s12+$0x17C80] =	vst v0  }
0x32: {  	[spmem:s16] =	stream.linear.scatter [tilespmem:s20], [sflag:$0x3], $0x2800, $0x38;
	[tilespmem:$0x1A400] =	vst v63  }
0x33: {  	_ =	swait.ge [sflag:s19], $0x2800  }
0x34: {  	s4 =	sadd.s32 $0xFFFFFFFF, s11;
	s12 =	smov.u32 s16;
	[sflag:s19] =	ssyncset.done $0x0  }
.LBB2_6:
0x35: {  	p2 =	sne.s32 s4, $0x1;
	[sflag:s19] =	ssyncadd.s32 $0xFFFFD800;
	s12 =	sadd.s32 $0x28000, s12  }
.Ltmp3:
0x36: {  	s4 =	sadd.s32 $0xFFFFFFFF, s4;
	(pc) =	sbr.rel @p2 .LBB2_6-.Ltmp3, $4  }
0x37: {  	_ = 	snop  }
0x38: {  	[spmem:s12] =	stream.linear.scatter [tilespmem:s20], [sflag:$0x3], $0x2800, $0x38;
	[tilespmem:$0x1A400] =	vst v63  }
0x39: {  	_ =	swait.ge [sflag:s19], $0x2800  }
0x3a: {  	[sflag:s19] =	ssyncset.done $0x0  }
.LBB2_7:
.Ltmp4:
0x3b: {  	(pc) =	sbr.rel @p0 .LBB2_12-.Ltmp4, $3  }
0x3c: {  	_ = 	snop  }
0x3d: {  	[sflag:s19] =	ssyncadd.s32 $0xFFFFD800  }
0x3e: {  	[bflag:$0x0] =	sbarrier.arrive $0xFFFF;
	_ =	sdelay $0x1  }
0x3f: {  	v1 =	vld [tilespmem:$0x17C00];
	s12 =	rddreg [dreg:$0x4]  }
.LBB2_9:
0x40: {  	s4 =	sshll.u32 s12, $0x4  }
0x41: {  	s31 =	simm.s32 $0x0;
	s18 =	sadd.s32 s8, s4  }
0x42: {  	[tilespmem:s21], [sflag:$0x1] =	stream.linear.gather [hbm4b:s18+s31], $0x80, $0x38;
	[tilespmem:$0x1A400] =	vst v63  }
0x43: {  	s3 =	sadd.s32 s9, s4  }
0x44: {  	[tilespmem:s22], [sflag:$0x1] =	stream.linear.gather [hbm4b:s3+s31], $0x80, $0x38;
	[tilespmem:$0x1A400] =	vst v63  }
0x45: {  	s4 =	sadd.s32 s1, s4  }
0x46: {  	[tilespmem:s23], [sflag:$0x1] =	stream.linear.gather [hbm4b:s4+s31], $0x80, $0x38;
	[tilespmem:$0x1A400] =	vst v63  }
0x47: {  	_ =	swait.ge [sflag:s24], $0x80  }
0x48: {  	[sflag:s24] =	ssyncset.done $0x0  }
0x49: {  	[sflag:s24] =	ssyncadd.s32 $0xFFFFFF80  }
0x4a: {  	_ =	swait.ge [sflag:s24], $0x80  }
0x4b: {  	[sflag:s24] =	ssyncset.done $0x0  }
0x4c: {  	[sflag:s24] =	ssyncadd.s32 $0xFFFFFF80  }
0x4d: {  	_ =	swait.ge [sflag:s24], $0x80  }
0x4e: {  	[sflag:s24] =	ssyncset.done $0x0  }
0x4f: {  	[sflag:s24] =	ssyncadd.s32 $0xFFFFFF80  }
0x50: {  	[tilespmem:s20], [sflag:$0x2] =	stream.indirect.gather [hbm4b:s5+s25], $0x80, s21, s25, $0xb8;
	[tilespmem:$0x1A400] =	vst v63  }
0x51: {  	_ = 	snop  }
0x52: {  	[tilespmem:s26], [sflag:$0x2] =	stream.indirect.gather [hbm4b:s6+s25], $0x1, s22, s25, $0xb8;
	[tilespmem:$0x1A400] =	vst v63  }
0x53: {  	_ = 	snop  }
0x54: {  	[tilespmem:s28], [sflag:$0x2] =	stream.indirect.gather [hbm4b:s7+s25], $0x1, s21, s25, $0xb8;
	[tilespmem:$0x1A400] =	vst v63  }
0x55: {  	_ =	swait.ge [sflag:s29], $0x4000  }
0x56: {  	[sflag:s29] =	ssyncset.done $0x0  }
0x57: {  	[sflag:s29] =	ssyncadd.s32 $0xFFFFC000  }
0x58: {  	_ =	swait.ge [sflag:s29], $0x80  }
0x59: {  	[sflag:s29] =	ssyncset.done $0x0  }
0x5a: {  	[sflag:s29] =	ssyncadd.s32 $0xFFFFFF80  }
0x5b: {  	_ =	swait.ge [sflag:s29], $0x80  }
0x5c: {  	[sflag:s29] =	ssyncset.done $0x0  }
0x5d: {  	[sflag:s29] =	ssyncadd.s32 $0xFFFFFF80  }
0x5e: {  	v2 =	vld [tilespmem:$0x17880]  }
0x5f: {  	v3 =	vld [tilespmem:$0x17900];
	_ =	sdelay $0x4  }
0x60: {  	v2 =	vadd.f32 v3, v2;
	_ =	sdelay $0x1  }
0x61: {  	v3 =	vmul.f32 $2.000000030e-01, v2  }
0x62: {  	vm0 =	vgt.f32 v2, $0.0e+00  }
0x63: {  	v2 =	vsel vm0, v2, v3  }
0x64: {  	v2 =	vsub.f32 v2, v1;
	_ =	sdelay $0x1  }
0x65: {  	v2 =	vmul.f32 $1.442695020e+00, v2;
	_ =	sdelay $0x1  }
0x66: {  	(erf) = vpow2.f32 v2;
	_ =	sdelay $0x2  }
0x67: {  	v2 =	vld [tilespmem:$0x17A80];
	_ =	sdelay $0x5  }
0x68: {  	v3 =	vpop (erf)  }
0x69: {  	[tilespmem:$0x17B00] =	vst v3  }
0x6a: {  	[tilespmem:v2+s30+$0x0] =	vst.idx.add.f32.msk $0xffff, v3  }
0x6b: {  	v2 =	vld [tilespmem:$0x17890]  }
0x6c: {  	v3 =	vld [tilespmem:$0x17910];
	_ =	sdelay $0x4  }
0x6d: {  	v2 =	vadd.f32 v3, v2;
	_ =	sdelay $0x1  }
0x6e: {  	v3 =	vmul.f32 $2.000000030e-01, v2  }
0x6f: {  	vm9 =	vgt.f32 v2, $0.0e+00  }
0x70: {  	v2 =	vsel vm9, v2, v3  }
0x71: {  	v2 =	vsub.f32 v2, v1;
	_ =	sdelay $0x1  }
0x72: {  	v2 =	vmul.f32 $1.442695020e+00, v2;
	_ =	sdelay $0x1  }
0x73: {  	(erf) = vpow2.f32 v2;
	_ =	sdelay $0x2  }
0x74: {  	v2 =	vld [tilespmem:$0x17A90];
	_ =	sdelay $0x5  }
0x75: {  	v3 =	vpop (erf)  }
0x76: {  	[tilespmem:$0x17B10] =	vst v3  }
0x77: {  	[tilespmem:v2+s30+$0x0] =	vst.idx.add.f32.msk $0xffff, v3  }
0x78: {  	v2 =	vld [tilespmem:$0x178A0]  }
0x79: {  	v3 =	vld [tilespmem:$0x17920];
	_ =	sdelay $0x4  }
0x7a: {  	v2 =	vadd.f32 v3, v2;
	_ =	sdelay $0x1  }
0x7b: {  	v3 =	vmul.f32 $2.000000030e-01, v2  }
0x7c: {  	vm10 =	vgt.f32 v2, $0.0e+00  }
0x7d: {  	v2 =	vsel vm10, v2, v3  }
0x7e: {  	v2 =	vsub.f32 v2, v1;
	_ =	sdelay $0x1  }
0x7f: {  	v2 =	vmul.f32 $1.442695020e+00, v2;
	_ =	sdelay $0x1  }
0x80: {  	(erf) = vpow2.f32 v2;
	_ =	sdelay $0x2  }
0x81: {  	v2 =	vld [tilespmem:$0x17AA0];
	_ =	sdelay $0x5  }
0x82: {  	v3 =	vpop (erf)  }
0x83: {  	[tilespmem:$0x17B20] =	vst v3  }
0x84: {  	[tilespmem:v2+s30+$0x0] =	vst.idx.add.f32.msk $0xffff, v3  }
0x85: {  	v2 =	vld [tilespmem:$0x178B0]  }
0x86: {  	v3 =	vld [tilespmem:$0x17930];
	_ =	sdelay $0x4  }
0x87: {  	v2 =	vadd.f32 v3, v2;
	_ =	sdelay $0x1  }
0x88: {  	v3 =	vmul.f32 $2.000000030e-01, v2  }
0x89: {  	vm11 =	vgt.f32 v2, $0.0e+00  }
0x8a: {  	v2 =	vsel vm11, v2, v3  }
0x8b: {  	v2 =	vsub.f32 v2, v1;
	_ =	sdelay $0x1  }
0x8c: {  	v2 =	vmul.f32 $1.442695020e+00, v2;
	_ =	sdelay $0x1  }
0x8d: {  	(erf) = vpow2.f32 v2;
	_ =	sdelay $0x2  }
0x8e: {  	v2 =	vld [tilespmem:$0x17AB0];
	_ =	sdelay $0x5  }
0x8f: {  	v3 =	vpop (erf)  }
0x90: {  	[tilespmem:$0x17B30] =	vst v3  }
0x91: {  	[tilespmem:v2+s30+$0x0] =	vst.idx.add.f32.msk $0xffff, v3  }
0x92: {  	v2 =	vld [tilespmem:$0x178C0]  }
0x93: {  	v3 =	vld [tilespmem:$0x17940];
	_ =	sdelay $0x4  }
0x94: {  	v2 =	vadd.f32 v3, v2;
	_ =	sdelay $0x1  }
0x95: {  	v3 =	vmul.f32 $2.000000030e-01, v2  }
0x96: {  	vm12 =	vgt.f32 v2, $0.0e+00  }
0x97: {  	v2 =	vsel vm12, v2, v3  }
0x98: {  	v2 =	vsub.f32 v2, v1;
	_ =	sdelay $0x1  }
0x99: {  	v2 =	vmul.f32 $1.442695020e+00, v2;
	_ =	sdelay $0x1  }
0x9a: {  	(erf) = vpow2.f32 v2;
	_ =	sdelay $0x2  }
0x9b: {  	v2 =	vld [tilespmem:$0x17AC0];
	_ =	sdelay $0x5  }
0x9c: {  	v3 =	vpop (erf)  }
0x9d: {  	[tilespmem:$0x17B40] =	vst v3  }
0x9e: {  	[tilespmem:v2+s30+$0x0] =	vst.idx.add.f32.msk $0xffff, v3  }
0x9f: {  	v2 =	vld [tilespmem:$0x178D0]  }
0xa0: {  	v3 =	vld [tilespmem:$0x17950];
	_ =	sdelay $0x4  }
0xa1: {  	v2 =	vadd.f32 v3, v2;
	_ =	sdelay $0x1  }
0xa2: {  	v3 =	vmul.f32 $2.000000030e-01, v2  }
0xa3: {  	vm13 =	vgt.f32 v2, $0.0e+00  }
0xa4: {  	v2 =	vsel vm13, v2, v3  }
0xa5: {  	v2 =	vsub.f32 v2, v1;
	_ =	sdelay $0x1  }
0xa6: {  	v2 =	vmul.f32 $1.442695020e+00, v2;
	_ =	sdelay $0x1  }
0xa7: {  	(erf) = vpow2.f32 v2;
	_ =	sdelay $0x2  }
0xa8: {  	v2 =	vld [tilespmem:$0x17AD0];
	_ =	sdelay $0x5  }
0xa9: {  	v3 =	vpop (erf)  }
0xaa: {  	[tilespmem:$0x17B50] =	vst v3  }
0xab: {  	[tilespmem:v2+s30+$0x0] =	vst.idx.add.f32.msk $0xffff, v3  }
0xac: {  	v2 =	vld [tilespmem:$0x178E0]  }
0xad: {  	v3 =	vld [tilespmem:$0x17960];
	_ =	sdelay $0x4  }
0xae: {  	v2 =	vadd.f32 v3, v2;
	_ =	sdelay $0x1  }
0xaf: {  	v3 =	vmul.f32 $2.000000030e-01, v2  }
0xb0: {  	vm14 =	vgt.f32 v2, $0.0e+00  }
0xb1: {  	v2 =	vsel vm14, v2, v3  }
0xb2: {  	v2 =	vsub.f32 v2, v1;
	_ =	sdelay $0x1  }
0xb3: {  	v2 =	vmul.f32 $1.442695020e+00, v2;
	_ =	sdelay $0x1  }
0xb4: {  	(erf) = vpow2.f32 v2;
	_ =	sdelay $0x2  }
0xb5: {  	v2 =	vld [tilespmem:$0x17AE0];
	_ =	sdelay $0x5  }
0xb6: {  	v3 =	vpop (erf)  }
0xb7: {  	[tilespmem:$0x17B60] =	vst v3  }
0xb8: {  	[tilespmem:v2+s30+$0x0] =	vst.idx.add.f32.msk $0xffff, v3  }
0xb9: {  	v2 =	vld [tilespmem:$0x178F0]  }
0xba: {  	v3 =	vld [tilespmem:$0x17970];
	_ =	sdelay $0x4  }
0xbb: {  	v2 =	vadd.f32 v3, v2;
	_ =	sdelay $0x1  }
0xbc: {  	v3 =	vmul.f32 $2.000000030e-01, v2  }
0xbd: {  	vm15 =	vgt.f32 v2, $0.0e+00  }
0xbe: {  	v2 =	vsel vm15, v2, v3  }
0xbf: {  	v2 =	vsub.f32 v2, v1;
	_ =	sdelay $0x1  }
0xc0: {  	v2 =	vmul.f32 $1.442695020e+00, v2;
	_ =	sdelay $0x1  }
0xc1: {  	(erf) = vpow2.f32 v2;
	_ =	sdelay $0x2  }
0xc2: {  	v2 =	vld [tilespmem:$0x17AF0];
	_ =	sdelay $0x5  }
0xc3: {  	v3 =	vpop (erf)  }
0xc4: {  	[tilespmem:$0x17B70] =	vst v3  }
0xc5: {  	s18 =	simm.s32 $0x138C0;
	[tilespmem:v2+s30+$0x0] =	vst.idx.add.f32.msk $0xffff, v3  }
0xc6: {  	v6 =	vld [tilespmem:s18+$0x30]  }
0xc7: {  	v9 =	vld [tilespmem:s18+$0x10]  }
0xc8: {  	s3 =	simm.s32 $0x0;
	v7 =	vld [tilespmem:s18+$0xFFFFFFC0]  }
0xc9: {  	v3 =	vld.msk [tilespmem:s3+$0x17B00 ss:$0x0], $0xffff  }
0xca: {  	v11 =	vld [tilespmem:s18+$0xFFFFFFE0]  }
0xcb: {  	v2 =	vld [tilespmem:s18+$0xFFFFFFF0]  }
0xcc: {  	v4 =	vld [tilespmem:s18+$0x20]  }
0xcd: {  	v5 =	vld [tilespmem:s18+$0xFFFFFFD0]  }
0xce: {  	v10 =	vmul.f32 v6, v3;
	v6 =	vld [tilespmem:s18+$0x0]  }
0xcf: {  	v8 =	vmul.f32 v3, v7  }
0xd0: {  	s31 =	simm.s32 $0x4;
	s4 =	simm.s32 $0x138C0;
	v7 =	vmul.f32 v11, v3;
	v9 =	vmul.f32 v9, v3  }
.LBB2_10:
0xd1: {  	p2 =	sne.s32 s31, $0x1FC  }
0xd2: {  	v5 =	vmul.f32 v5, v3;
	v4 =	vmul.f32 v4, v3;
	[tilespmem:s18+$0x30] =	vst v10;
	s4 =	sadd.s32 $0x80, s4;
	s3 =	smov.u32 s31;
	s31 =	sadd.s32 $0x4, s31  }
0xd3: {  	[tilespmem:s18+$0xFFFFFFC0] =	vst v8;
	v8 =	vmul.f32 v2, v3;
	v3 =	vmul.f32 v6, v3  }
0xd4: {  	[tilespmem:s18+$0x10] =	vst v9  }
0xd5: {  	[tilespmem:s18+$0xFFFFFFE0] =	vst v7  }
0xd6: {  	v2 =	vld [tilespmem:s4+$0xFFFFFFF0];
	[tilespmem:s18+$0xFFFFFFF0] =	vst v8  }
0xd7: {  	v7 =	vld [tilespmem:s4+$0x30];
	[tilespmem:s18+$0x0] =	vst v3  }
0xd8: {  	v9 =	vld [tilespmem:s4+$0x10];
	[tilespmem:s18+$0x20] =	vst v4  }
0xd9: {  	s3 =	sshra.s32 s3, $0x2;
	v8 =	vld [tilespmem:s4+$0xFFFFFFC0];
	[tilespmem:s18+$0xFFFFFFD0] =	vst v5;
	s18 =	smov.u32 s4  }
0xda: {  	v3 =	vld.msk [tilespmem:s3+$0x17B00 ss:$0x0], $0xffff  }
0xdb: {  	v11 =	vld [tilespmem:s4+$0xFFFFFFE0]  }
0xdc: {  	v4 =	vld [tilespmem:s4+$0x20]  }
.Ltmp5:
0xdd: {  	v5 =	vld [tilespmem:s4+$0xFFFFFFD0];
	(pc) =	sbr.rel @p2 .LBB2_10-.Ltmp5, $3  }
0xde: {  	v6 =	vld [tilespmem:s4+$0x0];
	_ =	sdelay $0x1  }
0xdf: {  	v8 =	vmul.f32 v3, v8;
	v10 =	vmul.f32 v7, v3  }
0xe0: {  	v9 =	vmul.f32 v9, v3;
	v7 =	vmul.f32 v11, v3  }
0xe1: {  	[tilespmem:s18+$0x30] =	vst v10  }
0xe2: {  	[tilespmem:s18+$0xFFFFFFC0] =	vst v8  }
0xe3: {  	v2 =	vmul.f32 v2, v3;
	[tilespmem:s18+$0x10] =	vst v9  }
0xe4: {  	v4 =	vmul.f32 v4, v3;
	[tilespmem:s18+$0xFFFFFFE0] =	vst v7  }
0xe5: {  	v6 =	vmul.f32 v6, v3;
	[tilespmem:s18+$0xFFFFFFF0] =	vst v2  }
0xe6: {  	s12 =	sadd.s32 $0x1, s12;
	v2 =	vmul.f32 v5, v3;
	[tilespmem:s18+$0x20] =	vst v4  }
0xe7: {  	p2 =	slt.u32 s12, s13;
	[tilespmem:s18+$0x0] =	vst v6  }
.Ltmp6:
0xe8: {  	[tilespmem:s18+$0xFFFFFFD0] =	vst v2;
	(pc) =	sbr.rel @p2 .LBB2_9-.Ltmp6, $4  }
0xe9: {  	[spmem:s2] =	stream.indirect.scatter.add.f32 [tilespmem:s20], [sflag:$0x3], $0x80, s23, s25, $0xb8;
	[tilespmem:$0x1A400] =	vst v63  }
0xea: {  	_ =	swait.ge [sflag:s19], $0x4000  }
0xeb: {  	[sflag:s19] =	ssyncset.done $0x0  }
0xec: {  	[sflag:s19] =	ssyncadd.s32 $0xFFFFC000  }
.LBB2_12:
.Ltmp7:
0xed: {  	s3 =	stileid.u32;
	(pc) =	sbr.rel @!p1 .LBB2_14-.Ltmp7, $4  }
0xee: {  	[bflag:$0x0] =	sbarrier.arrive $0xFFFF;
	s3 =	sshll.u32 s3, $0x6  }
0xef: {  	s18 =	sshrl.u32 s16, $0x3;
	s12 =	sadd.s32 $0xFFFFFFFF, s11;
	s4 =	sor.u32 $0x1C03, s3  }
0xf0: {  	[hbm:s17], [sflag:s4] =	dma.local [spmem:s18], $0x500  }
0xf1: {  	s31 =	smov.u32 s16;
	s18 =	sadd.s32 $0x5000, s17;
	_ =	swait.ge [sflag:s19], $0x500  }
.LBB2_13:
0xf2: {  	[sflag:s19] =	ssyncset.done $0x0;
	s31 =	sadd.s32 $0x28000, s31;
	p1 =	sne.s32 s12, $0x1  }
.Ltmp8:
0xf3: {  	s3 =	sshrl.u32 s31, $0x3;
	[sflag:s19] =	ssyncadd.s32 $0xFFFFFB00;
	(pc) =	sbr.rel @p1 .LBB2_13-.Ltmp8, $3  }
0xf4: {  	[hbm:s18], [sflag:s4] =	dma.local [spmem:s3], $0x500  }
0xf5: {  	s12 =	sadd.s32 $0xFFFFFFFF, s12;
	_ =	sdelay $0x1  }
0xf6: {  	s18 =	sadd.s32 $0x5000, s18;
	_ =	swait.ge [sflag:s19], $0x500  }
.LBB2_14:
0xf7: {  	s0 =	sadd.s32 $0x1, s0  }
0xf8: {  	[sflag:s19] =	ssyncset.done $0x0;
	p1 =	sne.s32 s0, s15  }
.Ltmp9:
0xf9: {  	s3 =	simm.s32 $0x400;
	[sflag:s19] =	ssyncadd.s32 $0xFFFFFB00;
	(pc) =	sbr.rel @p1 .LBB2_1-.Ltmp9, $4  }
0xfa: {  	[hbm4b:s14+s25] =	stream.strided.scatter [tilespmem:s30], [sflag:$0x3], $0x2780, s3, s25, $0x38;
	[tilespmem:$0x1A400] =	vst v63  }
0xfb: {  	_ =	swait.ge [sflag:s19], $0x2780  }
0xfc: {  	[sflag:s19] =	ssyncset.done $0x0  }
0xfd: {  	[sflag:s19] =	ssyncadd.s32 $0xFFFFD880  }
0xfe: {  	_ =	sfence.sel $0x180000  }
0xff: {  	[bflag:$0x0] =	sbarrier.arrive $0xFFFF  }
0x100: {  	_ =	strace $0x9000004A  }
0x101: {  	s0 =	stileid.u32;
	[bflag:$0x2] =	sbarrier.arrive $0xFFFF  }
0x102: {  	p0 =	sne.s32 s0, $0x0;
	s0 =	rddreg [dreg:$0x3]  }
0x103: {  	s0 =	sadd.s32 @!p0 $0x100000, s0  }
0x104: {  	[sflag:s0] =	ssyncadd.tile.s32 @!p0 $0x1;
	_ =	shalt  }
.Lfunc_end2:
_tile_overlayer_lowered:
.L_overlay_start_2:
0x105: {  	(tag) =	ssettag $0x2  }
0x106: {  	s0 =	rddreg [dreg:$0x0];
	s2 =	stileid.u32  }
0x107: {  	s1 =	rddreg [dreg:$0x1];
	p0 =	sne.s32 s2, $0x0  }
0x108: {  	s3 =	rddreg [dreg:$0x2];
	[bflag:$0x3] =	sbarrier.arrive $0xFFFF;
	s2 =	simm.s32 @!p0 $0x1C03  }
0x109: {  	[timem:s3], [sflag:s2] =	dma.local @!p0 [hbm:s0], s1  }
0x10a: {  	s0 =	simm.s32 @!p0 $0x3  }
0x10b: {  	_ =	swait.ge @!p0 [sflag:s0], s1  }
0x10c: {  	s1 =	ssub.s32 @!p0 $0x0, s1;
	[sflag:s0] =	ssyncset.done @!p0 $0x0  }
0x10d: {  	[sflag:s0] =	ssyncadd.s32 @!p0 s1  }
0x10e: {  	[bflag:$0x3] =	sbarrier.arrive $0xFFFF  }
0x10f: {  	_ =	shalt  }

</sc_bundles>
